<compile_context>
chip_gen: v7x
topology: tpu7x:2x2x1
jax: 0.10.2.dev20260603
libtpu: 0.0.44.dev20260713+nightly
codegen_flags: <defaults>
</compile_context>

<pallas_src>
import functools

import jax
import jax.numpy as jnp
from jax import lax
from jax.experimental import pallas as pl
from jax.experimental.pallas import tpu as pltpu
from jax.experimental.pallas import tpu_sc as plsc

G = 64
NC = 2
NS = 16
CHUNK = 128
KBUF = 8
PLAG = 4



def _make_sc_segment_sum(n_nodes, feat, n_chunk_rows):
    fh = feat // NC
    cpw = n_chunk_rows // NS
    assert cpw % KBUF == 0 and cpw >= 2 * KBUF
    stripe = ((n_nodes + NS - 1) // NS + 7) // 8 * 8
    n_acc = NS * stripe
    mesh = plsc.VectorSubcoreMesh(core_axis_name="c", subcore_axis_name="s")

    @functools.partial(
        pl.kernel,
        out_type=jax.ShapeDtypeStruct((NC, n_acc, fh), jnp.float32),
        mesh=mesh,
        scratch_types=[
            pltpu.VMEM((cpw, CHUNK), jnp.int32),
            pltpu.VMEM((cpw, CHUNK), jnp.int32),
            [pltpu.VMEM((CHUNK, fh), jnp.float32) for _ in range(KBUF)],
            pltpu.VMEM_SHARED((n_acc, fh), jnp.float32),
            pltpu.VMEM_SHARED((n_acc, fh), jnp.float32),
            pltpu.SemaphoreType.DMA((KBUF,)),
            pltpu.SemaphoreType.DMA((KBUF,)),
        ],
        compiler_params=pltpu.CompilerParams(use_tc_tiling_on_sc=False),
    )
    def seg_sum(h_hbm, src_hbm, dst_hbm, out_hbm,
                src_v, dst_v, rows, acc, h_sh, sem_g, sem_s):
        cid = lax.axis_index("c")
        sid = lax.axis_index("s")
        base = sid * cpw

        stage = [
            (src_hbm.at[pl.ds(base, cpw)], src_v),
            (dst_hbm.at[pl.ds(base, cpw)], dst_v),
            (h_hbm.at[cid, pl.ds(sid * stripe, stripe)],
             acc.at[pl.ds(sid * stripe, stripe)]),
            (h_hbm.at[cid, pl.ds(sid * stripe, stripe)],
             h_sh.at[pl.ds(sid * stripe, stripe)]),
        ]
        for b, (s_ref, d_ref) in enumerate(stage):
            pltpu.async_copy(s_ref, d_ref, sem_g.at[b])
        for b, (s_ref, d_ref) in enumerate(stage):
            pltpu.make_async_copy(s_ref, d_ref, sem_g.at[b]).wait()

        plsc.subcore_barrier()

        for b in range(KBUF):
            pltpu.async_copy(h_sh.at[src_v.at[b]], rows[b], sem_g.at[b])

        def step(i, b, wait_prev, prefetch):
            pltpu.make_async_copy(
                h_sh.at[src_v.at[i]], rows[b], sem_g.at[b]).wait()
            pltpu.async_copy(rows[b], acc.at[dst_v.at[i]], sem_s.at[b],
                             add=True)
            pb = (b - PLAG) % KBUF
            if wait_prev:
                pltpu.make_async_copy(
                    rows[pb], acc.at[dst_v.at[i]], sem_s.at[pb]).wait()
            if prefetch:
                pltpu.async_copy(h_sh.at[src_v.at[i - PLAG + KBUF]],
                                 rows[pb], sem_g.at[pb])

        for b in range(KBUF):
            step(b, b, wait_prev=b >= PLAG, prefetch=b >= PLAG)

        def body(k, carry):
            for b in range(KBUF):
                step(k * KBUF + b, b, wait_prev=True, prefetch=True)
            return carry
        lax.fori_loop(1, cpw // KBUF - 1, body, 0)

        for b in range(KBUF):
            i = cpw - KBUF + b
            step(i, b, wait_prev=True, prefetch=b < PLAG)

        for j in range(cpw - PLAG, cpw):
            b = j % KBUF
            pltpu.make_async_copy(
                rows[b], acc.at[dst_v.at[0]], sem_s.at[b]).wait()

        plsc.subcore_barrier()
        pltpu.sync_copy(acc.at[pl.ds(sid * stripe, stripe)],
                        out_hbm.at[cid, pl.ds(sid * stripe, stripe)])

    return seg_sum, n_acc, stripe



def _linear_relu_body(trash_row, x_ref, w_ref, b_ref, e_ref,
                      h2_ref, src_ref, dst_ref):
    h = jnp.maximum(
        jnp.dot(x_ref[...], w_ref[...], preferred_element_type=jnp.float32)
        + b_ref[...], 0.0)
    n, f = h.shape
    h2_ref[0, :n, :] = h[:, :f // 2]
    h2_ref[1, :n, :] = h[:, f // 2:]
    nr = e_ref.shape[1] // 128
    er = e_ref[...].reshape(2, nr, 128)
    src_ref[:nr] = er[0]
    src_ref[nr:] = jnp.zeros_like(src_ref[nr:])
    dst_ref[:nr] = er[1]
    dst_ref[nr:] = jnp.full_like(dst_ref[nr:], trash_row)


def _mlp_body(n_nodes, p_ref, w1_ref, b1_ref, w2_ref, b2_ref, h2_ref):
    z = jnp.concatenate([p_ref[0, :n_nodes, :], p_ref[1, :n_nodes, :]],
                        axis=1)
    a = jnp.maximum(
        jnp.dot(z, w1_ref[...], preferred_element_type=jnp.float32)
        + b1_ref[...], 0.0)
    h = jnp.maximum(
        jnp.dot(a, w2_ref[...], preferred_element_type=jnp.float32)
        + b2_ref[...], 0.0)
    n, f = h.shape
    h2_ref[0, :n, :] = h[:, :f // 2]
    h2_ref[1, :n, :] = h[:, f // 2:]


def _mlp_pool_body(n_nodes, p_ref, w1_ref, b1_ref, w2_ref, b2_ref,
                   batch_ref, o_ref):
    z = jnp.concatenate([p_ref[0, :n_nodes, :], p_ref[1, :n_nodes, :]],
                        axis=1)
    a = jnp.maximum(
        jnp.dot(z, w1_ref[...], preferred_element_type=jnp.float32)
        + b1_ref[...], 0.0)
    h2 = jnp.maximum(
        jnp.dot(a, w2_ref[...], preferred_element_type=jnp.float32)
        + b2_ref[...], 0.0)
    gids = lax.broadcasted_iota(jnp.int32, (n_nodes, G), 1)
    onehot = (batch_ref[...] == gids).astype(jnp.float32)
    sums = lax.dot_general(onehot, h2, (((0,), (0,)), ((), ())),
                           preferred_element_type=jnp.float32)
    counts = jnp.sum(onehot, axis=0)
    o_ref[...] = sums / jnp.maximum(counts, 1.0)[:, None]



def kernel(x, edge_index, batch, W_in, b_in,
           W1_0, b1_0, W2_0, b2_0, W1_1, b1_1, W2_1, b2_1):
    x = x.astype(jnp.float32)
    n, _ = x.shape
    h_dim = W_in.shape[1]
    e = edge_index.shape[1]

    per_tile = NS * KBUF * CHUNK
    e_pad = -(-e // per_tile) * per_tile
    n_chunk_rows = e_pad // CHUNK
    seg_sum, n_acc, stripe = _make_sc_segment_sum(n, h_dim, n_chunk_rows)
    fh = h_dim // NC

    batch2d = batch.reshape(n, 1)
    b_in2 = b_in.reshape(1, -1)
    b1_02, b2_02 = b1_0.reshape(1, -1), b2_0.reshape(1, -1)
    b1_12, b2_12 = b1_1.reshape(1, -1), b2_1.reshape(1, -1)

    h_split = jax.ShapeDtypeStruct((NC, n_acc, fh), jnp.float32)

    h0s, src2d, dst2d = pl.pallas_call(
        functools.partial(_linear_relu_body, n_acc - 1),
        out_shape=(h_split,
                   jax.ShapeDtypeStruct((n_chunk_rows, CHUNK), jnp.int32),
                   jax.ShapeDtypeStruct((n_chunk_rows, CHUNK), jnp.int32)),
    )(x, W_in, b_in2, edge_index)

    z0 = seg_sum(h0s, src2d, dst2d)

    h1s = pl.pallas_call(
        functools.partial(_mlp_body, n), out_shape=h_split,
    )(z0, W1_0, b1_02, W2_0, b2_02)

    z1 = seg_sum(h1s, src2d, dst2d)

    out = pl.pallas_call(
        functools.partial(_mlp_pool_body, n),
        out_shape=jax.ShapeDtypeStruct((G, h_dim), jnp.float32),
    )(z1, W1_1, b1_12, W2_1, b2_12, batch2d)

    return out

# --- scband reference (transcript-rebuilt; emitter-appended) ---
"""Pipeline reference for scband-shared-ginencoder-68470368632924 (READ-ONLY COPY).

The authoritative reference and input builder live on the scoring server;
editing this copy changes nothing except your own understanding.
"""

import jax, jax.numpy as jnp
import numpy as np

N = 10000
E = 320000
IN_DIM = 128
H = 64
G = 64  # number of graphs in the batch


def setup_inputs(seed: int = 0) -> dict:
    key = jax.random.key(seed)
    ks = jax.random.split(key, 16)
    x = jax.random.normal(ks[0], (N, IN_DIM), dtype=jnp.float32)
    edge_index = jax.random.randint(ks[1], (2, E), 0, N, dtype=jnp.int32)
    batch = jnp.sort(jax.random.randint(ks[2], (N,), 0, G, dtype=jnp.int32))
    s_in = 1.0 / np.sqrt(IN_DIM)
    s_h = 1.0 / np.sqrt(H)
    W_in = jax.random.uniform(ks[3], (IN_DIM, H), jnp.float32, -s_in, s_in)
    b_in = jax.random.uniform(ks[4], (H,), jnp.float32, -s_in, s_in)
    W1_0 = jax.random.uniform(ks[5], (H, H), jnp.float32, -s_h, s_h)
    b1_0 = jax.random.uniform(ks[6], (H,), jnp.float32, -s_h, s_h)
    W2_0 = jax.random.uniform(ks[7], (H, H), jnp.float32, -s_h, s_h)
    b2_0 = jax.random.uniform(ks[8], (H,), jnp.float32, -s_h, s_h)
    W1_1 = jax.random.uniform(ks[9], (H, H), jnp.float32, -s_h, s_h)
    b1_1 = jax.random.uniform(ks[10], (H,), jnp.float32, -s_h, s_h)
    W2_1 = jax.random.uniform(ks[11], (H, H), jnp.float32, -s_h, s_h)
    b2_1 = jax.random.uniform(ks[12], (H,), jnp.float32, -s_h, s_h)
    return {"x": x, "edge_index": edge_index, "batch": batch,
            "W_in": W_in, "b_in": b_in,
            "W1_0": W1_0, "b1_0": b1_0, "W2_0": W2_0, "b2_0": b2_0,
            "W1_1": W1_1, "b1_1": b1_1, "W2_1": W2_1, "b2_1": b2_1}


def _gin_conv(h, src, dst, W1, b1, W2, b2):
    # GINConv with eps=0: mlp((1+eps)*x + sum_{j in N(i)} x_j)
    agg = jax.ops.segment_sum(h[src], dst, num_segments=N)
    z = h + agg
    z = jax.nn.relu(z @ W1 + b1)
    z = z @ W2 + b2
    return z


def reference(x, edge_index, batch, W_in, b_in,
              W1_0, b1_0, W2_0, b2_0, W1_1, b1_1, W2_1, b2_1):
    x = x.astype(jnp.float32)
    src = edge_index[0]
    dst = edge_index[1]
    h = jax.nn.relu(x @ W_in + b_in)
    h = jax.nn.relu(_gin_conv(h, src, dst, W1_0, b1_0, W2_0, b2_0))
    # dropout p=0.0 -> identity
    h = jax.nn.relu(_gin_conv(h, src, dst, W1_1, b1_1, W2_1, b2_1))
    # global_mean_pool over batch ids
    sums = jax.ops.segment_sum(h, batch, num_segments=G)
    counts = jax.ops.segment_sum(jnp.ones((N,), jnp.float32), batch, num_segments=G)
    return sums / jnp.maximum(counts, 1.0)[:, None]

if __name__ == "__main__":
    import jax
    _d = setup_inputs()
    print(jax.jit(kernel)(*tuple(_d.values())))

</pallas_src>

<mosaic_0001>
#map = affine_map<(d0, d1) -> (0, 0, 0)>
#map1 = affine_map<(d0, d1) -> (0, 0)>
module attributes {stable_mosaic.version = 14 : i64} {
  func.func @seg_sum(%arg0: i32, %arg1: i32, %arg2: memref<2x10112x32xf32, #tpu.memory_space<hbm>>, %arg3: memref<2560x128xi32, #tpu.memory_space<hbm>>, %arg4: memref<2560x128xi32, #tpu.memory_space<hbm>>, %arg5: memref<2x10112x32xf32, #tpu.memory_space<hbm>>, %arg6: memref<160x128xi32, #tpu.memory_space<vmem>>, %arg7: memref<160x128xi32, #tpu.memory_space<vmem>>, %arg8: memref<128x32xf32, #tpu.memory_space<vmem>>, %arg9: memref<128x32xf32, #tpu.memory_space<vmem>>, %arg10: memref<128x32xf32, #tpu.memory_space<vmem>>, %arg11: memref<128x32xf32, #tpu.memory_space<vmem>>, %arg12: memref<128x32xf32, #tpu.memory_space<vmem>>, %arg13: memref<128x32xf32, #tpu.memory_space<vmem>>, %arg14: memref<128x32xf32, #tpu.memory_space<vmem>>, %arg15: memref<128x32xf32, #tpu.memory_space<vmem>>, %arg16: memref<10112x32xf32, #tpu.memory_space<vmem_shared>>, %arg17: memref<10112x32xf32, #tpu.memory_space<vmem_shared>>, %arg18: memref<8x!tpu.dma_semaphore, #tpu.memory_space<semaphore_mem>>, %arg19: memref<8x!tpu.dma_semaphore, #tpu.memory_space<semaphore_mem>>) attributes {dimension_semantics = [#tpu.dimension_semantics<core_parallel>, #tpu.dimension_semantics<subcore_parallel>], iteration_bounds = array<i64: 2, 16>, scalar_prefetch = 0 : i64, scratch_operands = 14 : i64, tpu.core_type = #tpu.core_type<sc_vector_subcore>, window_params = [{transform_indices = #map}, {transform_indices = #map1}, {transform_indices = #map1}, {transform_indices = #map}]} {
    %mul3A = arith.constant 160 : i32
    %mul3A_0 = arith.muli %arg1, %mul3A : i32
    %mul3A_1 = arith.constant 632 : i32
    %mul3A_2 = arith.muli %arg1, %mul3A_1 : i32
    %mul3A_3 = arith.constant 632 : i32
    %mul3A_4 = arith.muli %arg1, %mul3A_3 : i32
    %mul3A_5 = arith.constant 632 : i32
    %mul3A_6 = arith.muli %arg1, %mul3A_5 : i32
    %mul3A_7 = arith.constant 632 : i32
    %mul3A_8 = arith.muli %arg1, %mul3A_7 : i32
    %dma_start3A = arith.constant 0 : i32
    %dma_start3A_9 = arith.constant 0 : i32
    %dma_start3A_10 = tpu.memref_slice %arg3[%mul3A_0, %dma_start3A_9] : memref<2560x128xi32, #tpu.memory_space<hbm>> -> memref<160x128xi32, #tpu.memory_space<hbm>>
    %dma_start3A_11 = tpu.memref_slice %arg18[%dma_start3A] : memref<8x!tpu.dma_semaphore, #tpu.memory_space<semaphore_mem>> -> memref<1x!tpu.dma_semaphore, #tpu.memory_space<semaphore_mem>>
    %dma_start3A_12 = tpu.memref_squeeze %dma_start3A_11 : memref<1x!tpu.dma_semaphore, #tpu.memory_space<semaphore_mem>> -> memref<!tpu.dma_semaphore, #tpu.memory_space<semaphore_mem>>
    %dma_start3A_13 = arith.constant 0 : i32
    %dma_start3A_14 = tpu.memref_slice %arg3[%mul3A_0, %dma_start3A_13] : memref<2560x128xi32, #tpu.memory_space<hbm>> -> memref<160x128xi32, #tpu.memory_space<hbm>>
    tpu.enqueue_dma source(%dma_start3A_14 : memref<160x128xi32, #tpu.memory_space<hbm>>) target(%arg6 : memref<160x128xi32, #tpu.memory_space<vmem>>) target_semaphore(%dma_start3A_12 : memref<!tpu.dma_semaphore, #tpu.memory_space<semaphore_mem>>)
    %dma_start3A_15 = arith.constant 1 : i32
    %dma_start3A_16 = arith.constant 0 : i32
    %dma_start3A_17 = tpu.memref_slice %arg4[%mul3A_0, %dma_start3A_16] : memref<2560x128xi32, #tpu.memory_space<hbm>> -> memref<160x128xi32, #tpu.memory_space<hbm>>
    %dma_start3A_18 = tpu.memref_slice %arg18[%dma_start3A_15] : memref<8x!tpu.dma_semaphore, #tpu.memory_space<semaphore_mem>> -> memref<1x!tpu.dma_semaphore, #tpu.memory_space<semaphore_mem>>
    %dma_start3A_19 = tpu.memref_squeeze %dma_start3A_18 : memref<1x!tpu.dma_semaphore, #tpu.memory_space<semaphore_mem>> -> memref<!tpu.dma_semaphore, #tpu.memory_space<semaphore_mem>>
    %dma_start3A_20 = arith.constant 0 : i32
    %dma_start3A_21 = tpu.memref_slice %arg4[%mul3A_0, %dma_start3A_20] : memref<2560x128xi32, #tpu.memory_space<hbm>> -> memref<160x128xi32, #tpu.memory_space<hbm>>
    tpu.enqueue_dma source(%dma_start3A_21 : memref<160x128xi32, #tpu.memory_space<hbm>>) target(%arg7 : memref<160x128xi32, #tpu.memory_space<vmem>>) target_semaphore(%dma_start3A_19 : memref<!tpu.dma_semaphore, #tpu.memory_space<semaphore_mem>>)
    %dma_start3A_22 = arith.constant 2 : i32
    %dma_start3A_23 = tpu.memref_slice %arg18[%dma_start3A_22] : memref<8x!tpu.dma_semaphore, #tpu.memory_space<semaphore_mem>> -> memref<1x!tpu.dma_semaphore, #tpu.memory_space<semaphore_mem>>
    %dma_start3A_24 = tpu.memref_squeeze %dma_start3A_23 : memref<1x!tpu.dma_semaphore, #tpu.memory_space<semaphore_mem>> -> memref<!tpu.dma_semaphore, #tpu.memory_space<semaphore_mem>>
    %dma_start3A_25 = arith.constant 0 : i32
    %dma_start3A_26 = tpu.memref_slice %arg16[%mul3A_4, %dma_start3A_25] : memref<10112x32xf32, #tpu.memory_space<vmem_shared>> -> memref<632x32xf32, #tpu.memory_space<vmem_shared>>
    %dma_start3A_27 = arith.constant 0 : i32
    %dma_start3A_28 = tpu.memref_slice %arg2[%arg0, %mul3A_2, %dma_start3A_27] : memref<2x10112x32xf32, #tpu.memory_space<hbm>> -> memref<1x632x32xf32, #tpu.memory_space<hbm>>
    %dma_start3A_29 = tpu.memref_squeeze %dma_start3A_28 : memref<1x632x32xf32, #tpu.memory_space<hbm>> -> memref<632x32xf32, #tpu.memory_space<hbm>>
    tpu.enqueue_dma source(%dma_start3A_29 : memref<632x32xf32, #tpu.memory_space<hbm>>) target(%dma_start3A_26 : memref<632x32xf32, #tpu.memory_space<vmem_shared>>) target_semaphore(%dma_start3A_24 : memref<!tpu.dma_semaphore, #tpu.memory_space<semaphore_mem>>)
    %dma_start3A_30 = arith.constant 3 : i32
    %dma_start3A_31 = tpu.memref_slice %arg18[%dma_start3A_30] : memref<8x!tpu.dma_semaphore, #tpu.memory_space<semaphore_mem>> -> memref<1x!tpu.dma_semaphore, #tpu.memory_space<semaphore_mem>>
    %dma_start3A_32 = tpu.memref_squeeze %dma_start3A_31 : memref<1x!tpu.dma_semaphore, #tpu.memory_space<semaphore_mem>> -> memref<!tpu.dma_semaphore, #tpu.memory_space<semaphore_mem>>
    %dma_start3A_33 = arith.constant 0 : i32
    %dma_start3A_34 = tpu.memref_slice %arg17[%mul3A_8, %dma_start3A_33] : memref<10112x32xf32, #tpu.memory_space<vmem_shared>> -> memref<632x32xf32, #tpu.memory_space<vmem_shared>>
    %dma_start3A_35 = arith.constant 0 : i32
    %dma_start3A_36 = tpu.memref_slice %arg2[%arg0, %mul3A_6, %dma_start3A_35] : memref<2x10112x32xf32, #tpu.memory_space<hbm>> -> memref<1x632x32xf32, #tpu.memory_space<hbm>>
    %dma_start3A_37 = tpu.memref_squeeze %dma_start3A_36 : memref<1x632x32xf32, #tpu.memory_space<hbm>> -> memref<632x32xf32, #tpu.memory_space<hbm>>
    tpu.enqueue_dma source(%dma_start3A_37 : memref<632x32xf32, #tpu.memory_space<hbm>>) target(%dma_start3A_34 : memref<632x32xf32, #tpu.memory_space<vmem_shared>>) target_semaphore(%dma_start3A_32 : memref<!tpu.dma_semaphore, #tpu.memory_space<semaphore_mem>>)
    %dma_wait3A = arith.constant 0 : i32
    %dma_wait3A_38 = arith.constant 0 : i32
    %dma_wait3A_39 = tpu.memref_slice %arg3[%mul3A_0, %dma_wait3A_38] : memref<2560x128xi32, #tpu.memory_space<hbm>> -> memref<160x128xi32, #tpu.memory_space<hbm>>
    %dma_wait3A_40 = tpu.memref_slice %arg18[%dma_wait3A] : memref<8x!tpu.dma_semaphore, #tpu.memory_space<semaphore_mem>> -> memref<1x!tpu.dma_semaphore, #tpu.memory_space<semaphore_mem>>
    %dma_wait3A_41 = tpu.memref_squeeze %dma_wait3A_40 : memref<1x!tpu.dma_semaphore, #tpu.memory_space<semaphore_mem>> -> memref<!tpu.dma_semaphore, #tpu.memory_space<semaphore_mem>>
    %dma_wait3A_42 = arith.constant 0 : i32
    %dma_wait3A_43 = tpu.memref_slice %arg3[%mul3A_0, %dma_wait3A_42] : memref<2560x128xi32, #tpu.memory_space<hbm>> -> memref<160x128xi32, #tpu.memory_space<hbm>>
    tpu.wait_dma2 semaphore(%dma_wait3A_41 : memref<!tpu.dma_semaphore, #tpu.memory_space<semaphore_mem>>) src(%dma_wait3A_43 : memref<160x128xi32, #tpu.memory_space<hbm>>) dst(%arg6 : memref<160x128xi32, #tpu.memory_space<vmem>>)
    %dma_wait3A_44 = arith.constant 1 : i32
    %dma_wait3A_45 = arith.constant 0 : i32
    %dma_wait3A_46 = tpu.memref_slice %arg4[%mul3A_0, %dma_wait3A_45] : memref<2560x128xi32, #tpu.memory_space<hbm>> -> memref<160x128xi32, #tpu.memory_space<hbm>>
    %dma_wait3A_47 = tpu.memref_slice %arg18[%dma_wait3A_44] : memref<8x!tpu.dma_semaphore, #tpu.memory_space<semaphore_mem>> -> memref<1x!tpu.dma_semaphore, #tpu.memory_space<semaphore_mem>>
    %dma_wait3A_48 = tpu.memref_squeeze %dma_wait3A_47 : memref<1x!tpu.dma_semaphore, #tpu.memory_space<semaphore_mem>> -> memref<!tpu.dma_semaphore, #tpu.memory_space<semaphore_mem>>
    %dma_wait3A_49 = arith.constant 0 : i32
    %dma_wait3A_50 = tpu.memref_slice %arg4[%mul3A_0, %dma_wait3A_49] : memref<2560x128xi32, #tpu.memory_space<hbm>> -> memref<160x128xi32, #tpu.memory_space<hbm>>
    tpu.wait_dma2 semaphore(%dma_wait3A_48 : memref<!tpu.dma_semaphore, #tpu.memory_space<semaphore_mem>>) src(%dma_wait3A_50 : memref<160x128xi32, #tpu.memory_space<hbm>>) dst(%arg7 : memref<160x128xi32, #tpu.memory_space<vmem>>)
    %dma_wait3A_51 = arith.constant 2 : i32
    %dma_wait3A_52 = tpu.memref_slice %arg18[%dma_wait3A_51] : memref<8x!tpu.dma_semaphore, #tpu.memory_space<semaphore_mem>> -> memref<1x!tpu.dma_semaphore, #tpu.memory_space<semaphore_mem>>
    %dma_wait3A_53 = tpu.memref_squeeze %dma_wait3A_52 : memref<1x!tpu.dma_semaphore, #tpu.memory_space<semaphore_mem>> -> memref<!tpu.dma_semaphore, #tpu.memory_space<semaphore_mem>>
    %dma_wait3A_54 = arith.constant 0 : i32
    %dma_wait3A_55 = tpu.memref_slice %arg16[%mul3A_4, %dma_wait3A_54] : memref<10112x32xf32, #tpu.memory_space<vmem_shared>> -> memref<632x32xf32, #tpu.memory_space<vmem_shared>>
    %dma_wait3A_56 = arith.constant 0 : i32
    %dma_wait3A_57 = tpu.memref_slice %arg2[%arg0, %mul3A_2, %dma_wait3A_56] : memref<2x10112x32xf32, #tpu.memory_space<hbm>> -> memref<1x632x32xf32, #tpu.memory_space<hbm>>
    %dma_wait3A_58 = tpu.memref_squeeze %dma_wait3A_57 : memref<1x632x32xf32, #tpu.memory_space<hbm>> -> memref<632x32xf32, #tpu.memory_space<hbm>>
    tpu.wait_dma2 semaphore(%dma_wait3A_53 : memref<!tpu.dma_semaphore, #tpu.memory_space<semaphore_mem>>) src(%dma_wait3A_58 : memref<632x32xf32, #tpu.memory_space<hbm>>) dst(%dma_wait3A_55 : memref<632x32xf32, #tpu.memory_space<vmem_shared>>)
    %dma_wait3A_59 = arith.constant 3 : i32
    %dma_wait3A_60 = tpu.memref_slice %arg18[%dma_wait3A_59] : memref<8x!tpu.dma_semaphore, #tpu.memory_space<semaphore_mem>> -> memref<1x!tpu.dma_semaphore, #tpu.memory_space<semaphore_mem>>
    %dma_wait3A_61 = tpu.memref_squeeze %dma_wait3A_60 : memref<1x!tpu.dma_semaphore, #tpu.memory_space<semaphore_mem>> -> memref<!tpu.dma_semaphore, #tpu.memory_space<semaphore_mem>>
    %dma_wait3A_62 = arith.constant 0 : i32
    %dma_wait3A_63 = tpu.memref_slice %arg17[%mul3A_8, %dma_wait3A_62] : memref<10112x32xf32, #tpu.memory_space<vmem_shared>> -> memref<632x32xf32, #tpu.memory_space<vmem_shared>>
    %dma_wait3A_64 = arith.constant 0 : i32
    %dma_wait3A_65 = tpu.memref_slice %arg2[%arg0, %mul3A_6, %dma_wait3A_64] : memref<2x10112x32xf32, #tpu.memory_space<hbm>> -> memref<1x632x32xf32, #tpu.memory_space<hbm>>
    %dma_wait3A_66 = tpu.memref_squeeze %dma_wait3A_65 : memref<1x632x32xf32, #tpu.memory_space<hbm>> -> memref<632x32xf32, #tpu.memory_space<hbm>>
    tpu.wait_dma2 semaphore(%dma_wait3A_61 : memref<!tpu.dma_semaphore, #tpu.memory_space<semaphore_mem>>) src(%dma_wait3A_66 : memref<632x32xf32, #tpu.memory_space<hbm>>) dst(%dma_wait3A_63 : memref<632x32xf32, #tpu.memory_space<vmem_shared>>)
    %barrier3A = arith.constant 0 : index
    tpu.barrier barrier_id(%barrier3A)
    %dma_start3A_67 = arith.constant 0 : i32
    %dma_start3A_68 = arith.constant 0 : i32
    %dma_start3A_69 = arith.constant 0 : i32
    %dma_start3A_70 = tpu.memref_slice %arg6[%dma_start3A_67, %dma_start3A_69] : memref<160x128xi32, #tpu.memory_space<vmem>> -> memref<1x128xi32, #tpu.memory_space<vmem>>
    %dma_start3A_71 = tpu.memref_squeeze %dma_start3A_70 : memref<1x128xi32, #tpu.memory_space<vmem>> -> memref<128xi32, #tpu.memory_space<vmem>>
    %dma_start3A_72 = arith.constant 0 : i32
    %dma_start3A_73 = arith.constant 0 : i32
    %dma_start3A_74 = tpu.memref_slice %arg17[%dma_start3A_72, %dma_start3A_73] : memref<10112x32xf32, #tpu.memory_space<vmem_shared>> -> memref<10112x32xf32, #tpu.memory_space<vmem_shared>>
    %dma_start3A_75 = tpu.memref_slice %arg18[%dma_start3A_68] : memref<8x!tpu.dma_semaphore, #tpu.memory_space<semaphore_mem>> -> memref<1x!tpu.dma_semaphore, #tpu.memory_space<semaphore_mem>>
    %dma_start3A_76 = tpu.memref_squeeze %dma_start3A_75 : memref<1x!tpu.dma_semaphore, #tpu.memory_space<semaphore_mem>> -> memref<!tpu.dma_semaphore, #tpu.memory_space<semaphore_mem>>
    tpu.enqueue_indirect_dma source(%dma_start3A_74 : memref<10112x32xf32, #tpu.memory_space<vmem_shared>>) target(%arg8 : memref<128x32xf32, #tpu.memory_space<vmem>>) offsets(%dma_start3A_71 : memref<128xi32, #tpu.memory_space<vmem>>) semaphore(%dma_start3A_76 : memref<!tpu.dma_semaphore, #tpu.memory_space<semaphore_mem>>)
    %dma_start3A_77 = arith.constant 1 : i32
    %dma_start3A_78 = arith.constant 1 : i32
    %dma_start3A_79 = arith.constant 0 : i32
    %dma_start3A_80 = tpu.memref_slice %arg6[%dma_start3A_77, %dma_start3A_79] : memref<160x128xi32, #tpu.memory_space<vmem>> -> memref<1x128xi32, #tpu.memory_space<vmem>>
    %dma_start3A_81 = tpu.memref_squeeze %dma_start3A_80 : memref<1x128xi32, #tpu.memory_space<vmem>> -> memref<128xi32, #tpu.memory_space<vmem>>
    %dma_start3A_82 = arith.constant 0 : i32
    %dma_start3A_83 = arith.constant 0 : i32
    %dma_start3A_84 = tpu.memref_slice %arg17[%dma_start3A_82, %dma_start3A_83] : memref<10112x32xf32, #tpu.memory_space<vmem_shared>> -> memref<10112x32xf32, #tpu.memory_space<vmem_shared>>
    %dma_start3A_85 = tpu.memref_slice %arg18[%dma_start3A_78] : memref<8x!tpu.dma_semaphore, #tpu.memory_space<semaphore_mem>> -> memref<1x!tpu.dma_semaphore, #tpu.memory_space<semaphore_mem>>
    %dma_start3A_86 = tpu.memref_squeeze %dma_start3A_85 : memref<1x!tpu.dma_semaphore, #tpu.memory_space<semaphore_mem>> -> memref<!tpu.dma_semaphore, #tpu.memory_space<semaphore_mem>>
    tpu.enqueue_indirect_dma source(%dma_start3A_84 : memref<10112x32xf32, #tpu.memory_space<vmem_shared>>) target(%arg9 : memref<128x32xf32, #tpu.memory_space<vmem>>) offsets(%dma_start3A_81 : memref<128xi32, #tpu.memory_space<vmem>>) semaphore(%dma_start3A_86 : memref<!tpu.dma_semaphore, #tpu.memory_space<semaphore_mem>>)
    %dma_start3A_87 = arith.constant 2 : i32
    %dma_start3A_88 = arith.constant 2 : i32
    %dma_start3A_89 = arith.constant 0 : i32
    %dma_start3A_90 = tpu.memref_slice %arg6[%dma_start3A_87, %dma_start3A_89] : memref<160x128xi32, #tpu.memory_space<vmem>> -> memref<1x128xi32, #tpu.memory_space<vmem>>
    %dma_start3A_91 = tpu.memref_squeeze %dma_start3A_90 : memref<1x128xi32, #tpu.memory_space<vmem>> -> memref<128xi32, #tpu.memory_space<vmem>>
    %dma_start3A_92 = arith.constant 0 : i32
    %dma_start3A_93 = arith.constant 0 : i32
    %dma_start3A_94 = tpu.memref_slice %arg17[%dma_start3A_92, %dma_start3A_93] : memref<10112x32xf32, #tpu.memory_space<vmem_shared>> -> memref<10112x32xf32, #tpu.memory_space<vmem_shared>>
    %dma_start3A_95 = tpu.memref_slice %arg18[%dma_start3A_88] : memref<8x!tpu.dma_semaphore, #tpu.memory_space<semaphore_mem>> -> memref<1x!tpu.dma_semaphore, #tpu.memory_space<semaphore_mem>>
    %dma_start3A_96 = tpu.memref_squeeze %dma_start3A_95 : memref<1x!tpu.dma_semaphore, #tpu.memory_space<semaphore_mem>> -> memref<!tpu.dma_semaphore, #tpu.memory_space<semaphore_mem>>
    tpu.enqueue_indirect_dma source(%dma_start3A_94 : memref<10112x32xf32, #tpu.memory_space<vmem_shared>>) target(%arg10 : memref<128x32xf32, #tpu.memory_space<vmem>>) offsets(%dma_start3A_91 : memref<128xi32, #tpu.memory_space<vmem>>) semaphore(%dma_start3A_96 : memref<!tpu.dma_semaphore, #tpu.memory_space<semaphore_mem>>)
    %dma_start3A_97 = arith.constant 3 : i32
    %dma_start3A_98 = arith.constant 3 : i32
    %dma_start3A_99 = arith.constant 0 : i32
    %dma_start3A_100 = tpu.memref_slice %arg6[%dma_start3A_97, %dma_start3A_99] : memref<160x128xi32, #tpu.memory_space<vmem>> -> memref<1x128xi32, #tpu.memory_space<vmem>>
    %dma_start3A_101 = tpu.memref_squeeze %dma_start3A_100 : memref<1x128xi32, #tpu.memory_space<vmem>> -> memref<128xi32, #tpu.memory_space<vmem>>
    %dma_start3A_102 = arith.constant 0 : i32
    %dma_start3A_103 = arith.constant 0 : i32
    %dma_start3A_104 = tpu.memref_slice %arg17[%dma_start3A_102, %dma_start3A_103] : memref<10112x32xf32, #tpu.memory_space<vmem_shared>> -> memref<10112x32xf32, #tpu.memory_space<vmem_shared>>
    %dma_start3A_105 = tpu.memref_slice %arg18[%dma_start3A_98] : memref<8x!tpu.dma_semaphore, #tpu.memory_space<semaphore_mem>> -> memref<1x!tpu.dma_semaphore, #tpu.memory_space<semaphore_mem>>
    %dma_start3A_106 = tpu.memref_squeeze %dma_start3A_105 : memref<1x!tpu.dma_semaphore, #tpu.memory_space<semaphore_mem>> -> memref<!tpu.dma_semaphore, #tpu.memory_space<semaphore_mem>>
    tpu.enqueue_indirect_dma source(%dma_start3A_104 : memref<10112x32xf32, #tpu.memory_space<vmem_shared>>) target(%arg11 : memref<128x32xf32, #tpu.memory_space<vmem>>) offsets(%dma_start3A_101 : memref<128xi32, #tpu.memory_space<vmem>>) semaphore(%dma_start3A_106 : memref<!tpu.dma_semaphore, #tpu.memory_space<semaphore_mem>>)
    %dma_start3A_107 = arith.constant 4 : i32
    %dma_start3A_108 = arith.constant 4 : i32
    %dma_start3A_109 = arith.constant 0 : i32
    %dma_start3A_110 = tpu.memref_slice %arg6[%dma_start3A_107, %dma_start3A_109] : memref<160x128xi32, #tpu.memory_space<vmem>> -> memref<1x128xi32, #tpu.memory_space<vmem>>
    %dma_start3A_111 = tpu.memref_squeeze %dma_start3A_110 : memref<1x128xi32, #tpu.memory_space<vmem>> -> memref<128xi32, #tpu.memory_space<vmem>>
    %dma_start3A_112 = arith.constant 0 : i32
    %dma_start3A_113 = arith.constant 0 : i32
    %dma_start3A_114 = tpu.memref_slice %arg17[%dma_start3A_112, %dma_start3A_113] : memref<10112x32xf32, #tpu.memory_space<vmem_shared>> -> memref<10112x32xf32, #tpu.memory_space<vmem_shared>>
    %dma_start3A_115 = tpu.memref_slice %arg18[%dma_start3A_108] : memref<8x!tpu.dma_semaphore, #tpu.memory_space<semaphore_mem>> -> memref<1x!tpu.dma_semaphore, #tpu.memory_space<semaphore_mem>>
    %dma_start3A_116 = tpu.memref_squeeze %dma_start3A_115 : memref<1x!tpu.dma_semaphore, #tpu.memory_space<semaphore_mem>> -> memref<!tpu.dma_semaphore, #tpu.memory_space<semaphore_mem>>
    tpu.enqueue_indirect_dma source(%dma_start3A_114 : memref<10112x32xf32, #tpu.memory_space<vmem_shared>>) target(%arg12 : memref<128x32xf32, #tpu.memory_space<vmem>>) offsets(%dma_start3A_111 : memref<128xi32, #tpu.memory_space<vmem>>) semaphore(%dma_start3A_116 : memref<!tpu.dma_semaphore, #tpu.memory_space<semaphore_mem>>)
    %dma_start3A_117 = arith.constant 5 : i32
    %dma_start3A_118 = arith.constant 5 : i32
    %dma_start3A_119 = arith.constant 0 : i32
    %dma_start3A_120 = tpu.memref_slice %arg6[%dma_start3A_117, %dma_start3A_119] : memref<160x128xi32, #tpu.memory_space<vmem>> -> memref<1x128xi32, #tpu.memory_space<vmem>>
    %dma_start3A_121 = tpu.memref_squeeze %dma_start3A_120 : memref<1x128xi32, #tpu.memory_space<vmem>> -> memref<128xi32, #tpu.memory_space<vmem>>
    %dma_start3A_122 = arith.constant 0 : i32
    %dma_start3A_123 = arith.constant 0 : i32
    %dma_start3A_124 = tpu.memref_slice %arg17[%dma_start3A_122, %dma_start3A_123] : memref<10112x32xf32, #tpu.memory_space<vmem_shared>> -> memref<10112x32xf32, #tpu.memory_space<vmem_shared>>
    %dma_start3A_125 = tpu.memref_slice %arg18[%dma_start3A_118] : memref<8x!tpu.dma_semaphore, #tpu.memory_space<semaphore_mem>> -> memref<1x!tpu.dma_semaphore, #tpu.memory_space<semaphore_mem>>
    %dma_start3A_126 = tpu.memref_squeeze %dma_start3A_125 : memref<1x!tpu.dma_semaphore, #tpu.memory_space<semaphore_mem>> -> memref<!tpu.dma_semaphore, #tpu.memory_space<semaphore_mem>>
    tpu.enqueue_indirect_dma source(%dma_start3A_124 : memref<10112x32xf32, #tpu.memory_space<vmem_shared>>) target(%arg13 : memref<128x32xf32, #tpu.memory_space<vmem>>) offsets(%dma_start3A_121 : memref<128xi32, #tpu.memory_space<vmem>>) semaphore(%dma_start3A_126 : memref<!tpu.dma_semaphore, #tpu.memory_space<semaphore_mem>>)
    %dma_start3A_127 = arith.constant 6 : i32
    %dma_start3A_128 = arith.constant 6 : i32
    %dma_start3A_129 = arith.constant 0 : i32
    %dma_start3A_130 = tpu.memref_slice %arg6[%dma_start3A_127, %dma_start3A_129] : memref<160x128xi32, #tpu.memory_space<vmem>> -> memref<1x128xi32, #tpu.memory_space<vmem>>
    %dma_start3A_131 = tpu.memref_squeeze %dma_start3A_130 : memref<1x128xi32, #tpu.memory_space<vmem>> -> memref<128xi32, #tpu.memory_space<vmem>>
    %dma_start3A_132 = arith.constant 0 : i32
    %dma_start3A_133 = arith.constant 0 : i32
    %dma_start3A_134 = tpu.memref_slice %arg17[%dma_start3A_132, %dma_start3A_133] : memref<10112x32xf32, #tpu.memory_space<vmem_shared>> -> memref<10112x32xf32, #tpu.memory_space<vmem_shared>>
    %dma_start3A_135 = tpu.memref_slice %arg18[%dma_start3A_128] : memref<8x!tpu.dma_semaphore, #tpu.memory_space<semaphore_mem>> -> memref<1x!tpu.dma_semaphore, #tpu.memory_space<semaphore_mem>>
    %dma_start3A_136 = tpu.memref_squeeze %dma_start3A_135 : memref<1x!tpu.dma_semaphore, #tpu.memory_space<semaphore_mem>> -> memref<!tpu.dma_semaphore, #tpu.memory_space<semaphore_mem>>
    tpu.enqueue_indirect_dma source(%dma_start3A_134 : memref<10112x32xf32, #tpu.memory_space<vmem_shared>>) target(%arg14 : memref<128x32xf32, #tpu.memory_space<vmem>>) offsets(%dma_start3A_131 : memref<128xi32, #tpu.memory_space<vmem>>) semaphore(%dma_start3A_136 : memref<!tpu.dma_semaphore, #tpu.memory_space<semaphore_mem>>)
    %dma_start3A_137 = arith.constant 7 : i32
    %dma_start3A_138 = arith.constant 7 : i32
    %dma_start3A_139 = arith.constant 0 : i32
    %dma_start3A_140 = tpu.memref_slice %arg6[%dma_start3A_137, %dma_start3A_139] : memref<160x128xi32, #tpu.memory_space<vmem>> -> memref<1x128xi32, #tpu.memory_space<vmem>>
    %dma_start3A_141 = tpu.memref_squeeze %dma_start3A_140 : memref<1x128xi32, #tpu.memory_space<vmem>> -> memref<128xi32, #tpu.memory_space<vmem>>
    %dma_start3A_142 = arith.constant 0 : i32
    %dma_start3A_143 = arith.constant 0 : i32
    %dma_start3A_144 = tpu.memref_slice %arg17[%dma_start3A_142, %dma_start3A_143] : memref<10112x32xf32, #tpu.memory_space<vmem_shared>> -> memref<10112x32xf32, #tpu.memory_space<vmem_shared>>
    %dma_start3A_145 = tpu.memref_slice %arg18[%dma_start3A_138] : memref<8x!tpu.dma_semaphore, #tpu.memory_space<semaphore_mem>> -> memref<1x!tpu.dma_semaphore, #tpu.memory_space<semaphore_mem>>
    %dma_start3A_146 = tpu.memref_squeeze %dma_start3A_145 : memref<1x!tpu.dma_semaphore, #tpu.memory_space<semaphore_mem>> -> memref<!tpu.dma_semaphore, #tpu.memory_space<semaphore_mem>>
    tpu.enqueue_indirect_dma source(%dma_start3A_144 : memref<10112x32xf32, #tpu.memory_space<vmem_shared>>) target(%arg15 : memref<128x32xf32, #tpu.memory_space<vmem>>) offsets(%dma_start3A_141 : memref<128xi32, #tpu.memory_space<vmem>>) semaphore(%dma_start3A_146 : memref<!tpu.dma_semaphore, #tpu.memory_space<semaphore_mem>>)
    %dma_wait3A_147 = arith.constant 0 : i32
    %dma_wait3A_148 = arith.constant 0 : i32
    %dma_wait3A_149 = arith.constant 0 : i32
    %dma_wait3A_150 = tpu.memref_slice %arg6[%dma_wait3A_147, %dma_wait3A_149] : memref<160x128xi32, #tpu.memory_space<vmem>> -> memref<1x128xi32, #tpu.memory_space<vmem>>
    %dma_wait3A_151 = tpu.memref_squeeze %dma_wait3A_150 : memref<1x128xi32, #tpu.memory_space<vmem>> -> memref<128xi32, #tpu.memory_space<vmem>>
    %dma_wait3A_152 = arith.constant 0 : i32
    %dma_wait3A_153 = arith.constant 0 : i32
    %dma_wait3A_154 = tpu.memref_slice %arg17[%dma_wait3A_152, %dma_wait3A_153] : memref<10112x32xf32, #tpu.memory_space<vmem_shared>> -> memref<10112x32xf32, #tpu.memory_space<vmem_shared>>
    %dma_wait3A_155 = tpu.memref_slice %arg18[%dma_wait3A_148] : memref<8x!tpu.dma_semaphore, #tpu.memory_space<semaphore_mem>> -> memref<1x!tpu.dma_semaphore, #tpu.memory_space<semaphore_mem>>
    %dma_wait3A_156 = tpu.memref_squeeze %dma_wait3A_155 : memref<1x!tpu.dma_semaphore, #tpu.memory_space<semaphore_mem>> -> memref<!tpu.dma_semaphore, #tpu.memory_space<semaphore_mem>>
    tpu.wait_indirect_dma semaphore(%dma_wait3A_156 : memref<!tpu.dma_semaphore, #tpu.memory_space<semaphore_mem>>) src(%dma_wait3A_154 : memref<10112x32xf32, #tpu.memory_space<vmem_shared>>) dst(%arg8 : memref<128x32xf32, #tpu.memory_space<vmem>>)
    %dma_start3A_157 = arith.constant 0 : i32
    %dma_start3A_158 = arith.constant 0 : i32
    %dma_start3A_159 = arith.constant 0 : i32
    %dma_start3A_160 = tpu.memref_slice %arg7[%dma_start3A_157, %dma_start3A_159] : memref<160x128xi32, #tpu.memory_space<vmem>> -> memref<1x128xi32, #tpu.memory_space<vmem>>
    %dma_start3A_161 = tpu.memref_squeeze %dma_start3A_160 : memref<1x128xi32, #tpu.memory_space<vmem>> -> memref<128xi32, #tpu.memory_space<vmem>>
    %dma_start3A_162 = arith.constant 0 : i32
    %dma_start3A_163 = arith.constant 0 : i32
    %dma_start3A_164 = tpu.memref_slice %arg16[%dma_start3A_162, %dma_start3A_163] : memref<10112x32xf32, #tpu.memory_space<vmem_shared>> -> memref<10112x32xf32, #tpu.memory_space<vmem_shared>>
    %dma_start3A_165 = tpu.memref_slice %arg19[%dma_start3A_158] : memref<8x!tpu.dma_semaphore, #tpu.memory_space<semaphore_mem>> -> memref<1x!tpu.dma_semaphore, #tpu.memory_space<semaphore_mem>>
    %dma_start3A_166 = tpu.memref_squeeze %dma_start3A_165 : memref<1x!tpu.dma_semaphore, #tpu.memory_space<semaphore_mem>> -> memref<!tpu.dma_semaphore, #tpu.memory_space<semaphore_mem>>
    tpu.enqueue_indirect_dma source(%arg8 : memref<128x32xf32, #tpu.memory_space<vmem>>) target(%dma_start3A_164 : memref<10112x32xf32, #tpu.memory_space<vmem_shared>>) offsets(%dma_start3A_161 : memref<128xi32, #tpu.memory_space<vmem>>) semaphore(%dma_start3A_166 : memref<!tpu.dma_semaphore, #tpu.memory_space<semaphore_mem>>) {add = true}
    %dma_wait3A_167 = arith.constant 1 : i32
    %dma_wait3A_168 = arith.constant 1 : i32
    %dma_wait3A_169 = arith.constant 0 : i32
    %dma_wait3A_170 = tpu.memref_slice %arg6[%dma_wait3A_167, %dma_wait3A_169] : memref<160x128xi32, #tpu.memory_space<vmem>> -> memref<1x128xi32, #tpu.memory_space<vmem>>
    %dma_wait3A_171 = tpu.memref_squeeze %dma_wait3A_170 : memref<1x128xi32, #tpu.memory_space<vmem>> -> memref<128xi32, #tpu.memory_space<vmem>>
    %dma_wait3A_172 = arith.constant 0 : i32
    %dma_wait3A_173 = arith.constant 0 : i32
    %dma_wait3A_174 = tpu.memref_slice %arg17[%dma_wait3A_172, %dma_wait3A_173] : memref<10112x32xf32, #tpu.memory_space<vmem_shared>> -> memref<10112x32xf32, #tpu.memory_space<vmem_shared>>
    %dma_wait3A_175 = tpu.memref_slice %arg18[%dma_wait3A_168] : memref<8x!tpu.dma_semaphore, #tpu.memory_space<semaphore_mem>> -> memref<1x!tpu.dma_semaphore, #tpu.memory_space<semaphore_mem>>
    %dma_wait3A_176 = tpu.memref_squeeze %dma_wait3A_175 : memref<1x!tpu.dma_semaphore, #tpu.memory_space<semaphore_mem>> -> memref<!tpu.dma_semaphore, #tpu.memory_space<semaphore_mem>>
    tpu.wait_indirect_dma semaphore(%dma_wait3A_176 : memref<!tpu.dma_semaphore, #tpu.memory_space<semaphore_mem>>) src(%dma_wait3A_174 : memref<10112x32xf32, #tpu.memory_space<vmem_shared>>) dst(%arg9 : memref<128x32xf32, #tpu.memory_space<vmem>>)
    %dma_start3A_177 = arith.constant 1 : i32
    %dma_start3A_178 = arith.constant 1 : i32
    %dma_start3A_179 = arith.constant 0 : i32
    %dma_start3A_180 = tpu.memref_slice %arg7[%dma_start3A_177, %dma_start3A_179] : memref<160x128xi32, #tpu.memory_space<vmem>> -> memref<1x128xi32, #tpu.memory_space<vmem>>
    %dma_start3A_181 = tpu.memref_squeeze %dma_start3A_180 : memref<1x128xi32, #tpu.memory_space<vmem>> -> memref<128xi32, #tpu.memory_space<vmem>>
    %dma_start3A_182 = arith.constant 0 : i32
    %dma_start3A_183 = arith.constant 0 : i32
    %dma_start3A_184 = tpu.memref_slice %arg16[%dma_start3A_182, %dma_start3A_183] : memref<10112x32xf32, #tpu.memory_space<vmem_shared>> -> memref<10112x32xf32, #tpu.memory_space<vmem_shared>>
    %dma_start3A_185 = tpu.memref_slice %arg19[%dma_start3A_178] : memref<8x!tpu.dma_semaphore, #tpu.memory_space<semaphore_mem>> -> memref<1x!tpu.dma_semaphore, #tpu.memory_space<semaphore_mem>>
    %dma_start3A_186 = tpu.memref_squeeze %dma_start3A_185 : memref<1x!tpu.dma_semaphore, #tpu.memory_space<semaphore_mem>> -> memref<!tpu.dma_semaphore, #tpu.memory_space<semaphore_mem>>
    tpu.enqueue_indirect_dma source(%arg9 : memref<128x32xf32, #tpu.memory_space<vmem>>) target(%dma_start3A_184 : memref<10112x32xf32, #tpu.memory_space<vmem_shared>>) offsets(%dma_start3A_181 : memref<128xi32, #tpu.memory_space<vmem>>) semaphore(%dma_start3A_186 : memref<!tpu.dma_semaphore, #tpu.memory_space<semaphore_mem>>) {add = true}
    %dma_wait3A_187 = arith.constant 2 : i32
    %dma_wait3A_188 = arith.constant 2 : i32
    %dma_wait3A_189 = arith.constant 0 : i32
    %dma_wait3A_190 = tpu.memref_slice %arg6[%dma_wait3A_187, %dma_wait3A_189] : memref<160x128xi32, #tpu.memory_space<vmem>> -> memref<1x128xi32, #tpu.memory_space<vmem>>
    %dma_wait3A_191 = tpu.memref_squeeze %dma_wait3A_190 : memref<1x128xi32, #tpu.memory_space<vmem>> -> memref<128xi32, #tpu.memory_space<vmem>>
    %dma_wait3A_192 = arith.constant 0 : i32
    %dma_wait3A_193 = arith.constant 0 : i32
    %dma_wait3A_194 = tpu.memref_slice %arg17[%dma_wait3A_192, %dma_wait3A_193] : memref<10112x32xf32, #tpu.memory_space<vmem_shared>> -> memref<10112x32xf32, #tpu.memory_space<vmem_shared>>
    %dma_wait3A_195 = tpu.memref_slice %arg18[%dma_wait3A_188] : memref<8x!tpu.dma_semaphore, #tpu.memory_space<semaphore_mem>> -> memref<1x!tpu.dma_semaphore, #tpu.memory_space<semaphore_mem>>
    %dma_wait3A_196 = tpu.memref_squeeze %dma_wait3A_195 : memref<1x!tpu.dma_semaphore, #tpu.memory_space<semaphore_mem>> -> memref<!tpu.dma_semaphore, #tpu.memory_space<semaphore_mem>>
    tpu.wait_indirect_dma semaphore(%dma_wait3A_196 : memref<!tpu.dma_semaphore, #tpu.memory_space<semaphore_mem>>) src(%dma_wait3A_194 : memref<10112x32xf32, #tpu.memory_space<vmem_shared>>) dst(%arg10 : memref<128x32xf32, #tpu.memory_space<vmem>>)
    %dma_start3A_197 = arith.constant 2 : i32
    %dma_start3A_198 = arith.constant 2 : i32
    %dma_start3A_199 = arith.constant 0 : i32
    %dma_start3A_200 = tpu.memref_slice %arg7[%dma_start3A_197, %dma_start3A_199] : memref<160x128xi32, #tpu.memory_space<vmem>> -> memref<1x128xi32, #tpu.memory_space<vmem>>
    %dma_start3A_201 = tpu.memref_squeeze %dma_start3A_200 : memref<1x128xi32, #tpu.memory_space<vmem>> -> memref<128xi32, #tpu.memory_space<vmem>>
    %dma_start3A_202 = arith.constant 0 : i32
    %dma_start3A_203 = arith.constant 0 : i32
    %dma_start3A_204 = tpu.memref_slice %arg16[%dma_start3A_202, %dma_start3A_203] : memref<10112x32xf32, #tpu.memory_space<vmem_shared>> -> memref<10112x32xf32, #tpu.memory_space<vmem_shared>>
    %dma_start3A_205 = tpu.memref_slice %arg19[%dma_start3A_198] : memref<8x!tpu.dma_semaphore, #tpu.memory_space<semaphore_mem>> -> memref<1x!tpu.dma_semaphore, #tpu.memory_space<semaphore_mem>>
    %dma_start3A_206 = tpu.memref_squeeze %dma_start3A_205 : memref<1x!tpu.dma_semaphore, #tpu.memory_space<semaphore_mem>> -> memref<!tpu.dma_semaphore, #tpu.memory_space<semaphore_mem>>
    tpu.enqueue_indirect_dma source(%arg10 : memref<128x32xf32, #tpu.memory_space<vmem>>) target(%dma_start3A_204 : memref<10112x32xf32, #tpu.memory_space<vmem_shared>>) offsets(%dma_start3A_201 : memref<128xi32, #tpu.memory_space<vmem>>) semaphore(%dma_start3A_206 : memref<!tpu.dma_semaphore, #tpu.memory_space<semaphore_mem>>) {add = true}
    %dma_wait3A_207 = arith.constant 3 : i32
    %dma_wait3A_208 = arith.constant 3 : i32
    %dma_wait3A_209 = arith.constant 0 : i32
    %dma_wait3A_210 = tpu.memref_slice %arg6[%dma_wait3A_207, %dma_wait3A_209] : memref<160x128xi32, #tpu.memory_space<vmem>> -> memref<1x128xi32, #tpu.memory_space<vmem>>
    %dma_wait3A_211 = tpu.memref_squeeze %dma_wait3A_210 : memref<1x128xi32, #tpu.memory_space<vmem>> -> memref<128xi32, #tpu.memory_space<vmem>>
    %dma_wait3A_212 = arith.constant 0 : i32
    %dma_wait3A_213 = arith.constant 0 : i32
    %dma_wait3A_214 = tpu.memref_slice %arg17[%dma_wait3A_212, %dma_wait3A_213] : memref<10112x32xf32, #tpu.memory_space<vmem_shared>> -> memref<10112x32xf32, #tpu.memory_space<vmem_shared>>
    %dma_wait3A_215 = tpu.memref_slice %arg18[%dma_wait3A_208] : memref<8x!tpu.dma_semaphore, #tpu.memory_space<semaphore_mem>> -> memref<1x!tpu.dma_semaphore, #tpu.memory_space<semaphore_mem>>
    %dma_wait3A_216 = tpu.memref_squeeze %dma_wait3A_215 : memref<1x!tpu.dma_semaphore, #tpu.memory_space<semaphore_mem>> -> memref<!tpu.dma_semaphore, #tpu.memory_space<semaphore_mem>>
    tpu.wait_indirect_dma semaphore(%dma_wait3A_216 : memref<!tpu.dma_semaphore, #tpu.memory_space<semaphore_mem>>) src(%dma_wait3A_214 : memref<10112x32xf32, #tpu.memory_space<vmem_shared>>) dst(%arg11 : memref<128x32xf32, #tpu.memory_space<vmem>>)
    %dma_start3A_217 = arith.constant 3 : i32
    %dma_start3A_218 = arith.constant 3 : i32
    %dma_start3A_219 = arith.constant 0 : i32
    %dma_start3A_220 = tpu.memref_slice %arg7[%dma_start3A_217, %dma_start3A_219] : memref<160x128xi32, #tpu.memory_space<vmem>> -> memref<1x128xi32, #tpu.memory_space<vmem>>
    %dma_start3A_221 = tpu.memref_squeeze %dma_start3A_220 : memref<1x128xi32, #tpu.memory_space<vmem>> -> memref<128xi32, #tpu.memory_space<vmem>>
    %dma_start3A_222 = arith.constant 0 : i32
    %dma_start3A_223 = arith.constant 0 : i32
    %dma_start3A_224 = tpu.memref_slice %arg16[%dma_start3A_222, %dma_start3A_223] : memref<10112x32xf32, #tpu.memory_space<vmem_shared>> -> memref<10112x32xf32, #tpu.memory_space<vmem_shared>>
    %dma_start3A_225 = tpu.memref_slice %arg19[%dma_start3A_218] : memref<8x!tpu.dma_semaphore, #tpu.memory_space<semaphore_mem>> -> memref<1x!tpu.dma_semaphore, #tpu.memory_space<semaphore_mem>>
    %dma_start3A_226 = tpu.memref_squeeze %dma_start3A_225 : memref<1x!tpu.dma_semaphore, #tpu.memory_space<semaphore_mem>> -> memref<!tpu.dma_semaphore, #tpu.memory_space<semaphore_mem>>
    tpu.enqueue_indirect_dma source(%arg11 : memref<128x32xf32, #tpu.memory_space<vmem>>) target(%dma_start3A_224 : memref<10112x32xf32, #tpu.memory_space<vmem_shared>>) offsets(%dma_start3A_221 : memref<128xi32, #tpu.memory_space<vmem>>) semaphore(%dma_start3A_226 : memref<!tpu.dma_semaphore, #tpu.memory_space<semaphore_mem>>) {add = true}
    %dma_wait3A_227 = arith.constant 4 : i32
    %dma_wait3A_228 = arith.constant 4 : i32
    %dma_wait3A_229 = arith.constant 0 : i32
    %dma_wait3A_230 = tpu.memref_slice %arg6[%dma_wait3A_227, %dma_wait3A_229] : memref<160x128xi32, #tpu.memory_space<vmem>> -> memref<1x128xi32, #tpu.memory_space<vmem>>
    %dma_wait3A_231 = tpu.memref_squeeze %dma_wait3A_230 : memref<1x128xi32, #tpu.memory_space<vmem>> -> memref<128xi32, #tpu.memory_space<vmem>>
    %dma_wait3A_232 = arith.constant 0 : i32
    %dma_wait3A_233 = arith.constant 0 : i32
    %dma_wait3A_234 = tpu.memref_slice %arg17[%dma_wait3A_232, %dma_wait3A_233] : memref<10112x32xf32, #tpu.memory_space<vmem_shared>> -> memref<10112x32xf32, #tpu.memory_space<vmem_shared>>
    %dma_wait3A_235 = tpu.memref_slice %arg18[%dma_wait3A_228] : memref<8x!tpu.dma_semaphore, #tpu.memory_space<semaphore_mem>> -> memref<1x!tpu.dma_semaphore, #tpu.memory_space<semaphore_mem>>
    %dma_wait3A_236 = tpu.memref_squeeze %dma_wait3A_235 : memref<1x!tpu.dma_semaphore, #tpu.memory_space<semaphore_mem>> -> memref<!tpu.dma_semaphore, #tpu.memory_space<semaphore_mem>>
    tpu.wait_indirect_dma semaphore(%dma_wait3A_236 : memref<!tpu.dma_semaphore, #tpu.memory_space<semaphore_mem>>) src(%dma_wait3A_234 : memref<10112x32xf32, #tpu.memory_space<vmem_shared>>) dst(%arg12 : memref<128x32xf32, #tpu.memory_space<vmem>>)
    %dma_start3A_237 = arith.constant 4 : i32
    %dma_start3A_238 = arith.constant 4 : i32
    %dma_start3A_239 = arith.constant 0 : i32
    %dma_start3A_240 = tpu.memref_slice %arg7[%dma_start3A_237, %dma_start3A_239] : memref<160x128xi32, #tpu.memory_space<vmem>> -> memref<1x128xi32, #tpu.memory_space<vmem>>
    %dma_start3A_241 = tpu.memref_squeeze %dma_start3A_240 : memref<1x128xi32, #tpu.memory_space<vmem>> -> memref<128xi32, #tpu.memory_space<vmem>>
    %dma_start3A_242 = arith.constant 0 : i32
    %dma_start3A_243 = arith.constant 0 : i32
    %dma_start3A_244 = tpu.memref_slice %arg16[%dma_start3A_242, %dma_start3A_243] : memref<10112x32xf32, #tpu.memory_space<vmem_shared>> -> memref<10112x32xf32, #tpu.memory_space<vmem_shared>>
    %dma_start3A_245 = tpu.memref_slice %arg19[%dma_start3A_238] : memref<8x!tpu.dma_semaphore, #tpu.memory_space<semaphore_mem>> -> memref<1x!tpu.dma_semaphore, #tpu.memory_space<semaphore_mem>>
    %dma_start3A_246 = tpu.memref_squeeze %dma_start3A_245 : memref<1x!tpu.dma_semaphore, #tpu.memory_space<semaphore_mem>> -> memref<!tpu.dma_semaphore, #tpu.memory_space<semaphore_mem>>
    tpu.enqueue_indirect_dma source(%arg12 : memref<128x32xf32, #tpu.memory_space<vmem>>) target(%dma_start3A_244 : memref<10112x32xf32, #tpu.memory_space<vmem_shared>>) offsets(%dma_start3A_241 : memref<128xi32, #tpu.memory_space<vmem>>) semaphore(%dma_start3A_246 : memref<!tpu.dma_semaphore, #tpu.memory_space<semaphore_mem>>) {add = true}
    %dma_wait3A_247 = arith.constant 4 : i32
    %dma_wait3A_248 = arith.constant 0 : i32
    %dma_wait3A_249 = arith.constant 0 : i32
    %dma_wait3A_250 = tpu.memref_slice %arg7[%dma_wait3A_247, %dma_wait3A_249] : memref<160x128xi32, #tpu.memory_space<vmem>> -> memref<1x128xi32, #tpu.memory_space<vmem>>
    %dma_wait3A_251 = tpu.memref_squeeze %dma_wait3A_250 : memref<1x128xi32, #tpu.memory_space<vmem>> -> memref<128xi32, #tpu.memory_space<vmem>>
    %dma_wait3A_252 = arith.constant 0 : i32
    %dma_wait3A_253 = arith.constant 0 : i32
    %dma_wait3A_254 = tpu.memref_slice %arg16[%dma_wait3A_252, %dma_wait3A_253] : memref<10112x32xf32, #tpu.memory_space<vmem_shared>> -> memref<10112x32xf32, #tpu.memory_space<vmem_shared>>
    %dma_wait3A_255 = tpu.memref_slice %arg19[%dma_wait3A_248] : memref<8x!tpu.dma_semaphore, #tpu.memory_space<semaphore_mem>> -> memref<1x!tpu.dma_semaphore, #tpu.memory_space<semaphore_mem>>
    %dma_wait3A_256 = tpu.memref_squeeze %dma_wait3A_255 : memref<1x!tpu.dma_semaphore, #tpu.memory_space<semaphore_mem>> -> memref<!tpu.dma_semaphore, #tpu.memory_space<semaphore_mem>>
    tpu.wait_indirect_dma semaphore(%dma_wait3A_256 : memref<!tpu.dma_semaphore, #tpu.memory_space<semaphore_mem>>) src(%arg8 : memref<128x32xf32, #tpu.memory_space<vmem>>) dst(%dma_wait3A_254 : memref<10112x32xf32, #tpu.memory_space<vmem_shared>>)
    %dma_start3A_257 = arith.constant 8 : i32
    %dma_start3A_258 = arith.constant 0 : i32
    %dma_start3A_259 = arith.constant 0 : i32
    %dma_start3A_260 = tpu.memref_slice %arg6[%dma_start3A_257, %dma_start3A_259] : memref<160x128xi32, #tpu.memory_space<vmem>> -> memref<1x128xi32, #tpu.memory_space<vmem>>
    %dma_start3A_261 = tpu.memref_squeeze %dma_start3A_260 : memref<1x128xi32, #tpu.memory_space<vmem>> -> memref<128xi32, #tpu.memory_space<vmem>>
    %dma_start3A_262 = arith.constant 0 : i32
    %dma_start3A_263 = arith.constant 0 : i32
    %dma_start3A_264 = tpu.memref_slice %arg17[%dma_start3A_262, %dma_start3A_263] : memref<10112x32xf32, #tpu.memory_space<vmem_shared>> -> memref<10112x32xf32, #tpu.memory_space<vmem_shared>>
    %dma_start3A_265 = tpu.memref_slice %arg18[%dma_start3A_258] : memref<8x!tpu.dma_semaphore, #tpu.memory_space<semaphore_mem>> -> memref<1x!tpu.dma_semaphore, #tpu.memory_space<semaphore_mem>>
    %dma_start3A_266 = tpu.memref_squeeze %dma_start3A_265 : memref<1x!tpu.dma_semaphore, #tpu.memory_space<semaphore_mem>> -> memref<!tpu.dma_semaphore, #tpu.memory_space<semaphore_mem>>
    tpu.enqueue_indirect_dma source(%dma_start3A_264 : memref<10112x32xf32, #tpu.memory_space<vmem_shared>>) target(%arg8 : memref<128x32xf32, #tpu.memory_space<vmem>>) offsets(%dma_start3A_261 : memref<128xi32, #tpu.memory_space<vmem>>) semaphore(%dma_start3A_266 : memref<!tpu.dma_semaphore, #tpu.memory_space<semaphore_mem>>)
    %dma_wait3A_267 = arith.constant 5 : i32
    %dma_wait3A_268 = arith.constant 5 : i32
    %dma_wait3A_269 = arith.constant 0 : i32
    %dma_wait3A_270 = tpu.memref_slice %arg6[%dma_wait3A_267, %dma_wait3A_269] : memref<160x128xi32, #tpu.memory_space<vmem>> -> memref<1x128xi32, #tpu.memory_space<vmem>>
    %dma_wait3A_271 = tpu.memref_squeeze %dma_wait3A_270 : memref<1x128xi32, #tpu.memory_space<vmem>> -> memref<128xi32, #tpu.memory_space<vmem>>
    %dma_wait3A_272 = arith.constant 0 : i32
    %dma_wait3A_273 = arith.constant 0 : i32
    %dma_wait3A_274 = tpu.memref_slice %arg17[%dma_wait3A_272, %dma_wait3A_273] : memref<10112x32xf32, #tpu.memory_space<vmem_shared>> -> memref<10112x32xf32, #tpu.memory_space<vmem_shared>>
    %dma_wait3A_275 = tpu.memref_slice %arg18[%dma_wait3A_268] : memref<8x!tpu.dma_semaphore, #tpu.memory_space<semaphore_mem>> -> memref<1x!tpu.dma_semaphore, #tpu.memory_space<semaphore_mem>>
    %dma_wait3A_276 = tpu.memref_squeeze %dma_wait3A_275 : memref<1x!tpu.dma_semaphore, #tpu.memory_space<semaphore_mem>> -> memref<!tpu.dma_semaphore, #tpu.memory_space<semaphore_mem>>
    tpu.wait_indirect_dma semaphore(%dma_wait3A_276 : memref<!tpu.dma_semaphore, #tpu.memory_space<semaphore_mem>>) src(%dma_wait3A_274 : memref<10112x32xf32, #tpu.memory_space<vmem_shared>>) dst(%arg13 : memref<128x32xf32, #tpu.memory_space<vmem>>)
    %dma_start3A_277 = arith.constant 5 : i32
    %dma_start3A_278 = arith.constant 5 : i32
    %dma_start3A_279 = arith.constant 0 : i32
    %dma_start3A_280 = tpu.memref_slice %arg7[%dma_start3A_277, %dma_start3A_279] : memref<160x128xi32, #tpu.memory_space<vmem>> -> memref<1x128xi32, #tpu.memory_space<vmem>>
    %dma_start3A_281 = tpu.memref_squeeze %dma_start3A_280 : memref<1x128xi32, #tpu.memory_space<vmem>> -> memref<128xi32, #tpu.memory_space<vmem>>
    %dma_start3A_282 = arith.constant 0 : i32
    %dma_start3A_283 = arith.constant 0 : i32
    %dma_start3A_284 = tpu.memref_slice %arg16[%dma_start3A_282, %dma_start3A_283] : memref<10112x32xf32, #tpu.memory_space<vmem_shared>> -> memref<10112x32xf32, #tpu.memory_space<vmem_shared>>
    %dma_start3A_285 = tpu.memref_slice %arg19[%dma_start3A_278] : memref<8x!tpu.dma_semaphore, #tpu.memory_space<semaphore_mem>> -> memref<1x!tpu.dma_semaphore, #tpu.memory_space<semaphore_mem>>
    %dma_start3A_286 = tpu.memref_squeeze %dma_start3A_285 : memref<1x!tpu.dma_semaphore, #tpu.memory_space<semaphore_mem>> -> memref<!tpu.dma_semaphore, #tpu.memory_space<semaphore_mem>>
    tpu.enqueue_indirect_dma source(%arg13 : memref<128x32xf32, #tpu.memory_space<vmem>>) target(%dma_start3A_284 : memref<10112x32xf32, #tpu.memory_space<vmem_shared>>) offsets(%dma_start3A_281 : memref<128xi32, #tpu.memory_space<vmem>>) semaphore(%dma_start3A_286 : memref<!tpu.dma_semaphore, #tpu.memory_space<semaphore_mem>>) {add = true}
    %dma_wait3A_287 = arith.constant 5 : i32
    %dma_wait3A_288 = arith.constant 1 : i32
    %dma_wait3A_289 = arith.constant 0 : i32
    %dma_wait3A_290 = tpu.memref_slice %arg7[%dma_wait3A_287, %dma_wait3A_289] : memref<160x128xi32, #tpu.memory_space<vmem>> -> memref<1x128xi32, #tpu.memory_space<vmem>>
    %dma_wait3A_291 = tpu.memref_squeeze %dma_wait3A_290 : memref<1x128xi32, #tpu.memory_space<vmem>> -> memref<128xi32, #tpu.memory_space<vmem>>
    %dma_wait3A_292 = arith.constant 0 : i32
    %dma_wait3A_293 = arith.constant 0 : i32
    %dma_wait3A_294 = tpu.memref_slice %arg16[%dma_wait3A_292, %dma_wait3A_293] : memref<10112x32xf32, #tpu.memory_space<vmem_shared>> -> memref<10112x32xf32, #tpu.memory_space<vmem_shared>>
    %dma_wait3A_295 = tpu.memref_slice %arg19[%dma_wait3A_288] : memref<8x!tpu.dma_semaphore, #tpu.memory_space<semaphore_mem>> -> memref<1x!tpu.dma_semaphore, #tpu.memory_space<semaphore_mem>>
    %dma_wait3A_296 = tpu.memref_squeeze %dma_wait3A_295 : memref<1x!tpu.dma_semaphore, #tpu.memory_space<semaphore_mem>> -> memref<!tpu.dma_semaphore, #tpu.memory_space<semaphore_mem>>
    tpu.wait_indirect_dma semaphore(%dma_wait3A_296 : memref<!tpu.dma_semaphore, #tpu.memory_space<semaphore_mem>>) src(%arg9 : memref<128x32xf32, #tpu.memory_space<vmem>>) dst(%dma_wait3A_294 : memref<10112x32xf32, #tpu.memory_space<vmem_shared>>)
    %dma_start3A_297 = arith.constant 9 : i32
    %dma_start3A_298 = arith.constant 1 : i32
    %dma_start3A_299 = arith.constant 0 : i32
    %dma_start3A_300 = tpu.memref_slice %arg6[%dma_start3A_297, %dma_start3A_299] : memref<160x128xi32, #tpu.memory_space<vmem>> -> memref<1x128xi32, #tpu.memory_space<vmem>>
    %dma_start3A_301 = tpu.memref_squeeze %dma_start3A_300 : memref<1x128xi32, #tpu.memory_space<vmem>> -> memref<128xi32, #tpu.memory_space<vmem>>
    %dma_start3A_302 = arith.constant 0 : i32
    %dma_start3A_303 = arith.constant 0 : i32
    %dma_start3A_304 = tpu.memref_slice %arg17[%dma_start3A_302, %dma_start3A_303] : memref<10112x32xf32, #tpu.memory_space<vmem_shared>> -> memref<10112x32xf32, #tpu.memory_space<vmem_shared>>
    %dma_start3A_305 = tpu.memref_slice %arg18[%dma_start3A_298] : memref<8x!tpu.dma_semaphore, #tpu.memory_space<semaphore_mem>> -> memref<1x!tpu.dma_semaphore, #tpu.memory_space<semaphore_mem>>
    %dma_start3A_306 = tpu.memref_squeeze %dma_start3A_305 : memref<1x!tpu.dma_semaphore, #tpu.memory_space<semaphore_mem>> -> memref<!tpu.dma_semaphore, #tpu.memory_space<semaphore_mem>>
    tpu.enqueue_indirect_dma source(%dma_start3A_304 : memref<10112x32xf32, #tpu.memory_space<vmem_shared>>) target(%arg9 : memref<128x32xf32, #tpu.memory_space<vmem>>) offsets(%dma_start3A_301 : memref<128xi32, #tpu.memory_space<vmem>>) semaphore(%dma_start3A_306 : memref<!tpu.dma_semaphore, #tpu.memory_space<semaphore_mem>>)
    %dma_wait3A_307 = arith.constant 6 : i32
    %dma_wait3A_308 = arith.constant 6 : i32
    %dma_wait3A_309 = arith.constant 0 : i32
    %dma_wait3A_310 = tpu.memref_slice %arg6[%dma_wait3A_307, %dma_wait3A_309] : memref<160x128xi32, #tpu.memory_space<vmem>> -> memref<1x128xi32, #tpu.memory_space<vmem>>
    %dma_wait3A_311 = tpu.memref_squeeze %dma_wait3A_310 : memref<1x128xi32, #tpu.memory_space<vmem>> -> memref<128xi32, #tpu.memory_space<vmem>>
    %dma_wait3A_312 = arith.constant 0 : i32
    %dma_wait3A_313 = arith.constant 0 : i32
    %dma_wait3A_314 = tpu.memref_slice %arg17[%dma_wait3A_312, %dma_wait3A_313] : memref<10112x32xf32, #tpu.memory_space<vmem_shared>> -> memref<10112x32xf32, #tpu.memory_space<vmem_shared>>
    %dma_wait3A_315 = tpu.memref_slice %arg18[%dma_wait3A_308] : memref<8x!tpu.dma_semaphore, #tpu.memory_space<semaphore_mem>> -> memref<1x!tpu.dma_semaphore, #tpu.memory_space<semaphore_mem>>
    %dma_wait3A_316 = tpu.memref_squeeze %dma_wait3A_315 : memref<1x!tpu.dma_semaphore, #tpu.memory_space<semaphore_mem>> -> memref<!tpu.dma_semaphore, #tpu.memory_space<semaphore_mem>>
    tpu.wait_indirect_dma semaphore(%dma_wait3A_316 : memref<!tpu.dma_semaphore, #tpu.memory_space<semaphore_mem>>) src(%dma_wait3A_314 : memref<10112x32xf32, #tpu.memory_space<vmem_shared>>) dst(%arg14 : memref<128x32xf32, #tpu.memory_space<vmem>>)
    %dma_start3A_317 = arith.constant 6 : i32
    %dma_start3A_318 = arith.constant 6 : i32
    %dma_start3A_319 = arith.constant 0 : i32
    %dma_start3A_320 = tpu.memref_slice %arg7[%dma_start3A_317, %dma_start3A_319] : memref<160x128xi32, #tpu.memory_space<vmem>> -> memref<1x128xi32, #tpu.memory_space<vmem>>
    %dma_start3A_321 = tpu.memref_squeeze %dma_start3A_320 : memref<1x128xi32, #tpu.memory_space<vmem>> -> memref<128xi32, #tpu.memory_space<vmem>>
    %dma_start3A_322 = arith.constant 0 : i32
    %dma_start3A_323 = arith.constant 0 : i32
    %dma_start3A_324 = tpu.memref_slice %arg16[%dma_start3A_322, %dma_start3A_323] : memref<10112x32xf32, #tpu.memory_space<vmem_shared>> -> memref<10112x32xf32, #tpu.memory_space<vmem_shared>>
    %dma_start3A_325 = tpu.memref_slice %arg19[%dma_start3A_318] : memref<8x!tpu.dma_semaphore, #tpu.memory_space<semaphore_mem>> -> memref<1x!tpu.dma_semaphore, #tpu.memory_space<semaphore_mem>>
    %dma_start3A_326 = tpu.memref_squeeze %dma_start3A_325 : memref<1x!tpu.dma_semaphore, #tpu.memory_space<semaphore_mem>> -> memref<!tpu.dma_semaphore, #tpu.memory_space<semaphore_mem>>
    tpu.enqueue_indirect_dma source(%arg14 : memref<128x32xf32, #tpu.memory_space<vmem>>) target(%dma_start3A_324 : memref<10112x32xf32, #tpu.memory_space<vmem_shared>>) offsets(%dma_start3A_321 : memref<128xi32, #tpu.memory_space<vmem>>) semaphore(%dma_start3A_326 : memref<!tpu.dma_semaphore, #tpu.memory_space<semaphore_mem>>) {add = true}
    %dma_wait3A_327 = arith.constant 6 : i32
    %dma_wait3A_328 = arith.constant 2 : i32
    %dma_wait3A_329 = arith.constant 0 : i32
    %dma_wait3A_330 = tpu.memref_slice %arg7[%dma_wait3A_327, %dma_wait3A_329] : memref<160x128xi32, #tpu.memory_space<vmem>> -> memref<1x128xi32, #tpu.memory_space<vmem>>
    %dma_wait3A_331 = tpu.memref_squeeze %dma_wait3A_330 : memref<1x128xi32, #tpu.memory_space<vmem>> -> memref<128xi32, #tpu.memory_space<vmem>>
    %dma_wait3A_332 = arith.constant 0 : i32
    %dma_wait3A_333 = arith.constant 0 : i32
    %dma_wait3A_334 = tpu.memref_slice %arg16[%dma_wait3A_332, %dma_wait3A_333] : memref<10112x32xf32, #tpu.memory_space<vmem_shared>> -> memref<10112x32xf32, #tpu.memory_space<vmem_shared>>
    %dma_wait3A_335 = tpu.memref_slice %arg19[%dma_wait3A_328] : memref<8x!tpu.dma_semaphore, #tpu.memory_space<semaphore_mem>> -> memref<1x!tpu.dma_semaphore, #tpu.memory_space<semaphore_mem>>
    %dma_wait3A_336 = tpu.memref_squeeze %dma_wait3A_335 : memref<1x!tpu.dma_semaphore, #tpu.memory_space<semaphore_mem>> -> memref<!tpu.dma_semaphore, #tpu.memory_space<semaphore_mem>>
    tpu.wait_indirect_dma semaphore(%dma_wait3A_336 : memref<!tpu.dma_semaphore, #tpu.memory_space<semaphore_mem>>) src(%arg10 : memref<128x32xf32, #tpu.memory_space<vmem>>) dst(%dma_wait3A_334 : memref<10112x32xf32, #tpu.memory_space<vmem_shared>>)
    %dma_start3A_337 = arith.constant 10 : i32
    %dma_start3A_338 = arith.constant 2 : i32
    %dma_start3A_339 = arith.constant 0 : i32
    %dma_start3A_340 = tpu.memref_slice %arg6[%dma_start3A_337, %dma_start3A_339] : memref<160x128xi32, #tpu.memory_space<vmem>> -> memref<1x128xi32, #tpu.memory_space<vmem>>
    %dma_start3A_341 = tpu.memref_squeeze %dma_start3A_340 : memref<1x128xi32, #tpu.memory_space<vmem>> -> memref<128xi32, #tpu.memory_space<vmem>>
    %dma_start3A_342 = arith.constant 0 : i32
    %dma_start3A_343 = arith.constant 0 : i32
    %dma_start3A_344 = tpu.memref_slice %arg17[%dma_start3A_342, %dma_start3A_343] : memref<10112x32xf32, #tpu.memory_space<vmem_shared>> -> memref<10112x32xf32, #tpu.memory_space<vmem_shared>>
    %dma_start3A_345 = tpu.memref_slice %arg18[%dma_start3A_338] : memref<8x!tpu.dma_semaphore, #tpu.memory_space<semaphore_mem>> -> memref<1x!tpu.dma_semaphore, #tpu.memory_space<semaphore_mem>>
    %dma_start3A_346 = tpu.memref_squeeze %dma_start3A_345 : memref<1x!tpu.dma_semaphore, #tpu.memory_space<semaphore_mem>> -> memref<!tpu.dma_semaphore, #tpu.memory_space<semaphore_mem>>
    tpu.enqueue_indirect_dma source(%dma_start3A_344 : memref<10112x32xf32, #tpu.memory_space<vmem_shared>>) target(%arg10 : memref<128x32xf32, #tpu.memory_space<vmem>>) offsets(%dma_start3A_341 : memref<128xi32, #tpu.memory_space<vmem>>) semaphore(%dma_start3A_346 : memref<!tpu.dma_semaphore, #tpu.memory_space<semaphore_mem>>)
    %dma_wait3A_347 = arith.constant 7 : i32
    %dma_wait3A_348 = arith.constant 7 : i32
    %dma_wait3A_349 = arith.constant 0 : i32
    %dma_wait3A_350 = tpu.memref_slice %arg6[%dma_wait3A_347, %dma_wait3A_349] : memref<160x128xi32, #tpu.memory_space<vmem>> -> memref<1x128xi32, #tpu.memory_space<vmem>>
    %dma_wait3A_351 = tpu.memref_squeeze %dma_wait3A_350 : memref<1x128xi32, #tpu.memory_space<vmem>> -> memref<128xi32, #tpu.memory_space<vmem>>
    %dma_wait3A_352 = arith.constant 0 : i32
    %dma_wait3A_353 = arith.constant 0 : i32
    %dma_wait3A_354 = tpu.memref_slice %arg17[%dma_wait3A_352, %dma_wait3A_353] : memref<10112x32xf32, #tpu.memory_space<vmem_shared>> -> memref<10112x32xf32, #tpu.memory_space<vmem_shared>>
    %dma_wait3A_355 = tpu.memref_slice %arg18[%dma_wait3A_348] : memref<8x!tpu.dma_semaphore, #tpu.memory_space<semaphore_mem>> -> memref<1x!tpu.dma_semaphore, #tpu.memory_space<semaphore_mem>>
    %dma_wait3A_356 = tpu.memref_squeeze %dma_wait3A_355 : memref<1x!tpu.dma_semaphore, #tpu.memory_space<semaphore_mem>> -> memref<!tpu.dma_semaphore, #tpu.memory_space<semaphore_mem>>
    tpu.wait_indirect_dma semaphore(%dma_wait3A_356 : memref<!tpu.dma_semaphore, #tpu.memory_space<semaphore_mem>>) src(%dma_wait3A_354 : memref<10112x32xf32, #tpu.memory_space<vmem_shared>>) dst(%arg15 : memref<128x32xf32, #tpu.memory_space<vmem>>)
    %dma_start3A_357 = arith.constant 7 : i32
    %dma_start3A_358 = arith.constant 7 : i32
    %dma_start3A_359 = arith.constant 0 : i32
    %dma_start3A_360 = tpu.memref_slice %arg7[%dma_start3A_357, %dma_start3A_359] : memref<160x128xi32, #tpu.memory_space<vmem>> -> memref<1x128xi32, #tpu.memory_space<vmem>>
    %dma_start3A_361 = tpu.memref_squeeze %dma_start3A_360 : memref<1x128xi32, #tpu.memory_space<vmem>> -> memref<128xi32, #tpu.memory_space<vmem>>
    %dma_start3A_362 = arith.constant 0 : i32
    %dma_start3A_363 = arith.constant 0 : i32
    %dma_start3A_364 = tpu.memref_slice %arg16[%dma_start3A_362, %dma_start3A_363] : memref<10112x32xf32, #tpu.memory_space<vmem_shared>> -> memref<10112x32xf32, #tpu.memory_space<vmem_shared>>
    %dma_start3A_365 = tpu.memref_slice %arg19[%dma_start3A_358] : memref<8x!tpu.dma_semaphore, #tpu.memory_space<semaphore_mem>> -> memref<1x!tpu.dma_semaphore, #tpu.memory_space<semaphore_mem>>
    %dma_start3A_366 = tpu.memref_squeeze %dma_start3A_365 : memref<1x!tpu.dma_semaphore, #tpu.memory_space<semaphore_mem>> -> memref<!tpu.dma_semaphore, #tpu.memory_space<semaphore_mem>>
    tpu.enqueue_indirect_dma source(%arg15 : memref<128x32xf32, #tpu.memory_space<vmem>>) target(%dma_start3A_364 : memref<10112x32xf32, #tpu.memory_space<vmem_shared>>) offsets(%dma_start3A_361 : memref<128xi32, #tpu.memory_space<vmem>>) semaphore(%dma_start3A_366 : memref<!tpu.dma_semaphore, #tpu.memory_space<semaphore_mem>>) {add = true}
    %dma_wait3A_367 = arith.constant 7 : i32
    %dma_wait3A_368 = arith.constant 3 : i32
    %dma_wait3A_369 = arith.constant 0 : i32
    %dma_wait3A_370 = tpu.memref_slice %arg7[%dma_wait3A_367, %dma_wait3A_369] : memref<160x128xi32, #tpu.memory_space<vmem>> -> memref<1x128xi32, #tpu.memory_space<vmem>>
    %dma_wait3A_371 = tpu.memref_squeeze %dma_wait3A_370 : memref<1x128xi32, #tpu.memory_space<vmem>> -> memref<128xi32, #tpu.memory_space<vmem>>
    %dma_wait3A_372 = arith.constant 0 : i32
    %dma_wait3A_373 = arith.constant 0 : i32
    %dma_wait3A_374 = tpu.memref_slice %arg16[%dma_wait3A_372, %dma_wait3A_373] : memref<10112x32xf32, #tpu.memory_space<vmem_shared>> -> memref<10112x32xf32, #tpu.memory_space<vmem_shared>>
    %dma_wait3A_375 = tpu.memref_slice %arg19[%dma_wait3A_368] : memref<8x!tpu.dma_semaphore, #tpu.memory_space<semaphore_mem>> -> memref<1x!tpu.dma_semaphore, #tpu.memory_space<semaphore_mem>>
    %dma_wait3A_376 = tpu.memref_squeeze %dma_wait3A_375 : memref<1x!tpu.dma_semaphore, #tpu.memory_space<semaphore_mem>> -> memref<!tpu.dma_semaphore, #tpu.memory_space<semaphore_mem>>
    tpu.wait_indirect_dma semaphore(%dma_wait3A_376 : memref<!tpu.dma_semaphore, #tpu.memory_space<semaphore_mem>>) src(%arg11 : memref<128x32xf32, #tpu.memory_space<vmem>>) dst(%dma_wait3A_374 : memref<10112x32xf32, #tpu.memory_space<vmem_shared>>)
    %dma_start3A_377 = arith.constant 11 : i32
    %dma_start3A_378 = arith.constant 3 : i32
    %dma_start3A_379 = arith.constant 0 : i32
    %dma_start3A_380 = tpu.memref_slice %arg6[%dma_start3A_377, %dma_start3A_379] : memref<160x128xi32, #tpu.memory_space<vmem>> -> memref<1x128xi32, #tpu.memory_space<vmem>>
    %dma_start3A_381 = tpu.memref_squeeze %dma_start3A_380 : memref<1x128xi32, #tpu.memory_space<vmem>> -> memref<128xi32, #tpu.memory_space<vmem>>
    %dma_start3A_382 = arith.constant 0 : i32
    %dma_start3A_383 = arith.constant 0 : i32
    %dma_start3A_384 = tpu.memref_slice %arg17[%dma_start3A_382, %dma_start3A_383] : memref<10112x32xf32, #tpu.memory_space<vmem_shared>> -> memref<10112x32xf32, #tpu.memory_space<vmem_shared>>
    %dma_start3A_385 = tpu.memref_slice %arg18[%dma_start3A_378] : memref<8x!tpu.dma_semaphore, #tpu.memory_space<semaphore_mem>> -> memref<1x!tpu.dma_semaphore, #tpu.memory_space<semaphore_mem>>
    %dma_start3A_386 = tpu.memref_squeeze %dma_start3A_385 : memref<1x!tpu.dma_semaphore, #tpu.memory_space<semaphore_mem>> -> memref<!tpu.dma_semaphore, #tpu.memory_space<semaphore_mem>>
    tpu.enqueue_indirect_dma source(%dma_start3A_384 : memref<10112x32xf32, #tpu.memory_space<vmem_shared>>) target(%arg11 : memref<128x32xf32, #tpu.memory_space<vmem>>) offsets(%dma_start3A_381 : memref<128xi32, #tpu.memory_space<vmem>>) semaphore(%dma_start3A_386 : memref<!tpu.dma_semaphore, #tpu.memory_space<semaphore_mem>>)
    %scan3A = arith.constant 0 : i32
    %scan3A_387 = arith.constant 1 : i32
    %scan3A_388 = arith.constant 18 : i32
    %scan3A_389 = arith.addi %scan3A_387, %scan3A_388 : i32
    %scan3A_390 = arith.constant 1 : i32
    scf.for %scan3A_717 = %scan3A_387 to %scan3A_389 step %scan3A_390  : i32 {
      %mul3A_718 = arith.constant 8 : i32
      %mul3A_719 = arith.muli %scan3A_717, %mul3A_718 : i32
      %add3A = arith.constant 0 : i32
      %add3A_720 = arith.addi %mul3A_719, %add3A : i32
      %dma_wait3A_721 = arith.constant 0 : i32
      %dma_wait3A_722 = arith.constant 0 : i32
      %dma_wait3A_723 = tpu.memref_slice %arg6[%add3A_720, %dma_wait3A_722] : memref<160x128xi32, #tpu.memory_space<vmem>> -> memref<1x128xi32, #tpu.memory_space<vmem>>
      %dma_wait3A_724 = tpu.memref_squeeze %dma_wait3A_723 : memref<1x128xi32, #tpu.memory_space<vmem>> -> memref<128xi32, #tpu.memory_space<vmem>>
      %dma_wait3A_725 = arith.constant 0 : i32
      %dma_wait3A_726 = arith.constant 0 : i32
      %dma_wait3A_727 = tpu.memref_slice %arg17[%dma_wait3A_725, %dma_wait3A_726] : memref<10112x32xf32, #tpu.memory_space<vmem_shared>> -> memref<10112x32xf32, #tpu.memory_space<vmem_shared>>
      %dma_wait3A_728 = tpu.memref_slice %arg18[%dma_wait3A_721] : memref<8x!tpu.dma_semaphore, #tpu.memory_space<semaphore_mem>> -> memref<1x!tpu.dma_semaphore, #tpu.memory_space<semaphore_mem>>
      %dma_wait3A_729 = tpu.memref_squeeze %dma_wait3A_728 : memref<1x!tpu.dma_semaphore, #tpu.memory_space<semaphore_mem>> -> memref<!tpu.dma_semaphore, #tpu.memory_space<semaphore_mem>>
      tpu.wait_indirect_dma semaphore(%dma_wait3A_729 : memref<!tpu.dma_semaphore, #tpu.memory_space<semaphore_mem>>) src(%dma_wait3A_727 : memref<10112x32xf32, #tpu.memory_space<vmem_shared>>) dst(%arg8 : memref<128x32xf32, #tpu.memory_space<vmem>>)
      %dma_start3A_730 = arith.constant 0 : i32
      %dma_start3A_731 = arith.constant 0 : i32
      %dma_start3A_732 = tpu.memref_slice %arg7[%add3A_720, %dma_start3A_731] : memref<160x128xi32, #tpu.memory_space<vmem>> -> memref<1x128xi32, #tpu.memory_space<vmem>>
      %dma_start3A_733 = tpu.memref_squeeze %dma_start3A_732 : memref<1x128xi32, #tpu.memory_space<vmem>> -> memref<128xi32, #tpu.memory_space<vmem>>
      %dma_start3A_734 = arith.constant 0 : i32
      %dma_start3A_735 = arith.constant 0 : i32
      %dma_start3A_736 = tpu.memref_slice %arg16[%dma_start3A_734, %dma_start3A_735] : memref<10112x32xf32, #tpu.memory_space<vmem_shared>> -> memref<10112x32xf32, #tpu.memory_space<vmem_shared>>
      %dma_start3A_737 = tpu.memref_slice %arg19[%dma_start3A_730] : memref<8x!tpu.dma_semaphore, #tpu.memory_space<semaphore_mem>> -> memref<1x!tpu.dma_semaphore, #tpu.memory_space<semaphore_mem>>
      %dma_start3A_738 = tpu.memref_squeeze %dma_start3A_737 : memref<1x!tpu.dma_semaphore, #tpu.memory_space<semaphore_mem>> -> memref<!tpu.dma_semaphore, #tpu.memory_space<semaphore_mem>>
      tpu.enqueue_indirect_dma source(%arg8 : memref<128x32xf32, #tpu.memory_space<vmem>>) target(%dma_start3A_736 : memref<10112x32xf32, #tpu.memory_space<vmem_shared>>) offsets(%dma_start3A_733 : memref<128xi32, #tpu.memory_space<vmem>>) semaphore(%dma_start3A_738 : memref<!tpu.dma_semaphore, #tpu.memory_space<semaphore_mem>>) {add = true}
      %dma_wait3A_739 = arith.constant 4 : i32
      %dma_wait3A_740 = arith.constant 0 : i32
      %dma_wait3A_741 = tpu.memref_slice %arg7[%add3A_720, %dma_wait3A_740] : memref<160x128xi32, #tpu.memory_space<vmem>> -> memref<1x128xi32, #tpu.memory_space<vmem>>
      %dma_wait3A_742 = tpu.memref_squeeze %dma_wait3A_741 : memref<1x128xi32, #tpu.memory_space<vmem>> -> memref<128xi32, #tpu.memory_space<vmem>>
      %dma_wait3A_743 = arith.constant 0 : i32
      %dma_wait3A_744 = arith.constant 0 : i32
      %dma_wait3A_745 = tpu.memref_slice %arg16[%dma_wait3A_743, %dma_wait3A_744] : memref<10112x32xf32, #tpu.memory_space<vmem_shared>> -> memref<10112x32xf32, #tpu.memory_space<vmem_shared>>
      %dma_wait3A_746 = tpu.memref_slice %arg19[%dma_wait3A_739] : memref<8x!tpu.dma_semaphore, #tpu.memory_space<semaphore_mem>> -> memref<1x!tpu.dma_semaphore, #tpu.memory_space<semaphore_mem>>
      %dma_wait3A_747 = tpu.memref_squeeze %dma_wait3A_746 : memref<1x!tpu.dma_semaphore, #tpu.memory_space<semaphore_mem>> -> memref<!tpu.dma_semaphore, #tpu.memory_space<semaphore_mem>>
      tpu.wait_indirect_dma semaphore(%dma_wait3A_747 : memref<!tpu.dma_semaphore, #tpu.memory_space<semaphore_mem>>) src(%arg12 : memref<128x32xf32, #tpu.memory_space<vmem>>) dst(%dma_wait3A_745 : memref<10112x32xf32, #tpu.memory_space<vmem_shared>>)
      %sub3A = arith.constant 4 : i32
      %sub3A_748 = arith.subi %add3A_720, %sub3A : i32
      %add3A_749 = arith.constant 8 : i32
      %add3A_750 = arith.addi %sub3A_748, %add3A_749 : i32
      %dma_start3A_751 = arith.constant 4 : i32
      %dma_start3A_752 = arith.constant 0 : i32
      %dma_start3A_753 = tpu.memref_slice %arg6[%add3A_750, %dma_start3A_752] : memref<160x128xi32, #tpu.memory_space<vmem>> -> memref<1x128xi32, #tpu.memory_space<vmem>>
      %dma_start3A_754 = tpu.memref_squeeze %dma_start3A_753 : memref<1x128xi32, #tpu.memory_space<vmem>> -> memref<128xi32, #tpu.memory_space<vmem>>
      %dma_start3A_755 = arith.constant 0 : i32
      %dma_start3A_756 = arith.constant 0 : i32
      %dma_start3A_757 = tpu.memref_slice %arg17[%dma_start3A_755, %dma_start3A_756] : memref<10112x32xf32, #tpu.memory_space<vmem_shared>> -> memref<10112x32xf32, #tpu.memory_space<vmem_shared>>
      %dma_start3A_758 = tpu.memref_slice %arg18[%dma_start3A_751] : memref<8x!tpu.dma_semaphore, #tpu.memory_space<semaphore_mem>> -> memref<1x!tpu.dma_semaphore, #tpu.memory_space<semaphore_mem>>
      %dma_start3A_759 = tpu.memref_squeeze %dma_start3A_758 : memref<1x!tpu.dma_semaphore, #tpu.memory_space<semaphore_mem>> -> memref<!tpu.dma_semaphore, #tpu.memory_space<semaphore_mem>>
      tpu.enqueue_indirect_dma source(%dma_start3A_757 : memref<10112x32xf32, #tpu.memory_space<vmem_shared>>) target(%arg12 : memref<128x32xf32, #tpu.memory_space<vmem>>) offsets(%dma_start3A_754 : memref<128xi32, #tpu.memory_space<vmem>>) semaphore(%dma_start3A_759 : memref<!tpu.dma_semaphore, #tpu.memory_space<semaphore_mem>>)
      %mul3A_760 = arith.constant 8 : i32
      %mul3A_761 = arith.muli %scan3A_717, %mul3A_760 : i32
      %add3A_762 = arith.constant 1 : i32
      %add3A_763 = arith.addi %mul3A_761, %add3A_762 : i32
      %dma_wait3A_764 = arith.constant 1 : i32
      %dma_wait3A_765 = arith.constant 0 : i32
      %dma_wait3A_766 = tpu.memref_slice %arg6[%add3A_763, %dma_wait3A_765] : memref<160x128xi32, #tpu.memory_space<vmem>> -> memref<1x128xi32, #tpu.memory_space<vmem>>
      %dma_wait3A_767 = tpu.memref_squeeze %dma_wait3A_766 : memref<1x128xi32, #tpu.memory_space<vmem>> -> memref<128xi32, #tpu.memory_space<vmem>>
      %dma_wait3A_768 = arith.constant 0 : i32
      %dma_wait3A_769 = arith.constant 0 : i32
      %dma_wait3A_770 = tpu.memref_slice %arg17[%dma_wait3A_768, %dma_wait3A_769] : memref<10112x32xf32, #tpu.memory_space<vmem_shared>> -> memref<10112x32xf32, #tpu.memory_space<vmem_shared>>
      %dma_wait3A_771 = tpu.memref_slice %arg18[%dma_wait3A_764] : memref<8x!tpu.dma_semaphore, #tpu.memory_space<semaphore_mem>> -> memref<1x!tpu.dma_semaphore, #tpu.memory_space<semaphore_mem>>
      %dma_wait3A_772 = tpu.memref_squeeze %dma_wait3A_771 : memref<1x!tpu.dma_semaphore, #tpu.memory_space<semaphore_mem>> -> memref<!tpu.dma_semaphore, #tpu.memory_space<semaphore_mem>>
      tpu.wait_indirect_dma semaphore(%dma_wait3A_772 : memref<!tpu.dma_semaphore, #tpu.memory_space<semaphore_mem>>) src(%dma_wait3A_770 : memref<10112x32xf32, #tpu.memory_space<vmem_shared>>) dst(%arg9 : memref<128x32xf32, #tpu.memory_space<vmem>>)
      %dma_start3A_773 = arith.constant 1 : i32
      %dma_start3A_774 = arith.constant 0 : i32
      %dma_start3A_775 = tpu.memref_slice %arg7[%add3A_763, %dma_start3A_774] : memref<160x128xi32, #tpu.memory_space<vmem>> -> memref<1x128xi32, #tpu.memory_space<vmem>>
      %dma_start3A_776 = tpu.memref_squeeze %dma_start3A_775 : memref<1x128xi32, #tpu.memory_space<vmem>> -> memref<128xi32, #tpu.memory_space<vmem>>
      %dma_start3A_777 = arith.constant 0 : i32
      %dma_start3A_778 = arith.constant 0 : i32
      %dma_start3A_779 = tpu.memref_slice %arg16[%dma_start3A_777, %dma_start3A_778] : memref<10112x32xf32, #tpu.memory_space<vmem_shared>> -> memref<10112x32xf32, #tpu.memory_space<vmem_shared>>
      %dma_start3A_780 = tpu.memref_slice %arg19[%dma_start3A_773] : memref<8x!tpu.dma_semaphore, #tpu.memory_space<semaphore_mem>> -> memref<1x!tpu.dma_semaphore, #tpu.memory_space<semaphore_mem>>
      %dma_start3A_781 = tpu.memref_squeeze %dma_start3A_780 : memref<1x!tpu.dma_semaphore, #tpu.memory_space<semaphore_mem>> -> memref<!tpu.dma_semaphore, #tpu.memory_space<semaphore_mem>>
      tpu.enqueue_indirect_dma source(%arg9 : memref<128x32xf32, #tpu.memory_space<vmem>>) target(%dma_start3A_779 : memref<10112x32xf32, #tpu.memory_space<vmem_shared>>) offsets(%dma_start3A_776 : memref<128xi32, #tpu.memory_space<vmem>>) semaphore(%dma_start3A_781 : memref<!tpu.dma_semaphore, #tpu.memory_space<semaphore_mem>>) {add = true}
      %dma_wait3A_782 = arith.constant 5 : i32
      %dma_wait3A_783 = arith.constant 0 : i32
      %dma_wait3A_784 = tpu.memref_slice %arg7[%add3A_763, %dma_wait3A_783] : memref<160x128xi32, #tpu.memory_space<vmem>> -> memref<1x128xi32, #tpu.memory_space<vmem>>
      %dma_wait3A_785 = tpu.memref_squeeze %dma_wait3A_784 : memref<1x128xi32, #tpu.memory_space<vmem>> -> memref<128xi32, #tpu.memory_space<vmem>>
      %dma_wait3A_786 = arith.constant 0 : i32
      %dma_wait3A_787 = arith.constant 0 : i32
      %dma_wait3A_788 = tpu.memref_slice %arg16[%dma_wait3A_786, %dma_wait3A_787] : memref<10112x32xf32, #tpu.memory_space<vmem_shared>> -> memref<10112x32xf32, #tpu.memory_space<vmem_shared>>
      %dma_wait3A_789 = tpu.memref_slice %arg19[%dma_wait3A_782] : memref<8x!tpu.dma_semaphore, #tpu.memory_space<semaphore_mem>> -> memref<1x!tpu.dma_semaphore, #tpu.memory_space<semaphore_mem>>
      %dma_wait3A_790 = tpu.memref_squeeze %dma_wait3A_789 : memref<1x!tpu.dma_semaphore, #tpu.memory_space<semaphore_mem>> -> memref<!tpu.dma_semaphore, #tpu.memory_space<semaphore_mem>>
      tpu.wait_indirect_dma semaphore(%dma_wait3A_790 : memref<!tpu.dma_semaphore, #tpu.memory_space<semaphore_mem>>) src(%arg13 : memref<128x32xf32, #tpu.memory_space<vmem>>) dst(%dma_wait3A_788 : memref<10112x32xf32, #tpu.memory_space<vmem_shared>>)
      %sub3A_791 = arith.constant 4 : i32
      %sub3A_792 = arith.subi %add3A_763, %sub3A_791 : i32
      %add3A_793 = arith.constant 8 : i32
      %add3A_794 = arith.addi %sub3A_792, %add3A_793 : i32
      %dma_start3A_795 = arith.constant 5 : i32
      %dma_start3A_796 = arith.constant 0 : i32
      %dma_start3A_797 = tpu.memref_slice %arg6[%add3A_794, %dma_start3A_796] : memref<160x128xi32, #tpu.memory_space<vmem>> -> memref<1x128xi32, #tpu.memory_space<vmem>>
      %dma_start3A_798 = tpu.memref_squeeze %dma_start3A_797 : memref<1x128xi32, #tpu.memory_space<vmem>> -> memref<128xi32, #tpu.memory_space<vmem>>
      %dma_start3A_799 = arith.constant 0 : i32
      %dma_start3A_800 = arith.constant 0 : i32
      %dma_start3A_801 = tpu.memref_slice %arg17[%dma_start3A_799, %dma_start3A_800] : memref<10112x32xf32, #tpu.memory_space<vmem_shared>> -> memref<10112x32xf32, #tpu.memory_space<vmem_shared>>
      %dma_start3A_802 = tpu.memref_slice %arg18[%dma_start3A_795] : memref<8x!tpu.dma_semaphore, #tpu.memory_space<semaphore_mem>> -> memref<1x!tpu.dma_semaphore, #tpu.memory_space<semaphore_mem>>
      %dma_start3A_803 = tpu.memref_squeeze %dma_start3A_802 : memref<1x!tpu.dma_semaphore, #tpu.memory_space<semaphore_mem>> -> memref<!tpu.dma_semaphore, #tpu.memory_space<semaphore_mem>>
      tpu.enqueue_indirect_dma source(%dma_start3A_801 : memref<10112x32xf32, #tpu.memory_space<vmem_shared>>) target(%arg13 : memref<128x32xf32, #tpu.memory_space<vmem>>) offsets(%dma_start3A_798 : memref<128xi32, #tpu.memory_space<vmem>>) semaphore(%dma_start3A_803 : memref<!tpu.dma_semaphore, #tpu.memory_space<semaphore_mem>>)
      %mul3A_804 = arith.constant 8 : i32
      %mul3A_805 = arith.muli %scan3A_717, %mul3A_804 : i32
      %add3A_806 = arith.constant 2 : i32
      %add3A_807 = arith.addi %mul3A_805, %add3A_806 : i32
      %dma_wait3A_808 = arith.constant 2 : i32
      %dma_wait3A_809 = arith.constant 0 : i32
      %dma_wait3A_810 = tpu.memref_slice %arg6[%add3A_807, %dma_wait3A_809] : memref<160x128xi32, #tpu.memory_space<vmem>> -> memref<1x128xi32, #tpu.memory_space<vmem>>
      %dma_wait3A_811 = tpu.memref_squeeze %dma_wait3A_810 : memref<1x128xi32, #tpu.memory_space<vmem>> -> memref<128xi32, #tpu.memory_space<vmem>>
      %dma_wait3A_812 = arith.constant 0 : i32
      %dma_wait3A_813 = arith.constant 0 : i32
      %dma_wait3A_814 = tpu.memref_slice %arg17[%dma_wait3A_812, %dma_wait3A_813] : memref<10112x32xf32, #tpu.memory_space<vmem_shared>> -> memref<10112x32xf32, #tpu.memory_space<vmem_shared>>
      %dma_wait3A_815 = tpu.memref_slice %arg18[%dma_wait3A_808] : memref<8x!tpu.dma_semaphore, #tpu.memory_space<semaphore_mem>> -> memref<1x!tpu.dma_semaphore, #tpu.memory_space<semaphore_mem>>
      %dma_wait3A_816 = tpu.memref_squeeze %dma_wait3A_815 : memref<1x!tpu.dma_semaphore, #tpu.memory_space<semaphore_mem>> -> memref<!tpu.dma_semaphore, #tpu.memory_space<semaphore_mem>>
      tpu.wait_indirect_dma semaphore(%dma_wait3A_816 : memref<!tpu.dma_semaphore, #tpu.memory_space<semaphore_mem>>) src(%dma_wait3A_814 : memref<10112x32xf32, #tpu.memory_space<vmem_shared>>) dst(%arg10 : memref<128x32xf32, #tpu.memory_space<vmem>>)
      %dma_start3A_817 = arith.constant 2 : i32
      %dma_start3A_818 = arith.constant 0 : i32
      %dma_start3A_819 = tpu.memref_slice %arg7[%add3A_807, %dma_start3A_818] : memref<160x128xi32, #tpu.memory_space<vmem>> -> memref<1x128xi32, #tpu.memory_space<vmem>>
      %dma_start3A_820 = tpu.memref_squeeze %dma_start3A_819 : memref<1x128xi32, #tpu.memory_space<vmem>> -> memref<128xi32, #tpu.memory_space<vmem>>
      %dma_start3A_821 = arith.constant 0 : i32
      %dma_start3A_822 = arith.constant 0 : i32
      %dma_start3A_823 = tpu.memref_slice %arg16[%dma_start3A_821, %dma_start3A_822] : memref<10112x32xf32, #tpu.memory_space<vmem_shared>> -> memref<10112x32xf32, #tpu.memory_space<vmem_shared>>
      %dma_start3A_824 = tpu.memref_slice %arg19[%dma_start3A_817] : memref<8x!tpu.dma_semaphore, #tpu.memory_space<semaphore_mem>> -> memref<1x!tpu.dma_semaphore, #tpu.memory_space<semaphore_mem>>
      %dma_start3A_825 = tpu.memref_squeeze %dma_start3A_824 : memref<1x!tpu.dma_semaphore, #tpu.memory_space<semaphore_mem>> -> memref<!tpu.dma_semaphore, #tpu.memory_space<semaphore_mem>>
      tpu.enqueue_indirect_dma source(%arg10 : memref<128x32xf32, #tpu.memory_space<vmem>>) target(%dma_start3A_823 : memref<10112x32xf32, #tpu.memory_space<vmem_shared>>) offsets(%dma_start3A_820 : memref<128xi32, #tpu.memory_space<vmem>>) semaphore(%dma_start3A_825 : memref<!tpu.dma_semaphore, #tpu.memory_space<semaphore_mem>>) {add = true}
      %dma_wait3A_826 = arith.constant 6 : i32
      %dma_wait3A_827 = arith.constant 0 : i32
      %dma_wait3A_828 = tpu.memref_slice %arg7[%add3A_807, %dma_wait3A_827] : memref<160x128xi32, #tpu.memory_space<vmem>> -> memref<1x128xi32, #tpu.memory_space<vmem>>
      %dma_wait3A_829 = tpu.memref_squeeze %dma_wait3A_828 : memref<1x128xi32, #tpu.memory_space<vmem>> -> memref<128xi32, #tpu.memory_space<vmem>>
      %dma_wait3A_830 = arith.constant 0 : i32
      %dma_wait3A_831 = arith.constant 0 : i32
      %dma_wait3A_832 = tpu.memref_slice %arg16[%dma_wait3A_830, %dma_wait3A_831] : memref<10112x32xf32, #tpu.memory_space<vmem_shared>> -> memref<10112x32xf32, #tpu.memory_space<vmem_shared>>
      %dma_wait3A_833 = tpu.memref_slice %arg19[%dma_wait3A_826] : memref<8x!tpu.dma_semaphore, #tpu.memory_space<semaphore_mem>> -> memref<1x!tpu.dma_semaphore, #tpu.memory_space<semaphore_mem>>
      %dma_wait3A_834 = tpu.memref_squeeze %dma_wait3A_833 : memref<1x!tpu.dma_semaphore, #tpu.memory_space<semaphore_mem>> -> memref<!tpu.dma_semaphore, #tpu.memory_space<semaphore_mem>>
      tpu.wait_indirect_dma semaphore(%dma_wait3A_834 : memref<!tpu.dma_semaphore, #tpu.memory_space<semaphore_mem>>) src(%arg14 : memref<128x32xf32, #tpu.memory_space<vmem>>) dst(%dma_wait3A_832 : memref<10112x32xf32, #tpu.memory_space<vmem_shared>>)
      %sub3A_835 = arith.constant 4 : i32
      %sub3A_836 = arith.subi %add3A_807, %sub3A_835 : i32
      %add3A_837 = arith.constant 8 : i32
      %add3A_838 = arith.addi %sub3A_836, %add3A_837 : i32
      %dma_start3A_839 = arith.constant 6 : i32
      %dma_start3A_840 = arith.constant 0 : i32
      %dma_start3A_841 = tpu.memref_slice %arg6[%add3A_838, %dma_start3A_840] : memref<160x128xi32, #tpu.memory_space<vmem>> -> memref<1x128xi32, #tpu.memory_space<vmem>>
      %dma_start3A_842 = tpu.memref_squeeze %dma_start3A_841 : memref<1x128xi32, #tpu.memory_space<vmem>> -> memref<128xi32, #tpu.memory_space<vmem>>
      %dma_start3A_843 = arith.constant 0 : i32
      %dma_start3A_844 = arith.constant 0 : i32
      %dma_start3A_845 = tpu.memref_slice %arg17[%dma_start3A_843, %dma_start3A_844] : memref<10112x32xf32, #tpu.memory_space<vmem_shared>> -> memref<10112x32xf32, #tpu.memory_space<vmem_shared>>
      %dma_start3A_846 = tpu.memref_slice %arg18[%dma_start3A_839] : memref<8x!tpu.dma_semaphore, #tpu.memory_space<semaphore_mem>> -> memref<1x!tpu.dma_semaphore, #tpu.memory_space<semaphore_mem>>
      %dma_start3A_847 = tpu.memref_squeeze %dma_start3A_846 : memref<1x!tpu.dma_semaphore, #tpu.memory_space<semaphore_mem>> -> memref<!tpu.dma_semaphore, #tpu.memory_space<semaphore_mem>>
      tpu.enqueue_indirect_dma source(%dma_start3A_845 : memref<10112x32xf32, #tpu.memory_space<vmem_shared>>) target(%arg14 : memref<128x32xf32, #tpu.memory_space<vmem>>) offsets(%dma_start3A_842 : memref<128xi32, #tpu.memory_space<vmem>>) semaphore(%dma_start3A_847 : memref<!tpu.dma_semaphore, #tpu.memory_space<semaphore_mem>>)
      %mul3A_848 = arith.constant 8 : i32
      %mul3A_849 = arith.muli %scan3A_717, %mul3A_848 : i32
      %add3A_850 = arith.constant 3 : i32
      %add3A_851 = arith.addi %mul3A_849, %add3A_850 : i32
      %dma_wait3A_852 = arith.constant 3 : i32
      %dma_wait3A_853 = arith.constant 0 : i32
      %dma_wait3A_854 = tpu.memref_slice %arg6[%add3A_851, %dma_wait3A_853] : memref<160x128xi32, #tpu.memory_space<vmem>> -> memref<1x128xi32, #tpu.memory_space<vmem>>
      %dma_wait3A_855 = tpu.memref_squeeze %dma_wait3A_854 : memref<1x128xi32, #tpu.memory_space<vmem>> -> memref<128xi32, #tpu.memory_space<vmem>>
      %dma_wait3A_856 = arith.constant 0 : i32
      %dma_wait3A_857 = arith.constant 0 : i32
      %dma_wait3A_858 = tpu.memref_slice %arg17[%dma_wait3A_856, %dma_wait3A_857] : memref<10112x32xf32, #tpu.memory_space<vmem_shared>> -> memref<10112x32xf32, #tpu.memory_space<vmem_shared>>
      %dma_wait3A_859 = tpu.memref_slice %arg18[%dma_wait3A_852] : memref<8x!tpu.dma_semaphore, #tpu.memory_space<semaphore_mem>> -> memref<1x!tpu.dma_semaphore, #tpu.memory_space<semaphore_mem>>
      %dma_wait3A_860 = tpu.memref_squeeze %dma_wait3A_859 : memref<1x!tpu.dma_semaphore, #tpu.memory_space<semaphore_mem>> -> memref<!tpu.dma_semaphore, #tpu.memory_space<semaphore_mem>>
      tpu.wait_indirect_dma semaphore(%dma_wait3A_860 : memref<!tpu.dma_semaphore, #tpu.memory_space<semaphore_mem>>) src(%dma_wait3A_858 : memref<10112x32xf32, #tpu.memory_space<vmem_shared>>) dst(%arg11 : memref<128x32xf32, #tpu.memory_space<vmem>>)
      %dma_start3A_861 = arith.constant 3 : i32
      %dma_start3A_862 = arith.constant 0 : i32
      %dma_start3A_863 = tpu.memref_slice %arg7[%add3A_851, %dma_start3A_862] : memref<160x128xi32, #tpu.memory_space<vmem>> -> memref<1x128xi32, #tpu.memory_space<vmem>>
      %dma_start3A_864 = tpu.memref_squeeze %dma_start3A_863 : memref<1x128xi32, #tpu.memory_space<vmem>> -> memref<128xi32, #tpu.memory_space<vmem>>
      %dma_start3A_865 = arith.constant 0 : i32
      %dma_start3A_866 = arith.constant 0 : i32
      %dma_start3A_867 = tpu.memref_slice %arg16[%dma_start3A_865, %dma_start3A_866] : memref<10112x32xf32, #tpu.memory_space<vmem_shared>> -> memref<10112x32xf32, #tpu.memory_space<vmem_shared>>
      %dma_start3A_868 = tpu.memref_slice %arg19[%dma_start3A_861] : memref<8x!tpu.dma_semaphore, #tpu.memory_space<semaphore_mem>> -> memref<1x!tpu.dma_semaphore, #tpu.memory_space<semaphore_mem>>
      %dma_start3A_869 = tpu.memref_squeeze %dma_start3A_868 : memref<1x!tpu.dma_semaphore, #tpu.memory_space<semaphore_mem>> -> memref<!tpu.dma_semaphore, #tpu.memory_space<semaphore_mem>>
      tpu.enqueue_indirect_dma source(%arg11 : memref<128x32xf32, #tpu.memory_space<vmem>>) target(%dma_start3A_867 : memref<10112x32xf32, #tpu.memory_space<vmem_shared>>) offsets(%dma_start3A_864 : memref<128xi32, #tpu.memory_space<vmem>>) semaphore(%dma_start3A_869 : memref<!tpu.dma_semaphore, #tpu.memory_space<semaphore_mem>>) {add = true}
      %dma_wait3A_870 = arith.constant 7 : i32
      %dma_wait3A_871 = arith.constant 0 : i32
      %dma_wait3A_872 = tpu.memref_slice %arg7[%add3A_851, %dma_wait3A_871] : memref<160x128xi32, #tpu.memory_space<vmem>> -> memref<1x128xi32, #tpu.memory_space<vmem>>
      %dma_wait3A_873 = tpu.memref_squeeze %dma_wait3A_872 : memref<1x128xi32, #tpu.memory_space<vmem>> -> memref<128xi32, #tpu.memory_space<vmem>>
      %dma_wait3A_874 = arith.constant 0 : i32
      %dma_wait3A_875 = arith.constant 0 : i32
      %dma_wait3A_876 = tpu.memref_slice %arg16[%dma_wait3A_874, %dma_wait3A_875] : memref<10112x32xf32, #tpu.memory_space<vmem_shared>> -> memref<10112x32xf32, #tpu.memory_space<vmem_shared>>
      %dma_wait3A_877 = tpu.memref_slice %arg19[%dma_wait3A_870] : memref<8x!tpu.dma_semaphore, #tpu.memory_space<semaphore_mem>> -> memref<1x!tpu.dma_semaphore, #tpu.memory_space<semaphore_mem>>
      %dma_wait3A_878 = tpu.memref_squeeze %dma_wait3A_877 : memref<1x!tpu.dma_semaphore, #tpu.memory_space<semaphore_mem>> -> memref<!tpu.dma_semaphore, #tpu.memory_space<semaphore_mem>>
      tpu.wait_indirect_dma semaphore(%dma_wait3A_878 : memref<!tpu.dma_semaphore, #tpu.memory_space<semaphore_mem>>) src(%arg15 : memref<128x32xf32, #tpu.memory_space<vmem>>) dst(%dma_wait3A_876 : memref<10112x32xf32, #tpu.memory_space<vmem_shared>>)
      %sub3A_879 = arith.constant 4 : i32
      %sub3A_880 = arith.subi %add3A_851, %sub3A_879 : i32
      %add3A_881 = arith.constant 8 : i32
      %add3A_882 = arith.addi %sub3A_880, %add3A_881 : i32
      %dma_start3A_883 = arith.constant 7 : i32
      %dma_start3A_884 = arith.constant 0 : i32
      %dma_start3A_885 = tpu.memref_slice %arg6[%add3A_882, %dma_start3A_884] : memref<160x128xi32, #tpu.memory_space<vmem>> -> memref<1x128xi32, #tpu.memory_space<vmem>>
      %dma_start3A_886 = tpu.memref_squeeze %dma_start3A_885 : memref<1x128xi32, #tpu.memory_space<vmem>> -> memref<128xi32, #tpu.memory_space<vmem>>
      %dma_start3A_887 = arith.constant 0 : i32
      %dma_start3A_888 = arith.constant 0 : i32
      %dma_start3A_889 = tpu.memref_slice %arg17[%dma_start3A_887, %dma_start3A_888] : memref<10112x32xf32, #tpu.memory_space<vmem_shared>> -> memref<10112x32xf32, #tpu.memory_space<vmem_shared>>
      %dma_start3A_890 = tpu.memref_slice %arg18[%dma_start3A_883] : memref<8x!tpu.dma_semaphore, #tpu.memory_space<semaphore_mem>> -> memref<1x!tpu.dma_semaphore, #tpu.memory_space<semaphore_mem>>
      %dma_start3A_891 = tpu.memref_squeeze %dma_start3A_890 : memref<1x!tpu.dma_semaphore, #tpu.memory_space<semaphore_mem>> -> memref<!tpu.dma_semaphore, #tpu.memory_space<semaphore_mem>>
      tpu.enqueue_indirect_dma source(%dma_start3A_889 : memref<10112x32xf32, #tpu.memory_space<vmem_shared>>) target(%arg15 : memref<128x32xf32, #tpu.memory_space<vmem>>) offsets(%dma_start3A_886 : memref<128xi32, #tpu.memory_space<vmem>>) semaphore(%dma_start3A_891 : memref<!tpu.dma_semaphore, #tpu.memory_space<semaphore_mem>>)
      %mul3A_892 = arith.constant 8 : i32
      %mul3A_893 = arith.muli %scan3A_717, %mul3A_892 : i32
      %add3A_894 = arith.constant 4 : i32
      %add3A_895 = arith.addi %mul3A_893, %add3A_894 : i32
      %dma_wait3A_896 = arith.constant 4 : i32
      %dma_wait3A_897 = arith.constant 0 : i32
      %dma_wait3A_898 = tpu.memref_slice %arg6[%add3A_895, %dma_wait3A_897] : memref<160x128xi32, #tpu.memory_space<vmem>> -> memref<1x128xi32, #tpu.memory_space<vmem>>
      %dma_wait3A_899 = tpu.memref_squeeze %dma_wait3A_898 : memref<1x128xi32, #tpu.memory_space<vmem>> -> memref<128xi32, #tpu.memory_space<vmem>>
      %dma_wait3A_900 = arith.constant 0 : i32
      %dma_wait3A_901 = arith.constant 0 : i32
      %dma_wait3A_902 = tpu.memref_slice %arg17[%dma_wait3A_900, %dma_wait3A_901] : memref<10112x32xf32, #tpu.memory_space<vmem_shared>> -> memref<10112x32xf32, #tpu.memory_space<vmem_shared>>
      %dma_wait3A_903 = tpu.memref_slice %arg18[%dma_wait3A_896] : memref<8x!tpu.dma_semaphore, #tpu.memory_space<semaphore_mem>> -> memref<1x!tpu.dma_semaphore, #tpu.memory_space<semaphore_mem>>
      %dma_wait3A_904 = tpu.memref_squeeze %dma_wait3A_903 : memref<1x!tpu.dma_semaphore, #tpu.memory_space<semaphore_mem>> -> memref<!tpu.dma_semaphore, #tpu.memory_space<semaphore_mem>>
      tpu.wait_indirect_dma semaphore(%dma_wait3A_904 : memref<!tpu.dma_semaphore, #tpu.memory_space<semaphore_mem>>) src(%dma_wait3A_902 : memref<10112x32xf32, #tpu.memory_space<vmem_shared>>) dst(%arg12 : memref<128x32xf32, #tpu.memory_space<vmem>>)
      %dma_start3A_905 = arith.constant 4 : i32
      %dma_start3A_906 = arith.constant 0 : i32
      %dma_start3A_907 = tpu.memref_slice %arg7[%add3A_895, %dma_start3A_906] : memref<160x128xi32, #tpu.memory_space<vmem>> -> memref<1x128xi32, #tpu.memory_space<vmem>>
      %dma_start3A_908 = tpu.memref_squeeze %dma_start3A_907 : memref<1x128xi32, #tpu.memory_space<vmem>> -> memref<128xi32, #tpu.memory_space<vmem>>
      %dma_start3A_909 = arith.constant 0 : i32
      %dma_start3A_910 = arith.constant 0 : i32
      %dma_start3A_911 = tpu.memref_slice %arg16[%dma_start3A_909, %dma_start3A_910] : memref<10112x32xf32, #tpu.memory_space<vmem_shared>> -> memref<10112x32xf32, #tpu.memory_space<vmem_shared>>
      %dma_start3A_912 = tpu.memref_slice %arg19[%dma_start3A_905] : memref<8x!tpu.dma_semaphore, #tpu.memory_space<semaphore_mem>> -> memref<1x!tpu.dma_semaphore, #tpu.memory_space<semaphore_mem>>
      %dma_start3A_913 = tpu.memref_squeeze %dma_start3A_912 : memref<1x!tpu.dma_semaphore, #tpu.memory_space<semaphore_mem>> -> memref<!tpu.dma_semaphore, #tpu.memory_space<semaphore_mem>>
      tpu.enqueue_indirect_dma source(%arg12 : memref<128x32xf32, #tpu.memory_space<vmem>>) target(%dma_start3A_911 : memref<10112x32xf32, #tpu.memory_space<vmem_shared>>) offsets(%dma_start3A_908 : memref<128xi32, #tpu.memory_space<vmem>>) semaphore(%dma_start3A_913 : memref<!tpu.dma_semaphore, #tpu.memory_space<semaphore_mem>>) {add = true}
      %dma_wait3A_914 = arith.constant 0 : i32
      %dma_wait3A_915 = arith.constant 0 : i32
      %dma_wait3A_916 = tpu.memref_slice %arg7[%add3A_895, %dma_wait3A_915] : memref<160x128xi32, #tpu.memory_space<vmem>> -> memref<1x128xi32, #tpu.memory_space<vmem>>
      %dma_wait3A_917 = tpu.memref_squeeze %dma_wait3A_916 : memref<1x128xi32, #tpu.memory_space<vmem>> -> memref<128xi32, #tpu.memory_space<vmem>>
      %dma_wait3A_918 = arith.constant 0 : i32
      %dma_wait3A_919 = arith.constant 0 : i32
      %dma_wait3A_920 = tpu.memref_slice %arg16[%dma_wait3A_918, %dma_wait3A_919] : memref<10112x32xf32, #tpu.memory_space<vmem_shared>> -> memref<10112x32xf32, #tpu.memory_space<vmem_shared>>
      %dma_wait3A_921 = tpu.memref_slice %arg19[%dma_wait3A_914] : memref<8x!tpu.dma_semaphore, #tpu.memory_space<semaphore_mem>> -> memref<1x!tpu.dma_semaphore, #tpu.memory_space<semaphore_mem>>
      %dma_wait3A_922 = tpu.memref_squeeze %dma_wait3A_921 : memref<1x!tpu.dma_semaphore, #tpu.memory_space<semaphore_mem>> -> memref<!tpu.dma_semaphore, #tpu.memory_space<semaphore_mem>>
      tpu.wait_indirect_dma semaphore(%dma_wait3A_922 : memref<!tpu.dma_semaphore, #tpu.memory_space<semaphore_mem>>) src(%arg8 : memref<128x32xf32, #tpu.memory_space<vmem>>) dst(%dma_wait3A_920 : memref<10112x32xf32, #tpu.memory_space<vmem_shared>>)
      %sub3A_923 = arith.constant 4 : i32
      %sub3A_924 = arith.subi %add3A_895, %sub3A_923 : i32
      %add3A_925 = arith.constant 8 : i32
      %add3A_926 = arith.addi %sub3A_924, %add3A_925 : i32
      %dma_start3A_927 = arith.constant 0 : i32
      %dma_start3A_928 = arith.constant 0 : i32
      %dma_start3A_929 = tpu.memref_slice %arg6[%add3A_926, %dma_start3A_928] : memref<160x128xi32, #tpu.memory_space<vmem>> -> memref<1x128xi32, #tpu.memory_space<vmem>>
      %dma_start3A_930 = tpu.memref_squeeze %dma_start3A_929 : memref<1x128xi32, #tpu.memory_space<vmem>> -> memref<128xi32, #tpu.memory_space<vmem>>
      %dma_start3A_931 = arith.constant 0 : i32
      %dma_start3A_932 = arith.constant 0 : i32
      %dma_start3A_933 = tpu.memref_slice %arg17[%dma_start3A_931, %dma_start3A_932] : memref<10112x32xf32, #tpu.memory_space<vmem_shared>> -> memref<10112x32xf32, #tpu.memory_space<vmem_shared>>
      %dma_start3A_934 = tpu.memref_slice %arg18[%dma_start3A_927] : memref<8x!tpu.dma_semaphore, #tpu.memory_space<semaphore_mem>> -> memref<1x!tpu.dma_semaphore, #tpu.memory_space<semaphore_mem>>
      %dma_start3A_935 = tpu.memref_squeeze %dma_start3A_934 : memref<1x!tpu.dma_semaphore, #tpu.memory_space<semaphore_mem>> -> memref<!tpu.dma_semaphore, #tpu.memory_space<semaphore_mem>>
      tpu.enqueue_indirect_dma source(%dma_start3A_933 : memref<10112x32xf32, #tpu.memory_space<vmem_shared>>) target(%arg8 : memref<128x32xf32, #tpu.memory_space<vmem>>) offsets(%dma_start3A_930 : memref<128xi32, #tpu.memory_space<vmem>>) semaphore(%dma_start3A_935 : memref<!tpu.dma_semaphore, #tpu.memory_space<semaphore_mem>>)
      %mul3A_936 = arith.constant 8 : i32
      %mul3A_937 = arith.muli %scan3A_717, %mul3A_936 : i32
      %add3A_938 = arith.constant 5 : i32
      %add3A_939 = arith.addi %mul3A_937, %add3A_938 : i32
      %dma_wait3A_940 = arith.constant 5 : i32
      %dma_wait3A_941 = arith.constant 0 : i32
      %dma_wait3A_942 = tpu.memref_slice %arg6[%add3A_939, %dma_wait3A_941] : memref<160x128xi32, #tpu.memory_space<vmem>> -> memref<1x128xi32, #tpu.memory_space<vmem>>
      %dma_wait3A_943 = tpu.memref_squeeze %dma_wait3A_942 : memref<1x128xi32, #tpu.memory_space<vmem>> -> memref<128xi32, #tpu.memory_space<vmem>>
      %dma_wait3A_944 = arith.constant 0 : i32
      %dma_wait3A_945 = arith.constant 0 : i32
      %dma_wait3A_946 = tpu.memref_slice %arg17[%dma_wait3A_944, %dma_wait3A_945] : memref<10112x32xf32, #tpu.memory_space<vmem_shared>> -> memref<10112x32xf32, #tpu.memory_space<vmem_shared>>
      %dma_wait3A_947 = tpu.memref_slice %arg18[%dma_wait3A_940] : memref<8x!tpu.dma_semaphore, #tpu.memory_space<semaphore_mem>> -> memref<1x!tpu.dma_semaphore, #tpu.memory_space<semaphore_mem>>
      %dma_wait3A_948 = tpu.memref_squeeze %dma_wait3A_947 : memref<1x!tpu.dma_semaphore, #tpu.memory_space<semaphore_mem>> -> memref<!tpu.dma_semaphore, #tpu.memory_space<semaphore_mem>>
      tpu.wait_indirect_dma semaphore(%dma_wait3A_948 : memref<!tpu.dma_semaphore, #tpu.memory_space<semaphore_mem>>) src(%dma_wait3A_946 : memref<10112x32xf32, #tpu.memory_space<vmem_shared>>) dst(%arg13 : memref<128x32xf32, #tpu.memory_space<vmem>>)
      %dma_start3A_949 = arith.constant 5 : i32
      %dma_start3A_950 = arith.constant 0 : i32
      %dma_start3A_951 = tpu.memref_slice %arg7[%add3A_939, %dma_start3A_950] : memref<160x128xi32, #tpu.memory_space<vmem>> -> memref<1x128xi32, #tpu.memory_space<vmem>>
      %dma_start3A_952 = tpu.memref_squeeze %dma_start3A_951 : memref<1x128xi32, #tpu.memory_space<vmem>> -> memref<128xi32, #tpu.memory_space<vmem>>
      %dma_start3A_953 = arith.constant 0 : i32
      %dma_start3A_954 = arith.constant 0 : i32
      %dma_start3A_955 = tpu.memref_slice %arg16[%dma_start3A_953, %dma_start3A_954] : memref<10112x32xf32, #tpu.memory_space<vmem_shared>> -> memref<10112x32xf32, #tpu.memory_space<vmem_shared>>
      %dma_start3A_956 = tpu.memref_slice %arg19[%dma_start3A_949] : memref<8x!tpu.dma_semaphore, #tpu.memory_space<semaphore_mem>> -> memref<1x!tpu.dma_semaphore, #tpu.memory_space<semaphore_mem>>
      %dma_start3A_957 = tpu.memref_squeeze %dma_start3A_956 : memref<1x!tpu.dma_semaphore, #tpu.memory_space<semaphore_mem>> -> memref<!tpu.dma_semaphore, #tpu.memory_space<semaphore_mem>>
      tpu.enqueue_indirect_dma source(%arg13 : memref<128x32xf32, #tpu.memory_space<vmem>>) target(%dma_start3A_955 : memref<10112x32xf32, #tpu.memory_space<vmem_shared>>) offsets(%dma_start3A_952 : memref<128xi32, #tpu.memory_space<vmem>>) semaphore(%dma_start3A_957 : memref<!tpu.dma_semaphore, #tpu.memory_space<semaphore_mem>>) {add = true}
      %dma_wait3A_958 = arith.constant 1 : i32
      %dma_wait3A_959 = arith.constant 0 : i32
      %dma_wait3A_960 = tpu.memref_slice %arg7[%add3A_939, %dma_wait3A_959] : memref<160x128xi32, #tpu.memory_space<vmem>> -> memref<1x128xi32, #tpu.memory_space<vmem>>
      %dma_wait3A_961 = tpu.memref_squeeze %dma_wait3A_960 : memref<1x128xi32, #tpu.memory_space<vmem>> -> memref<128xi32, #tpu.memory_space<vmem>>
      %dma_wait3A_962 = arith.constant 0 : i32
      %dma_wait3A_963 = arith.constant 0 : i32
      %dma_wait3A_964 = tpu.memref_slice %arg16[%dma_wait3A_962, %dma_wait3A_963] : memref<10112x32xf32, #tpu.memory_space<vmem_shared>> -> memref<10112x32xf32, #tpu.memory_space<vmem_shared>>
      %dma_wait3A_965 = tpu.memref_slice %arg19[%dma_wait3A_958] : memref<8x!tpu.dma_semaphore, #tpu.memory_space<semaphore_mem>> -> memref<1x!tpu.dma_semaphore, #tpu.memory_space<semaphore_mem>>
      %dma_wait3A_966 = tpu.memref_squeeze %dma_wait3A_965 : memref<1x!tpu.dma_semaphore, #tpu.memory_space<semaphore_mem>> -> memref<!tpu.dma_semaphore, #tpu.memory_space<semaphore_mem>>
      tpu.wait_indirect_dma semaphore(%dma_wait3A_966 : memref<!tpu.dma_semaphore, #tpu.memory_space<semaphore_mem>>) src(%arg9 : memref<128x32xf32, #tpu.memory_space<vmem>>) dst(%dma_wait3A_964 : memref<10112x32xf32, #tpu.memory_space<vmem_shared>>)
      %sub3A_967 = arith.constant 4 : i32
      %sub3A_968 = arith.subi %add3A_939, %sub3A_967 : i32
      %add3A_969 = arith.constant 8 : i32
      %add3A_970 = arith.addi %sub3A_968, %add3A_969 : i32
      %dma_start3A_971 = arith.constant 1 : i32
      %dma_start3A_972 = arith.constant 0 : i32
      %dma_start3A_973 = tpu.memref_slice %arg6[%add3A_970, %dma_start3A_972] : memref<160x128xi32, #tpu.memory_space<vmem>> -> memref<1x128xi32, #tpu.memory_space<vmem>>
      %dma_start3A_974 = tpu.memref_squeeze %dma_start3A_973 : memref<1x128xi32, #tpu.memory_space<vmem>> -> memref<128xi32, #tpu.memory_space<vmem>>
      %dma_start3A_975 = arith.constant 0 : i32
      %dma_start3A_976 = arith.constant 0 : i32
      %dma_start3A_977 = tpu.memref_slice %arg17[%dma_start3A_975, %dma_start3A_976] : memref<10112x32xf32, #tpu.memory_space<vmem_shared>> -> memref<10112x32xf32, #tpu.memory_space<vmem_shared>>
      %dma_start3A_978 = tpu.memref_slice %arg18[%dma_start3A_971] : memref<8x!tpu.dma_semaphore, #tpu.memory_space<semaphore_mem>> -> memref<1x!tpu.dma_semaphore, #tpu.memory_space<semaphore_mem>>
      %dma_start3A_979 = tpu.memref_squeeze %dma_start3A_978 : memref<1x!tpu.dma_semaphore, #tpu.memory_space<semaphore_mem>> -> memref<!tpu.dma_semaphore, #tpu.memory_space<semaphore_mem>>
      tpu.enqueue_indirect_dma source(%dma_start3A_977 : memref<10112x32xf32, #tpu.memory_space<vmem_shared>>) target(%arg9 : memref<128x32xf32, #tpu.memory_space<vmem>>) offsets(%dma_start3A_974 : memref<128xi32, #tpu.memory_space<vmem>>) semaphore(%dma_start3A_979 : memref<!tpu.dma_semaphore, #tpu.memory_space<semaphore_mem>>)
      %mul3A_980 = arith.constant 8 : i32
      %mul3A_981 = arith.muli %scan3A_717, %mul3A_980 : i32
      %add3A_982 = arith.constant 6 : i32
      %add3A_983 = arith.addi %mul3A_981, %add3A_982 : i32
      %dma_wait3A_984 = arith.constant 6 : i32
      %dma_wait3A_985 = arith.constant 0 : i32
      %dma_wait3A_986 = tpu.memref_slice %arg6[%add3A_983, %dma_wait3A_985] : memref<160x128xi32, #tpu.memory_space<vmem>> -> memref<1x128xi32, #tpu.memory_space<vmem>>
      %dma_wait3A_987 = tpu.memref_squeeze %dma_wait3A_986 : memref<1x128xi32, #tpu.memory_space<vmem>> -> memref<128xi32, #tpu.memory_space<vmem>>
      %dma_wait3A_988 = arith.constant 0 : i32
      %dma_wait3A_989 = arith.constant 0 : i32
      %dma_wait3A_990 = tpu.memref_slice %arg17[%dma_wait3A_988, %dma_wait3A_989] : memref<10112x32xf32, #tpu.memory_space<vmem_shared>> -> memref<10112x32xf32, #tpu.memory_space<vmem_shared>>
      %dma_wait3A_991 = tpu.memref_slice %arg18[%dma_wait3A_984] : memref<8x!tpu.dma_semaphore, #tpu.memory_space<semaphore_mem>> -> memref<1x!tpu.dma_semaphore, #tpu.memory_space<semaphore_mem>>
      %dma_wait3A_992 = tpu.memref_squeeze %dma_wait3A_991 : memref<1x!tpu.dma_semaphore, #tpu.memory_space<semaphore_mem>> -> memref<!tpu.dma_semaphore, #tpu.memory_space<semaphore_mem>>
      tpu.wait_indirect_dma semaphore(%dma_wait3A_992 : memref<!tpu.dma_semaphore, #tpu.memory_space<semaphore_mem>>) src(%dma_wait3A_990 : memref<10112x32xf32, #tpu.memory_space<vmem_shared>>) dst(%arg14 : memref<128x32xf32, #tpu.memory_space<vmem>>)
      %dma_start3A_993 = arith.constant 6 : i32
      %dma_start3A_994 = arith.constant 0 : i32
      %dma_start3A_995 = tpu.memref_slice %arg7[%add3A_983, %dma_start3A_994] : memref<160x128xi32, #tpu.memory_space<vmem>> -> memref<1x128xi32, #tpu.memory_space<vmem>>
      %dma_start3A_996 = tpu.memref_squeeze %dma_start3A_995 : memref<1x128xi32, #tpu.memory_space<vmem>> -> memref<128xi32, #tpu.memory_space<vmem>>
      %dma_start3A_997 = arith.constant 0 : i32
      %dma_start3A_998 = arith.constant 0 : i32
      %dma_start3A_999 = tpu.memref_slice %arg16[%dma_start3A_997, %dma_start3A_998] : memref<10112x32xf32, #tpu.memory_space<vmem_shared>> -> memref<10112x32xf32, #tpu.memory_space<vmem_shared>>
      %dma_start3A_1000 = tpu.memref_slice %arg19[%dma_start3A_993] : memref<8x!tpu.dma_semaphore, #tpu.memory_space<semaphore_mem>> -> memref<1x!tpu.dma_semaphore, #tpu.memory_space<semaphore_mem>>
      %dma_start3A_1001 = tpu.memref_squeeze %dma_start3A_1000 : memref<1x!tpu.dma_semaphore, #tpu.memory_space<semaphore_mem>> -> memref<!tpu.dma_semaphore, #tpu.memory_space<semaphore_mem>>
      tpu.enqueue_indirect_dma source(%arg14 : memref<128x32xf32, #tpu.memory_space<vmem>>) target(%dma_start3A_999 : memref<10112x32xf32, #tpu.memory_space<vmem_shared>>) offsets(%dma_start3A_996 : memref<128xi32, #tpu.memory_space<vmem>>) semaphore(%dma_start3A_1001 : memref<!tpu.dma_semaphore, #tpu.memory_space<semaphore_mem>>) {add = true}
      %dma_wait3A_1002 = arith.constant 2 : i32
      %dma_wait3A_1003 = arith.constant 0 : i32
      %dma_wait3A_1004 = tpu.memref_slice %arg7[%add3A_983, %dma_wait3A_1003] : memref<160x128xi32, #tpu.memory_space<vmem>> -> memref<1x128xi32, #tpu.memory_space<vmem>>
      %dma_wait3A_1005 = tpu.memref_squeeze %dma_wait3A_1004 : memref<1x128xi32, #tpu.memory_space<vmem>> -> memref<128xi32, #tpu.memory_space<vmem>>
      %dma_wait3A_1006 = arith.constant 0 : i32
      %dma_wait3A_1007 = arith.constant 0 : i32
      %dma_wait3A_1008 = tpu.memref_slice %arg16[%dma_wait3A_1006, %dma_wait3A_1007] : memref<10112x32xf32, #tpu.memory_space<vmem_shared>> -> memref<10112x32xf32, #tpu.memory_space<vmem_shared>>
      %dma_wait3A_1009 = tpu.memref_slice %arg19[%dma_wait3A_1002] : memref<8x!tpu.dma_semaphore, #tpu.memory_space<semaphore_mem>> -> memref<1x!tpu.dma_semaphore, #tpu.memory_space<semaphore_mem>>
      %dma_wait3A_1010 = tpu.memref_squeeze %dma_wait3A_1009 : memref<1x!tpu.dma_semaphore, #tpu.memory_space<semaphore_mem>> -> memref<!tpu.dma_semaphore, #tpu.memory_space<semaphore_mem>>
      tpu.wait_indirect_dma semaphore(%dma_wait3A_1010 : memref<!tpu.dma_semaphore, #tpu.memory_space<semaphore_mem>>) src(%arg10 : memref<128x32xf32, #tpu.memory_space<vmem>>) dst(%dma_wait3A_1008 : memref<10112x32xf32, #tpu.memory_space<vmem_shared>>)
      %sub3A_1011 = arith.constant 4 : i32
      %sub3A_1012 = arith.subi %add3A_983, %sub3A_1011 : i32
      %add3A_1013 = arith.constant 8 : i32
      %add3A_1014 = arith.addi %sub3A_1012, %add3A_1013 : i32
      %dma_start3A_1015 = arith.constant 2 : i32
      %dma_start3A_1016 = arith.constant 0 : i32
      %dma_start3A_1017 = tpu.memref_slice %arg6[%add3A_1014, %dma_start3A_1016] : memref<160x128xi32, #tpu.memory_space<vmem>> -> memref<1x128xi32, #tpu.memory_space<vmem>>
      %dma_start3A_1018 = tpu.memref_squeeze %dma_start3A_1017 : memref<1x128xi32, #tpu.memory_space<vmem>> -> memref<128xi32, #tpu.memory_space<vmem>>
      %dma_start3A_1019 = arith.constant 0 : i32
      %dma_start3A_1020 = arith.constant 0 : i32
      %dma_start3A_1021 = tpu.memref_slice %arg17[%dma_start3A_1019, %dma_start3A_1020] : memref<10112x32xf32, #tpu.memory_space<vmem_shared>> -> memref<10112x32xf32, #tpu.memory_space<vmem_shared>>
      %dma_start3A_1022 = tpu.memref_slice %arg18[%dma_start3A_1015] : memref<8x!tpu.dma_semaphore, #tpu.memory_space<semaphore_mem>> -> memref<1x!tpu.dma_semaphore, #tpu.memory_space<semaphore_mem>>
      %dma_start3A_1023 = tpu.memref_squeeze %dma_start3A_1022 : memref<1x!tpu.dma_semaphore, #tpu.memory_space<semaphore_mem>> -> memref<!tpu.dma_semaphore, #tpu.memory_space<semaphore_mem>>
      tpu.enqueue_indirect_dma source(%dma_start3A_1021 : memref<10112x32xf32, #tpu.memory_space<vmem_shared>>) target(%arg10 : memref<128x32xf32, #tpu.memory_space<vmem>>) offsets(%dma_start3A_1018 : memref<128xi32, #tpu.memory_space<vmem>>) semaphore(%dma_start3A_1023 : memref<!tpu.dma_semaphore, #tpu.memory_space<semaphore_mem>>)
      %mul3A_1024 = arith.constant 8 : i32
      %mul3A_1025 = arith.muli %scan3A_717, %mul3A_1024 : i32
      %add3A_1026 = arith.constant 7 : i32
      %add3A_1027 = arith.addi %mul3A_1025, %add3A_1026 : i32
      %dma_wait3A_1028 = arith.constant 7 : i32
      %dma_wait3A_1029 = arith.constant 0 : i32
      %dma_wait3A_1030 = tpu.memref_slice %arg6[%add3A_1027, %dma_wait3A_1029] : memref<160x128xi32, #tpu.memory_space<vmem>> -> memref<1x128xi32, #tpu.memory_space<vmem>>
      %dma_wait3A_1031 = tpu.memref_squeeze %dma_wait3A_1030 : memref<1x128xi32, #tpu.memory_space<vmem>> -> memref<128xi32, #tpu.memory_space<vmem>>
      %dma_wait3A_1032 = arith.constant 0 : i32
      %dma_wait3A_1033 = arith.constant 0 : i32
      %dma_wait3A_1034 = tpu.memref_slice %arg17[%dma_wait3A_1032, %dma_wait3A_1033] : memref<10112x32xf32, #tpu.memory_space<vmem_shared>> -> memref<10112x32xf32, #tpu.memory_space<vmem_shared>>
      %dma_wait3A_1035 = tpu.memref_slice %arg18[%dma_wait3A_1028] : memref<8x!tpu.dma_semaphore, #tpu.memory_space<semaphore_mem>> -> memref<1x!tpu.dma_semaphore, #tpu.memory_space<semaphore_mem>>
      %dma_wait3A_1036 = tpu.memref_squeeze %dma_wait3A_1035 : memref<1x!tpu.dma_semaphore, #tpu.memory_space<semaphore_mem>> -> memref<!tpu.dma_semaphore, #tpu.memory_space<semaphore_mem>>
      tpu.wait_indirect_dma semaphore(%dma_wait3A_1036 : memref<!tpu.dma_semaphore, #tpu.memory_space<semaphore_mem>>) src(%dma_wait3A_1034 : memref<10112x32xf32, #tpu.memory_space<vmem_shared>>) dst(%arg15 : memref<128x32xf32, #tpu.memory_space<vmem>>)
      %dma_start3A_1037 = arith.constant 7 : i32
      %dma_start3A_1038 = arith.constant 0 : i32
      %dma_start3A_1039 = tpu.memref_slice %arg7[%add3A_1027, %dma_start3A_1038] : memref<160x128xi32, #tpu.memory_space<vmem>> -> memref<1x128xi32, #tpu.memory_space<vmem>>
      %dma_start3A_1040 = tpu.memref_squeeze %dma_start3A_1039 : memref<1x128xi32, #tpu.memory_space<vmem>> -> memref<128xi32, #tpu.memory_space<vmem>>
      %dma_start3A_1041 = arith.constant 0 : i32
      %dma_start3A_1042 = arith.constant 0 : i32
      %dma_start3A_1043 = tpu.memref_slice %arg16[%dma_start3A_1041, %dma_start3A_1042] : memref<10112x32xf32, #tpu.memory_space<vmem_shared>> -> memref<10112x32xf32, #tpu.memory_space<vmem_shared>>
      %dma_start3A_1044 = tpu.memref_slice %arg19[%dma_start3A_1037] : memref<8x!tpu.dma_semaphore, #tpu.memory_space<semaphore_mem>> -> memref<1x!tpu.dma_semaphore, #tpu.memory_space<semaphore_mem>>
      %dma_start3A_1045 = tpu.memref_squeeze %dma_start3A_1044 : memref<1x!tpu.dma_semaphore, #tpu.memory_space<semaphore_mem>> -> memref<!tpu.dma_semaphore, #tpu.memory_space<semaphore_mem>>
      tpu.enqueue_indirect_dma source(%arg15 : memref<128x32xf32, #tpu.memory_space<vmem>>) target(%dma_start3A_1043 : memref<10112x32xf32, #tpu.memory_space<vmem_shared>>) offsets(%dma_start3A_1040 : memref<128xi32, #tpu.memory_space<vmem>>) semaphore(%dma_start3A_1045 : memref<!tpu.dma_semaphore, #tpu.memory_space<semaphore_mem>>) {add = true}
      %dma_wait3A_1046 = arith.constant 3 : i32
      %dma_wait3A_1047 = arith.constant 0 : i32
      %dma_wait3A_1048 = tpu.memref_slice %arg7[%add3A_1027, %dma_wait3A_1047] : memref<160x128xi32, #tpu.memory_space<vmem>> -> memref<1x128xi32, #tpu.memory_space<vmem>>
      %dma_wait3A_1049 = tpu.memref_squeeze %dma_wait3A_1048 : memref<1x128xi32, #tpu.memory_space<vmem>> -> memref<128xi32, #tpu.memory_space<vmem>>
      %dma_wait3A_1050 = arith.constant 0 : i32
      %dma_wait3A_1051 = arith.constant 0 : i32
      %dma_wait3A_1052 = tpu.memref_slice %arg16[%dma_wait3A_1050, %dma_wait3A_1051] : memref<10112x32xf32, #tpu.memory_space<vmem_shared>> -> memref<10112x32xf32, #tpu.memory_space<vmem_shared>>
      %dma_wait3A_1053 = tpu.memref_slice %arg19[%dma_wait3A_1046] : memref<8x!tpu.dma_semaphore, #tpu.memory_space<semaphore_mem>> -> memref<1x!tpu.dma_semaphore, #tpu.memory_space<semaphore_mem>>
      %dma_wait3A_1054 = tpu.memref_squeeze %dma_wait3A_1053 : memref<1x!tpu.dma_semaphore, #tpu.memory_space<semaphore_mem>> -> memref<!tpu.dma_semaphore, #tpu.memory_space<semaphore_mem>>
      tpu.wait_indirect_dma semaphore(%dma_wait3A_1054 : memref<!tpu.dma_semaphore, #tpu.memory_space<semaphore_mem>>) src(%arg11 : memref<128x32xf32, #tpu.memory_space<vmem>>) dst(%dma_wait3A_1052 : memref<10112x32xf32, #tpu.memory_space<vmem_shared>>)
      %sub3A_1055 = arith.constant 4 : i32
      %sub3A_1056 = arith.subi %add3A_1027, %sub3A_1055 : i32
      %add3A_1057 = arith.constant 8 : i32
      %add3A_1058 = arith.addi %sub3A_1056, %add3A_1057 : i32
      %dma_start3A_1059 = arith.constant 3 : i32
      %dma_start3A_1060 = arith.constant 0 : i32
      %dma_start3A_1061 = tpu.memref_slice %arg6[%add3A_1058, %dma_start3A_1060] : memref<160x128xi32, #tpu.memory_space<vmem>> -> memref<1x128xi32, #tpu.memory_space<vmem>>
      %dma_start3A_1062 = tpu.memref_squeeze %dma_start3A_1061 : memref<1x128xi32, #tpu.memory_space<vmem>> -> memref<128xi32, #tpu.memory_space<vmem>>
      %dma_start3A_1063 = arith.constant 0 : i32
      %dma_start3A_1064 = arith.constant 0 : i32
      %dma_start3A_1065 = tpu.memref_slice %arg17[%dma_start3A_1063, %dma_start3A_1064] : memref<10112x32xf32, #tpu.memory_space<vmem_shared>> -> memref<10112x32xf32, #tpu.memory_space<vmem_shared>>
      %dma_start3A_1066 = tpu.memref_slice %arg18[%dma_start3A_1059] : memref<8x!tpu.dma_semaphore, #tpu.memory_space<semaphore_mem>> -> memref<1x!tpu.dma_semaphore, #tpu.memory_space<semaphore_mem>>
      %dma_start3A_1067 = tpu.memref_squeeze %dma_start3A_1066 : memref<1x!tpu.dma_semaphore, #tpu.memory_space<semaphore_mem>> -> memref<!tpu.dma_semaphore, #tpu.memory_space<semaphore_mem>>
      tpu.enqueue_indirect_dma source(%dma_start3A_1065 : memref<10112x32xf32, #tpu.memory_space<vmem_shared>>) target(%arg11 : memref<128x32xf32, #tpu.memory_space<vmem>>) offsets(%dma_start3A_1062 : memref<128xi32, #tpu.memory_space<vmem>>) semaphore(%dma_start3A_1067 : memref<!tpu.dma_semaphore, #tpu.memory_space<semaphore_mem>>)
    }
    %scan3A_391 = arith.constant 18 : i32
    %dma_wait3A_392 = arith.constant 152 : i32
    %dma_wait3A_393 = arith.constant 0 : i32
    %dma_wait3A_394 = arith.constant 0 : i32
    %dma_wait3A_395 = tpu.memref_slice %arg6[%dma_wait3A_392, %dma_wait3A_394] : memref<160x128xi32, #tpu.memory_space<vmem>> -> memref<1x128xi32, #tpu.memory_space<vmem>>
    %dma_wait3A_396 = tpu.memref_squeeze %dma_wait3A_395 : memref<1x128xi32, #tpu.memory_space<vmem>> -> memref<128xi32, #tpu.memory_space<vmem>>
    %dma_wait3A_397 = arith.constant 0 : i32
    %dma_wait3A_398 = arith.constant 0 : i32
    %dma_wait3A_399 = tpu.memref_slice %arg17[%dma_wait3A_397, %dma_wait3A_398] : memref<10112x32xf32, #tpu.memory_space<vmem_shared>> -> memref<10112x32xf32, #tpu.memory_space<vmem_shared>>
    %dma_wait3A_400 = tpu.memref_slice %arg18[%dma_wait3A_393] : memref<8x!tpu.dma_semaphore, #tpu.memory_space<semaphore_mem>> -> memref<1x!tpu.dma_semaphore, #tpu.memory_space<semaphore_mem>>
    %dma_wait3A_401 = tpu.memref_squeeze %dma_wait3A_400 : memref<1x!tpu.dma_semaphore, #tpu.memory_space<semaphore_mem>> -> memref<!tpu.dma_semaphore, #tpu.memory_space<semaphore_mem>>
    tpu.wait_indirect_dma semaphore(%dma_wait3A_401 : memref<!tpu.dma_semaphore, #tpu.memory_space<semaphore_mem>>) src(%dma_wait3A_399 : memref<10112x32xf32, #tpu.memory_space<vmem_shared>>) dst(%arg8 : memref<128x32xf32, #tpu.memory_space<vmem>>)
    %dma_start3A_402 = arith.constant 152 : i32
    %dma_start3A_403 = arith.constant 0 : i32
    %dma_start3A_404 = arith.constant 0 : i32
    %dma_start3A_405 = tpu.memref_slice %arg7[%dma_start3A_402, %dma_start3A_404] : memref<160x128xi32, #tpu.memory_space<vmem>> -> memref<1x128xi32, #tpu.memory_space<vmem>>
    %dma_start3A_406 = tpu.memref_squeeze %dma_start3A_405 : memref<1x128xi32, #tpu.memory_space<vmem>> -> memref<128xi32, #tpu.memory_space<vmem>>
    %dma_start3A_407 = arith.constant 0 : i32
    %dma_start3A_408 = arith.constant 0 : i32
    %dma_start3A_409 = tpu.memref_slice %arg16[%dma_start3A_407, %dma_start3A_408] : memref<10112x32xf32, #tpu.memory_space<vmem_shared>> -> memref<10112x32xf32, #tpu.memory_space<vmem_shared>>
    %dma_start3A_410 = tpu.memref_slice %arg19[%dma_start3A_403] : memref<8x!tpu.dma_semaphore, #tpu.memory_space<semaphore_mem>> -> memref<1x!tpu.dma_semaphore, #tpu.memory_space<semaphore_mem>>
    %dma_start3A_411 = tpu.memref_squeeze %dma_start3A_410 : memref<1x!tpu.dma_semaphore, #tpu.memory_space<semaphore_mem>> -> memref<!tpu.dma_semaphore, #tpu.memory_space<semaphore_mem>>
    tpu.enqueue_indirect_dma source(%arg8 : memref<128x32xf32, #tpu.memory_space<vmem>>) target(%dma_start3A_409 : memref<10112x32xf32, #tpu.memory_space<vmem_shared>>) offsets(%dma_start3A_406 : memref<128xi32, #tpu.memory_space<vmem>>) semaphore(%dma_start3A_411 : memref<!tpu.dma_semaphore, #tpu.memory_space<semaphore_mem>>) {add = true}
    %dma_wait3A_412 = arith.constant 152 : i32
    %dma_wait3A_413 = arith.constant 4 : i32
    %dma_wait3A_414 = arith.constant 0 : i32
    %dma_wait3A_415 = tpu.memref_slice %arg7[%dma_wait3A_412, %dma_wait3A_414] : memref<160x128xi32, #tpu.memory_space<vmem>> -> memref<1x128xi32, #tpu.memory_space<vmem>>
    %dma_wait3A_416 = tpu.memref_squeeze %dma_wait3A_415 : memref<1x128xi32, #tpu.memory_space<vmem>> -> memref<128xi32, #tpu.memory_space<vmem>>
    %dma_wait3A_417 = arith.constant 0 : i32
    %dma_wait3A_418 = arith.constant 0 : i32
    %dma_wait3A_419 = tpu.memref_slice %arg16[%dma_wait3A_417, %dma_wait3A_418] : memref<10112x32xf32, #tpu.memory_space<vmem_shared>> -> memref<10112x32xf32, #tpu.memory_space<vmem_shared>>
    %dma_wait3A_420 = tpu.memref_slice %arg19[%dma_wait3A_413] : memref<8x!tpu.dma_semaphore, #tpu.memory_space<semaphore_mem>> -> memref<1x!tpu.dma_semaphore, #tpu.memory_space<semaphore_mem>>
    %dma_wait3A_421 = tpu.memref_squeeze %dma_wait3A_420 : memref<1x!tpu.dma_semaphore, #tpu.memory_space<semaphore_mem>> -> memref<!tpu.dma_semaphore, #tpu.memory_space<semaphore_mem>>
    tpu.wait_indirect_dma semaphore(%dma_wait3A_421 : memref<!tpu.dma_semaphore, #tpu.memory_space<semaphore_mem>>) src(%arg12 : memref<128x32xf32, #tpu.memory_space<vmem>>) dst(%dma_wait3A_419 : memref<10112x32xf32, #tpu.memory_space<vmem_shared>>)
    %dma_start3A_422 = arith.constant 156 : i32
    %dma_start3A_423 = arith.constant 4 : i32
    %dma_start3A_424 = arith.constant 0 : i32
    %dma_start3A_425 = tpu.memref_slice %arg6[%dma_start3A_422, %dma_start3A_424] : memref<160x128xi32, #tpu.memory_space<vmem>> -> memref<1x128xi32, #tpu.memory_space<vmem>>
    %dma_start3A_426 = tpu.memref_squeeze %dma_start3A_425 : memref<1x128xi32, #tpu.memory_space<vmem>> -> memref<128xi32, #tpu.memory_space<vmem>>
    %dma_start3A_427 = arith.constant 0 : i32
    %dma_start3A_428 = arith.constant 0 : i32
    %dma_start3A_429 = tpu.memref_slice %arg17[%dma_start3A_427, %dma_start3A_428] : memref<10112x32xf32, #tpu.memory_space<vmem_shared>> -> memref<10112x32xf32, #tpu.memory_space<vmem_shared>>
    %dma_start3A_430 = tpu.memref_slice %arg18[%dma_start3A_423] : memref<8x!tpu.dma_semaphore, #tpu.memory_space<semaphore_mem>> -> memref<1x!tpu.dma_semaphore, #tpu.memory_space<semaphore_mem>>
    %dma_start3A_431 = tpu.memref_squeeze %dma_start3A_430 : memref<1x!tpu.dma_semaphore, #tpu.memory_space<semaphore_mem>> -> memref<!tpu.dma_semaphore, #tpu.memory_space<semaphore_mem>>
    tpu.enqueue_indirect_dma source(%dma_start3A_429 : memref<10112x32xf32, #tpu.memory_space<vmem_shared>>) target(%arg12 : memref<128x32xf32, #tpu.memory_space<vmem>>) offsets(%dma_start3A_426 : memref<128xi32, #tpu.memory_space<vmem>>) semaphore(%dma_start3A_431 : memref<!tpu.dma_semaphore, #tpu.memory_space<semaphore_mem>>)
    %dma_wait3A_432 = arith.constant 153 : i32
    %dma_wait3A_433 = arith.constant 1 : i32
    %dma_wait3A_434 = arith.constant 0 : i32
    %dma_wait3A_435 = tpu.memref_slice %arg6[%dma_wait3A_432, %dma_wait3A_434] : memref<160x128xi32, #tpu.memory_space<vmem>> -> memref<1x128xi32, #tpu.memory_space<vmem>>
    %dma_wait3A_436 = tpu.memref_squeeze %dma_wait3A_435 : memref<1x128xi32, #tpu.memory_space<vmem>> -> memref<128xi32, #tpu.memory_space<vmem>>
    %dma_wait3A_437 = arith.constant 0 : i32
    %dma_wait3A_438 = arith.constant 0 : i32
    %dma_wait3A_439 = tpu.memref_slice %arg17[%dma_wait3A_437, %dma_wait3A_438] : memref<10112x32xf32, #tpu.memory_space<vmem_shared>> -> memref<10112x32xf32, #tpu.memory_space<vmem_shared>>
    %dma_wait3A_440 = tpu.memref_slice %arg18[%dma_wait3A_433] : memref<8x!tpu.dma_semaphore, #tpu.memory_space<semaphore_mem>> -> memref<1x!tpu.dma_semaphore, #tpu.memory_space<semaphore_mem>>
    %dma_wait3A_441 = tpu.memref_squeeze %dma_wait3A_440 : memref<1x!tpu.dma_semaphore, #tpu.memory_space<semaphore_mem>> -> memref<!tpu.dma_semaphore, #tpu.memory_space<semaphore_mem>>
    tpu.wait_indirect_dma semaphore(%dma_wait3A_441 : memref<!tpu.dma_semaphore, #tpu.memory_space<semaphore_mem>>) src(%dma_wait3A_439 : memref<10112x32xf32, #tpu.memory_space<vmem_shared>>) dst(%arg9 : memref<128x32xf32, #tpu.memory_space<vmem>>)
    %dma_start3A_442 = arith.constant 153 : i32
    %dma_start3A_443 = arith.constant 1 : i32
    %dma_start3A_444 = arith.constant 0 : i32
    %dma_start3A_445 = tpu.memref_slice %arg7[%dma_start3A_442, %dma_start3A_444] : memref<160x128xi32, #tpu.memory_space<vmem>> -> memref<1x128xi32, #tpu.memory_space<vmem>>
    %dma_start3A_446 = tpu.memref_squeeze %dma_start3A_445 : memref<1x128xi32, #tpu.memory_space<vmem>> -> memref<128xi32, #tpu.memory_space<vmem>>
    %dma_start3A_447 = arith.constant 0 : i32
    %dma_start3A_448 = arith.constant 0 : i32
    %dma_start3A_449 = tpu.memref_slice %arg16[%dma_start3A_447, %dma_start3A_448] : memref<10112x32xf32, #tpu.memory_space<vmem_shared>> -> memref<10112x32xf32, #tpu.memory_space<vmem_shared>>
    %dma_start3A_450 = tpu.memref_slice %arg19[%dma_start3A_443] : memref<8x!tpu.dma_semaphore, #tpu.memory_space<semaphore_mem>> -> memref<1x!tpu.dma_semaphore, #tpu.memory_space<semaphore_mem>>
    %dma_start3A_451 = tpu.memref_squeeze %dma_start3A_450 : memref<1x!tpu.dma_semaphore, #tpu.memory_space<semaphore_mem>> -> memref<!tpu.dma_semaphore, #tpu.memory_space<semaphore_mem>>
    tpu.enqueue_indirect_dma source(%arg9 : memref<128x32xf32, #tpu.memory_space<vmem>>) target(%dma_start3A_449 : memref<10112x32xf32, #tpu.memory_space<vmem_shared>>) offsets(%dma_start3A_446 : memref<128xi32, #tpu.memory_space<vmem>>) semaphore(%dma_start3A_451 : memref<!tpu.dma_semaphore, #tpu.memory_space<semaphore_mem>>) {add = true}
    %dma_wait3A_452 = arith.constant 153 : i32
    %dma_wait3A_453 = arith.constant 5 : i32
    %dma_wait3A_454 = arith.constant 0 : i32
    %dma_wait3A_455 = tpu.memref_slice %arg7[%dma_wait3A_452, %dma_wait3A_454] : memref<160x128xi32, #tpu.memory_space<vmem>> -> memref<1x128xi32, #tpu.memory_space<vmem>>
    %dma_wait3A_456 = tpu.memref_squeeze %dma_wait3A_455 : memref<1x128xi32, #tpu.memory_space<vmem>> -> memref<128xi32, #tpu.memory_space<vmem>>
    %dma_wait3A_457 = arith.constant 0 : i32
    %dma_wait3A_458 = arith.constant 0 : i32
    %dma_wait3A_459 = tpu.memref_slice %arg16[%dma_wait3A_457, %dma_wait3A_458] : memref<10112x32xf32, #tpu.memory_space<vmem_shared>> -> memref<10112x32xf32, #tpu.memory_space<vmem_shared>>
    %dma_wait3A_460 = tpu.memref_slice %arg19[%dma_wait3A_453] : memref<8x!tpu.dma_semaphore, #tpu.memory_space<semaphore_mem>> -> memref<1x!tpu.dma_semaphore, #tpu.memory_space<semaphore_mem>>
    %dma_wait3A_461 = tpu.memref_squeeze %dma_wait3A_460 : memref<1x!tpu.dma_semaphore, #tpu.memory_space<semaphore_mem>> -> memref<!tpu.dma_semaphore, #tpu.memory_space<semaphore_mem>>
    tpu.wait_indirect_dma semaphore(%dma_wait3A_461 : memref<!tpu.dma_semaphore, #tpu.memory_space<semaphore_mem>>) src(%arg13 : memref<128x32xf32, #tpu.memory_space<vmem>>) dst(%dma_wait3A_459 : memref<10112x32xf32, #tpu.memory_space<vmem_shared>>)
    %dma_start3A_462 = arith.constant 157 : i32
    %dma_start3A_463 = arith.constant 5 : i32
    %dma_start3A_464 = arith.constant 0 : i32
    %dma_start3A_465 = tpu.memref_slice %arg6[%dma_start3A_462, %dma_start3A_464] : memref<160x128xi32, #tpu.memory_space<vmem>> -> memref<1x128xi32, #tpu.memory_space<vmem>>
    %dma_start3A_466 = tpu.memref_squeeze %dma_start3A_465 : memref<1x128xi32, #tpu.memory_space<vmem>> -> memref<128xi32, #tpu.memory_space<vmem>>
    %dma_start3A_467 = arith.constant 0 : i32
    %dma_start3A_468 = arith.constant 0 : i32
    %dma_start3A_469 = tpu.memref_slice %arg17[%dma_start3A_467, %dma_start3A_468] : memref<10112x32xf32, #tpu.memory_space<vmem_shared>> -> memref<10112x32xf32, #tpu.memory_space<vmem_shared>>
    %dma_start3A_470 = tpu.memref_slice %arg18[%dma_start3A_463] : memref<8x!tpu.dma_semaphore, #tpu.memory_space<semaphore_mem>> -> memref<1x!tpu.dma_semaphore, #tpu.memory_space<semaphore_mem>>
    %dma_start3A_471 = tpu.memref_squeeze %dma_start3A_470 : memref<1x!tpu.dma_semaphore, #tpu.memory_space<semaphore_mem>> -> memref<!tpu.dma_semaphore, #tpu.memory_space<semaphore_mem>>
    tpu.enqueue_indirect_dma source(%dma_start3A_469 : memref<10112x32xf32, #tpu.memory_space<vmem_shared>>) target(%arg13 : memref<128x32xf32, #tpu.memory_space<vmem>>) offsets(%dma_start3A_466 : memref<128xi32, #tpu.memory_space<vmem>>) semaphore(%dma_start3A_471 : memref<!tpu.dma_semaphore, #tpu.memory_space<semaphore_mem>>)
    %dma_wait3A_472 = arith.constant 154 : i32
    %dma_wait3A_473 = arith.constant 2 : i32
    %dma_wait3A_474 = arith.constant 0 : i32
    %dma_wait3A_475 = tpu.memref_slice %arg6[%dma_wait3A_472, %dma_wait3A_474] : memref<160x128xi32, #tpu.memory_space<vmem>> -> memref<1x128xi32, #tpu.memory_space<vmem>>
    %dma_wait3A_476 = tpu.memref_squeeze %dma_wait3A_475 : memref<1x128xi32, #tpu.memory_space<vmem>> -> memref<128xi32, #tpu.memory_space<vmem>>
    %dma_wait3A_477 = arith.constant 0 : i32
    %dma_wait3A_478 = arith.constant 0 : i32
    %dma_wait3A_479 = tpu.memref_slice %arg17[%dma_wait3A_477, %dma_wait3A_478] : memref<10112x32xf32, #tpu.memory_space<vmem_shared>> -> memref<10112x32xf32, #tpu.memory_space<vmem_shared>>
    %dma_wait3A_480 = tpu.memref_slice %arg18[%dma_wait3A_473] : memref<8x!tpu.dma_semaphore, #tpu.memory_space<semaphore_mem>> -> memref<1x!tpu.dma_semaphore, #tpu.memory_space<semaphore_mem>>
    %dma_wait3A_481 = tpu.memref_squeeze %dma_wait3A_480 : memref<1x!tpu.dma_semaphore, #tpu.memory_space<semaphore_mem>> -> memref<!tpu.dma_semaphore, #tpu.memory_space<semaphore_mem>>
    tpu.wait_indirect_dma semaphore(%dma_wait3A_481 : memref<!tpu.dma_semaphore, #tpu.memory_space<semaphore_mem>>) src(%dma_wait3A_479 : memref<10112x32xf32, #tpu.memory_space<vmem_shared>>) dst(%arg10 : memref<128x32xf32, #tpu.memory_space<vmem>>)
    %dma_start3A_482 = arith.constant 154 : i32
    %dma_start3A_483 = arith.constant 2 : i32
    %dma_start3A_484 = arith.constant 0 : i32
    %dma_start3A_485 = tpu.memref_slice %arg7[%dma_start3A_482, %dma_start3A_484] : memref<160x128xi32, #tpu.memory_space<vmem>> -> memref<1x128xi32, #tpu.memory_space<vmem>>
    %dma_start3A_486 = tpu.memref_squeeze %dma_start3A_485 : memref<1x128xi32, #tpu.memory_space<vmem>> -> memref<128xi32, #tpu.memory_space<vmem>>
    %dma_start3A_487 = arith.constant 0 : i32
    %dma_start3A_488 = arith.constant 0 : i32
    %dma_start3A_489 = tpu.memref_slice %arg16[%dma_start3A_487, %dma_start3A_488] : memref<10112x32xf32, #tpu.memory_space<vmem_shared>> -> memref<10112x32xf32, #tpu.memory_space<vmem_shared>>
    %dma_start3A_490 = tpu.memref_slice %arg19[%dma_start3A_483] : memref<8x!tpu.dma_semaphore, #tpu.memory_space<semaphore_mem>> -> memref<1x!tpu.dma_semaphore, #tpu.memory_space<semaphore_mem>>
    %dma_start3A_491 = tpu.memref_squeeze %dma_start3A_490 : memref<1x!tpu.dma_semaphore, #tpu.memory_space<semaphore_mem>> -> memref<!tpu.dma_semaphore, #tpu.memory_space<semaphore_mem>>
    tpu.enqueue_indirect_dma source(%arg10 : memref<128x32xf32, #tpu.memory_space<vmem>>) target(%dma_start3A_489 : memref<10112x32xf32, #tpu.memory_space<vmem_shared>>) offsets(%dma_start3A_486 : memref<128xi32, #tpu.memory_space<vmem>>) semaphore(%dma_start3A_491 : memref<!tpu.dma_semaphore, #tpu.memory_space<semaphore_mem>>) {add = true}
    %dma_wait3A_492 = arith.constant 154 : i32
    %dma_wait3A_493 = arith.constant 6 : i32
    %dma_wait3A_494 = arith.constant 0 : i32
    %dma_wait3A_495 = tpu.memref_slice %arg7[%dma_wait3A_492, %dma_wait3A_494] : memref<160x128xi32, #tpu.memory_space<vmem>> -> memref<1x128xi32, #tpu.memory_space<vmem>>
    %dma_wait3A_496 = tpu.memref_squeeze %dma_wait3A_495 : memref<1x128xi32, #tpu.memory_space<vmem>> -> memref<128xi32, #tpu.memory_space<vmem>>
    %dma_wait3A_497 = arith.constant 0 : i32
    %dma_wait3A_498 = arith.constant 0 : i32
    %dma_wait3A_499 = tpu.memref_slice %arg16[%dma_wait3A_497, %dma_wait3A_498] : memref<10112x32xf32, #tpu.memory_space<vmem_shared>> -> memref<10112x32xf32, #tpu.memory_space<vmem_shared>>
    %dma_wait3A_500 = tpu.memref_slice %arg19[%dma_wait3A_493] : memref<8x!tpu.dma_semaphore, #tpu.memory_space<semaphore_mem>> -> memref<1x!tpu.dma_semaphore, #tpu.memory_space<semaphore_mem>>
    %dma_wait3A_501 = tpu.memref_squeeze %dma_wait3A_500 : memref<1x!tpu.dma_semaphore, #tpu.memory_space<semaphore_mem>> -> memref<!tpu.dma_semaphore, #tpu.memory_space<semaphore_mem>>
    tpu.wait_indirect_dma semaphore(%dma_wait3A_501 : memref<!tpu.dma_semaphore, #tpu.memory_space<semaphore_mem>>) src(%arg14 : memref<128x32xf32, #tpu.memory_space<vmem>>) dst(%dma_wait3A_499 : memref<10112x32xf32, #tpu.memory_space<vmem_shared>>)
    %dma_start3A_502 = arith.constant 158 : i32
    %dma_start3A_503 = arith.constant 6 : i32
    %dma_start3A_504 = arith.constant 0 : i32
    %dma_start3A_505 = tpu.memref_slice %arg6[%dma_start3A_502, %dma_start3A_504] : memref<160x128xi32, #tpu.memory_space<vmem>> -> memref<1x128xi32, #tpu.memory_space<vmem>>
    %dma_start3A_506 = tpu.memref_squeeze %dma_start3A_505 : memref<1x128xi32, #tpu.memory_space<vmem>> -> memref<128xi32, #tpu.memory_space<vmem>>
    %dma_start3A_507 = arith.constant 0 : i32
    %dma_start3A_508 = arith.constant 0 : i32
    %dma_start3A_509 = tpu.memref_slice %arg17[%dma_start3A_507, %dma_start3A_508] : memref<10112x32xf32, #tpu.memory_space<vmem_shared>> -> memref<10112x32xf32, #tpu.memory_space<vmem_shared>>
    %dma_start3A_510 = tpu.memref_slice %arg18[%dma_start3A_503] : memref<8x!tpu.dma_semaphore, #tpu.memory_space<semaphore_mem>> -> memref<1x!tpu.dma_semaphore, #tpu.memory_space<semaphore_mem>>
    %dma_start3A_511 = tpu.memref_squeeze %dma_start3A_510 : memref<1x!tpu.dma_semaphore, #tpu.memory_space<semaphore_mem>> -> memref<!tpu.dma_semaphore, #tpu.memory_space<semaphore_mem>>
    tpu.enqueue_indirect_dma source(%dma_start3A_509 : memref<10112x32xf32, #tpu.memory_space<vmem_shared>>) target(%arg14 : memref<128x32xf32, #tpu.memory_space<vmem>>) offsets(%dma_start3A_506 : memref<128xi32, #tpu.memory_space<vmem>>) semaphore(%dma_start3A_511 : memref<!tpu.dma_semaphore, #tpu.memory_space<semaphore_mem>>)
    %dma_wait3A_512 = arith.constant 155 : i32
    %dma_wait3A_513 = arith.constant 3 : i32
    %dma_wait3A_514 = arith.constant 0 : i32
    %dma_wait3A_515 = tpu.memref_slice %arg6[%dma_wait3A_512, %dma_wait3A_514] : memref<160x128xi32, #tpu.memory_space<vmem>> -> memref<1x128xi32, #tpu.memory_space<vmem>>
    %dma_wait3A_516 = tpu.memref_squeeze %dma_wait3A_515 : memref<1x128xi32, #tpu.memory_space<vmem>> -> memref<128xi32, #tpu.memory_space<vmem>>
    %dma_wait3A_517 = arith.constant 0 : i32
    %dma_wait3A_518 = arith.constant 0 : i32
    %dma_wait3A_519 = tpu.memref_slice %arg17[%dma_wait3A_517, %dma_wait3A_518] : memref<10112x32xf32, #tpu.memory_space<vmem_shared>> -> memref<10112x32xf32, #tpu.memory_space<vmem_shared>>
    %dma_wait3A_520 = tpu.memref_slice %arg18[%dma_wait3A_513] : memref<8x!tpu.dma_semaphore, #tpu.memory_space<semaphore_mem>> -> memref<1x!tpu.dma_semaphore, #tpu.memory_space<semaphore_mem>>
    %dma_wait3A_521 = tpu.memref_squeeze %dma_wait3A_520 : memref<1x!tpu.dma_semaphore, #tpu.memory_space<semaphore_mem>> -> memref<!tpu.dma_semaphore, #tpu.memory_space<semaphore_mem>>
    tpu.wait_indirect_dma semaphore(%dma_wait3A_521 : memref<!tpu.dma_semaphore, #tpu.memory_space<semaphore_mem>>) src(%dma_wait3A_519 : memref<10112x32xf32, #tpu.memory_space<vmem_shared>>) dst(%arg11 : memref<128x32xf32, #tpu.memory_space<vmem>>)
    %dma_start3A_522 = arith.constant 155 : i32
    %dma_start3A_523 = arith.constant 3 : i32
    %dma_start3A_524 = arith.constant 0 : i32
    %dma_start3A_525 = tpu.memref_slice %arg7[%dma_start3A_522, %dma_start3A_524] : memref<160x128xi32, #tpu.memory_space<vmem>> -> memref<1x128xi32, #tpu.memory_space<vmem>>
    %dma_start3A_526 = tpu.memref_squeeze %dma_start3A_525 : memref<1x128xi32, #tpu.memory_space<vmem>> -> memref<128xi32, #tpu.memory_space<vmem>>
    %dma_start3A_527 = arith.constant 0 : i32
    %dma_start3A_528 = arith.constant 0 : i32
    %dma_start3A_529 = tpu.memref_slice %arg16[%dma_start3A_527, %dma_start3A_528] : memref<10112x32xf32, #tpu.memory_space<vmem_shared>> -> memref<10112x32xf32, #tpu.memory_space<vmem_shared>>
    %dma_start3A_530 = tpu.memref_slice %arg19[%dma_start3A_523] : memref<8x!tpu.dma_semaphore, #tpu.memory_space<semaphore_mem>> -> memref<1x!tpu.dma_semaphore, #tpu.memory_space<semaphore_mem>>
    %dma_start3A_531 = tpu.memref_squeeze %dma_start3A_530 : memref<1x!tpu.dma_semaphore, #tpu.memory_space<semaphore_mem>> -> memref<!tpu.dma_semaphore, #tpu.memory_space<semaphore_mem>>
    tpu.enqueue_indirect_dma source(%arg11 : memref<128x32xf32, #tpu.memory_space<vmem>>) target(%dma_start3A_529 : memref<10112x32xf32, #tpu.memory_space<vmem_shared>>) offsets(%dma_start3A_526 : memref<128xi32, #tpu.memory_space<vmem>>) semaphore(%dma_start3A_531 : memref<!tpu.dma_semaphore, #tpu.memory_space<semaphore_mem>>) {add = true}
    %dma_wait3A_532 = arith.constant 155 : i32
    %dma_wait3A_533 = arith.constant 7 : i32
    %dma_wait3A_534 = arith.constant 0 : i32
    %dma_wait3A_535 = tpu.memref_slice %arg7[%dma_wait3A_532, %dma_wait3A_534] : memref<160x128xi32, #tpu.memory_space<vmem>> -> memref<1x128xi32, #tpu.memory_space<vmem>>
    %dma_wait3A_536 = tpu.memref_squeeze %dma_wait3A_535 : memref<1x128xi32, #tpu.memory_space<vmem>> -> memref<128xi32, #tpu.memory_space<vmem>>
    %dma_wait3A_537 = arith.constant 0 : i32
    %dma_wait3A_538 = arith.constant 0 : i32
    %dma_wait3A_539 = tpu.memref_slice %arg16[%dma_wait3A_537, %dma_wait3A_538] : memref<10112x32xf32, #tpu.memory_space<vmem_shared>> -> memref<10112x32xf32, #tpu.memory_space<vmem_shared>>
    %dma_wait3A_540 = tpu.memref_slice %arg19[%dma_wait3A_533] : memref<8x!tpu.dma_semaphore, #tpu.memory_space<semaphore_mem>> -> memref<1x!tpu.dma_semaphore, #tpu.memory_space<semaphore_mem>>
    %dma_wait3A_541 = tpu.memref_squeeze %dma_wait3A_540 : memref<1x!tpu.dma_semaphore, #tpu.memory_space<semaphore_mem>> -> memref<!tpu.dma_semaphore, #tpu.memory_space<semaphore_mem>>
    tpu.wait_indirect_dma semaphore(%dma_wait3A_541 : memref<!tpu.dma_semaphore, #tpu.memory_space<semaphore_mem>>) src(%arg15 : memref<128x32xf32, #tpu.memory_space<vmem>>) dst(%dma_wait3A_539 : memref<10112x32xf32, #tpu.memory_space<vmem_shared>>)
    %dma_start3A_542 = arith.constant 159 : i32
    %dma_start3A_543 = arith.constant 7 : i32
    %dma_start3A_544 = arith.constant 0 : i32
    %dma_start3A_545 = tpu.memref_slice %arg6[%dma_start3A_542, %dma_start3A_544] : memref<160x128xi32, #tpu.memory_space<vmem>> -> memref<1x128xi32, #tpu.memory_space<vmem>>
    %dma_start3A_546 = tpu.memref_squeeze %dma_start3A_545 : memref<1x128xi32, #tpu.memory_space<vmem>> -> memref<128xi32, #tpu.memory_space<vmem>>
    %dma_start3A_547 = arith.constant 0 : i32
    %dma_start3A_548 = arith.constant 0 : i32
    %dma_start3A_549 = tpu.memref_slice %arg17[%dma_start3A_547, %dma_start3A_548] : memref<10112x32xf32, #tpu.memory_space<vmem_shared>> -> memref<10112x32xf32, #tpu.memory_space<vmem_shared>>
    %dma_start3A_550 = tpu.memref_slice %arg18[%dma_start3A_543] : memref<8x!tpu.dma_semaphore, #tpu.memory_space<semaphore_mem>> -> memref<1x!tpu.dma_semaphore, #tpu.memory_space<semaphore_mem>>
    %dma_start3A_551 = tpu.memref_squeeze %dma_start3A_550 : memref<1x!tpu.dma_semaphore, #tpu.memory_space<semaphore_mem>> -> memref<!tpu.dma_semaphore, #tpu.memory_space<semaphore_mem>>
    tpu.enqueue_indirect_dma source(%dma_start3A_549 : memref<10112x32xf32, #tpu.memory_space<vmem_shared>>) target(%arg15 : memref<128x32xf32, #tpu.memory_space<vmem>>) offsets(%dma_start3A_546 : memref<128xi32, #tpu.memory_space<vmem>>) semaphore(%dma_start3A_551 : memref<!tpu.dma_semaphore, #tpu.memory_space<semaphore_mem>>)
    %dma_wait3A_552 = arith.constant 156 : i32
    %dma_wait3A_553 = arith.constant 4 : i32
    %dma_wait3A_554 = arith.constant 0 : i32
    %dma_wait3A_555 = tpu.memref_slice %arg6[%dma_wait3A_552, %dma_wait3A_554] : memref<160x128xi32, #tpu.memory_space<vmem>> -> memref<1x128xi32, #tpu.memory_space<vmem>>
    %dma_wait3A_556 = tpu.memref_squeeze %dma_wait3A_555 : memref<1x128xi32, #tpu.memory_space<vmem>> -> memref<128xi32, #tpu.memory_space<vmem>>
    %dma_wait3A_557 = arith.constant 0 : i32
    %dma_wait3A_558 = arith.constant 0 : i32
    %dma_wait3A_559 = tpu.memref_slice %arg17[%dma_wait3A_557, %dma_wait3A_558] : memref<10112x32xf32, #tpu.memory_space<vmem_shared>> -> memref<10112x32xf32, #tpu.memory_space<vmem_shared>>
    %dma_wait3A_560 = tpu.memref_slice %arg18[%dma_wait3A_553] : memref<8x!tpu.dma_semaphore, #tpu.memory_space<semaphore_mem>> -> memref<1x!tpu.dma_semaphore, #tpu.memory_space<semaphore_mem>>
    %dma_wait3A_561 = tpu.memref_squeeze %dma_wait3A_560 : memref<1x!tpu.dma_semaphore, #tpu.memory_space<semaphore_mem>> -> memref<!tpu.dma_semaphore, #tpu.memory_space<semaphore_mem>>
    tpu.wait_indirect_dma semaphore(%dma_wait3A_561 : memref<!tpu.dma_semaphore, #tpu.memory_space<semaphore_mem>>) src(%dma_wait3A_559 : memref<10112x32xf32, #tpu.memory_space<vmem_shared>>) dst(%arg12 : memref<128x32xf32, #tpu.memory_space<vmem>>)
    %dma_start3A_562 = arith.constant 156 : i32
    %dma_start3A_563 = arith.constant 4 : i32
    %dma_start3A_564 = arith.constant 0 : i32
    %dma_start3A_565 = tpu.memref_slice %arg7[%dma_start3A_562, %dma_start3A_564] : memref<160x128xi32, #tpu.memory_space<vmem>> -> memref<1x128xi32, #tpu.memory_space<vmem>>
    %dma_start3A_566 = tpu.memref_squeeze %dma_start3A_565 : memref<1x128xi32, #tpu.memory_space<vmem>> -> memref<128xi32, #tpu.memory_space<vmem>>
    %dma_start3A_567 = arith.constant 0 : i32
    %dma_start3A_568 = arith.constant 0 : i32
    %dma_start3A_569 = tpu.memref_slice %arg16[%dma_start3A_567, %dma_start3A_568] : memref<10112x32xf32, #tpu.memory_space<vmem_shared>> -> memref<10112x32xf32, #tpu.memory_space<vmem_shared>>
    %dma_start3A_570 = tpu.memref_slice %arg19[%dma_start3A_563] : memref<8x!tpu.dma_semaphore, #tpu.memory_space<semaphore_mem>> -> memref<1x!tpu.dma_semaphore, #tpu.memory_space<semaphore_mem>>
    %dma_start3A_571 = tpu.memref_squeeze %dma_start3A_570 : memref<1x!tpu.dma_semaphore, #tpu.memory_space<semaphore_mem>> -> memref<!tpu.dma_semaphore, #tpu.memory_space<semaphore_mem>>
    tpu.enqueue_indirect_dma source(%arg12 : memref<128x32xf32, #tpu.memory_space<vmem>>) target(%dma_start3A_569 : memref<10112x32xf32, #tpu.memory_space<vmem_shared>>) offsets(%dma_start3A_566 : memref<128xi32, #tpu.memory_space<vmem>>) semaphore(%dma_start3A_571 : memref<!tpu.dma_semaphore, #tpu.memory_space<semaphore_mem>>) {add = true}
    %dma_wait3A_572 = arith.constant 156 : i32
    %dma_wait3A_573 = arith.constant 0 : i32
    %dma_wait3A_574 = arith.constant 0 : i32
    %dma_wait3A_575 = tpu.memref_slice %arg7[%dma_wait3A_572, %dma_wait3A_574] : memref<160x128xi32, #tpu.memory_space<vmem>> -> memref<1x128xi32, #tpu.memory_space<vmem>>
    %dma_wait3A_576 = tpu.memref_squeeze %dma_wait3A_575 : memref<1x128xi32, #tpu.memory_space<vmem>> -> memref<128xi32, #tpu.memory_space<vmem>>
    %dma_wait3A_577 = arith.constant 0 : i32
    %dma_wait3A_578 = arith.constant 0 : i32
    %dma_wait3A_579 = tpu.memref_slice %arg16[%dma_wait3A_577, %dma_wait3A_578] : memref<10112x32xf32, #tpu.memory_space<vmem_shared>> -> memref<10112x32xf32, #tpu.memory_space<vmem_shared>>
    %dma_wait3A_580 = tpu.memref_slice %arg19[%dma_wait3A_573] : memref<8x!tpu.dma_semaphore, #tpu.memory_space<semaphore_mem>> -> memref<1x!tpu.dma_semaphore, #tpu.memory_space<semaphore_mem>>
    %dma_wait3A_581 = tpu.memref_squeeze %dma_wait3A_580 : memref<1x!tpu.dma_semaphore, #tpu.memory_space<semaphore_mem>> -> memref<!tpu.dma_semaphore, #tpu.memory_space<semaphore_mem>>
    tpu.wait_indirect_dma semaphore(%dma_wait3A_581 : memref<!tpu.dma_semaphore, #tpu.memory_space<semaphore_mem>>) src(%arg8 : memref<128x32xf32, #tpu.memory_space<vmem>>) dst(%dma_wait3A_579 : memref<10112x32xf32, #tpu.memory_space<vmem_shared>>)
    %dma_wait3A_582 = arith.constant 157 : i32
    %dma_wait3A_583 = arith.constant 5 : i32
    %dma_wait3A_584 = arith.constant 0 : i32
    %dma_wait3A_585 = tpu.memref_slice %arg6[%dma_wait3A_582, %dma_wait3A_584] : memref<160x128xi32, #tpu.memory_space<vmem>> -> memref<1x128xi32, #tpu.memory_space<vmem>>
    %dma_wait3A_586 = tpu.memref_squeeze %dma_wait3A_585 : memref<1x128xi32, #tpu.memory_space<vmem>> -> memref<128xi32, #tpu.memory_space<vmem>>
    %dma_wait3A_587 = arith.constant 0 : i32
    %dma_wait3A_588 = arith.constant 0 : i32
    %dma_wait3A_589 = tpu.memref_slice %arg17[%dma_wait3A_587, %dma_wait3A_588] : memref<10112x32xf32, #tpu.memory_space<vmem_shared>> -> memref<10112x32xf32, #tpu.memory_space<vmem_shared>>
    %dma_wait3A_590 = tpu.memref_slice %arg18[%dma_wait3A_583] : memref<8x!tpu.dma_semaphore, #tpu.memory_space<semaphore_mem>> -> memref<1x!tpu.dma_semaphore, #tpu.memory_space<semaphore_mem>>
    %dma_wait3A_591 = tpu.memref_squeeze %dma_wait3A_590 : memref<1x!tpu.dma_semaphore, #tpu.memory_space<semaphore_mem>> -> memref<!tpu.dma_semaphore, #tpu.memory_space<semaphore_mem>>
    tpu.wait_indirect_dma semaphore(%dma_wait3A_591 : memref<!tpu.dma_semaphore, #tpu.memory_space<semaphore_mem>>) src(%dma_wait3A_589 : memref<10112x32xf32, #tpu.memory_space<vmem_shared>>) dst(%arg13 : memref<128x32xf32, #tpu.memory_space<vmem>>)
    %dma_start3A_592 = arith.constant 157 : i32
    %dma_start3A_593 = arith.constant 5 : i32
    %dma_start3A_594 = arith.constant 0 : i32
    %dma_start3A_595 = tpu.memref_slice %arg7[%dma_start3A_592, %dma_start3A_594] : memref<160x128xi32, #tpu.memory_space<vmem>> -> memref<1x128xi32, #tpu.memory_space<vmem>>
    %dma_start3A_596 = tpu.memref_squeeze %dma_start3A_595 : memref<1x128xi32, #tpu.memory_space<vmem>> -> memref<128xi32, #tpu.memory_space<vmem>>
    %dma_start3A_597 = arith.constant 0 : i32
    %dma_start3A_598 = arith.constant 0 : i32
    %dma_start3A_599 = tpu.memref_slice %arg16[%dma_start3A_597, %dma_start3A_598] : memref<10112x32xf32, #tpu.memory_space<vmem_shared>> -> memref<10112x32xf32, #tpu.memory_space<vmem_shared>>
    %dma_start3A_600 = tpu.memref_slice %arg19[%dma_start3A_593] : memref<8x!tpu.dma_semaphore, #tpu.memory_space<semaphore_mem>> -> memref<1x!tpu.dma_semaphore, #tpu.memory_space<semaphore_mem>>
    %dma_start3A_601 = tpu.memref_squeeze %dma_start3A_600 : memref<1x!tpu.dma_semaphore, #tpu.memory_space<semaphore_mem>> -> memref<!tpu.dma_semaphore, #tpu.memory_space<semaphore_mem>>
    tpu.enqueue_indirect_dma source(%arg13 : memref<128x32xf32, #tpu.memory_space<vmem>>) target(%dma_start3A_599 : memref<10112x32xf32, #tpu.memory_space<vmem_shared>>) offsets(%dma_start3A_596 : memref<128xi32, #tpu.memory_space<vmem>>) semaphore(%dma_start3A_601 : memref<!tpu.dma_semaphore, #tpu.memory_space<semaphore_mem>>) {add = true}
    %dma_wait3A_602 = arith.constant 157 : i32
    %dma_wait3A_603 = arith.constant 1 : i32
    %dma_wait3A_604 = arith.constant 0 : i32
    %dma_wait3A_605 = tpu.memref_slice %arg7[%dma_wait3A_602, %dma_wait3A_604] : memref<160x128xi32, #tpu.memory_space<vmem>> -> memref<1x128xi32, #tpu.memory_space<vmem>>
    %dma_wait3A_606 = tpu.memref_squeeze %dma_wait3A_605 : memref<1x128xi32, #tpu.memory_space<vmem>> -> memref<128xi32, #tpu.memory_space<vmem>>
    %dma_wait3A_607 = arith.constant 0 : i32
    %dma_wait3A_608 = arith.constant 0 : i32
    %dma_wait3A_609 = tpu.memref_slice %arg16[%dma_wait3A_607, %dma_wait3A_608] : memref<10112x32xf32, #tpu.memory_space<vmem_shared>> -> memref<10112x32xf32, #tpu.memory_space<vmem_shared>>
    %dma_wait3A_610 = tpu.memref_slice %arg19[%dma_wait3A_603] : memref<8x!tpu.dma_semaphore, #tpu.memory_space<semaphore_mem>> -> memref<1x!tpu.dma_semaphore, #tpu.memory_space<semaphore_mem>>
    %dma_wait3A_611 = tpu.memref_squeeze %dma_wait3A_610 : memref<1x!tpu.dma_semaphore, #tpu.memory_space<semaphore_mem>> -> memref<!tpu.dma_semaphore, #tpu.memory_space<semaphore_mem>>
    tpu.wait_indirect_dma semaphore(%dma_wait3A_611 : memref<!tpu.dma_semaphore, #tpu.memory_space<semaphore_mem>>) src(%arg9 : memref<128x32xf32, #tpu.memory_space<vmem>>) dst(%dma_wait3A_609 : memref<10112x32xf32, #tpu.memory_space<vmem_shared>>)
    %dma_wait3A_612 = arith.constant 158 : i32
    %dma_wait3A_613 = arith.constant 6 : i32
    %dma_wait3A_614 = arith.constant 0 : i32
    %dma_wait3A_615 = tpu.memref_slice %arg6[%dma_wait3A_612, %dma_wait3A_614] : memref<160x128xi32, #tpu.memory_space<vmem>> -> memref<1x128xi32, #tpu.memory_space<vmem>>
    %dma_wait3A_616 = tpu.memref_squeeze %dma_wait3A_615 : memref<1x128xi32, #tpu.memory_space<vmem>> -> memref<128xi32, #tpu.memory_space<vmem>>
    %dma_wait3A_617 = arith.constant 0 : i32
    %dma_wait3A_618 = arith.constant 0 : i32
    %dma_wait3A_619 = tpu.memref_slice %arg17[%dma_wait3A_617, %dma_wait3A_618] : memref<10112x32xf32, #tpu.memory_space<vmem_shared>> -> memref<10112x32xf32, #tpu.memory_space<vmem_shared>>
    %dma_wait3A_620 = tpu.memref_slice %arg18[%dma_wait3A_613] : memref<8x!tpu.dma_semaphore, #tpu.memory_space<semaphore_mem>> -> memref<1x!tpu.dma_semaphore, #tpu.memory_space<semaphore_mem>>
    %dma_wait3A_621 = tpu.memref_squeeze %dma_wait3A_620 : memref<1x!tpu.dma_semaphore, #tpu.memory_space<semaphore_mem>> -> memref<!tpu.dma_semaphore, #tpu.memory_space<semaphore_mem>>
    tpu.wait_indirect_dma semaphore(%dma_wait3A_621 : memref<!tpu.dma_semaphore, #tpu.memory_space<semaphore_mem>>) src(%dma_wait3A_619 : memref<10112x32xf32, #tpu.memory_space<vmem_shared>>) dst(%arg14 : memref<128x32xf32, #tpu.memory_space<vmem>>)
    %dma_start3A_622 = arith.constant 158 : i32
    %dma_start3A_623 = arith.constant 6 : i32
    %dma_start3A_624 = arith.constant 0 : i32
    %dma_start3A_625 = tpu.memref_slice %arg7[%dma_start3A_622, %dma_start3A_624] : memref<160x128xi32, #tpu.memory_space<vmem>> -> memref<1x128xi32, #tpu.memory_space<vmem>>
    %dma_start3A_626 = tpu.memref_squeeze %dma_start3A_625 : memref<1x128xi32, #tpu.memory_space<vmem>> -> memref<128xi32, #tpu.memory_space<vmem>>
    %dma_start3A_627 = arith.constant 0 : i32
    %dma_start3A_628 = arith.constant 0 : i32
    %dma_start3A_629 = tpu.memref_slice %arg16[%dma_start3A_627, %dma_start3A_628] : memref<10112x32xf32, #tpu.memory_space<vmem_shared>> -> memref<10112x32xf32, #tpu.memory_space<vmem_shared>>
    %dma_start3A_630 = tpu.memref_slice %arg19[%dma_start3A_623] : memref<8x!tpu.dma_semaphore, #tpu.memory_space<semaphore_mem>> -> memref<1x!tpu.dma_semaphore, #tpu.memory_space<semaphore_mem>>
    %dma_start3A_631 = tpu.memref_squeeze %dma_start3A_630 : memref<1x!tpu.dma_semaphore, #tpu.memory_space<semaphore_mem>> -> memref<!tpu.dma_semaphore, #tpu.memory_space<semaphore_mem>>
    tpu.enqueue_indirect_dma source(%arg14 : memref<128x32xf32, #tpu.memory_space<vmem>>) target(%dma_start3A_629 : memref<10112x32xf32, #tpu.memory_space<vmem_shared>>) offsets(%dma_start3A_626 : memref<128xi32, #tpu.memory_space<vmem>>) semaphore(%dma_start3A_631 : memref<!tpu.dma_semaphore, #tpu.memory_space<semaphore_mem>>) {add = true}
    %dma_wait3A_632 = arith.constant 158 : i32
    %dma_wait3A_633 = arith.constant 2 : i32
    %dma_wait3A_634 = arith.constant 0 : i32
    %dma_wait3A_635 = tpu.memref_slice %arg7[%dma_wait3A_632, %dma_wait3A_634] : memref<160x128xi32, #tpu.memory_space<vmem>> -> memref<1x128xi32, #tpu.memory_space<vmem>>
    %dma_wait3A_636 = tpu.memref_squeeze %dma_wait3A_635 : memref<1x128xi32, #tpu.memory_space<vmem>> -> memref<128xi32, #tpu.memory_space<vmem>>
    %dma_wait3A_637 = arith.constant 0 : i32
    %dma_wait3A_638 = arith.constant 0 : i32
    %dma_wait3A_639 = tpu.memref_slice %arg16[%dma_wait3A_637, %dma_wait3A_638] : memref<10112x32xf32, #tpu.memory_space<vmem_shared>> -> memref<10112x32xf32, #tpu.memory_space<vmem_shared>>
    %dma_wait3A_640 = tpu.memref_slice %arg19[%dma_wait3A_633] : memref<8x!tpu.dma_semaphore, #tpu.memory_space<semaphore_mem>> -> memref<1x!tpu.dma_semaphore, #tpu.memory_space<semaphore_mem>>
    %dma_wait3A_641 = tpu.memref_squeeze %dma_wait3A_640 : memref<1x!tpu.dma_semaphore, #tpu.memory_space<semaphore_mem>> -> memref<!tpu.dma_semaphore, #tpu.memory_space<semaphore_mem>>
    tpu.wait_indirect_dma semaphore(%dma_wait3A_641 : memref<!tpu.dma_semaphore, #tpu.memory_space<semaphore_mem>>) src(%arg10 : memref<128x32xf32, #tpu.memory_space<vmem>>) dst(%dma_wait3A_639 : memref<10112x32xf32, #tpu.memory_space<vmem_shared>>)
    %dma_wait3A_642 = arith.constant 159 : i32
    %dma_wait3A_643 = arith.constant 7 : i32
    %dma_wait3A_644 = arith.constant 0 : i32
    %dma_wait3A_645 = tpu.memref_slice %arg6[%dma_wait3A_642, %dma_wait3A_644] : memref<160x128xi32, #tpu.memory_space<vmem>> -> memref<1x128xi32, #tpu.memory_space<vmem>>
    %dma_wait3A_646 = tpu.memref_squeeze %dma_wait3A_645 : memref<1x128xi32, #tpu.memory_space<vmem>> -> memref<128xi32, #tpu.memory_space<vmem>>
    %dma_wait3A_647 = arith.constant 0 : i32
    %dma_wait3A_648 = arith.constant 0 : i32
    %dma_wait3A_649 = tpu.memref_slice %arg17[%dma_wait3A_647, %dma_wait3A_648] : memref<10112x32xf32, #tpu.memory_space<vmem_shared>> -> memref<10112x32xf32, #tpu.memory_space<vmem_shared>>
    %dma_wait3A_650 = tpu.memref_slice %arg18[%dma_wait3A_643] : memref<8x!tpu.dma_semaphore, #tpu.memory_space<semaphore_mem>> -> memref<1x!tpu.dma_semaphore, #tpu.memory_space<semaphore_mem>>
    %dma_wait3A_651 = tpu.memref_squeeze %dma_wait3A_650 : memref<1x!tpu.dma_semaphore, #tpu.memory_space<semaphore_mem>> -> memref<!tpu.dma_semaphore, #tpu.memory_space<semaphore_mem>>
    tpu.wait_indirect_dma semaphore(%dma_wait3A_651 : memref<!tpu.dma_semaphore, #tpu.memory_space<semaphore_mem>>) src(%dma_wait3A_649 : memref<10112x32xf32, #tpu.memory_space<vmem_shared>>) dst(%arg15 : memref<128x32xf32, #tpu.memory_space<vmem>>)
    %dma_start3A_652 = arith.constant 159 : i32
    %dma_start3A_653 = arith.constant 7 : i32
    %dma_start3A_654 = arith.constant 0 : i32
    %dma_start3A_655 = tpu.memref_slice %arg7[%dma_start3A_652, %dma_start3A_654] : memref<160x128xi32, #tpu.memory_space<vmem>> -> memref<1x128xi32, #tpu.memory_space<vmem>>
    %dma_start3A_656 = tpu.memref_squeeze %dma_start3A_655 : memref<1x128xi32, #tpu.memory_space<vmem>> -> memref<128xi32, #tpu.memory_space<vmem>>
    %dma_start3A_657 = arith.constant 0 : i32
    %dma_start3A_658 = arith.constant 0 : i32
    %dma_start3A_659 = tpu.memref_slice %arg16[%dma_start3A_657, %dma_start3A_658] : memref<10112x32xf32, #tpu.memory_space<vmem_shared>> -> memref<10112x32xf32, #tpu.memory_space<vmem_shared>>
    %dma_start3A_660 = tpu.memref_slice %arg19[%dma_start3A_653] : memref<8x!tpu.dma_semaphore, #tpu.memory_space<semaphore_mem>> -> memref<1x!tpu.dma_semaphore, #tpu.memory_space<semaphore_mem>>
    %dma_start3A_661 = tpu.memref_squeeze %dma_start3A_660 : memref<1x!tpu.dma_semaphore, #tpu.memory_space<semaphore_mem>> -> memref<!tpu.dma_semaphore, #tpu.memory_space<semaphore_mem>>
    tpu.enqueue_indirect_dma source(%arg15 : memref<128x32xf32, #tpu.memory_space<vmem>>) target(%dma_start3A_659 : memref<10112x32xf32, #tpu.memory_space<vmem_shared>>) offsets(%dma_start3A_656 : memref<128xi32, #tpu.memory_space<vmem>>) semaphore(%dma_start3A_661 : memref<!tpu.dma_semaphore, #tpu.memory_space<semaphore_mem>>) {add = true}
    %dma_wait3A_662 = arith.constant 159 : i32
    %dma_wait3A_663 = arith.constant 3 : i32
    %dma_wait3A_664 = arith.constant 0 : i32
    %dma_wait3A_665 = tpu.memref_slice %arg7[%dma_wait3A_662, %dma_wait3A_664] : memref<160x128xi32, #tpu.memory_space<vmem>> -> memref<1x128xi32, #tpu.memory_space<vmem>>
    %dma_wait3A_666 = tpu.memref_squeeze %dma_wait3A_665 : memref<1x128xi32, #tpu.memory_space<vmem>> -> memref<128xi32, #tpu.memory_space<vmem>>
    %dma_wait3A_667 = arith.constant 0 : i32
    %dma_wait3A_668 = arith.constant 0 : i32
    %dma_wait3A_669 = tpu.memref_slice %arg16[%dma_wait3A_667, %dma_wait3A_668] : memref<10112x32xf32, #tpu.memory_space<vmem_shared>> -> memref<10112x32xf32, #tpu.memory_space<vmem_shared>>
    %dma_wait3A_670 = tpu.memref_slice %arg19[%dma_wait3A_663] : memref<8x!tpu.dma_semaphore, #tpu.memory_space<semaphore_mem>> -> memref<1x!tpu.dma_semaphore, #tpu.memory_space<semaphore_mem>>
    %dma_wait3A_671 = tpu.memref_squeeze %dma_wait3A_670 : memref<1x!tpu.dma_semaphore, #tpu.memory_space<semaphore_mem>> -> memref<!tpu.dma_semaphore, #tpu.memory_space<semaphore_mem>>
    tpu.wait_indirect_dma semaphore(%dma_wait3A_671 : memref<!tpu.dma_semaphore, #tpu.memory_space<semaphore_mem>>) src(%arg11 : memref<128x32xf32, #tpu.memory_space<vmem>>) dst(%dma_wait3A_669 : memref<10112x32xf32, #tpu.memory_space<vmem_shared>>)
    %dma_wait3A_672 = arith.constant 0 : i32
    %dma_wait3A_673 = arith.constant 4 : i32
    %dma_wait3A_674 = arith.constant 0 : i32
    %dma_wait3A_675 = tpu.memref_slice %arg7[%dma_wait3A_672, %dma_wait3A_674] : memref<160x128xi32, #tpu.memory_space<vmem>> -> memref<1x128xi32, #tpu.memory_space<vmem>>
    %dma_wait3A_676 = tpu.memref_squeeze %dma_wait3A_675 : memref<1x128xi32, #tpu.memory_space<vmem>> -> memref<128xi32, #tpu.memory_space<vmem>>
    %dma_wait3A_677 = arith.constant 0 : i32
    %dma_wait3A_678 = arith.constant 0 : i32
    %dma_wait3A_679 = tpu.memref_slice %arg16[%dma_wait3A_677, %dma_wait3A_678] : memref<10112x32xf32, #tpu.memory_space<vmem_shared>> -> memref<10112x32xf32, #tpu.memory_space<vmem_shared>>
    %dma_wait3A_680 = tpu.memref_slice %arg19[%dma_wait3A_673] : memref<8x!tpu.dma_semaphore, #tpu.memory_space<semaphore_mem>> -> memref<1x!tpu.dma_semaphore, #tpu.memory_space<semaphore_mem>>
    %dma_wait3A_681 = tpu.memref_squeeze %dma_wait3A_680 : memref<1x!tpu.dma_semaphore, #tpu.memory_space<semaphore_mem>> -> memref<!tpu.dma_semaphore, #tpu.memory_space<semaphore_mem>>
    tpu.wait_indirect_dma semaphore(%dma_wait3A_681 : memref<!tpu.dma_semaphore, #tpu.memory_space<semaphore_mem>>) src(%arg12 : memref<128x32xf32, #tpu.memory_space<vmem>>) dst(%dma_wait3A_679 : memref<10112x32xf32, #tpu.memory_space<vmem_shared>>)
    %dma_wait3A_682 = arith.constant 0 : i32
    %dma_wait3A_683 = arith.constant 5 : i32
    %dma_wait3A_684 = arith.constant 0 : i32
    %dma_wait3A_685 = tpu.memref_slice %arg7[%dma_wait3A_682, %dma_wait3A_684] : memref<160x128xi32, #tpu.memory_space<vmem>> -> memref<1x128xi32, #tpu.memory_space<vmem>>
    %dma_wait3A_686 = tpu.memref_squeeze %dma_wait3A_685 : memref<1x128xi32, #tpu.memory_space<vmem>> -> memref<128xi32, #tpu.memory_space<vmem>>
    %dma_wait3A_687 = arith.constant 0 : i32
    %dma_wait3A_688 = arith.constant 0 : i32
    %dma_wait3A_689 = tpu.memref_slice %arg16[%dma_wait3A_687, %dma_wait3A_688] : memref<10112x32xf32, #tpu.memory_space<vmem_shared>> -> memref<10112x32xf32, #tpu.memory_space<vmem_shared>>
    %dma_wait3A_690 = tpu.memref_slice %arg19[%dma_wait3A_683] : memref<8x!tpu.dma_semaphore, #tpu.memory_space<semaphore_mem>> -> memref<1x!tpu.dma_semaphore, #tpu.memory_space<semaphore_mem>>
    %dma_wait3A_691 = tpu.memref_squeeze %dma_wait3A_690 : memref<1x!tpu.dma_semaphore, #tpu.memory_space<semaphore_mem>> -> memref<!tpu.dma_semaphore, #tpu.memory_space<semaphore_mem>>
    tpu.wait_indirect_dma semaphore(%dma_wait3A_691 : memref<!tpu.dma_semaphore, #tpu.memory_space<semaphore_mem>>) src(%arg13 : memref<128x32xf32, #tpu.memory_space<vmem>>) dst(%dma_wait3A_689 : memref<10112x32xf32, #tpu.memory_space<vmem_shared>>)
    %dma_wait3A_692 = arith.constant 0 : i32
    %dma_wait3A_693 = arith.constant 6 : i32
    %dma_wait3A_694 = arith.constant 0 : i32
    %dma_wait3A_695 = tpu.memref_slice %arg7[%dma_wait3A_692, %dma_wait3A_694] : memref<160x128xi32, #tpu.memory_space<vmem>> -> memref<1x128xi32, #tpu.memory_space<vmem>>
    %dma_wait3A_696 = tpu.memref_squeeze %dma_wait3A_695 : memref<1x128xi32, #tpu.memory_space<vmem>> -> memref<128xi32, #tpu.memory_space<vmem>>
    %dma_wait3A_697 = arith.constant 0 : i32
    %dma_wait3A_698 = arith.constant 0 : i32
    %dma_wait3A_699 = tpu.memref_slice %arg16[%dma_wait3A_697, %dma_wait3A_698] : memref<10112x32xf32, #tpu.memory_space<vmem_shared>> -> memref<10112x32xf32, #tpu.memory_space<vmem_shared>>
    %dma_wait3A_700 = tpu.memref_slice %arg19[%dma_wait3A_693] : memref<8x!tpu.dma_semaphore, #tpu.memory_space<semaphore_mem>> -> memref<1x!tpu.dma_semaphore, #tpu.memory_space<semaphore_mem>>
    %dma_wait3A_701 = tpu.memref_squeeze %dma_wait3A_700 : memref<1x!tpu.dma_semaphore, #tpu.memory_space<semaphore_mem>> -> memref<!tpu.dma_semaphore, #tpu.memory_space<semaphore_mem>>
    tpu.wait_indirect_dma semaphore(%dma_wait3A_701 : memref<!tpu.dma_semaphore, #tpu.memory_space<semaphore_mem>>) src(%arg14 : memref<128x32xf32, #tpu.memory_space<vmem>>) dst(%dma_wait3A_699 : memref<10112x32xf32, #tpu.memory_space<vmem_shared>>)
    %dma_wait3A_702 = arith.constant 0 : i32
    %dma_wait3A_703 = arith.constant 7 : i32
    %dma_wait3A_704 = arith.constant 0 : i32
    %dma_wait3A_705 = tpu.memref_slice %arg7[%dma_wait3A_702, %dma_wait3A_704] : memref<160x128xi32, #tpu.memory_space<vmem>> -> memref<1x128xi32, #tpu.memory_space<vmem>>
    %dma_wait3A_706 = tpu.memref_squeeze %dma_wait3A_705 : memref<1x128xi32, #tpu.memory_space<vmem>> -> memref<128xi32, #tpu.memory_space<vmem>>
    %dma_wait3A_707 = arith.constant 0 : i32
    %dma_wait3A_708 = arith.constant 0 : i32
    %dma_wait3A_709 = tpu.memref_slice %arg16[%dma_wait3A_707, %dma_wait3A_708] : memref<10112x32xf32, #tpu.memory_space<vmem_shared>> -> memref<10112x32xf32, #tpu.memory_space<vmem_shared>>
    %dma_wait3A_710 = tpu.memref_slice %arg19[%dma_wait3A_703] : memref<8x!tpu.dma_semaphore, #tpu.memory_space<semaphore_mem>> -> memref<1x!tpu.dma_semaphore, #tpu.memory_space<semaphore_mem>>
    %dma_wait3A_711 = tpu.memref_squeeze %dma_wait3A_710 : memref<1x!tpu.dma_semaphore, #tpu.memory_space<semaphore_mem>> -> memref<!tpu.dma_semaphore, #tpu.memory_space<semaphore_mem>>
    tpu.wait_indirect_dma semaphore(%dma_wait3A_711 : memref<!tpu.dma_semaphore, #tpu.memory_space<semaphore_mem>>) src(%arg15 : memref<128x32xf32, #tpu.memory_space<vmem>>) dst(%dma_wait3A_709 : memref<10112x32xf32, #tpu.memory_space<vmem_shared>>)
    %barrier3A_712 = arith.constant 0 : index
    tpu.barrier barrier_id(%barrier3A_712)
    %mul3A_713 = arith.constant 632 : i32
    %mul3A_714 = arith.muli %arg1, %mul3A_713 : i32
    %mul3A_715 = arith.constant 632 : i32
    %mul3A_716 = arith.muli %arg1, %mul3A_715 : i32
    "tpu.region"() ({
      %run_scoped3A = tpu.sem_alloc : memref<!tpu.dma_semaphore, #tpu.memory_space<semaphore_mem>>
      %dma_start3A_717 = arith.constant 0 : i32
      %dma_start3A_718 = tpu.memref_slice %arg5[%arg0, %mul3A_716, %dma_start3A_717] : memref<2x10112x32xf32, #tpu.memory_space<hbm>> -> memref<1x632x32xf32, #tpu.memory_space<hbm>>
      %dma_start3A_719 = tpu.memref_squeeze %dma_start3A_718 : memref<1x632x32xf32, #tpu.memory_space<hbm>> -> memref<632x32xf32, #tpu.memory_space<hbm>>
      %dma_start3A_720 = arith.constant 0 : i32
      %dma_start3A_721 = tpu.memref_slice %arg16[%mul3A_714, %dma_start3A_720] : memref<10112x32xf32, #tpu.memory_space<vmem_shared>> -> memref<632x32xf32, #tpu.memory_space<vmem_shared>>
      tpu.enqueue_dma source(%dma_start3A_721 : memref<632x32xf32, #tpu.memory_space<vmem_shared>>) target(%dma_start3A_719 : memref<632x32xf32, #tpu.memory_space<hbm>>) target_semaphore(%run_scoped3A : memref<!tpu.dma_semaphore, #tpu.memory_space<semaphore_mem>>)
      %dma_wait3A_722 = arith.constant 0 : i32
      %dma_wait3A_723 = tpu.memref_slice %arg5[%arg0, %mul3A_716, %dma_wait3A_722] : memref<2x10112x32xf32, #tpu.memory_space<hbm>> -> memref<1x632x32xf32, #tpu.memory_space<hbm>>
      %dma_wait3A_724 = tpu.memref_squeeze %dma_wait3A_723 : memref<1x632x32xf32, #tpu.memory_space<hbm>> -> memref<632x32xf32, #tpu.memory_space<hbm>>
      %dma_wait3A_725 = arith.constant 0 : i32
      %dma_wait3A_726 = tpu.memref_slice %arg16[%mul3A_714, %dma_wait3A_725] : memref<10112x32xf32, #tpu.memory_space<vmem_shared>> -> memref<632x32xf32, #tpu.memory_space<vmem_shared>>
      tpu.wait_dma2 semaphore(%run_scoped3A : memref<!tpu.dma_semaphore, #tpu.memory_space<semaphore_mem>>) src(%dma_wait3A_726 : memref<632x32xf32, #tpu.memory_space<vmem_shared>>) dst(%dma_wait3A_724 : memref<632x32xf32, #tpu.memory_space<hbm>>)
      tpu.yield
    }) : () -> ()
    return
  }
}

#map = affine_map<(d0, d1) -> (0, 0, 0)>
#map1 = affine_map<(d0, d1) -> (0, 0)>
module attributes {stable_mosaic.version = 14 : i64} {
  func.func @seg_sum(%arg0: i32, %arg1: i32, %arg2: memref<2x10112x32xf32, #tpu.memory_space<hbm>>, %arg3: memref<2560x128xi32, #tpu.memory_space<hbm>>, %arg4: memref<2560x128xi32, #tpu.memory_space<hbm>>, %arg5: memref<2x10112x32xf32, #tpu.memory_space<hbm>>, %arg6: memref<160x128xi32, #tpu.memory_space<vmem>>, %arg7: memref<160x128xi32, #tpu.memory_space<vmem>>, %arg8: memref<128x32xf32, #tpu.memory_space<vmem>>, %arg9: memref<128x32xf32, #tpu.memory_space<vmem>>, %arg10: memref<128x32xf32, #tpu.memory_space<vmem>>, %arg11: memref<128x32xf32, #tpu.memory_space<vmem>>, %arg12: memref<128x32xf32, #tpu.memory_space<vmem>>, %arg13: memref<128x32xf32, #tpu.memory_space<vmem>>, %arg14: memref<128x32xf32, #tpu.memory_space<vmem>>, %arg15: memref<128x32xf32, #tpu.memory_space<vmem>>, %arg16: memref<10112x32xf32, #tpu.memory_space<vmem_shared>>, %arg17: memref<10112x32xf32, #tpu.memory_space<vmem_shared>>, %arg18: memref<8x!tpu.dma_semaphore, #tpu.memory_space<semaphore_mem>>, %arg19: memref<8x!tpu.dma_semaphore, #tpu.memory_space<semaphore_mem>>) attributes {dimension_semantics = [#tpu.dimension_semantics<core_parallel>, #tpu.dimension_semantics<subcore_parallel>], iteration_bounds = array<i64: 2, 16>, scalar_prefetch = 0 : i64, scratch_operands = 14 : i64, tpu.core_type = #tpu.core_type<sc_vector_subcore>, window_params = [{transform_indices = #map}, {transform_indices = #map1}, {transform_indices = #map1}, {transform_indices = #map}]} {
    %mul3A = arith.constant 160 : i32
    %mul3A_0 = arith.muli %arg1, %mul3A : i32
    %mul3A_1 = arith.constant 632 : i32
    %mul3A_2 = arith.muli %arg1, %mul3A_1 : i32
    %mul3A_3 = arith.constant 632 : i32
    %mul3A_4 = arith.muli %arg1, %mul3A_3 : i32
    %mul3A_5 = arith.constant 632 : i32
    %mul3A_6 = arith.muli %arg1, %mul3A_5 : i32
    %mul3A_7 = arith.constant 632 : i32
    %mul3A_8 = arith.muli %arg1, %mul3A_7 : i32
    %dma_start3A = arith.constant 0 : i32
    %dma_start3A_9 = arith.constant 0 : i32
    %dma_start3A_10 = tpu.memref_slice %arg3[%mul3A_0, %dma_start3A_9] : memref<2560x128xi32, #tpu.memory_space<hbm>> -> memref<160x128xi32, #tpu.memory_space<hbm>>
    %dma_start3A_11 = tpu.memref_slice %arg18[%dma_start3A] : memref<8x!tpu.dma_semaphore, #tpu.memory_space<semaphore_mem>> -> memref<1x!tpu.dma_semaphore, #tpu.memory_space<semaphore_mem>>
    %dma_start3A_12 = tpu.memref_squeeze %dma_start3A_11 : memref<1x!tpu.dma_semaphore, #tpu.memory_space<semaphore_mem>> -> memref<!tpu.dma_semaphore, #tpu.memory_space<semaphore_mem>>
    %dma_start3A_13 = arith.constant 0 : i32
    %dma_start3A_14 = tpu.memref_slice %arg3[%mul3A_0, %dma_start3A_13] : memref<2560x128xi32, #tpu.memory_space<hbm>> -> memref<160x128xi32, #tpu.memory_space<hbm>>
    tpu.enqueue_dma source(%dma_start3A_14 : memref<160x128xi32, #tpu.memory_space<hbm>>) target(%arg6 : memref<160x128xi32, #tpu.memory_space<vmem>>) target_semaphore(%dma_start3A_12 : memref<!tpu.dma_semaphore, #tpu.memory_space<semaphore_mem>>)
    %dma_start3A_15 = arith.constant 1 : i32
    %dma_start3A_16 = arith.constant 0 : i32
    %dma_start3A_17 = tpu.memref_slice %arg4[%mul3A_0, %dma_start3A_16] : memref<2560x128xi32, #tpu.memory_space<hbm>> -> memref<160x128xi32, #tpu.memory_space<hbm>>
    %dma_start3A_18 = tpu.memref_slice %arg18[%dma_start3A_15] : memref<8x!tpu.dma_semaphore, #tpu.memory_space<semaphore_mem>> -> memref<1x!tpu.dma_semaphore, #tpu.memory_space<semaphore_mem>>
    %dma_start3A_19 = tpu.memref_squeeze %dma_start3A_18 : memref<1x!tpu.dma_semaphore, #tpu.memory_space<semaphore_mem>> -> memref<!tpu.dma_semaphore, #tpu.memory_space<semaphore_mem>>
    %dma_start3A_20 = arith.constant 0 : i32
    %dma_start3A_21 = tpu.memref_slice %arg4[%mul3A_0, %dma_start3A_20] : memref<2560x128xi32, #tpu.memory_space<hbm>> -> memref<160x128xi32, #tpu.memory_space<hbm>>
    tpu.enqueue_dma source(%dma_start3A_21 : memref<160x128xi32, #tpu.memory_space<hbm>>) target(%arg7 : memref<160x128xi32, #tpu.memory_space<vmem>>) target_semaphore(%dma_start3A_19 : memref<!tpu.dma_semaphore, #tpu.memory_space<semaphore_mem>>)
    %dma_start3A_22 = arith.constant 2 : i32
    %dma_start3A_23 = tpu.memref_slice %arg18[%dma_start3A_22] : memref<8x!tpu.dma_semaphore, #tpu.memory_space<semaphore_mem>> -> memref<1x!tpu.dma_semaphore, #tpu.memory_space<semaphore_mem>>
    %dma_start3A_24 = tpu.memref_squeeze %dma_start3A_23 : memref<1x!tpu.dma_semaphore, #tpu.memory_space<semaphore_mem>> -> memref<!tpu.dma_semaphore, #tpu.memory_space<semaphore_mem>>
    %dma_start3A_25 = arith.constant 0 : i32
    %dma_start3A_26 = tpu.memref_slice %arg16[%mul3A_4, %dma_start3A_25] : memref<10112x32xf32, #tpu.memory_space<vmem_shared>> -> memref<632x32xf32, #tpu.memory_space<vmem_shared>>
    %dma_start3A_27 = arith.constant 0 : i32
    %dma_start3A_28 = tpu.memref_slice %arg2[%arg0, %mul3A_2, %dma_start3A_27] : memref<2x10112x32xf32, #tpu.memory_space<hbm>> -> memref<1x632x32xf32, #tpu.memory_space<hbm>>
    %dma_start3A_29 = tpu.memref_squeeze %dma_start3A_28 : memref<1x632x32xf32, #tpu.memory_space<hbm>> -> memref<632x32xf32, #tpu.memory_space<hbm>>
    tpu.enqueue_dma source(%dma_start3A_29 : memref<632x32xf32, #tpu.memory_space<hbm>>) target(%dma_start3A_26 : memref<632x32xf32, #tpu.memory_space<vmem_shared>>) target_semaphore(%dma_start3A_24 : memref<!tpu.dma_semaphore, #tpu.memory_space<semaphore_mem>>)
    %dma_start3A_30 = arith.constant 3 : i32
    %dma_start3A_31 = tpu.memref_slice %arg18[%dma_start3A_30] : memref<8x!tpu.dma_semaphore, #tpu.memory_space<semaphore_mem>> -> memref<1x!tpu.dma_semaphore, #tpu.memory_space<semaphore_mem>>
    %dma_start3A_32 = tpu.memref_squeeze %dma_start3A_31 : memref<1x!tpu.dma_semaphore, #tpu.memory_space<semaphore_mem>> -> memref<!tpu.dma_semaphore, #tpu.memory_space<semaphore_mem>>
    %dma_start3A_33 = arith.constant 0 : i32
    %dma_start3A_34 = tpu.memref_slice %arg17[%mul3A_8, %dma_start3A_33] : memref<10112x32xf32, #tpu.memory_space<vmem_shared>> -> memref<632x32xf32, #tpu.memory_space<vmem_shared>>
    %dma_start3A_35 = arith.constant 0 : i32
    %dma_start3A_36 = tpu.memref_slice %arg2[%arg0, %mul3A_6, %dma_start3A_35] : memref<2x10112x32xf32, #tpu.memory_space<hbm>> -> memref<1x632x32xf32, #tpu.memory_space<hbm>>
    %dma_start3A_37 = tpu.memref_squeeze %dma_start3A_36 : memref<1x632x32xf32, #tpu.memory_space<hbm>> -> memref<632x32xf32, #tpu.memory_space<hbm>>
    tpu.enqueue_dma source(%dma_start3A_37 : memref<632x32xf32, #tpu.memory_space<hbm>>) target(%dma_start3A_34 : memref<632x32xf32, #tpu.memory_space<vmem_shared>>) target_semaphore(%dma_start3A_32 : memref<!tpu.dma_semaphore, #tpu.memory_space<semaphore_mem>>)
    %dma_wait3A = arith.constant 0 : i32
    %dma_wait3A_38 = arith.constant 0 : i32
    %dma_wait3A_39 = tpu.memref_slice %arg3[%mul3A_0, %dma_wait3A_38] : memref<2560x128xi32, #tpu.memory_space<hbm>> -> memref<160x128xi32, #tpu.memory_space<hbm>>
    %dma_wait3A_40 = tpu.memref_slice %arg18[%dma_wait3A] : memref<8x!tpu.dma_semaphore, #tpu.memory_space<semaphore_mem>> -> memref<1x!tpu.dma_semaphore, #tpu.memory_space<semaphore_mem>>
    %dma_wait3A_41 = tpu.memref_squeeze %dma_wait3A_40 : memref<1x!tpu.dma_semaphore, #tpu.memory_space<semaphore_mem>> -> memref<!tpu.dma_semaphore, #tpu.memory_space<semaphore_mem>>
    %dma_wait3A_42 = arith.constant 0 : i32
    %dma_wait3A_43 = tpu.memref_slice %arg3[%mul3A_0, %dma_wait3A_42] : memref<2560x128xi32, #tpu.memory_space<hbm>> -> memref<160x128xi32, #tpu.memory_space<hbm>>
    tpu.wait_dma2 semaphore(%dma_wait3A_41 : memref<!tpu.dma_semaphore, #tpu.memory_space<semaphore_mem>>) src(%dma_wait3A_43 : memref<160x128xi32, #tpu.memory_space<hbm>>) dst(%arg6 : memref<160x128xi32, #tpu.memory_space<vmem>>)
    %dma_wait3A_44 = arith.constant 1 : i32
    %dma_wait3A_45 = arith.constant 0 : i32
    %dma_wait3A_46 = tpu.memref_slice %arg4[%mul3A_0, %dma_wait3A_45] : memref<2560x128xi32, #tpu.memory_space<hbm>> -> memref<160x128xi32, #tpu.memory_space<hbm>>
    %dma_wait3A_47 = tpu.memref_slice %arg18[%dma_wait3A_44] : memref<8x!tpu.dma_semaphore, #tpu.memory_space<semaphore_mem>> -> memref<1x!tpu.dma_semaphore, #tpu.memory_space<semaphore_mem>>
    %dma_wait3A_48 = tpu.memref_squeeze %dma_wait3A_47 : memref<1x!tpu.dma_semaphore, #tpu.memory_space<semaphore_mem>> -> memref<!tpu.dma_semaphore, #tpu.memory_space<semaphore_mem>>
    %dma_wait3A_49 = arith.constant 0 : i32
    %dma_wait3A_50 = tpu.memref_slice %arg4[%mul3A_0, %dma_wait3A_49] : memref<2560x128xi32, #tpu.memory_space<hbm>> -> memref<160x128xi32, #tpu.memory_space<hbm>>
    tpu.wait_dma2 semaphore(%dma_wait3A_48 : memref<!tpu.dma_semaphore, #tpu.memory_space<semaphore_mem>>) src(%dma_wait3A_50 : memref<160x128xi32, #tpu.memory_space<hbm>>) dst(%arg7 : memref<160x128xi32, #tpu.memory_space<vmem>>)
    %dma_wait3A_51 = arith.constant 2 : i32
    %dma_wait3A_52 = tpu.memref_slice %arg18[%dma_wait3A_51] : memref<8x!tpu.dma_semaphore, #tpu.memory_space<semaphore_mem>> -> memref<1x!tpu.dma_semaphore, #tpu.memory_space<semaphore_mem>>
    %dma_wait3A_53 = tpu.memref_squeeze %dma_wait3A_52 : memref<1x!tpu.dma_semaphore, #tpu.memory_space<semaphore_mem>> -> memref<!tpu.dma_semaphore, #tpu.memory_space<semaphore_mem>>
    %dma_wait3A_54 = arith.constant 0 : i32
    %dma_wait3A_55 = tpu.memref_slice %arg16[%mul3A_4, %dma_wait3A_54] : memref<10112x32xf32, #tpu.memory_space<vmem_shared>> -> memref<632x32xf32, #tpu.memory_space<vmem_shared>>
    %dma_wait3A_56 = arith.constant 0 : i32
    %dma_wait3A_57 = tpu.memref_slice %arg2[%arg0, %mul3A_2, %dma_wait3A_56] : memref<2x10112x32xf32, #tpu.memory_space<hbm>> -> memref<1x632x32xf32, #tpu.memory_space<hbm>>
    %dma_wait3A_58 = tpu.memref_squeeze %dma_wait3A_57 : memref<1x632x32xf32, #tpu.memory_space<hbm>> -> memref<632x32xf32, #tpu.memory_space<hbm>>
    tpu.wait_dma2 semaphore(%dma_wait3A_53 : memref<!tpu.dma_semaphore, #tpu.memory_space<semaphore_mem>>) src(%dma_wait3A_58 : memref<632x32xf32, #tpu.memory_space<hbm>>) dst(%dma_wait3A_55 : memref<632x32xf32, #tpu.memory_space<vmem_shared>>)
    %dma_wait3A_59 = arith.constant 3 : i32
    %dma_wait3A_60 = tpu.memref_slice %arg18[%dma_wait3A_59] : memref<8x!tpu.dma_semaphore, #tpu.memory_space<semaphore_mem>> -> memref<1x!tpu.dma_semaphore, #tpu.memory_space<semaphore_mem>>
    %dma_wait3A_61 = tpu.memref_squeeze %dma_wait3A_60 : memref<1x!tpu.dma_semaphore, #tpu.memory_space<semaphore_mem>> -> memref<!tpu.dma_semaphore, #tpu.memory_space<semaphore_mem>>
    %dma_wait3A_62 = arith.constant 0 : i32
    %dma_wait3A_63 = tpu.memref_slice %arg17[%mul3A_8, %dma_wait3A_62] : memref<10112x32xf32, #tpu.memory_space<vmem_shared>> -> memref<632x32xf32, #tpu.memory_space<vmem_shared>>
    %dma_wait3A_64 = arith.constant 0 : i32
    %dma_wait3A_65 = tpu.memref_slice %arg2[%arg0, %mul3A_6, %dma_wait3A_64] : memref<2x10112x32xf32, #tpu.memory_space<hbm>> -> memref<1x632x32xf32, #tpu.memory_space<hbm>>
    %dma_wait3A_66 = tpu.memref_squeeze %dma_wait3A_65 : memref<1x632x32xf32, #tpu.memory_space<hbm>> -> memref<632x32xf32, #tpu.memory_space<hbm>>
    tpu.wait_dma2 semaphore(%dma_wait3A_61 : memref<!tpu.dma_semaphore, #tpu.memory_space<semaphore_mem>>) src(%dma_wait3A_66 : memref<632x32xf32, #tpu.memory_space<hbm>>) dst(%dma_wait3A_63 : memref<632x32xf32, #tpu.memory_space<vmem_shared>>)
    %barrier3A = arith.constant 0 : index
    tpu.barrier barrier_id(%barrier3A)
    %dma_start3A_67 = arith.constant 0 : i32
    %dma_start3A_68 = arith.constant 0 : i32
    %dma_start3A_69 = arith.constant 0 : i32
    %dma_start3A_70 = tpu.memref_slice %arg6[%dma_start3A_67, %dma_start3A_69] : memref<160x128xi32, #tpu.memory_space<vmem>> -> memref<1x128xi32, #tpu.memory_space<vmem>>
    %dma_start3A_71 = tpu.memref_squeeze %dma_start3A_70 : memref<1x128xi32, #tpu.memory_space<vmem>> -> memref<128xi32, #tpu.memory_space<vmem>>
    %dma_start3A_72 = arith.constant 0 : i32
    %dma_start3A_73 = arith.constant 0 : i32
    %dma_start3A_74 = tpu.memref_slice %arg17[%dma_start3A_72, %dma_start3A_73] : memref<10112x32xf32, #tpu.memory_space<vmem_shared>> -> memref<10112x32xf32, #tpu.memory_space<vmem_shared>>
    %dma_start3A_75 = tpu.memref_slice %arg18[%dma_start3A_68] : memref<8x!tpu.dma_semaphore, #tpu.memory_space<semaphore_mem>> -> memref<1x!tpu.dma_semaphore, #tpu.memory_space<semaphore_mem>>
    %dma_start3A_76 = tpu.memref_squeeze %dma_start3A_75 : memref<1x!tpu.dma_semaphore, #tpu.memory_space<semaphore_mem>> -> memref<!tpu.dma_semaphore, #tpu.memory_space<semaphore_mem>>
    tpu.enqueue_indirect_dma source(%dma_start3A_74 : memref<10112x32xf32, #tpu.memory_space<vmem_shared>>) target(%arg8 : memref<128x32xf32, #tpu.memory_space<vmem>>) offsets(%dma_start3A_71 : memref<128xi32, #tpu.memory_space<vmem>>) semaphore(%dma_start3A_76 : memref<!tpu.dma_semaphore, #tpu.memory_space<semaphore_mem>>)
    %dma_start3A_77 = arith.constant 1 : i32
    %dma_start3A_78 = arith.constant 1 : i32
    %dma_start3A_79 = arith.constant 0 : i32
    %dma_start3A_80 = tpu.memref_slice %arg6[%dma_start3A_77, %dma_start3A_79] : memref<160x128xi32, #tpu.memory_space<vmem>> -> memref<1x128xi32, #tpu.memory_space<vmem>>
    %dma_start3A_81 = tpu.memref_squeeze %dma_start3A_80 : memref<1x128xi32, #tpu.memory_space<vmem>> -> memref<128xi32, #tpu.memory_space<vmem>>
    %dma_start3A_82 = arith.constant 0 : i32
    %dma_start3A_83 = arith.constant 0 : i32
    %dma_start3A_84 = tpu.memref_slice %arg17[%dma_start3A_82, %dma_start3A_83] : memref<10112x32xf32, #tpu.memory_space<vmem_shared>> -> memref<10112x32xf32, #tpu.memory_space<vmem_shared>>
    %dma_start3A_85 = tpu.memref_slice %arg18[%dma_start3A_78] : memref<8x!tpu.dma_semaphore, #tpu.memory_space<semaphore_mem>> -> memref<1x!tpu.dma_semaphore, #tpu.memory_space<semaphore_mem>>
    %dma_start3A_86 = tpu.memref_squeeze %dma_start3A_85 : memref<1x!tpu.dma_semaphore, #tpu.memory_space<semaphore_mem>> -> memref<!tpu.dma_semaphore, #tpu.memory_space<semaphore_mem>>
    tpu.enqueue_indirect_dma source(%dma_start3A_84 : memref<10112x32xf32, #tpu.memory_space<vmem_shared>>) target(%arg9 : memref<128x32xf32, #tpu.memory_space<vmem>>) offsets(%dma_start3A_81 : memref<128xi32, #tpu.memory_space<vmem>>) semaphore(%dma_start3A_86 : memref<!tpu.dma_semaphore, #tpu.memory_space<semaphore_mem>>)
    %dma_start3A_87 = arith.constant 2 : i32
    %dma_start3A_88 = arith.constant 2 : i32
    %dma_start3A_89 = arith.constant 0 : i32
    %dma_start3A_90 = tpu.memref_slice %arg6[%dma_start3A_87, %dma_start3A_89] : memref<160x128xi32, #tpu.memory_space<vmem>> -> memref<1x128xi32, #tpu.memory_space<vmem>>
    %dma_start3A_91 = tpu.memref_squeeze %dma_start3A_90 : memref<1x128xi32, #tpu.memory_space<vmem>> -> memref<128xi32, #tpu.memory_space<vmem>>
    %dma_start3A_92 = arith.constant 0 : i32
    %dma_start3A_93 = arith.constant 0 : i32
    %dma_start3A_94 = tpu.memref_slice %arg17[%dma_start3A_92, %dma_start3A_93] : memref<10112x32xf32, #tpu.memory_space<vmem_shared>> -> memref<10112x32xf32, #tpu.memory_space<vmem_shared>>
    %dma_start3A_95 = tpu.memref_slice %arg18[%dma_start3A_88] : memref<8x!tpu.dma_semaphore, #tpu.memory_space<semaphore_mem>> -> memref<1x!tpu.dma_semaphore, #tpu.memory_space<semaphore_mem>>
    %dma_start3A_96 = tpu.memref_squeeze %dma_start3A_95 : memref<1x!tpu.dma_semaphore, #tpu.memory_space<semaphore_mem>> -> memref<!tpu.dma_semaphore, #tpu.memory_space<semaphore_mem>>
    tpu.enqueue_indirect_dma source(%dma_start3A_94 : memref<10112x32xf32, #tpu.memory_space<vmem_shared>>) target(%arg10 : memref<128x32xf32, #tpu.memory_space<vmem>>) offsets(%dma_start3A_91 : memref<128xi32, #tpu.memory_space<vmem>>) semaphore(%dma_start3A_96 : memref<!tpu.dma_semaphore, #tpu.memory_space<semaphore_mem>>)
    %dma_start3A_97 = arith.constant 3 : i32
    %dma_start3A_98 = arith.constant 3 : i32
    %dma_start3A_99 = arith.constant 0 : i32
    %dma_start3A_100 = tpu.memref_slice %arg6[%dma_start3A_97, %dma_start3A_99] : memref<160x128xi32, #tpu.memory_space<vmem>> -> memref<1x128xi32, #tpu.memory_space<vmem>>
    %dma_start3A_101 = tpu.memref_squeeze %dma_start3A_100 : memref<1x128xi32, #tpu.memory_space<vmem>> -> memref<128xi32, #tpu.memory_space<vmem>>
    %dma_start3A_102 = arith.constant 0 : i32
    %dma_start3A_103 = arith.constant 0 : i32
    %dma_start3A_104 = tpu.memref_slice %arg17[%dma_start3A_102, %dma_start3A_103] : memref<10112x32xf32, #tpu.memory_space<vmem_shared>> -> memref<10112x32xf32, #tpu.memory_space<vmem_shared>>
    %dma_start3A_105 = tpu.memref_slice %arg18[%dma_start3A_98] : memref<8x!tpu.dma_semaphore, #tpu.memory_space<semaphore_mem>> -> memref<1x!tpu.dma_semaphore, #tpu.memory_space<semaphore_mem>>
    %dma_start3A_106 = tpu.memref_squeeze %dma_start3A_105 : memref<1x!tpu.dma_semaphore, #tpu.memory_space<semaphore_mem>> -> memref<!tpu.dma_semaphore, #tpu.memory_space<semaphore_mem>>
    tpu.enqueue_indirect_dma source(%dma_start3A_104 : memref<10112x32xf32, #tpu.memory_space<vmem_shared>>) target(%arg11 : memref<128x32xf32, #tpu.memory_space<vmem>>) offsets(%dma_start3A_101 : memref<128xi32, #tpu.memory_space<vmem>>) semaphore(%dma_start3A_106 : memref<!tpu.dma_semaphore, #tpu.memory_space<semaphore_mem>>)
    %dma_start3A_107 = arith.constant 4 : i32
    %dma_start3A_108 = arith.constant 4 : i32
    %dma_start3A_109 = arith.constant 0 : i32
    %dma_start3A_110 = tpu.memref_slice %arg6[%dma_start3A_107, %dma_start3A_109] : memref<160x128xi32, #tpu.memory_space<vmem>> -> memref<1x128xi32, #tpu.memory_space<vmem>>
    %dma_start3A_111 = tpu.memref_squeeze %dma_start3A_110 : memref<1x128xi32, #tpu.memory_space<vmem>> -> memref<128xi32, #tpu.memory_space<vmem>>
    %dma_start3A_112 = arith.constant 0 : i32
    %dma_start3A_113 = arith.constant 0 : i32
    %dma_start3A_114 = tpu.memref_slice %arg17[%dma_start3A_112, %dma_start3A_113] : memref<10112x32xf32, #tpu.memory_space<vmem_shared>> -> memref<10112x32xf32, #tpu.memory_space<vmem_shared>>
    %dma_start3A_115 = tpu.memref_slice %arg18[%dma_start3A_108] : memref<8x!tpu.dma_semaphore, #tpu.memory_space<semaphore_mem>> -> memref<1x!tpu.dma_semaphore, #tpu.memory_space<semaphore_mem>>
    %dma_start3A_116 = tpu.memref_squeeze %dma_start3A_115 : memref<1x!tpu.dma_semaphore, #tpu.memory_space<semaphore_mem>> -> memref<!tpu.dma_semaphore, #tpu.memory_space<semaphore_mem>>
    tpu.enqueue_indirect_dma source(%dma_start3A_114 : memref<10112x32xf32, #tpu.memory_space<vmem_shared>>) target(%arg12 : memref<128x32xf32, #tpu.memory_space<vmem>>) offsets(%dma_start3A_111 : memref<128xi32, #tpu.memory_space<vmem>>) semaphore(%dma_start3A_116 : memref<!tpu.dma_semaphore, #tpu.memory_space<semaphore_mem>>)
    %dma_start3A_117 = arith.constant 5 : i32
    %dma_start3A_118 = arith.constant 5 : i32
    %dma_start3A_119 = arith.constant 0 : i32
    %dma_start3A_120 = tpu.memref_slice %arg6[%dma_start3A_117, %dma_start3A_119] : memref<160x128xi32, #tpu.memory_space<vmem>> -> memref<1x128xi32, #tpu.memory_space<vmem>>
    %dma_start3A_121 = tpu.memref_squeeze %dma_start3A_120 : memref<1x128xi32, #tpu.memory_space<vmem>> -> memref<128xi32, #tpu.memory_space<vmem>>
    %dma_start3A_122 = arith.constant 0 : i32
    %dma_start3A_123 = arith.constant 0 : i32
    %dma_start3A_124 = tpu.memref_slice %arg17[%dma_start3A_122, %dma_start3A_123] : memref<10112x32xf32, #tpu.memory_space<vmem_shared>> -> memref<10112x32xf32, #tpu.memory_space<vmem_shared>>
    %dma_start3A_125 = tpu.memref_slice %arg18[%dma_start3A_118] : memref<8x!tpu.dma_semaphore, #tpu.memory_space<semaphore_mem>> -> memref<1x!tpu.dma_semaphore, #tpu.memory_space<semaphore_mem>>
    %dma_start3A_126 = tpu.memref_squeeze %dma_start3A_125 : memref<1x!tpu.dma_semaphore, #tpu.memory_space<semaphore_mem>> -> memref<!tpu.dma_semaphore, #tpu.memory_space<semaphore_mem>>
    tpu.enqueue_indirect_dma source(%dma_start3A_124 : memref<10112x32xf32, #tpu.memory_space<vmem_shared>>) target(%arg13 : memref<128x32xf32, #tpu.memory_space<vmem>>) offsets(%dma_start3A_121 : memref<128xi32, #tpu.memory_space<vmem>>) semaphore(%dma_start3A_126 : memref<!tpu.dma_semaphore, #tpu.memory_space<semaphore_mem>>)
    %dma_start3A_127 = arith.constant 6 : i32
    %dma_start3A_128 = arith.constant 6 : i32
    %dma_start3A_129 = arith.constant 0 : i32
    %dma_start3A_130 = tpu.memref_slice %arg6[%dma_start3A_127, %dma_start3A_129] : memref<160x128xi32, #tpu.memory_space<vmem>> -> memref<1x128xi32, #tpu.memory_space<vmem>>
    %dma_start3A_131 = tpu.memref_squeeze %dma_start3A_130 : memref<1x128xi32, #tpu.memory_space<vmem>> -> memref<128xi32, #tpu.memory_space<vmem>>
    %dma_start3A_132 = arith.constant 0 : i32
    %dma_start3A_133 = arith.constant 0 : i32
    %dma_start3A_134 = tpu.memref_slice %arg17[%dma_start3A_132, %dma_start3A_133] : memref<10112x32xf32, #tpu.memory_space<vmem_shared>> -> memref<10112x32xf32, #tpu.memory_space<vmem_shared>>
    %dma_start3A_135 = tpu.memref_slice %arg18[%dma_start3A_128] : memref<8x!tpu.dma_semaphore, #tpu.memory_space<semaphore_mem>> -> memref<1x!tpu.dma_semaphore, #tpu.memory_space<semaphore_mem>>
    %dma_start3A_136 = tpu.memref_squeeze %dma_start3A_135 : memref<1x!tpu.dma_semaphore, #tpu.memory_space<semaphore_mem>> -> memref<!tpu.dma_semaphore, #tpu.memory_space<semaphore_mem>>
    tpu.enqueue_indirect_dma source(%dma_start3A_134 : memref<10112x32xf32, #tpu.memory_space<vmem_shared>>) target(%arg14 : memref<128x32xf32, #tpu.memory_space<vmem>>) offsets(%dma_start3A_131 : memref<128xi32, #tpu.memory_space<vmem>>) semaphore(%dma_start3A_136 : memref<!tpu.dma_semaphore, #tpu.memory_space<semaphore_mem>>)
    %dma_start3A_137 = arith.constant 7 : i32
    %dma_start3A_138 = arith.constant 7 : i32
    %dma_start3A_139 = arith.constant 0 : i32
    %dma_start3A_140 = tpu.memref_slice %arg6[%dma_start3A_137, %dma_start3A_139] : memref<160x128xi32, #tpu.memory_space<vmem>> -> memref<1x128xi32, #tpu.memory_space<vmem>>
    %dma_start3A_141 = tpu.memref_squeeze %dma_start3A_140 : memref<1x128xi32, #tpu.memory_space<vmem>> -> memref<128xi32, #tpu.memory_space<vmem>>
    %dma_start3A_142 = arith.constant 0 : i32
    %dma_start3A_143 = arith.constant 0 : i32
    %dma_start3A_144 = tpu.memref_slice %arg17[%dma_start3A_142, %dma_start3A_143] : memref<10112x32xf32, #tpu.memory_space<vmem_shared>> -> memref<10112x32xf32, #tpu.memory_space<vmem_shared>>
    %dma_start3A_145 = tpu.memref_slice %arg18[%dma_start3A_138] : memref<8x!tpu.dma_semaphore, #tpu.memory_space<semaphore_mem>> -> memref<1x!tpu.dma_semaphore, #tpu.memory_space<semaphore_mem>>
    %dma_start3A_146 = tpu.memref_squeeze %dma_start3A_145 : memref<1x!tpu.dma_semaphore, #tpu.memory_space<semaphore_mem>> -> memref<!tpu.dma_semaphore, #tpu.memory_space<semaphore_mem>>
    tpu.enqueue_indirect_dma source(%dma_start3A_144 : memref<10112x32xf32, #tpu.memory_space<vmem_shared>>) target(%arg15 : memref<128x32xf32, #tpu.memory_space<vmem>>) offsets(%dma_start3A_141 : memref<128xi32, #tpu.memory_space<vmem>>) semaphore(%dma_start3A_146 : memref<!tpu.dma_semaphore, #tpu.memory_space<semaphore_mem>>)
    %dma_wait3A_147 = arith.constant 0 : i32
    %dma_wait3A_148 = arith.constant 0 : i32
    %dma_wait3A_149 = arith.constant 0 : i32
    %dma_wait3A_150 = tpu.memref_slice %arg6[%dma_wait3A_147, %dma_wait3A_149] : memref<160x128xi32, #tpu.memory_space<vmem>> -> memref<1x128xi32, #tpu.memory_space<vmem>>
    %dma_wait3A_151 = tpu.memref_squeeze %dma_wait3A_150 : memref<1x128xi32, #tpu.memory_space<vmem>> -> memref<128xi32, #tpu.memory_space<vmem>>
    %dma_wait3A_152 = arith.constant 0 : i32
    %dma_wait3A_153 = arith.constant 0 : i32
    %dma_wait3A_154 = tpu.memref_slice %arg17[%dma_wait3A_152, %dma_wait3A_153] : memref<10112x32xf32, #tpu.memory_space<vmem_shared>> -> memref<10112x32xf32, #tpu.memory_space<vmem_shared>>
    %dma_wait3A_155 = tpu.memref_slice %arg18[%dma_wait3A_148] : memref<8x!tpu.dma_semaphore, #tpu.memory_space<semaphore_mem>> -> memref<1x!tpu.dma_semaphore, #tpu.memory_space<semaphore_mem>>
    %dma_wait3A_156 = tpu.memref_squeeze %dma_wait3A_155 : memref<1x!tpu.dma_semaphore, #tpu.memory_space<semaphore_mem>> -> memref<!tpu.dma_semaphore, #tpu.memory_space<semaphore_mem>>
    tpu.wait_indirect_dma semaphore(%dma_wait3A_156 : memref<!tpu.dma_semaphore, #tpu.memory_space<semaphore_mem>>) src(%dma_wait3A_154 : memref<10112x32xf32, #tpu.memory_space<vmem_shared>>) dst(%arg8 : memref<128x32xf32, #tpu.memory_space<vmem>>)
    %dma_start3A_157 = arith.constant 0 : i32
    %dma_start3A_158 = arith.constant 0 : i32
    %dma_start3A_159 = arith.constant 0 : i32
    %dma_start3A_160 = tpu.memref_slice %arg7[%dma_start3A_157, %dma_start3A_159] : memref<160x128xi32, #tpu.memory_space<vmem>> -> memref<1x128xi32, #tpu.memory_space<vmem>>
    %dma_start3A_161 = tpu.memref_squeeze %dma_start3A_160 : memref<1x128xi32, #tpu.memory_space<vmem>> -> memref<128xi32, #tpu.memory_space<vmem>>
    %dma_start3A_162 = arith.constant 0 : i32
    %dma_start3A_163 = arith.constant 0 : i32
    %dma_start3A_164 = tpu.memref_slice %arg16[%dma_start3A_162, %dma_start3A_163] : memref<10112x32xf32, #tpu.memory_space<vmem_shared>> -> memref<10112x32xf32, #tpu.memory_space<vmem_shared>>
    %dma_start3A_165 = tpu.memref_slice %arg19[%dma_start3A_158] : memref<8x!tpu.dma_semaphore, #tpu.memory_space<semaphore_mem>> -> memref<1x!tpu.dma_semaphore, #tpu.memory_space<semaphore_mem>>
    %dma_start3A_166 = tpu.memref_squeeze %dma_start3A_165 : memref<1x!tpu.dma_semaphore, #tpu.memory_space<semaphore_mem>> -> memref<!tpu.dma_semaphore, #tpu.memory_space<semaphore_mem>>
    tpu.enqueue_indirect_dma source(%arg8 : memref<128x32xf32, #tpu.memory_space<vmem>>) target(%dma_start3A_164 : memref<10112x32xf32, #tpu.memory_space<vmem_shared>>) offsets(%dma_start3A_161 : memref<128xi32, #tpu.memory_space<vmem>>) semaphore(%dma_start3A_166 : memref<!tpu.dma_semaphore, #tpu.memory_space<semaphore_mem>>) {add = true}
    %dma_wait3A_167 = arith.constant 1 : i32
    %dma_wait3A_168 = arith.constant 1 : i32
    %dma_wait3A_169 = arith.constant 0 : i32
    %dma_wait3A_170 = tpu.memref_slice %arg6[%dma_wait3A_167, %dma_wait3A_169] : memref<160x128xi32, #tpu.memory_space<vmem>> -> memref<1x128xi32, #tpu.memory_space<vmem>>
    %dma_wait3A_171 = tpu.memref_squeeze %dma_wait3A_170 : memref<1x128xi32, #tpu.memory_space<vmem>> -> memref<128xi32, #tpu.memory_space<vmem>>
    %dma_wait3A_172 = arith.constant 0 : i32
    %dma_wait3A_173 = arith.constant 0 : i32
    %dma_wait3A_174 = tpu.memref_slice %arg17[%dma_wait3A_172, %dma_wait3A_173] : memref<10112x32xf32, #tpu.memory_space<vmem_shared>> -> memref<10112x32xf32, #tpu.memory_space<vmem_shared>>
    %dma_wait3A_175 = tpu.memref_slice %arg18[%dma_wait3A_168] : memref<8x!tpu.dma_semaphore, #tpu.memory_space<semaphore_mem>> -> memref<1x!tpu.dma_semaphore, #tpu.memory_space<semaphore_mem>>
    %dma_wait3A_176 = tpu.memref_squeeze %dma_wait3A_175 : memref<1x!tpu.dma_semaphore, #tpu.memory_space<semaphore_mem>> -> memref<!tpu.dma_semaphore, #tpu.memory_space<semaphore_mem>>
    tpu.wait_indirect_dma semaphore(%dma_wait3A_176 : memref<!tpu.dma_semaphore, #tpu.memory_space<semaphore_mem>>) src(%dma_wait3A_174 : memref<10112x32xf32, #tpu.memory_space<vmem_shared>>) dst(%arg9 : memref<128x32xf32, #tpu.memory_space<vmem>>)
    %dma_start3A_177 = arith.constant 1 : i32
    %dma_start3A_178 = arith.constant 1 : i32
    %dma_start3A_179 = arith.constant 0 : i32
    %dma_start3A_180 = tpu.memref_slice %arg7[%dma_start3A_177, %dma_start3A_179] : memref<160x128xi32, #tpu.memory_space<vmem>> -> memref<1x128xi32, #tpu.memory_space<vmem>>
    %dma_start3A_181 = tpu.memref_squeeze %dma_start3A_180 : memref<1x128xi32, #tpu.memory_space<vmem>> -> memref<128xi32, #tpu.memory_space<vmem>>
    %dma_start3A_182 = arith.constant 0 : i32
    %dma_start3A_183 = arith.constant 0 : i32
    %dma_start3A_184 = tpu.memref_slice %arg16[%dma_start3A_182, %dma_start3A_183] : memref<10112x32xf32, #tpu.memory_space<vmem_shared>> -> memref<10112x32xf32, #tpu.memory_space<vmem_shared>>
    %dma_start3A_185 = tpu.memref_slice %arg19[%dma_start3A_178] : memref<8x!tpu.dma_semaphore, #tpu.memory_space<semaphore_mem>> -> memref<1x!tpu.dma_semaphore, #tpu.memory_space<semaphore_mem>>
    %dma_start3A_186 = tpu.memref_squeeze %dma_start3A_185 : memref<1x!tpu.dma_semaphore, #tpu.memory_space<semaphore_mem>> -> memref<!tpu.dma_semaphore, #tpu.memory_space<semaphore_mem>>
    tpu.enqueue_indirect_dma source(%arg9 : memref<128x32xf32, #tpu.memory_space<vmem>>) target(%dma_start3A_184 : memref<10112x32xf32, #tpu.memory_space<vmem_shared>>) offsets(%dma_start3A_181 : memref<128xi32, #tpu.memory_space<vmem>>) semaphore(%dma_start3A_186 : memref<!tpu.dma_semaphore, #tpu.memory_space<semaphore_mem>>) {add = true}
    %dma_wait3A_187 = arith.constant 2 : i32
    %dma_wait3A_188 = arith.constant 2 : i32
    %dma_wait3A_189 = arith.constant 0 : i32
    %dma_wait3A_190 = tpu.memref_slice %arg6[%dma_wait3A_187, %dma_wait3A_189] : memref<160x128xi32, #tpu.memory_space<vmem>> -> memref<1x128xi32, #tpu.memory_space<vmem>>
    %dma_wait3A_191 = tpu.memref_squeeze %dma_wait3A_190 : memref<1x128xi32, #tpu.memory_space<vmem>> -> memref<128xi32, #tpu.memory_space<vmem>>
    %dma_wait3A_192 = arith.constant 0 : i32
    %dma_wait3A_193 = arith.constant 0 : i32
    %dma_wait3A_194 = tpu.memref_slice %arg17[%dma_wait3A_192, %dma_wait3A_193] : memref<10112x32xf32, #tpu.memory_space<vmem_shared>> -> memref<10112x32xf32, #tpu.memory_space<vmem_shared>>
    %dma_wait3A_195 = tpu.memref_slice %arg18[%dma_wait3A_188] : memref<8x!tpu.dma_semaphore, #tpu.memory_space<semaphore_mem>> -> memref<1x!tpu.dma_semaphore, #tpu.memory_space<semaphore_mem>>
    %dma_wait3A_196 = tpu.memref_squeeze %dma_wait3A_195 : memref<1x!tpu.dma_semaphore, #tpu.memory_space<semaphore_mem>> -> memref<!tpu.dma_semaphore, #tpu.memory_space<semaphore_mem>>
    tpu.wait_indirect_dma semaphore(%dma_wait3A_196 : memref<!tpu.dma_semaphore, #tpu.memory_space<semaphore_mem>>) src(%dma_wait3A_194 : memref<10112x32xf32, #tpu.memory_space<vmem_shared>>) dst(%arg10 : memref<128x32xf32, #tpu.memory_space<vmem>>)
    %dma_start3A_197 = arith.constant 2 : i32
    %dma_start3A_198 = arith.constant 2 : i32
    %dma_start3A_199 = arith.constant 0 : i32
    %dma_start3A_200 = tpu.memref_slice %arg7[%dma_start3A_197, %dma_start3A_199] : memref<160x128xi32, #tpu.memory_space<vmem>> -> memref<1x128xi32, #tpu.memory_space<vmem>>
    %dma_start3A_201 = tpu.memref_squeeze %dma_start3A_200 : memref<1x128xi32, #tpu.memory_space<vmem>> -> memref<128xi32, #tpu.memory_space<vmem>>
    %dma_start3A_202 = arith.constant 0 : i32
    %dma_start3A_203 = arith.constant 0 : i32
    %dma_start3A_204 = tpu.memref_slice %arg16[%dma_start3A_202, %dma_start3A_203] : memref<10112x32xf32, #tpu.memory_space<vmem_shared>> -> memref<10112x32xf32, #tpu.memory_space<vmem_shared>>
    %dma_start3A_205 = tpu.memref_slice %arg19[%dma_start3A_198] : memref<8x!tpu.dma_semaphore, #tpu.memory_space<semaphore_mem>> -> memref<1x!tpu.dma_semaphore, #tpu.memory_space<semaphore_mem>>
    %dma_start3A_206 = tpu.memref_squeeze %dma_start3A_205 : memref<1x!tpu.dma_semaphore, #tpu.memory_space<semaphore_mem>> -> memref<!tpu.dma_semaphore, #tpu.memory_space<semaphore_mem>>
    tpu.enqueue_indirect_dma source(%arg10 : memref<128x32xf32, #tpu.memory_space<vmem>>) target(%dma_start3A_204 : memref<10112x32xf32, #tpu.memory_space<vmem_shared>>) offsets(%dma_start3A_201 : memref<128xi32, #tpu.memory_space<vmem>>) semaphore(%dma_start3A_206 : memref<!tpu.dma_semaphore, #tpu.memory_space<semaphore_mem>>) {add = true}
    %dma_wait3A_207 = arith.constant 3 : i32
    %dma_wait3A_208 = arith.constant 3 : i32
    %dma_wait3A_209 = arith.constant 0 : i32
    %dma_wait3A_210 = tpu.memref_slice %arg6[%dma_wait3A_207, %dma_wait3A_209] : memref<160x128xi32, #tpu.memory_space<vmem>> -> memref<1x128xi32, #tpu.memory_space<vmem>>
    %dma_wait3A_211 = tpu.memref_squeeze %dma_wait3A_210 : memref<1x128xi32, #tpu.memory_space<vmem>> -> memref<128xi32, #tpu.memory_space<vmem>>
    %dma_wait3A_212 = arith.constant 0 : i32
    %dma_wait3A_213 = arith.constant 0 : i32
    %dma_wait3A_214 = tpu.memref_slice %arg17[%dma_wait3A_212, %dma_wait3A_213] : memref<10112x32xf32, #tpu.memory_space<vmem_shared>> -> memref<10112x32xf32, #tpu.memory_space<vmem_shared>>
    %dma_wait3A_215 = tpu.memref_slice %arg18[%dma_wait3A_208] : memref<8x!tpu.dma_semaphore, #tpu.memory_space<semaphore_mem>> -> memref<1x!tpu.dma_semaphore, #tpu.memory_space<semaphore_mem>>
    %dma_wait3A_216 = tpu.memref_squeeze %dma_wait3A_215 : memref<1x!tpu.dma_semaphore, #tpu.memory_space<semaphore_mem>> -> memref<!tpu.dma_semaphore, #tpu.memory_space<semaphore_mem>>
    tpu.wait_indirect_dma semaphore(%dma_wait3A_216 : memref<!tpu.dma_semaphore, #tpu.memory_space<semaphore_mem>>) src(%dma_wait3A_214 : memref<10112x32xf32, #tpu.memory_space<vmem_shared>>) dst(%arg11 : memref<128x32xf32, #tpu.memory_space<vmem>>)
    %dma_start3A_217 = arith.constant 3 : i32
    %dma_start3A_218 = arith.constant 3 : i32
    %dma_start3A_219 = arith.constant 0 : i32
    %dma_start3A_220 = tpu.memref_slice %arg7[%dma_start3A_217, %dma_start3A_219] : memref<160x128xi32, #tpu.memory_space<vmem>> -> memref<1x128xi32, #tpu.memory_space<vmem>>
    %dma_start3A_221 = tpu.memref_squeeze %dma_start3A_220 : memref<1x128xi32, #tpu.memory_space<vmem>> -> memref<128xi32, #tpu.memory_space<vmem>>
    %dma_start3A_222 = arith.constant 0 : i32
    %dma_start3A_223 = arith.constant 0 : i32
    %dma_start3A_224 = tpu.memref_slice %arg16[%dma_start3A_222, %dma_start3A_223] : memref<10112x32xf32, #tpu.memory_space<vmem_shared>> -> memref<10112x32xf32, #tpu.memory_space<vmem_shared>>
    %dma_start3A_225 = tpu.memref_slice %arg19[%dma_start3A_218] : memref<8x!tpu.dma_semaphore, #tpu.memory_space<semaphore_mem>> -> memref<1x!tpu.dma_semaphore, #tpu.memory_space<semaphore_mem>>
    %dma_start3A_226 = tpu.memref_squeeze %dma_start3A_225 : memref<1x!tpu.dma_semaphore, #tpu.memory_space<semaphore_mem>> -> memref<!tpu.dma_semaphore, #tpu.memory_space<semaphore_mem>>
    tpu.enqueue_indirect_dma source(%arg11 : memref<128x32xf32, #tpu.memory_space<vmem>>) target(%dma_start3A_224 : memref<10112x32xf32, #tpu.memory_space<vmem_shared>>) offsets(%dma_start3A_221 : memref<128xi32, #tpu.memory_space<vmem>>) semaphore(%dma_start3A_226 : memref<!tpu.dma_semaphore, #tpu.memory_space<semaphore_mem>>) {add = true}
    %dma_wait3A_227 = arith.constant 4 : i32
    %dma_wait3A_228 = arith.constant 4 : i32
    %dma_wait3A_229 = arith.constant 0 : i32
    %dma_wait3A_230 = tpu.memref_slice %arg6[%dma_wait3A_227, %dma_wait3A_229] : memref<160x128xi32, #tpu.memory_space<vmem>> -> memref<1x128xi32, #tpu.memory_space<vmem>>
    %dma_wait3A_231 = tpu.memref_squeeze %dma_wait3A_230 : memref<1x128xi32, #tpu.memory_space<vmem>> -> memref<128xi32, #tpu.memory_space<vmem>>
    %dma_wait3A_232 = arith.constant 0 : i32
    %dma_wait3A_233 = arith.constant 0 : i32
    %dma_wait3A_234 = tpu.memref_slice %arg17[%dma_wait3A_232, %dma_wait3A_233] : memref<10112x32xf32, #tpu.memory_space<vmem_shared>> -> memref<10112x32xf32, #tpu.memory_space<vmem_shared>>
    %dma_wait3A_235 = tpu.memref_slice %arg18[%dma_wait3A_228] : memref<8x!tpu.dma_semaphore, #tpu.memory_space<semaphore_mem>> -> memref<1x!tpu.dma_semaphore, #tpu.memory_space<semaphore_mem>>
    %dma_wait3A_236 = tpu.memref_squeeze %dma_wait3A_235 : memref<1x!tpu.dma_semaphore, #tpu.memory_space<semaphore_mem>> -> memref<!tpu.dma_semaphore, #tpu.memory_space<semaphore_mem>>
    tpu.wait_indirect_dma semaphore(%dma_wait3A_236 : memref<!tpu.dma_semaphore, #tpu.memory_space<semaphore_mem>>) src(%dma_wait3A_234 : memref<10112x32xf32, #tpu.memory_space<vmem_shared>>) dst(%arg12 : memref<128x32xf32, #tpu.memory_space<vmem>>)
    %dma_start3A_237 = arith.constant 4 : i32
    %dma_start3A_238 = arith.constant 4 : i32
    %dma_start3A_239 = arith.constant 0 : i32
    %dma_start3A_240 = tpu.memref_slice %arg7[%dma_start3A_237, %dma_start3A_239] : memref<160x128xi32, #tpu.memory_space<vmem>> -> memref<1x128xi32, #tpu.memory_space<vmem>>
    %dma_start3A_241 = tpu.memref_squeeze %dma_start3A_240 : memref<1x128xi32, #tpu.memory_space<vmem>> -> memref<128xi32, #tpu.memory_space<vmem>>
    %dma_start3A_242 = arith.constant 0 : i32
    %dma_start3A_243 = arith.constant 0 : i32
    %dma_start3A_244 = tpu.memref_slice %arg16[%dma_start3A_242, %dma_start3A_243] : memref<10112x32xf32, #tpu.memory_space<vmem_shared>> -> memref<10112x32xf32, #tpu.memory_space<vmem_shared>>
    %dma_start3A_245 = tpu.memref_slice %arg19[%dma_start3A_238] : memref<8x!tpu.dma_semaphore, #tpu.memory_space<semaphore_mem>> -> memref<1x!tpu.dma_semaphore, #tpu.memory_space<semaphore_mem>>
    %dma_start3A_246 = tpu.memref_squeeze %dma_start3A_245 : memref<1x!tpu.dma_semaphore, #tpu.memory_space<semaphore_mem>> -> memref<!tpu.dma_semaphore, #tpu.memory_space<semaphore_mem>>
    tpu.enqueue_indirect_dma source(%arg12 : memref<128x32xf32, #tpu.memory_space<vmem>>) target(%dma_start3A_244 : memref<10112x32xf32, #tpu.memory_space<vmem_shared>>) offsets(%dma_start3A_241 : memref<128xi32, #tpu.memory_space<vmem>>) semaphore(%dma_start3A_246 : memref<!tpu.dma_semaphore, #tpu.memory_space<semaphore_mem>>) {add = true}
    %dma_wait3A_247 = arith.constant 4 : i32
    %dma_wait3A_248 = arith.constant 0 : i32
    %dma_wait3A_249 = arith.constant 0 : i32
    %dma_wait3A_250 = tpu.memref_slice %arg7[%dma_wait3A_247, %dma_wait3A_249] : memref<160x128xi32, #tpu.memory_space<vmem>> -> memref<1x128xi32, #tpu.memory_space<vmem>>
    %dma_wait3A_251 = tpu.memref_squeeze %dma_wait3A_250 : memref<1x128xi32, #tpu.memory_space<vmem>> -> memref<128xi32, #tpu.memory_space<vmem>>
    %dma_wait3A_252 = arith.constant 0 : i32
    %dma_wait3A_253 = arith.constant 0 : i32
    %dma_wait3A_254 = tpu.memref_slice %arg16[%dma_wait3A_252, %dma_wait3A_253] : memref<10112x32xf32, #tpu.memory_space<vmem_shared>> -> memref<10112x32xf32, #tpu.memory_space<vmem_shared>>
    %dma_wait3A_255 = tpu.memref_slice %arg19[%dma_wait3A_248] : memref<8x!tpu.dma_semaphore, #tpu.memory_space<semaphore_mem>> -> memref<1x!tpu.dma_semaphore, #tpu.memory_space<semaphore_mem>>
    %dma_wait3A_256 = tpu.memref_squeeze %dma_wait3A_255 : memref<1x!tpu.dma_semaphore, #tpu.memory_space<semaphore_mem>> -> memref<!tpu.dma_semaphore, #tpu.memory_space<semaphore_mem>>
    tpu.wait_indirect_dma semaphore(%dma_wait3A_256 : memref<!tpu.dma_semaphore, #tpu.memory_space<semaphore_mem>>) src(%arg8 : memref<128x32xf32, #tpu.memory_space<vmem>>) dst(%dma_wait3A_254 : memref<10112x32xf32, #tpu.memory_space<vmem_shared>>)
    %dma_start3A_257 = arith.constant 8 : i32
    %dma_start3A_258 = arith.constant 0 : i32
    %dma_start3A_259 = arith.constant 0 : i32
    %dma_start3A_260 = tpu.memref_slice %arg6[%dma_start3A_257, %dma_start3A_259] : memref<160x128xi32, #tpu.memory_space<vmem>> -> memref<1x128xi32, #tpu.memory_space<vmem>>
    %dma_start3A_261 = tpu.memref_squeeze %dma_start3A_260 : memref<1x128xi32, #tpu.memory_space<vmem>> -> memref<128xi32, #tpu.memory_space<vmem>>
    %dma_start3A_262 = arith.constant 0 : i32
    %dma_start3A_263 = arith.constant 0 : i32
    %dma_start3A_264 = tpu.memref_slice %arg17[%dma_start3A_262, %dma_start3A_263] : memref<10112x32xf32, #tpu.memory_space<vmem_shared>> -> memref<10112x32xf32, #tpu.memory_space<vmem_shared>>
    %dma_start3A_265 = tpu.memref_slice %arg18[%dma_start3A_258] : memref<8x!tpu.dma_semaphore, #tpu.memory_space<semaphore_mem>> -> memref<1x!tpu.dma_semaphore, #tpu.memory_space<semaphore_mem>>
    %dma_start3A_266 = tpu.memref_squeeze %dma_start3A_265 : memref<1x!tpu.dma_semaphore, #tpu.memory_space<semaphore_mem>> -> memref<!tpu.dma_semaphore, #tpu.memory_space<semaphore_mem>>
    tpu.enqueue_indirect_dma source(%dma_start3A_264 : memref<10112x32xf32, #tpu.memory_space<vmem_shared>>) target(%arg8 : memref<128x32xf32, #tpu.memory_space<vmem>>) offsets(%dma_start3A_261 : memref<128xi32, #tpu.memory_space<vmem>>) semaphore(%dma_start3A_266 : memref<!tpu.dma_semaphore, #tpu.memory_space<semaphore_mem>>)
    %dma_wait3A_267 = arith.constant 5 : i32
    %dma_wait3A_268 = arith.constant 5 : i32
    %dma_wait3A_269 = arith.constant 0 : i32
    %dma_wait3A_270 = tpu.memref_slice %arg6[%dma_wait3A_267, %dma_wait3A_269] : memref<160x128xi32, #tpu.memory_space<vmem>> -> memref<1x128xi32, #tpu.memory_space<vmem>>
    %dma_wait3A_271 = tpu.memref_squeeze %dma_wait3A_270 : memref<1x128xi32, #tpu.memory_space<vmem>> -> memref<128xi32, #tpu.memory_space<vmem>>
    %dma_wait3A_272 = arith.constant 0 : i32
    %dma_wait3A_273 = arith.constant 0 : i32
    %dma_wait3A_274 = tpu.memref_slice %arg17[%dma_wait3A_272, %dma_wait3A_273] : memref<10112x32xf32, #tpu.memory_space<vmem_shared>> -> memref<10112x32xf32, #tpu.memory_space<vmem_shared>>
    %dma_wait3A_275 = tpu.memref_slice %arg18[%dma_wait3A_268] : memref<8x!tpu.dma_semaphore, #tpu.memory_space<semaphore_mem>> -> memref<1x!tpu.dma_semaphore, #tpu.memory_space<semaphore_mem>>
    %dma_wait3A_276 = tpu.memref_squeeze %dma_wait3A_275 : memref<1x!tpu.dma_semaphore, #tpu.memory_space<semaphore_mem>> -> memref<!tpu.dma_semaphore, #tpu.memory_space<semaphore_mem>>
    tpu.wait_indirect_dma semaphore(%dma_wait3A_276 : memref<!tpu.dma_semaphore, #tpu.memory_space<semaphore_mem>>) src(%dma_wait3A_274 : memref<10112x32xf32, #tpu.memory_space<vmem_shared>>) dst(%arg13 : memref<128x32xf32, #tpu.memory_space<vmem>>)
    %dma_start3A_277 = arith.constant 5 : i32
    %dma_start3A_278 = arith.constant 5 : i32
    %dma_start3A_279 = arith.constant 0 : i32
    %dma_start3A_280 = tpu.memref_slice %arg7[%dma_start3A_277, %dma_start3A_279] : memref<160x128xi32, #tpu.memory_space<vmem>> -> memref<1x128xi32, #tpu.memory_space<vmem>>
    %dma_start3A_281 = tpu.memref_squeeze %dma_start3A_280 : memref<1x128xi32, #tpu.memory_space<vmem>> -> memref<128xi32, #tpu.memory_space<vmem>>
    %dma_start3A_282 = arith.constant 0 : i32
    %dma_start3A_283 = arith.constant 0 : i32
    %dma_start3A_284 = tpu.memref_slice %arg16[%dma_start3A_282, %dma_start3A_283] : memref<10112x32xf32, #tpu.memory_space<vmem_shared>> -> memref<10112x32xf32, #tpu.memory_space<vmem_shared>>
    %dma_start3A_285 = tpu.memref_slice %arg19[%dma_start3A_278] : memref<8x!tpu.dma_semaphore, #tpu.memory_space<semaphore_mem>> -> memref<1x!tpu.dma_semaphore, #tpu.memory_space<semaphore_mem>>
    %dma_start3A_286 = tpu.memref_squeeze %dma_start3A_285 : memref<1x!tpu.dma_semaphore, #tpu.memory_space<semaphore_mem>> -> memref<!tpu.dma_semaphore, #tpu.memory_space<semaphore_mem>>
    tpu.enqueue_indirect_dma source(%arg13 : memref<128x32xf32, #tpu.memory_space<vmem>>) target(%dma_start3A_284 : memref<10112x32xf32, #tpu.memory_space<vmem_shared>>) offsets(%dma_start3A_281 : memref<128xi32, #tpu.memory_space<vmem>>) semaphore(%dma_start3A_286 : memref<!tpu.dma_semaphore, #tpu.memory_space<semaphore_mem>>) {add = true}
    %dma_wait3A_287 = arith.constant 5 : i32
    %dma_wait3A_288 = arith.constant 1 : i32
    %dma_wait3A_289 = arith.constant 0 : i32
    %dma_wait3A_290 = tpu.memref_slice %arg7[%dma_wait3A_287, %dma_wait3A_289] : memref<160x128xi32, #tpu.memory_space<vmem>> -> memref<1x128xi32, #tpu.memory_space<vmem>>
    %dma_wait3A_291 = tpu.memref_squeeze %dma_wait3A_290 : memref<1x128xi32, #tpu.memory_space<vmem>> -> memref<128xi32, #tpu.memory_space<vmem>>
    %dma_wait3A_292 = arith.constant 0 : i32
    %dma_wait3A_293 = arith.constant 0 : i32
    %dma_wait3A_294 = tpu.memref_slice %arg16[%dma_wait3A_292, %dma_wait3A_293] : memref<10112x32xf32, #tpu.memory_space<vmem_shared>> -> memref<10112x32xf32, #tpu.memory_space<vmem_shared>>
    %dma_wait3A_295 = tpu.memref_slice %arg19[%dma_wait3A_288] : memref<8x!tpu.dma_semaphore, #tpu.memory_space<semaphore_mem>> -> memref<1x!tpu.dma_semaphore, #tpu.memory_space<semaphore_mem>>
    %dma_wait3A_296 = tpu.memref_squeeze %dma_wait3A_295 : memref<1x!tpu.dma_semaphore, #tpu.memory_space<semaphore_mem>> -> memref<!tpu.dma_semaphore, #tpu.memory_space<semaphore_mem>>
    tpu.wait_indirect_dma semaphore(%dma_wait3A_296 : memref<!tpu.dma_semaphore, #tpu.memory_space<semaphore_mem>>) src(%arg9 : memref<128x32xf32, #tpu.memory_space<vmem>>) dst(%dma_wait3A_294 : memref<10112x32xf32, #tpu.memory_space<vmem_shared>>)
    %dma_start3A_297 = arith.constant 9 : i32
    %dma_start3A_298 = arith.constant 1 : i32
    %dma_start3A_299 = arith.constant 0 : i32
    %dma_start3A_300 = tpu.memref_slice %arg6[%dma_start3A_297, %dma_start3A_299] : memref<160x128xi32, #tpu.memory_space<vmem>> -> memref<1x128xi32, #tpu.memory_space<vmem>>
    %dma_start3A_301 = tpu.memref_squeeze %dma_start3A_300 : memref<1x128xi32, #tpu.memory_space<vmem>> -> memref<128xi32, #tpu.memory_space<vmem>>
    %dma_start3A_302 = arith.constant 0 : i32
    %dma_start3A_303 = arith.constant 0 : i32
    %dma_start3A_304 = tpu.memref_slice %arg17[%dma_start3A_302, %dma_start3A_303] : memref<10112x32xf32, #tpu.memory_space<vmem_shared>> -> memref<10112x32xf32, #tpu.memory_space<vmem_shared>>
    %dma_start3A_305 = tpu.memref_slice %arg18[%dma_start3A_298] : memref<8x!tpu.dma_semaphore, #tpu.memory_space<semaphore_mem>> -> memref<1x!tpu.dma_semaphore, #tpu.memory_space<semaphore_mem>>
    %dma_start3A_306 = tpu.memref_squeeze %dma_start3A_305 : memref<1x!tpu.dma_semaphore, #tpu.memory_space<semaphore_mem>> -> memref<!tpu.dma_semaphore, #tpu.memory_space<semaphore_mem>>
    tpu.enqueue_indirect_dma source(%dma_start3A_304 : memref<10112x32xf32, #tpu.memory_space<vmem_shared>>) target(%arg9 : memref<128x32xf32, #tpu.memory_space<vmem>>) offsets(%dma_start3A_301 : memref<128xi32, #tpu.memory_space<vmem>>) semaphore(%dma_start3A_306 : memref<!tpu.dma_semaphore, #tpu.memory_space<semaphore_mem>>)
    %dma_wait3A_307 = arith.constant 6 : i32
    %dma_wait3A_308 = arith.constant 6 : i32
    %dma_wait3A_309 = arith.constant 0 : i32
    %dma_wait3A_310 = tpu.memref_slice %arg6[%dma_wait3A_307, %dma_wait3A_309] : memref<160x128xi32, #tpu.memory_space<vmem>> -> memref<1x128xi32, #tpu.memory_space<vmem>>
    %dma_wait3A_311 = tpu.memref_squeeze %dma_wait3A_310 : memref<1x128xi32, #tpu.memory_space<vmem>> -> memref<128xi32, #tpu.memory_space<vmem>>
    %dma_wait3A_312 = arith.constant 0 : i32
    %dma_wait3A_313 = arith.constant 0 : i32
    %dma_wait3A_314 = tpu.memref_slice %arg17[%dma_wait3A_312, %dma_wait3A_313] : memref<10112x32xf32, #tpu.memory_space<vmem_shared>> -> memref<10112x32xf32, #tpu.memory_space<vmem_shared>>
    %dma_wait3A_315 = tpu.memref_slice %arg18[%dma_wait3A_308] : memref<8x!tpu.dma_semaphore, #tpu.memory_space<semaphore_mem>> -> memref<1x!tpu.dma_semaphore, #tpu.memory_space<semaphore_mem>>
    %dma_wait3A_316 = tpu.memref_squeeze %dma_wait3A_315 : memref<1x!tpu.dma_semaphore, #tpu.memory_space<semaphore_mem>> -> memref<!tpu.dma_semaphore, #tpu.memory_space<semaphore_mem>>
    tpu.wait_indirect_dma semaphore(%dma_wait3A_316 : memref<!tpu.dma_semaphore, #tpu.memory_space<semaphore_mem>>) src(%dma_wait3A_314 : memref<10112x32xf32, #tpu.memory_space<vmem_shared>>) dst(%arg14 : memref<128x32xf32, #tpu.memory_space<vmem>>)
    %dma_start3A_317 = arith.constant 6 : i32
    %dma_start3A_318 = arith.constant 6 : i32
    %dma_start3A_319 = arith.constant 0 : i32
    %dma_start3A_320 = tpu.memref_slice %arg7[%dma_start3A_317, %dma_start3A_319] : memref<160x128xi32, #tpu.memory_space<vmem>> -> memref<1x128xi32, #tpu.memory_space<vmem>>
    %dma_start3A_321 = tpu.memref_squeeze %dma_start3A_320 : memref<1x128xi32, #tpu.memory_space<vmem>> -> memref<128xi32, #tpu.memory_space<vmem>>
    %dma_start3A_322 = arith.constant 0 : i32
    %dma_start3A_323 = arith.constant 0 : i32
    %dma_start3A_324 = tpu.memref_slice %arg16[%dma_start3A_322, %dma_start3A_323] : memref<10112x32xf32, #tpu.memory_space<vmem_shared>> -> memref<10112x32xf32, #tpu.memory_space<vmem_shared>>
    %dma_start3A_325 = tpu.memref_slice %arg19[%dma_start3A_318] : memref<8x!tpu.dma_semaphore, #tpu.memory_space<semaphore_mem>> -> memref<1x!tpu.dma_semaphore, #tpu.memory_space<semaphore_mem>>
    %dma_start3A_326 = tpu.memref_squeeze %dma_start3A_325 : memref<1x!tpu.dma_semaphore, #tpu.memory_space<semaphore_mem>> -> memref<!tpu.dma_semaphore, #tpu.memory_space<semaphore_mem>>
    tpu.enqueue_indirect_dma source(%arg14 : memref<128x32xf32, #tpu.memory_space<vmem>>) target(%dma_start3A_324 : memref<10112x32xf32, #tpu.memory_space<vmem_shared>>) offsets(%dma_start3A_321 : memref<128xi32, #tpu.memory_space<vmem>>) semaphore(%dma_start3A_326 : memref<!tpu.dma_semaphore, #tpu.memory_space<semaphore_mem>>) {add = true}
    %dma_wait3A_327 = arith.constant 6 : i32
    %dma_wait3A_328 = arith.constant 2 : i32
    %dma_wait3A_329 = arith.constant 0 : i32
    %dma_wait3A_330 = tpu.memref_slice %arg7[%dma_wait3A_327, %dma_wait3A_329] : memref<160x128xi32, #tpu.memory_space<vmem>> -> memref<1x128xi32, #tpu.memory_space<vmem>>
    %dma_wait3A_331 = tpu.memref_squeeze %dma_wait3A_330 : memref<1x128xi32, #tpu.memory_space<vmem>> -> memref<128xi32, #tpu.memory_space<vmem>>
    %dma_wait3A_332 = arith.constant 0 : i32
    %dma_wait3A_333 = arith.constant 0 : i32
    %dma_wait3A_334 = tpu.memref_slice %arg16[%dma_wait3A_332, %dma_wait3A_333] : memref<10112x32xf32, #tpu.memory_space<vmem_shared>> -> memref<10112x32xf32, #tpu.memory_space<vmem_shared>>
    %dma_wait3A_335 = tpu.memref_slice %arg19[%dma_wait3A_328] : memref<8x!tpu.dma_semaphore, #tpu.memory_space<semaphore_mem>> -> memref<1x!tpu.dma_semaphore, #tpu.memory_space<semaphore_mem>>
    %dma_wait3A_336 = tpu.memref_squeeze %dma_wait3A_335 : memref<1x!tpu.dma_semaphore, #tpu.memory_space<semaphore_mem>> -> memref<!tpu.dma_semaphore, #tpu.memory_space<semaphore_mem>>
    tpu.wait_indirect_dma semaphore(%dma_wait3A_336 : memref<!tpu.dma_semaphore, #tpu.memory_space<semaphore_mem>>) src(%arg10 : memref<128x32xf32, #tpu.memory_space<vmem>>) dst(%dma_wait3A_334 : memref<10112x32xf32, #tpu.memory_space<vmem_shared>>)
    %dma_start3A_337 = arith.constant 10 : i32
    %dma_start3A_338 = arith.constant 2 : i32
    %dma_start3A_339 = arith.constant 0 : i32
    %dma_start3A_340 = tpu.memref_slice %arg6[%dma_start3A_337, %dma_start3A_339] : memref<160x128xi32, #tpu.memory_space<vmem>> -> memref<1x128xi32, #tpu.memory_space<vmem>>
    %dma_start3A_341 = tpu.memref_squeeze %dma_start3A_340 : memref<1x128xi32, #tpu.memory_space<vmem>> -> memref<128xi32, #tpu.memory_space<vmem>>
    %dma_start3A_342 = arith.constant 0 : i32
    %dma_start3A_343 = arith.constant 0 : i32
    %dma_start3A_344 = tpu.memref_slice %arg17[%dma_start3A_342, %dma_start3A_343] : memref<10112x32xf32, #tpu.memory_space<vmem_shared>> -> memref<10112x32xf32, #tpu.memory_space<vmem_shared>>
    %dma_start3A_345 = tpu.memref_slice %arg18[%dma_start3A_338] : memref<8x!tpu.dma_semaphore, #tpu.memory_space<semaphore_mem>> -> memref<1x!tpu.dma_semaphore, #tpu.memory_space<semaphore_mem>>
    %dma_start3A_346 = tpu.memref_squeeze %dma_start3A_345 : memref<1x!tpu.dma_semaphore, #tpu.memory_space<semaphore_mem>> -> memref<!tpu.dma_semaphore, #tpu.memory_space<semaphore_mem>>
    tpu.enqueue_indirect_dma source(%dma_start3A_344 : memref<10112x32xf32, #tpu.memory_space<vmem_shared>>) target(%arg10 : memref<128x32xf32, #tpu.memory_space<vmem>>) offsets(%dma_start3A_341 : memref<128xi32, #tpu.memory_space<vmem>>) semaphore(%dma_start3A_346 : memref<!tpu.dma_semaphore, #tpu.memory_space<semaphore_mem>>)
    %dma_wait3A_347 = arith.constant 7 : i32
    %dma_wait3A_348 = arith.constant 7 : i32
    %dma_wait3A_349 = arith.constant 0 : i32
    %dma_wait3A_350 = tpu.memref_slice %arg6[%dma_wait3A_347, %dma_wait3A_349] : memref<160x128xi32, #tpu.memory_space<vmem>> -> memref<1x128xi32, #tpu.memory_space<vmem>>
    %dma_wait3A_351 = tpu.memref_squeeze %dma_wait3A_350 : memref<1x128xi32, #tpu.memory_space<vmem>> -> memref<128xi32, #tpu.memory_space<vmem>>
    %dma_wait3A_352 = arith.constant 0 : i32
    %dma_wait3A_353 = arith.constant 0 : i32
    %dma_wait3A_354 = tpu.memref_slice %arg17[%dma_wait3A_352, %dma_wait3A_353] : memref<10112x32xf32, #tpu.memory_space<vmem_shared>> -> memref<10112x32xf32, #tpu.memory_space<vmem_shared>>
    %dma_wait3A_355 = tpu.memref_slice %arg18[%dma_wait3A_348] : memref<8x!tpu.dma_semaphore, #tpu.memory_space<semaphore_mem>> -> memref<1x!tpu.dma_semaphore, #tpu.memory_space<semaphore_mem>>
    %dma_wait3A_356 = tpu.memref_squeeze %dma_wait3A_355 : memref<1x!tpu.dma_semaphore, #tpu.memory_space<semaphore_mem>> -> memref<!tpu.dma_semaphore, #tpu.memory_space<semaphore_mem>>
    tpu.wait_indirect_dma semaphore(%dma_wait3A_356 : memref<!tpu.dma_semaphore, #tpu.memory_space<semaphore_mem>>) src(%dma_wait3A_354 : memref<10112x32xf32, #tpu.memory_space<vmem_shared>>) dst(%arg15 : memref<128x32xf32, #tpu.memory_space<vmem>>)
    %dma_start3A_357 = arith.constant 7 : i32
    %dma_start3A_358 = arith.constant 7 : i32
    %dma_start3A_359 = arith.constant 0 : i32
    %dma_start3A_360 = tpu.memref_slice %arg7[%dma_start3A_357, %dma_start3A_359] : memref<160x128xi32, #tpu.memory_space<vmem>> -> memref<1x128xi32, #tpu.memory_space<vmem>>
    %dma_start3A_361 = tpu.memref_squeeze %dma_start3A_360 : memref<1x128xi32, #tpu.memory_space<vmem>> -> memref<128xi32, #tpu.memory_space<vmem>>
    %dma_start3A_362 = arith.constant 0 : i32
    %dma_start3A_363 = arith.constant 0 : i32
    %dma_start3A_364 = tpu.memref_slice %arg16[%dma_start3A_362, %dma_start3A_363] : memref<10112x32xf32, #tpu.memory_space<vmem_shared>> -> memref<10112x32xf32, #tpu.memory_space<vmem_shared>>
    %dma_start3A_365 = tpu.memref_slice %arg19[%dma_start3A_358] : memref<8x!tpu.dma_semaphore, #tpu.memory_space<semaphore_mem>> -> memref<1x!tpu.dma_semaphore, #tpu.memory_space<semaphore_mem>>
    %dma_start3A_366 = tpu.memref_squeeze %dma_start3A_365 : memref<1x!tpu.dma_semaphore, #tpu.memory_space<semaphore_mem>> -> memref<!tpu.dma_semaphore, #tpu.memory_space<semaphore_mem>>
    tpu.enqueue_indirect_dma source(%arg15 : memref<128x32xf32, #tpu.memory_space<vmem>>) target(%dma_start3A_364 : memref<10112x32xf32, #tpu.memory_space<vmem_shared>>) offsets(%dma_start3A_361 : memref<128xi32, #tpu.memory_space<vmem>>) semaphore(%dma_start3A_366 : memref<!tpu.dma_semaphore, #tpu.memory_space<semaphore_mem>>) {add = true}
    %dma_wait3A_367 = arith.constant 7 : i32
    %dma_wait3A_368 = arith.constant 3 : i32
    %dma_wait3A_369 = arith.constant 0 : i32
    %dma_wait3A_370 = tpu.memref_slice %arg7[%dma_wait3A_367, %dma_wait3A_369] : memref<160x128xi32, #tpu.memory_space<vmem>> -> memref<1x128xi32, #tpu.memory_space<vmem>>
    %dma_wait3A_371 = tpu.memref_squeeze %dma_wait3A_370 : memref<1x128xi32, #tpu.memory_space<vmem>> -> memref<128xi32, #tpu.memory_space<vmem>>
    %dma_wait3A_372 = arith.constant 0 : i32
    %dma_wait3A_373 = arith.constant 0 : i32
    %dma_wait3A_374 = tpu.memref_slice %arg16[%dma_wait3A_372, %dma_wait3A_373] : memref<10112x32xf32, #tpu.memory_space<vmem_shared>> -> memref<10112x32xf32, #tpu.memory_space<vmem_shared>>
    %dma_wait3A_375 = tpu.memref_slice %arg19[%dma_wait3A_368] : memref<8x!tpu.dma_semaphore, #tpu.memory_space<semaphore_mem>> -> memref<1x!tpu.dma_semaphore, #tpu.memory_space<semaphore_mem>>
    %dma_wait3A_376 = tpu.memref_squeeze %dma_wait3A_375 : memref<1x!tpu.dma_semaphore, #tpu.memory_space<semaphore_mem>> -> memref<!tpu.dma_semaphore, #tpu.memory_space<semaphore_mem>>
    tpu.wait_indirect_dma semaphore(%dma_wait3A_376 : memref<!tpu.dma_semaphore, #tpu.memory_space<semaphore_mem>>) src(%arg11 : memref<128x32xf32, #tpu.memory_space<vmem>>) dst(%dma_wait3A_374 : memref<10112x32xf32, #tpu.memory_space<vmem_shared>>)
    %dma_start3A_377 = arith.constant 11 : i32
    %dma_start3A_378 = arith.constant 3 : i32
    %dma_start3A_379 = arith.constant 0 : i32
    %dma_start3A_380 = tpu.memref_slice %arg6[%dma_start3A_377, %dma_start3A_379] : memref<160x128xi32, #tpu.memory_space<vmem>> -> memref<1x128xi32, #tpu.memory_space<vmem>>
    %dma_start3A_381 = tpu.memref_squeeze %dma_start3A_380 : memref<1x128xi32, #tpu.memory_space<vmem>> -> memref<128xi32, #tpu.memory_space<vmem>>
    %dma_start3A_382 = arith.constant 0 : i32
    %dma_start3A_383 = arith.constant 0 : i32
    %dma_start3A_384 = tpu.memref_slice %arg17[%dma_start3A_382, %dma_start3A_383] : memref<10112x32xf32, #tpu.memory_space<vmem_shared>> -> memref<10112x32xf32, #tpu.memory_space<vmem_shared>>
    %dma_start3A_385 = tpu.memref_slice %arg18[%dma_start3A_378] : memref<8x!tpu.dma_semaphore, #tpu.memory_space<semaphore_mem>> -> memref<1x!tpu.dma_semaphore, #tpu.memory_space<semaphore_mem>>
    %dma_start3A_386 = tpu.memref_squeeze %dma_start3A_385 : memref<1x!tpu.dma_semaphore, #tpu.memory_space<semaphore_mem>> -> memref<!tpu.dma_semaphore, #tpu.memory_space<semaphore_mem>>
    tpu.enqueue_indirect_dma source(%dma_start3A_384 : memref<10112x32xf32, #tpu.memory_space<vmem_shared>>) target(%arg11 : memref<128x32xf32, #tpu.memory_space<vmem>>) offsets(%dma_start3A_381 : memref<128xi32, #tpu.memory_space<vmem>>) semaphore(%dma_start3A_386 : memref<!tpu.dma_semaphore, #tpu.memory_space<semaphore_mem>>)
    %scan3A = arith.constant 0 : i32
    %scan3A_387 = arith.constant 1 : i32
    %scan3A_388 = arith.constant 18 : i32
    %scan3A_389 = arith.addi %scan3A_387, %scan3A_388 : i32
    %scan3A_390 = arith.constant 1 : i32
    scf.for %scan3A_717 = %scan3A_387 to %scan3A_389 step %scan3A_390  : i32 {
      %mul3A_718 = arith.constant 8 : i32
      %mul3A_719 = arith.muli %scan3A_717, %mul3A_718 : i32
      %add3A = arith.constant 0 : i32
      %add3A_720 = arith.addi %mul3A_719, %add3A : i32
      %dma_wait3A_721 = arith.constant 0 : i32
      %dma_wait3A_722 = arith.constant 0 : i32
      %dma_wait3A_723 = tpu.memref_slice %arg6[%add3A_720, %dma_wait3A_722] : memref<160x128xi32, #tpu.memory_space<vmem>> -> memref<1x128xi32, #tpu.memory_space<vmem>>
      %dma_wait3A_724 = tpu.memref_squeeze %dma_wait3A_723 : memref<1x128xi32, #tpu.memory_space<vmem>> -> memref<128xi32, #tpu.memory_space<vmem>>
      %dma_wait3A_725 = arith.constant 0 : i32
      %dma_wait3A_726 = arith.constant 0 : i32
      %dma_wait3A_727 = tpu.memref_slice %arg17[%dma_wait3A_725, %dma_wait3A_726] : memref<10112x32xf32, #tpu.memory_space<vmem_shared>> -> memref<10112x32xf32, #tpu.memory_space<vmem_shared>>
      %dma_wait3A_728 = tpu.memref_slice %arg18[%dma_wait3A_721] : memref<8x!tpu.dma_semaphore, #tpu.memory_space<semaphore_mem>> -> memref<1x!tpu.dma_semaphore, #tpu.memory_space<semaphore_mem>>
      %dma_wait3A_729 = tpu.memref_squeeze %dma_wait3A_728 : memref<1x!tpu.dma_semaphore, #tpu.memory_space<semaphore_mem>> -> memref<!tpu.dma_semaphore, #tpu.memory_space<semaphore_mem>>
      tpu.wait_indirect_dma semaphore(%dma_wait3A_729 : memref<!tpu.dma_semaphore, #tpu.memory_space<semaphore_mem>>) src(%dma_wait3A_727 : memref<10112x32xf32, #tpu.memory_space<vmem_shared>>) dst(%arg8 : memref<128x32xf32, #tpu.memory_space<vmem>>)
      %dma_start3A_730 = arith.constant 0 : i32
      %dma_start3A_731 = arith.constant 0 : i32
      %dma_start3A_732 = tpu.memref_slice %arg7[%add3A_720, %dma_start3A_731] : memref<160x128xi32, #tpu.memory_space<vmem>> -> memref<1x128xi32, #tpu.memory_space<vmem>>
      %dma_start3A_733 = tpu.memref_squeeze %dma_start3A_732 : memref<1x128xi32, #tpu.memory_space<vmem>> -> memref<128xi32, #tpu.memory_space<vmem>>
      %dma_start3A_734 = arith.constant 0 : i32
      %dma_start3A_735 = arith.constant 0 : i32
      %dma_start3A_736 = tpu.memref_slice %arg16[%dma_start3A_734, %dma_start3A_735] : memref<10112x32xf32, #tpu.memory_space<vmem_shared>> -> memref<10112x32xf32, #tpu.memory_space<vmem_shared>>
      %dma_start3A_737 = tpu.memref_slice %arg19[%dma_start3A_730] : memref<8x!tpu.dma_semaphore, #tpu.memory_space<semaphore_mem>> -> memref<1x!tpu.dma_semaphore, #tpu.memory_space<semaphore_mem>>
      %dma_start3A_738 = tpu.memref_squeeze %dma_start3A_737 : memref<1x!tpu.dma_semaphore, #tpu.memory_space<semaphore_mem>> -> memref<!tpu.dma_semaphore, #tpu.memory_space<semaphore_mem>>
      tpu.enqueue_indirect_dma source(%arg8 : memref<128x32xf32, #tpu.memory_space<vmem>>) target(%dma_start3A_736 : memref<10112x32xf32, #tpu.memory_space<vmem_shared>>) offsets(%dma_start3A_733 : memref<128xi32, #tpu.memory_space<vmem>>) semaphore(%dma_start3A_738 : memref<!tpu.dma_semaphore, #tpu.memory_space<semaphore_mem>>) {add = true}
      %dma_wait3A_739 = arith.constant 4 : i32
      %dma_wait3A_740 = arith.constant 0 : i32
      %dma_wait3A_741 = tpu.memref_slice %arg7[%add3A_720, %dma_wait3A_740] : memref<160x128xi32, #tpu.memory_space<vmem>> -> memref<1x128xi32, #tpu.memory_space<vmem>>
      %dma_wait3A_742 = tpu.memref_squeeze %dma_wait3A_741 : memref<1x128xi32, #tpu.memory_space<vmem>> -> memref<128xi32, #tpu.memory_space<vmem>>
      %dma_wait3A_743 = arith.constant 0 : i32
      %dma_wait3A_744 = arith.constant 0 : i32
      %dma_wait3A_745 = tpu.memref_slice %arg16[%dma_wait3A_743, %dma_wait3A_744] : memref<10112x32xf32, #tpu.memory_space<vmem_shared>> -> memref<10112x32xf32, #tpu.memory_space<vmem_shared>>
      %dma_wait3A_746 = tpu.memref_slice %arg19[%dma_wait3A_739] : memref<8x!tpu.dma_semaphore, #tpu.memory_space<semaphore_mem>> -> memref<1x!tpu.dma_semaphore, #tpu.memory_space<semaphore_mem>>
      %dma_wait3A_747 = tpu.memref_squeeze %dma_wait3A_746 : memref<1x!tpu.dma_semaphore, #tpu.memory_space<semaphore_mem>> -> memref<!tpu.dma_semaphore, #tpu.memory_space<semaphore_mem>>
      tpu.wait_indirect_dma semaphore(%dma_wait3A_747 : memref<!tpu.dma_semaphore, #tpu.memory_space<semaphore_mem>>) src(%arg12 : memref<128x32xf32, #tpu.memory_space<vmem>>) dst(%dma_wait3A_745 : memref<10112x32xf32, #tpu.memory_space<vmem_shared>>)
      %sub3A = arith.constant 4 : i32
      %sub3A_748 = arith.subi %add3A_720, %sub3A : i32
      %add3A_749 = arith.constant 8 : i32
      %add3A_750 = arith.addi %sub3A_748, %add3A_749 : i32
      %dma_start3A_751 = arith.constant 4 : i32
      %dma_start3A_752 = arith.constant 0 : i32
      %dma_start3A_753 = tpu.memref_slice %arg6[%add3A_750, %dma_start3A_752] : memref<160x128xi32, #tpu.memory_space<vmem>> -> memref<1x128xi32, #tpu.memory_space<vmem>>
      %dma_start3A_754 = tpu.memref_squeeze %dma_start3A_753 : memref<1x128xi32, #tpu.memory_space<vmem>> -> memref<128xi32, #tpu.memory_space<vmem>>
      %dma_start3A_755 = arith.constant 0 : i32
      %dma_start3A_756 = arith.constant 0 : i32
      %dma_start3A_757 = tpu.memref_slice %arg17[%dma_start3A_755, %dma_start3A_756] : memref<10112x32xf32, #tpu.memory_space<vmem_shared>> -> memref<10112x32xf32, #tpu.memory_space<vmem_shared>>
      %dma_start3A_758 = tpu.memref_slice %arg18[%dma_start3A_751] : memref<8x!tpu.dma_semaphore, #tpu.memory_space<semaphore_mem>> -> memref<1x!tpu.dma_semaphore, #tpu.memory_space<semaphore_mem>>
      %dma_start3A_759 = tpu.memref_squeeze %dma_start3A_758 : memref<1x!tpu.dma_semaphore, #tpu.memory_space<semaphore_mem>> -> memref<!tpu.dma_semaphore, #tpu.memory_space<semaphore_mem>>
      tpu.enqueue_indirect_dma source(%dma_start3A_757 : memref<10112x32xf32, #tpu.memory_space<vmem_shared>>) target(%arg12 : memref<128x32xf32, #tpu.memory_space<vmem>>) offsets(%dma_start3A_754 : memref<128xi32, #tpu.memory_space<vmem>>) semaphore(%dma_start3A_759 : memref<!tpu.dma_semaphore, #tpu.memory_space<semaphore_mem>>)
      %mul3A_760 = arith.constant 8 : i32
      %mul3A_761 = arith.muli %scan3A_717, %mul3A_760 : i32
      %add3A_762 = arith.constant 1 : i32
      %add3A_763 = arith.addi %mul3A_761, %add3A_762 : i32
      %dma_wait3A_764 = arith.constant 1 : i32
      %dma_wait3A_765 = arith.constant 0 : i32
      %dma_wait3A_766 = tpu.memref_slice %arg6[%add3A_763, %dma_wait3A_765] : memref<160x128xi32, #tpu.memory_space<vmem>> -> memref<1x128xi32, #tpu.memory_space<vmem>>
      %dma_wait3A_767 = tpu.memref_squeeze %dma_wait3A_766 : memref<1x128xi32, #tpu.memory_space<vmem>> -> memref<128xi32, #tpu.memory_space<vmem>>
      %dma_wait3A_768 = arith.constant 0 : i32
      %dma_wait3A_769 = arith.constant 0 : i32
      %dma_wait3A_770 = tpu.memref_slice %arg17[%dma_wait3A_768, %dma_wait3A_769] : memref<10112x32xf32, #tpu.memory_space<vmem_shared>> -> memref<10112x32xf32, #tpu.memory_space<vmem_shared>>
      %dma_wait3A_771 = tpu.memref_slice %arg18[%dma_wait3A_764] : memref<8x!tpu.dma_semaphore, #tpu.memory_space<semaphore_mem>> -> memref<1x!tpu.dma_semaphore, #tpu.memory_space<semaphore_mem>>
      %dma_wait3A_772 = tpu.memref_squeeze %dma_wait3A_771 : memref<1x!tpu.dma_semaphore, #tpu.memory_space<semaphore_mem>> -> memref<!tpu.dma_semaphore, #tpu.memory_space<semaphore_mem>>
      tpu.wait_indirect_dma semaphore(%dma_wait3A_772 : memref<!tpu.dma_semaphore, #tpu.memory_space<semaphore_mem>>) src(%dma_wait3A_770 : memref<10112x32xf32, #tpu.memory_space<vmem_shared>>) dst(%arg9 : memref<128x32xf32, #tpu.memory_space<vmem>>)
      %dma_start3A_773 = arith.constant 1 : i32
      %dma_start3A_774 = arith.constant 0 : i32
      %dma_start3A_775 = tpu.memref_slice %arg7[%add3A_763, %dma_start3A_774] : memref<160x128xi32, #tpu.memory_space<vmem>> -> memref<1x128xi32, #tpu.memory_space<vmem>>
      %dma_start3A_776 = tpu.memref_squeeze %dma_start3A_775 : memref<1x128xi32, #tpu.memory_space<vmem>> -> memref<128xi32, #tpu.memory_space<vmem>>
      %dma_start3A_777 = arith.constant 0 : i32
      %dma_start3A_778 = arith.constant 0 : i32
      %dma_start3A_779 = tpu.memref_slice %arg16[%dma_start3A_777, %dma_start3A_778] : memref<10112x32xf32, #tpu.memory_space<vmem_shared>> -> memref<10112x32xf32, #tpu.memory_space<vmem_shared>>
      %dma_start3A_780 = tpu.memref_slice %arg19[%dma_start3A_773] : memref<8x!tpu.dma_semaphore, #tpu.memory_space<semaphore_mem>> -> memref<1x!tpu.dma_semaphore, #tpu.memory_space<semaphore_mem>>
      %dma_start3A_781 = tpu.memref_squeeze %dma_start3A_780 : memref<1x!tpu.dma_semaphore, #tpu.memory_space<semaphore_mem>> -> memref<!tpu.dma_semaphore, #tpu.memory_space<semaphore_mem>>
      tpu.enqueue_indirect_dma source(%arg9 : memref<128x32xf32, #tpu.memory_space<vmem>>) target(%dma_start3A_779 : memref<10112x32xf32, #tpu.memory_space<vmem_shared>>) offsets(%dma_start3A_776 : memref<128xi32, #tpu.memory_space<vmem>>) semaphore(%dma_start3A_781 : memref<!tpu.dma_semaphore, #tpu.memory_space<semaphore_mem>>) {add = true}
      %dma_wait3A_782 = arith.constant 5 : i32
      %dma_wait3A_783 = arith.constant 0 : i32
      %dma_wait3A_784 = tpu.memref_slice %arg7[%add3A_763, %dma_wait3A_783] : memref<160x128xi32, #tpu.memory_space<vmem>> -> memref<1x128xi32, #tpu.memory_space<vmem>>
      %dma_wait3A_785 = tpu.memref_squeeze %dma_wait3A_784 : memref<1x128xi32, #tpu.memory_space<vmem>> -> memref<128xi32, #tpu.memory_space<vmem>>
      %dma_wait3A_786 = arith.constant 0 : i32
      %dma_wait3A_787 = arith.constant 0 : i32
      %dma_wait3A_788 = tpu.memref_slice %arg16[%dma_wait3A_786, %dma_wait3A_787] : memref<10112x32xf32, #tpu.memory_space<vmem_shared>> -> memref<10112x32xf32, #tpu.memory_space<vmem_shared>>
      %dma_wait3A_789 = tpu.memref_slice %arg19[%dma_wait3A_782] : memref<8x!tpu.dma_semaphore, #tpu.memory_space<semaphore_mem>> -> memref<1x!tpu.dma_semaphore, #tpu.memory_space<semaphore_mem>>
      %dma_wait3A_790 = tpu.memref_squeeze %dma_wait3A_789 : memref<1x!tpu.dma_semaphore, #tpu.memory_space<semaphore_mem>> -> memref<!tpu.dma_semaphore, #tpu.memory_space<semaphore_mem>>
      tpu.wait_indirect_dma semaphore(%dma_wait3A_790 : memref<!tpu.dma_semaphore, #tpu.memory_space<semaphore_mem>>) src(%arg13 : memref<128x32xf32, #tpu.memory_space<vmem>>) dst(%dma_wait3A_788 : memref<10112x32xf32, #tpu.memory_space<vmem_shared>>)
      %sub3A_791 = arith.constant 4 : i32
      %sub3A_792 = arith.subi %add3A_763, %sub3A_791 : i32
      %add3A_793 = arith.constant 8 : i32
      %add3A_794 = arith.addi %sub3A_792, %add3A_793 : i32
      %dma_start3A_795 = arith.constant 5 : i32
      %dma_start3A_796 = arith.constant 0 : i32
      %dma_start3A_797 = tpu.memref_slice %arg6[%add3A_794, %dma_start3A_796] : memref<160x128xi32, #tpu.memory_space<vmem>> -> memref<1x128xi32, #tpu.memory_space<vmem>>
      %dma_start3A_798 = tpu.memref_squeeze %dma_start3A_797 : memref<1x128xi32, #tpu.memory_space<vmem>> -> memref<128xi32, #tpu.memory_space<vmem>>
      %dma_start3A_799 = arith.constant 0 : i32
      %dma_start3A_800 = arith.constant 0 : i32
      %dma_start3A_801 = tpu.memref_slice %arg17[%dma_start3A_799, %dma_start3A_800] : memref<10112x32xf32, #tpu.memory_space<vmem_shared>> -> memref<10112x32xf32, #tpu.memory_space<vmem_shared>>
      %dma_start3A_802 = tpu.memref_slice %arg18[%dma_start3A_795] : memref<8x!tpu.dma_semaphore, #tpu.memory_space<semaphore_mem>> -> memref<1x!tpu.dma_semaphore, #tpu.memory_space<semaphore_mem>>
      %dma_start3A_803 = tpu.memref_squeeze %dma_start3A_802 : memref<1x!tpu.dma_semaphore, #tpu.memory_space<semaphore_mem>> -> memref<!tpu.dma_semaphore, #tpu.memory_space<semaphore_mem>>
      tpu.enqueue_indirect_dma source(%dma_start3A_801 : memref<10112x32xf32, #tpu.memory_space<vmem_shared>>) target(%arg13 : memref<128x32xf32, #tpu.memory_space<vmem>>) offsets(%dma_start3A_798 : memref<128xi32, #tpu.memory_space<vmem>>) semaphore(%dma_start3A_803 : memref<!tpu.dma_semaphore, #tpu.memory_space<semaphore_mem>>)
      %mul3A_804 = arith.constant 8 : i32
      %mul3A_805 = arith.muli %scan3A_717, %mul3A_804 : i32
      %add3A_806 = arith.constant 2 : i32
      %add3A_807 = arith.addi %mul3A_805, %add3A_806 : i32
      %dma_wait3A_808 = arith.constant 2 : i32
      %dma_wait3A_809 = arith.constant 0 : i32
      %dma_wait3A_810 = tpu.memref_slice %arg6[%add3A_807, %dma_wait3A_809] : memref<160x128xi32, #tpu.memory_space<vmem>> -> memref<1x128xi32, #tpu.memory_space<vmem>>
      %dma_wait3A_811 = tpu.memref_squeeze %dma_wait3A_810 : memref<1x128xi32, #tpu.memory_space<vmem>> -> memref<128xi32, #tpu.memory_space<vmem>>
      %dma_wait3A_812 = arith.constant 0 : i32
      %dma_wait3A_813 = arith.constant 0 : i32
      %dma_wait3A_814 = tpu.memref_slice %arg17[%dma_wait3A_812, %dma_wait3A_813] : memref<10112x32xf32, #tpu.memory_space<vmem_shared>> -> memref<10112x32xf32, #tpu.memory_space<vmem_shared>>
      %dma_wait3A_815 = tpu.memref_slice %arg18[%dma_wait3A_808] : memref<8x!tpu.dma_semaphore, #tpu.memory_space<semaphore_mem>> -> memref<1x!tpu.dma_semaphore, #tpu.memory_space<semaphore_mem>>
      %dma_wait3A_816 = tpu.memref_squeeze %dma_wait3A_815 : memref<1x!tpu.dma_semaphore, #tpu.memory_space<semaphore_mem>> -> memref<!tpu.dma_semaphore, #tpu.memory_space<semaphore_mem>>
      tpu.wait_indirect_dma semaphore(%dma_wait3A_816 : memref<!tpu.dma_semaphore, #tpu.memory_space<semaphore_mem>>) src(%dma_wait3A_814 : memref<10112x32xf32, #tpu.memory_space<vmem_shared>>) dst(%arg10 : memref<128x32xf32, #tpu.memory_space<vmem>>)
      %dma_start3A_817 = arith.constant 2 : i32
      %dma_start3A_818 = arith.constant 0 : i32
      %dma_start3A_819 = tpu.memref_slice %arg7[%add3A_807, %dma_start3A_818] : memref<160x128xi32, #tpu.memory_space<vmem>> -> memref<1x128xi32, #tpu.memory_space<vmem>>
      %dma_start3A_820 = tpu.memref_squeeze %dma_start3A_819 : memref<1x128xi32, #tpu.memory_space<vmem>> -> memref<128xi32, #tpu.memory_space<vmem>>
      %dma_start3A_821 = arith.constant 0 : i32
      %dma_start3A_822 = arith.constant 0 : i32
      %dma_start3A_823 = tpu.memref_slice %arg16[%dma_start3A_821, %dma_start3A_822] : memref<10112x32xf32, #tpu.memory_space<vmem_shared>> -> memref<10112x32xf32, #tpu.memory_space<vmem_shared>>
      %dma_start3A_824 = tpu.memref_slice %arg19[%dma_start3A_817] : memref<8x!tpu.dma_semaphore, #tpu.memory_space<semaphore_mem>> -> memref<1x!tpu.dma_semaphore, #tpu.memory_space<semaphore_mem>>
      %dma_start3A_825 = tpu.memref_squeeze %dma_start3A_824 : memref<1x!tpu.dma_semaphore, #tpu.memory_space<semaphore_mem>> -> memref<!tpu.dma_semaphore, #tpu.memory_space<semaphore_mem>>
      tpu.enqueue_indirect_dma source(%arg10 : memref<128x32xf32, #tpu.memory_space<vmem>>) target(%dma_start3A_823 : memref<10112x32xf32, #tpu.memory_space<vmem_shared>>) offsets(%dma_start3A_820 : memref<128xi32, #tpu.memory_space<vmem>>) semaphore(%dma_start3A_825 : memref<!tpu.dma_semaphore, #tpu.memory_space<semaphore_mem>>) {add = true}
      %dma_wait3A_826 = arith.constant 6 : i32
      %dma_wait3A_827 = arith.constant 0 : i32
      %dma_wait3A_828 = tpu.memref_slice %arg7[%add3A_807, %dma_wait3A_827] : memref<160x128xi32, #tpu.memory_space<vmem>> -> memref<1x128xi32, #tpu.memory_space<vmem>>
      %dma_wait3A_829 = tpu.memref_squeeze %dma_wait3A_828 : memref<1x128xi32, #tpu.memory_space<vmem>> -> memref<128xi32, #tpu.memory_space<vmem>>
      %dma_wait3A_830 = arith.constant 0 : i32
      %dma_wait3A_831 = arith.constant 0 : i32
      %dma_wait3A_832 = tpu.memref_slice %arg16[%dma_wait3A_830, %dma_wait3A_831] : memref<10112x32xf32, #tpu.memory_space<vmem_shared>> -> memref<10112x32xf32, #tpu.memory_space<vmem_shared>>
      %dma_wait3A_833 = tpu.memref_slice %arg19[%dma_wait3A_826] : memref<8x!tpu.dma_semaphore, #tpu.memory_space<semaphore_mem>> -> memref<1x!tpu.dma_semaphore, #tpu.memory_space<semaphore_mem>>
      %dma_wait3A_834 = tpu.memref_squeeze %dma_wait3A_833 : memref<1x!tpu.dma_semaphore, #tpu.memory_space<semaphore_mem>> -> memref<!tpu.dma_semaphore, #tpu.memory_space<semaphore_mem>>
      tpu.wait_indirect_dma semaphore(%dma_wait3A_834 : memref<!tpu.dma_semaphore, #tpu.memory_space<semaphore_mem>>) src(%arg14 : memref<128x32xf32, #tpu.memory_space<vmem>>) dst(%dma_wait3A_832 : memref<10112x32xf32, #tpu.memory_space<vmem_shared>>)
      %sub3A_835 = arith.constant 4 : i32
      %sub3A_836 = arith.subi %add3A_807, %sub3A_835 : i32
      %add3A_837 = arith.constant 8 : i32
      %add3A_838 = arith.addi %sub3A_836, %add3A_837 : i32
      %dma_start3A_839 = arith.constant 6 : i32
      %dma_start3A_840 = arith.constant 0 : i32
      %dma_start3A_841 = tpu.memref_slice %arg6[%add3A_838, %dma_start3A_840] : memref<160x128xi32, #tpu.memory_space<vmem>> -> memref<1x128xi32, #tpu.memory_space<vmem>>
      %dma_start3A_842 = tpu.memref_squeeze %dma_start3A_841 : memref<1x128xi32, #tpu.memory_space<vmem>> -> memref<128xi32, #tpu.memory_space<vmem>>
      %dma_start3A_843 = arith.constant 0 : i32
      %dma_start3A_844 = arith.constant 0 : i32
      %dma_start3A_845 = tpu.memref_slice %arg17[%dma_start3A_843, %dma_start3A_844] : memref<10112x32xf32, #tpu.memory_space<vmem_shared>> -> memref<10112x32xf32, #tpu.memory_space<vmem_shared>>
      %dma_start3A_846 = tpu.memref_slice %arg18[%dma_start3A_839] : memref<8x!tpu.dma_semaphore, #tpu.memory_space<semaphore_mem>> -> memref<1x!tpu.dma_semaphore, #tpu.memory_space<semaphore_mem>>
      %dma_start3A_847 = tpu.memref_squeeze %dma_start3A_846 : memref<1x!tpu.dma_semaphore, #tpu.memory_space<semaphore_mem>> -> memref<!tpu.dma_semaphore, #tpu.memory_space<semaphore_mem>>
      tpu.enqueue_indirect_dma source(%dma_start3A_845 : memref<10112x32xf32, #tpu.memory_space<vmem_shared>>) target(%arg14 : memref<128x32xf32, #tpu.memory_space<vmem>>) offsets(%dma_start3A_842 : memref<128xi32, #tpu.memory_space<vmem>>) semaphore(%dma_start3A_847 : memref<!tpu.dma_semaphore, #tpu.memory_space<semaphore_mem>>)
      %mul3A_848 = arith.constant 8 : i32
      %mul3A_849 = arith.muli %scan3A_717, %mul3A_848 : i32
      %add3A_850 = arith.constant 3 : i32
      %add3A_851 = arith.addi %mul3A_849, %add3A_850 : i32
      %dma_wait3A_852 = arith.constant 3 : i32
      %dma_wait3A_853 = arith.constant 0 : i32
      %dma_wait3A_854 = tpu.memref_slice %arg6[%add3A_851, %dma_wait3A_853] : memref<160x128xi32, #tpu.memory_space<vmem>> -> memref<1x128xi32, #tpu.memory_space<vmem>>
      %dma_wait3A_855 = tpu.memref_squeeze %dma_wait3A_854 : memref<1x128xi32, #tpu.memory_space<vmem>> -> memref<128xi32, #tpu.memory_space<vmem>>
      %dma_wait3A_856 = arith.constant 0 : i32
      %dma_wait3A_857 = arith.constant 0 : i32
      %dma_wait3A_858 = tpu.memref_slice %arg17[%dma_wait3A_856, %dma_wait3A_857] : memref<10112x32xf32, #tpu.memory_space<vmem_shared>> -> memref<10112x32xf32, #tpu.memory_space<vmem_shared>>
      %dma_wait3A_859 = tpu.memref_slice %arg18[%dma_wait3A_852] : memref<8x!tpu.dma_semaphore, #tpu.memory_space<semaphore_mem>> -> memref<1x!tpu.dma_semaphore, #tpu.memory_space<semaphore_mem>>
      %dma_wait3A_860 = tpu.memref_squeeze %dma_wait3A_859 : memref<1x!tpu.dma_semaphore, #tpu.memory_space<semaphore_mem>> -> memref<!tpu.dma_semaphore, #tpu.memory_space<semaphore_mem>>
      tpu.wait_indirect_dma semaphore(%dma_wait3A_860 : memref<!tpu.dma_semaphore, #tpu.memory_space<semaphore_mem>>) src(%dma_wait3A_858 : memref<10112x32xf32, #tpu.memory_space<vmem_shared>>) dst(%arg11 : memref<128x32xf32, #tpu.memory_space<vmem>>)
      %dma_start3A_861 = arith.constant 3 : i32
      %dma_start3A_862 = arith.constant 0 : i32
      %dma_start3A_863 = tpu.memref_slice %arg7[%add3A_851, %dma_start3A_862] : memref<160x128xi32, #tpu.memory_space<vmem>> -> memref<1x128xi32, #tpu.memory_space<vmem>>
      %dma_start3A_864 = tpu.memref_squeeze %dma_start3A_863 : memref<1x128xi32, #tpu.memory_space<vmem>> -> memref<128xi32, #tpu.memory_space<vmem>>
      %dma_start3A_865 = arith.constant 0 : i32
      %dma_start3A_866 = arith.constant 0 : i32
      %dma_start3A_867 = tpu.memref_slice %arg16[%dma_start3A_865, %dma_start3A_866] : memref<10112x32xf32, #tpu.memory_space<vmem_shared>> -> memref<10112x32xf32, #tpu.memory_space<vmem_shared>>
      %dma_start3A_868 = tpu.memref_slice %arg19[%dma_start3A_861] : memref<8x!tpu.dma_semaphore, #tpu.memory_space<semaphore_mem>> -> memref<1x!tpu.dma_semaphore, #tpu.memory_space<semaphore_mem>>
      %dma_start3A_869 = tpu.memref_squeeze %dma_start3A_868 : memref<1x!tpu.dma_semaphore, #tpu.memory_space<semaphore_mem>> -> memref<!tpu.dma_semaphore, #tpu.memory_space<semaphore_mem>>
      tpu.enqueue_indirect_dma source(%arg11 : memref<128x32xf32, #tpu.memory_space<vmem>>) target(%dma_start3A_867 : memref<10112x32xf32, #tpu.memory_space<vmem_shared>>) offsets(%dma_start3A_864 : memref<128xi32, #tpu.memory_space<vmem>>) semaphore(%dma_start3A_869 : memref<!tpu.dma_semaphore, #tpu.memory_space<semaphore_mem>>) {add = true}
      %dma_wait3A_870 = arith.constant 7 : i32
      %dma_wait3A_871 = arith.constant 0 : i32
      %dma_wait3A_872 = tpu.memref_slice %arg7[%add3A_851, %dma_wait3A_871] : memref<160x128xi32, #tpu.memory_space<vmem>> -> memref<1x128xi32, #tpu.memory_space<vmem>>
      %dma_wait3A_873 = tpu.memref_squeeze %dma_wait3A_872 : memref<1x128xi32, #tpu.memory_space<vmem>> -> memref<128xi32, #tpu.memory_space<vmem>>
      %dma_wait3A_874 = arith.constant 0 : i32
      %dma_wait3A_875 = arith.constant 0 : i32
      %dma_wait3A_876 = tpu.memref_slice %arg16[%dma_wait3A_874, %dma_wait3A_875] : memref<10112x32xf32, #tpu.memory_space<vmem_shared>> -> memref<10112x32xf32, #tpu.memory_space<vmem_shared>>
      %dma_wait3A_877 = tpu.memref_slice %arg19[%dma_wait3A_870] : memref<8x!tpu.dma_semaphore, #tpu.memory_space<semaphore_mem>> -> memref<1x!tpu.dma_semaphore, #tpu.memory_space<semaphore_mem>>
      %dma_wait3A_878 = tpu.memref_squeeze %dma_wait3A_877 : memref<1x!tpu.dma_semaphore, #tpu.memory_space<semaphore_mem>> -> memref<!tpu.dma_semaphore, #tpu.memory_space<semaphore_mem>>
      tpu.wait_indirect_dma semaphore(%dma_wait3A_878 : memref<!tpu.dma_semaphore, #tpu.memory_space<semaphore_mem>>) src(%arg15 : memref<128x32xf32, #tpu.memory_space<vmem>>) dst(%dma_wait3A_876 : memref<10112x32xf32, #tpu.memory_space<vmem_shared>>)
      %sub3A_879 = arith.constant 4 : i32
      %sub3A_880 = arith.subi %add3A_851, %sub3A_879 : i32
      %add3A_881 = arith.constant 8 : i32
      %add3A_882 = arith.addi %sub3A_880, %add3A_881 : i32
      %dma_start3A_883 = arith.constant 7 : i32
      %dma_start3A_884 = arith.constant 0 : i32
      %dma_start3A_885 = tpu.memref_slice %arg6[%add3A_882, %dma_start3A_884] : memref<160x128xi32, #tpu.memory_space<vmem>> -> memref<1x128xi32, #tpu.memory_space<vmem>>
      %dma_start3A_886 = tpu.memref_squeeze %dma_start3A_885 : memref<1x128xi32, #tpu.memory_space<vmem>> -> memref<128xi32, #tpu.memory_space<vmem>>
      %dma_start3A_887 = arith.constant 0 : i32
      %dma_start3A_888 = arith.constant 0 : i32
      %dma_start3A_889 = tpu.memref_slice %arg17[%dma_start3A_887, %dma_start3A_888] : memref<10112x32xf32, #tpu.memory_space<vmem_shared>> -> memref<10112x32xf32, #tpu.memory_space<vmem_shared>>
      %dma_start3A_890 = tpu.memref_slice %arg18[%dma_start3A_883] : memref<8x!tpu.dma_semaphore, #tpu.memory_space<semaphore_mem>> -> memref<1x!tpu.dma_semaphore, #tpu.memory_space<semaphore_mem>>
      %dma_start3A_891 = tpu.memref_squeeze %dma_start3A_890 : memref<1x!tpu.dma_semaphore, #tpu.memory_space<semaphore_mem>> -> memref<!tpu.dma_semaphore, #tpu.memory_space<semaphore_mem>>
      tpu.enqueue_indirect_dma source(%dma_start3A_889 : memref<10112x32xf32, #tpu.memory_space<vmem_shared>>) target(%arg15 : memref<128x32xf32, #tpu.memory_space<vmem>>) offsets(%dma_start3A_886 : memref<128xi32, #tpu.memory_space<vmem>>) semaphore(%dma_start3A_891 : memref<!tpu.dma_semaphore, #tpu.memory_space<semaphore_mem>>)
      %mul3A_892 = arith.constant 8 : i32
      %mul3A_893 = arith.muli %scan3A_717, %mul3A_892 : i32
      %add3A_894 = arith.constant 4 : i32
      %add3A_895 = arith.addi %mul3A_893, %add3A_894 : i32
      %dma_wait3A_896 = arith.constant 4 : i32
      %dma_wait3A_897 = arith.constant 0 : i32
      %dma_wait3A_898 = tpu.memref_slice %arg6[%add3A_895, %dma_wait3A_897] : memref<160x128xi32, #tpu.memory_space<vmem>> -> memref<1x128xi32, #tpu.memory_space<vmem>>
      %dma_wait3A_899 = tpu.memref_squeeze %dma_wait3A_898 : memref<1x128xi32, #tpu.memory_space<vmem>> -> memref<128xi32, #tpu.memory_space<vmem>>
      %dma_wait3A_900 = arith.constant 0 : i32
      %dma_wait3A_901 = arith.constant 0 : i32
      %dma_wait3A_902 = tpu.memref_slice %arg17[%dma_wait3A_900, %dma_wait3A_901] : memref<10112x32xf32, #tpu.memory_space<vmem_shared>> -> memref<10112x32xf32, #tpu.memory_space<vmem_shared>>
      %dma_wait3A_903 = tpu.memref_slice %arg18[%dma_wait3A_896] : memref<8x!tpu.dma_semaphore, #tpu.memory_space<semaphore_mem>> -> memref<1x!tpu.dma_semaphore, #tpu.memory_space<semaphore_mem>>
      %dma_wait3A_904 = tpu.memref_squeeze %dma_wait3A_903 : memref<1x!tpu.dma_semaphore, #tpu.memory_space<semaphore_mem>> -> memref<!tpu.dma_semaphore, #tpu.memory_space<semaphore_mem>>
      tpu.wait_indirect_dma semaphore(%dma_wait3A_904 : memref<!tpu.dma_semaphore, #tpu.memory_space<semaphore_mem>>) src(%dma_wait3A_902 : memref<10112x32xf32, #tpu.memory_space<vmem_shared>>) dst(%arg12 : memref<128x32xf32, #tpu.memory_space<vmem>>)
      %dma_start3A_905 = arith.constant 4 : i32
      %dma_start3A_906 = arith.constant 0 : i32
      %dma_start3A_907 = tpu.memref_slice %arg7[%add3A_895, %dma_start3A_906] : memref<160x128xi32, #tpu.memory_space<vmem>> -> memref<1x128xi32, #tpu.memory_space<vmem>>
      %dma_start3A_908 = tpu.memref_squeeze %dma_start3A_907 : memref<1x128xi32, #tpu.memory_space<vmem>> -> memref<128xi32, #tpu.memory_space<vmem>>
      %dma_start3A_909 = arith.constant 0 : i32
      %dma_start3A_910 = arith.constant 0 : i32
      %dma_start3A_911 = tpu.memref_slice %arg16[%dma_start3A_909, %dma_start3A_910] : memref<10112x32xf32, #tpu.memory_space<vmem_shared>> -> memref<10112x32xf32, #tpu.memory_space<vmem_shared>>
      %dma_start3A_912 = tpu.memref_slice %arg19[%dma_start3A_905] : memref<8x!tpu.dma_semaphore, #tpu.memory_space<semaphore_mem>> -> memref<1x!tpu.dma_semaphore, #tpu.memory_space<semaphore_mem>>
      %dma_start3A_913 = tpu.memref_squeeze %dma_start3A_912 : memref<1x!tpu.dma_semaphore, #tpu.memory_space<semaphore_mem>> -> memref<!tpu.dma_semaphore, #tpu.memory_space<semaphore_mem>>
      tpu.enqueue_indirect_dma source(%arg12 : memref<128x32xf32, #tpu.memory_space<vmem>>) target(%dma_start3A_911 : memref<10112x32xf32, #tpu.memory_space<vmem_shared>>) offsets(%dma_start3A_908 : memref<128xi32, #tpu.memory_space<vmem>>) semaphore(%dma_start3A_913 : memref<!tpu.dma_semaphore, #tpu.memory_space<semaphore_mem>>) {add = true}
      %dma_wait3A_914 = arith.constant 0 : i32
      %dma_wait3A_915 = arith.constant 0 : i32
      %dma_wait3A_916 = tpu.memref_slice %arg7[%add3A_895, %dma_wait3A_915] : memref<160x128xi32, #tpu.memory_space<vmem>> -> memref<1x128xi32, #tpu.memory_space<vmem>>
      %dma_wait3A_917 = tpu.memref_squeeze %dma_wait3A_916 : memref<1x128xi32, #tpu.memory_space<vmem>> -> memref<128xi32, #tpu.memory_space<vmem>>
      %dma_wait3A_918 = arith.constant 0 : i32
      %dma_wait3A_919 = arith.constant 0 : i32
      %dma_wait3A_920 = tpu.memref_slice %arg16[%dma_wait3A_918, %dma_wait3A_919] : memref<10112x32xf32, #tpu.memory_space<vmem_shared>> -> memref<10112x32xf32, #tpu.memory_space<vmem_shared>>
      %dma_wait3A_921 = tpu.memref_slice %arg19[%dma_wait3A_914] : memref<8x!tpu.dma_semaphore, #tpu.memory_space<semaphore_mem>> -> memref<1x!tpu.dma_semaphore, #tpu.memory_space<semaphore_mem>>
      %dma_wait3A_922 = tpu.memref_squeeze %dma_wait3A_921 : memref<1x!tpu.dma_semaphore, #tpu.memory_space<semaphore_mem>> -> memref<!tpu.dma_semaphore, #tpu.memory_space<semaphore_mem>>
      tpu.wait_indirect_dma semaphore(%dma_wait3A_922 : memref<!tpu.dma_semaphore, #tpu.memory_space<semaphore_mem>>) src(%arg8 : memref<128x32xf32, #tpu.memory_space<vmem>>) dst(%dma_wait3A_920 : memref<10112x32xf32, #tpu.memory_space<vmem_shared>>)
      %sub3A_923 = arith.constant 4 : i32
      %sub3A_924 = arith.subi %add3A_895, %sub3A_923 : i32
      %add3A_925 = arith.constant 8 : i32
      %add3A_926 = arith.addi %sub3A_924, %add3A_925 : i32
      %dma_start3A_927 = arith.constant 0 : i32
      %dma_start3A_928 = arith.constant 0 : i32
      %dma_start3A_929 = tpu.memref_slice %arg6[%add3A_926, %dma_start3A_928] : memref<160x128xi32, #tpu.memory_space<vmem>> -> memref<1x128xi32, #tpu.memory_space<vmem>>
      %dma_start3A_930 = tpu.memref_squeeze %dma_start3A_929 : memref<1x128xi32, #tpu.memory_space<vmem>> -> memref<128xi32, #tpu.memory_space<vmem>>
      %dma_start3A_931 = arith.constant 0 : i32
      %dma_start3A_932 = arith.constant 0 : i32
      %dma_start3A_933 = tpu.memref_slice %arg17[%dma_start3A_931, %dma_start3A_932] : memref<10112x32xf32, #tpu.memory_space<vmem_shared>> -> memref<10112x32xf32, #tpu.memory_space<vmem_shared>>
      %dma_start3A_934 = tpu.memref_slice %arg18[%dma_start3A_927] : memref<8x!tpu.dma_semaphore, #tpu.memory_space<semaphore_mem>> -> memref<1x!tpu.dma_semaphore, #tpu.memory_space<semaphore_mem>>
      %dma_start3A_935 = tpu.memref_squeeze %dma_start3A_934 : memref<1x!tpu.dma_semaphore, #tpu.memory_space<semaphore_mem>> -> memref<!tpu.dma_semaphore, #tpu.memory_space<semaphore_mem>>
      tpu.enqueue_indirect_dma source(%dma_start3A_933 : memref<10112x32xf32, #tpu.memory_space<vmem_shared>>) target(%arg8 : memref<128x32xf32, #tpu.memory_space<vmem>>) offsets(%dma_start3A_930 : memref<128xi32, #tpu.memory_space<vmem>>) semaphore(%dma_start3A_935 : memref<!tpu.dma_semaphore, #tpu.memory_space<semaphore_mem>>)
      %mul3A_936 = arith.constant 8 : i32
      %mul3A_937 = arith.muli %scan3A_717, %mul3A_936 : i32
      %add3A_938 = arith.constant 5 : i32
      %add3A_939 = arith.addi %mul3A_937, %add3A_938 : i32
      %dma_wait3A_940 = arith.constant 5 : i32
      %dma_wait3A_941 = arith.constant 0 : i32
      %dma_wait3A_942 = tpu.memref_slice %arg6[%add3A_939, %dma_wait3A_941] : memref<160x128xi32, #tpu.memory_space<vmem>> -> memref<1x128xi32, #tpu.memory_space<vmem>>
      %dma_wait3A_943 = tpu.memref_squeeze %dma_wait3A_942 : memref<1x128xi32, #tpu.memory_space<vmem>> -> memref<128xi32, #tpu.memory_space<vmem>>
      %dma_wait3A_944 = arith.constant 0 : i32
      %dma_wait3A_945 = arith.constant 0 : i32
      %dma_wait3A_946 = tpu.memref_slice %arg17[%dma_wait3A_944, %dma_wait3A_945] : memref<10112x32xf32, #tpu.memory_space<vmem_shared>> -> memref<10112x32xf32, #tpu.memory_space<vmem_shared>>
      %dma_wait3A_947 = tpu.memref_slice %arg18[%dma_wait3A_940] : memref<8x!tpu.dma_semaphore, #tpu.memory_space<semaphore_mem>> -> memref<1x!tpu.dma_semaphore, #tpu.memory_space<semaphore_mem>>
      %dma_wait3A_948 = tpu.memref_squeeze %dma_wait3A_947 : memref<1x!tpu.dma_semaphore, #tpu.memory_space<semaphore_mem>> -> memref<!tpu.dma_semaphore, #tpu.memory_space<semaphore_mem>>
      tpu.wait_indirect_dma semaphore(%dma_wait3A_948 : memref<!tpu.dma_semaphore, #tpu.memory_space<semaphore_mem>>) src(%dma_wait3A_946 : memref<10112x32xf32, #tpu.memory_space<vmem_shared>>) dst(%arg13 : memref<128x32xf32, #tpu.memory_space<vmem>>)
      %dma_start3A_949 = arith.constant 5 : i32
      %dma_start3A_950 = arith.constant 0 : i32
      %dma_start3A_951 = tpu.memref_slice %arg7[%add3A_939, %dma_start3A_950] : memref<160x128xi32, #tpu.memory_space<vmem>> -> memref<1x128xi32, #tpu.memory_space<vmem>>
      %dma_start3A_952 = tpu.memref_squeeze %dma_start3A_951 : memref<1x128xi32, #tpu.memory_space<vmem>> -> memref<128xi32, #tpu.memory_space<vmem>>
      %dma_start3A_953 = arith.constant 0 : i32
      %dma_start3A_954 = arith.constant 0 : i32
      %dma_start3A_955 = tpu.memref_slice %arg16[%dma_start3A_953, %dma_start3A_954] : memref<10112x32xf32, #tpu.memory_space<vmem_shared>> -> memref<10112x32xf32, #tpu.memory_space<vmem_shared>>
      %dma_start3A_956 = tpu.memref_slice %arg19[%dma_start3A_949] : memref<8x!tpu.dma_semaphore, #tpu.memory_space<semaphore_mem>> -> memref<1x!tpu.dma_semaphore, #tpu.memory_space<semaphore_mem>>
      %dma_start3A_957 = tpu.memref_squeeze %dma_start3A_956 : memref<1x!tpu.dma_semaphore, #tpu.memory_space<semaphore_mem>> -> memref<!tpu.dma_semaphore, #tpu.memory_space<semaphore_mem>>
      tpu.enqueue_indirect_dma source(%arg13 : memref<128x32xf32, #tpu.memory_space<vmem>>) target(%dma_start3A_955 : memref<10112x32xf32, #tpu.memory_space<vmem_shared>>) offsets(%dma_start3A_952 : memref<128xi32, #tpu.memory_space<vmem>>) semaphore(%dma_start3A_957 : memref<!tpu.dma_semaphore, #tpu.memory_space<semaphore_mem>>) {add = true}
      %dma_wait3A_958 = arith.constant 1 : i32
      %dma_wait3A_959 = arith.constant 0 : i32
      %dma_wait3A_960 = tpu.memref_slice %arg7[%add3A_939, %dma_wait3A_959] : memref<160x128xi32, #tpu.memory_space<vmem>> -> memref<1x128xi32, #tpu.memory_space<vmem>>
      %dma_wait3A_961 = tpu.memref_squeeze %dma_wait3A_960 : memref<1x128xi32, #tpu.memory_space<vmem>> -> memref<128xi32, #tpu.memory_space<vmem>>
      %dma_wait3A_962 = arith.constant 0 : i32
      %dma_wait3A_963 = arith.constant 0 : i32
      %dma_wait3A_964 = tpu.memref_slice %arg16[%dma_wait3A_962, %dma_wait3A_963] : memref<10112x32xf32, #tpu.memory_space<vmem_shared>> -> memref<10112x32xf32, #tpu.memory_space<vmem_shared>>
      %dma_wait3A_965 = tpu.memref_slice %arg19[%dma_wait3A_958] : memref<8x!tpu.dma_semaphore, #tpu.memory_space<semaphore_mem>> -> memref<1x!tpu.dma_semaphore, #tpu.memory_space<semaphore_mem>>
      %dma_wait3A_966 = tpu.memref_squeeze %dma_wait3A_965 : memref<1x!tpu.dma_semaphore, #tpu.memory_space<semaphore_mem>> -> memref<!tpu.dma_semaphore, #tpu.memory_space<semaphore_mem>>
      tpu.wait_indirect_dma semaphore(%dma_wait3A_966 : memref<!tpu.dma_semaphore, #tpu.memory_space<semaphore_mem>>) src(%arg9 : memref<128x32xf32, #tpu.memory_space<vmem>>) dst(%dma_wait3A_964 : memref<10112x32xf32, #tpu.memory_space<vmem_shared>>)
      %sub3A_967 = arith.constant 4 : i32
      %sub3A_968 = arith.subi %add3A_939, %sub3A_967 : i32
      %add3A_969 = arith.constant 8 : i32
      %add3A_970 = arith.addi %sub3A_968, %add3A_969 : i32
      %dma_start3A_971 = arith.constant 1 : i32
      %dma_start3A_972 = arith.constant 0 : i32
      %dma_start3A_973 = tpu.memref_slice %arg6[%add3A_970, %dma_start3A_972] : memref<160x128xi32, #tpu.memory_space<vmem>> -> memref<1x128xi32, #tpu.memory_space<vmem>>
      %dma_start3A_974 = tpu.memref_squeeze %dma_start3A_973 : memref<1x128xi32, #tpu.memory_space<vmem>> -> memref<128xi32, #tpu.memory_space<vmem>>
      %dma_start3A_975 = arith.constant 0 : i32
      %dma_start3A_976 = arith.constant 0 : i32
      %dma_start3A_977 = tpu.memref_slice %arg17[%dma_start3A_975, %dma_start3A_976] : memref<10112x32xf32, #tpu.memory_space<vmem_shared>> -> memref<10112x32xf32, #tpu.memory_space<vmem_shared>>
      %dma_start3A_978 = tpu.memref_slice %arg18[%dma_start3A_971] : memref<8x!tpu.dma_semaphore, #tpu.memory_space<semaphore_mem>> -> memref<1x!tpu.dma_semaphore, #tpu.memory_space<semaphore_mem>>
      %dma_start3A_979 = tpu.memref_squeeze %dma_start3A_978 : memref<1x!tpu.dma_semaphore, #tpu.memory_space<semaphore_mem>> -> memref<!tpu.dma_semaphore, #tpu.memory_space<semaphore_mem>>
      tpu.enqueue_indirect_dma source(%dma_start3A_977 : memref<10112x32xf32, #tpu.memory_space<vmem_shared>>) target(%arg9 : memref<128x32xf32, #tpu.memory_space<vmem>>) offsets(%dma_start3A_974 : memref<128xi32, #tpu.memory_space<vmem>>) semaphore(%dma_start3A_979 : memref<!tpu.dma_semaphore, #tpu.memory_space<semaphore_mem>>)
      %mul3A_980 = arith.constant 8 : i32
      %mul3A_981 = arith.muli %scan3A_717, %mul3A_980 : i32
      %add3A_982 = arith.constant 6 : i32
      %add3A_983 = arith.addi %mul3A_981, %add3A_982 : i32
      %dma_wait3A_984 = arith.constant 6 : i32
      %dma_wait3A_985 = arith.constant 0 : i32
      %dma_wait3A_986 = tpu.memref_slice %arg6[%add3A_983, %dma_wait3A_985] : memref<160x128xi32, #tpu.memory_space<vmem>> -> memref<1x128xi32, #tpu.memory_space<vmem>>
      %dma_wait3A_987 = tpu.memref_squeeze %dma_wait3A_986 : memref<1x128xi32, #tpu.memory_space<vmem>> -> memref<128xi32, #tpu.memory_space<vmem>>
      %dma_wait3A_988 = arith.constant 0 : i32
      %dma_wait3A_989 = arith.constant 0 : i32
      %dma_wait3A_990 = tpu.memref_slice %arg17[%dma_wait3A_988, %dma_wait3A_989] : memref<10112x32xf32, #tpu.memory_space<vmem_shared>> -> memref<10112x32xf32, #tpu.memory_space<vmem_shared>>
      %dma_wait3A_991 = tpu.memref_slice %arg18[%dma_wait3A_984] : memref<8x!tpu.dma_semaphore, #tpu.memory_space<semaphore_mem>> -> memref<1x!tpu.dma_semaphore, #tpu.memory_space<semaphore_mem>>
      %dma_wait3A_992 = tpu.memref_squeeze %dma_wait3A_991 : memref<1x!tpu.dma_semaphore, #tpu.memory_space<semaphore_mem>> -> memref<!tpu.dma_semaphore, #tpu.memory_space<semaphore_mem>>
      tpu.wait_indirect_dma semaphore(%dma_wait3A_992 : memref<!tpu.dma_semaphore, #tpu.memory_space<semaphore_mem>>) src(%dma_wait3A_990 : memref<10112x32xf32, #tpu.memory_space<vmem_shared>>) dst(%arg14 : memref<128x32xf32, #tpu.memory_space<vmem>>)
      %dma_start3A_993 = arith.constant 6 : i32
      %dma_start3A_994 = arith.constant 0 : i32
      %dma_start3A_995 = tpu.memref_slice %arg7[%add3A_983, %dma_start3A_994] : memref<160x128xi32, #tpu.memory_space<vmem>> -> memref<1x128xi32, #tpu.memory_space<vmem>>
      %dma_start3A_996 = tpu.memref_squeeze %dma_start3A_995 : memref<1x128xi32, #tpu.memory_space<vmem>> -> memref<128xi32, #tpu.memory_space<vmem>>
      %dma_start3A_997 = arith.constant 0 : i32
      %dma_start3A_998 = arith.constant 0 : i32
      %dma_start3A_999 = tpu.memref_slice %arg16[%dma_start3A_997, %dma_start3A_998] : memref<10112x32xf32, #tpu.memory_space<vmem_shared>> -> memref<10112x32xf32, #tpu.memory_space<vmem_shared>>
      %dma_start3A_1000 = tpu.memref_slice %arg19[%dma_start3A_993] : memref<8x!tpu.dma_semaphore, #tpu.memory_space<semaphore_mem>> -> memref<1x!tpu.dma_semaphore, #tpu.memory_space<semaphore_mem>>
      %dma_start3A_1001 = tpu.memref_squeeze %dma_start3A_1000 : memref<1x!tpu.dma_semaphore, #tpu.memory_space<semaphore_mem>> -> memref<!tpu.dma_semaphore, #tpu.memory_space<semaphore_mem>>
      tpu.enqueue_indirect_dma source(%arg14 : memref<128x32xf32, #tpu.memory_space<vmem>>) target(%dma_start3A_999 : memref<10112x32xf32, #tpu.memory_space<vmem_shared>>) offsets(%dma_start3A_996 : memref<128xi32, #tpu.memory_space<vmem>>) semaphore(%dma_start3A_1001 : memref<!tpu.dma_semaphore, #tpu.memory_space<semaphore_mem>>) {add = true}
      %dma_wait3A_1002 = arith.constant 2 : i32
      %dma_wait3A_1003 = arith.constant 0 : i32
      %dma_wait3A_1004 = tpu.memref_slice %arg7[%add3A_983, %dma_wait3A_1003] : memref<160x128xi32, #tpu.memory_space<vmem>> -> memref<1x128xi32, #tpu.memory_space<vmem>>
      %dma_wait3A_1005 = tpu.memref_squeeze %dma_wait3A_1004 : memref<1x128xi32, #tpu.memory_space<vmem>> -> memref<128xi32, #tpu.memory_space<vmem>>
      %dma_wait3A_1006 = arith.constant 0 : i32
      %dma_wait3A_1007 = arith.constant 0 : i32
      %dma_wait3A_1008 = tpu.memref_slice %arg16[%dma_wait3A_1006, %dma_wait3A_1007] : memref<10112x32xf32, #tpu.memory_space<vmem_shared>> -> memref<10112x32xf32, #tpu.memory_space<vmem_shared>>
      %dma_wait3A_1009 = tpu.memref_slice %arg19[%dma_wait3A_1002] : memref<8x!tpu.dma_semaphore, #tpu.memory_space<semaphore_mem>> -> memref<1x!tpu.dma_semaphore, #tpu.memory_space<semaphore_mem>>
      %dma_wait3A_1010 = tpu.memref_squeeze %dma_wait3A_1009 : memref<1x!tpu.dma_semaphore, #tpu.memory_space<semaphore_mem>> -> memref<!tpu.dma_semaphore, #tpu.memory_space<semaphore_mem>>
      tpu.wait_indirect_dma semaphore(%dma_wait3A_1010 : memref<!tpu.dma_semaphore, #tpu.memory_space<semaphore_mem>>) src(%arg10 : memref<128x32xf32, #tpu.memory_space<vmem>>) dst(%dma_wait3A_1008 : memref<10112x32xf32, #tpu.memory_space<vmem_shared>>)
      %sub3A_1011 = arith.constant 4 : i32
      %sub3A_1012 = arith.subi %add3A_983, %sub3A_1011 : i32
      %add3A_1013 = arith.constant 8 : i32
      %add3A_1014 = arith.addi %sub3A_1012, %add3A_1013 : i32
      %dma_start3A_1015 = arith.constant 2 : i32
      %dma_start3A_1016 = arith.constant 0 : i32
      %dma_start3A_1017 = tpu.memref_slice %arg6[%add3A_1014, %dma_start3A_1016] : memref<160x128xi32, #tpu.memory_space<vmem>> -> memref<1x128xi32, #tpu.memory_space<vmem>>
      %dma_start3A_1018 = tpu.memref_squeeze %dma_start3A_1017 : memref<1x128xi32, #tpu.memory_space<vmem>> -> memref<128xi32, #tpu.memory_space<vmem>>
      %dma_start3A_1019 = arith.constant 0 : i32
      %dma_start3A_1020 = arith.constant 0 : i32
      %dma_start3A_1021 = tpu.memref_slice %arg17[%dma_start3A_1019, %dma_start3A_1020] : memref<10112x32xf32, #tpu.memory_space<vmem_shared>> -> memref<10112x32xf32, #tpu.memory_space<vmem_shared>>
      %dma_start3A_1022 = tpu.memref_slice %arg18[%dma_start3A_1015] : memref<8x!tpu.dma_semaphore, #tpu.memory_space<semaphore_mem>> -> memref<1x!tpu.dma_semaphore, #tpu.memory_space<semaphore_mem>>
      %dma_start3A_1023 = tpu.memref_squeeze %dma_start3A_1022 : memref<1x!tpu.dma_semaphore, #tpu.memory_space<semaphore_mem>> -> memref<!tpu.dma_semaphore, #tpu.memory_space<semaphore_mem>>
      tpu.enqueue_indirect_dma source(%dma_start3A_1021 : memref<10112x32xf32, #tpu.memory_space<vmem_shared>>) target(%arg10 : memref<128x32xf32, #tpu.memory_space<vmem>>) offsets(%dma_start3A_1018 : memref<128xi32, #tpu.memory_space<vmem>>) semaphore(%dma_start3A_1023 : memref<!tpu.dma_semaphore, #tpu.memory_space<semaphore_mem>>)
      %mul3A_1024 = arith.constant 8 : i32
      %mul3A_1025 = arith.muli %scan3A_717, %mul3A_1024 : i32
      %add3A_1026 = arith.constant 7 : i32
      %add3A_1027 = arith.addi %mul3A_1025, %add3A_1026 : i32
      %dma_wait3A_1028 = arith.constant 7 : i32
      %dma_wait3A_1029 = arith.constant 0 : i32
      %dma_wait3A_1030 = tpu.memref_slice %arg6[%add3A_1027, %dma_wait3A_1029] : memref<160x128xi32, #tpu.memory_space<vmem>> -> memref<1x128xi32, #tpu.memory_space<vmem>>
      %dma_wait3A_1031 = tpu.memref_squeeze %dma_wait3A_1030 : memref<1x128xi32, #tpu.memory_space<vmem>> -> memref<128xi32, #tpu.memory_space<vmem>>
      %dma_wait3A_1032 = arith.constant 0 : i32
      %dma_wait3A_1033 = arith.constant 0 : i32
      %dma_wait3A_1034 = tpu.memref_slice %arg17[%dma_wait3A_1032, %dma_wait3A_1033] : memref<10112x32xf32, #tpu.memory_space<vmem_shared>> -> memref<10112x32xf32, #tpu.memory_space<vmem_shared>>
      %dma_wait3A_1035 = tpu.memref_slice %arg18[%dma_wait3A_1028] : memref<8x!tpu.dma_semaphore, #tpu.memory_space<semaphore_mem>> -> memref<1x!tpu.dma_semaphore, #tpu.memory_space<semaphore_mem>>
      %dma_wait3A_1036 = tpu.memref_squeeze %dma_wait3A_1035 : memref<1x!tpu.dma_semaphore, #tpu.memory_space<semaphore_mem>> -> memref<!tpu.dma_semaphore, #tpu.memory_space<semaphore_mem>>
      tpu.wait_indirect_dma semaphore(%dma_wait3A_1036 : memref<!tpu.dma_semaphore, #tpu.memory_space<semaphore_mem>>) src(%dma_wait3A_1034 : memref<10112x32xf32, #tpu.memory_space<vmem_shared>>) dst(%arg15 : memref<128x32xf32, #tpu.memory_space<vmem>>)
      %dma_start3A_1037 = arith.constant 7 : i32
      %dma_start3A_1038 = arith.constant 0 : i32
      %dma_start3A_1039 = tpu.memref_slice %arg7[%add3A_1027, %dma_start3A_1038] : memref<160x128xi32, #tpu.memory_space<vmem>> -> memref<1x128xi32, #tpu.memory_space<vmem>>
      %dma_start3A_1040 = tpu.memref_squeeze %dma_start3A_1039 : memref<1x128xi32, #tpu.memory_space<vmem>> -> memref<128xi32, #tpu.memory_space<vmem>>
      %dma_start3A_1041 = arith.constant 0 : i32
      %dma_start3A_1042 = arith.constant 0 : i32
      %dma_start3A_1043 = tpu.memref_slice %arg16[%dma_start3A_1041, %dma_start3A_1042] : memref<10112x32xf32, #tpu.memory_space<vmem_shared>> -> memref<10112x32xf32, #tpu.memory_space<vmem_shared>>
      %dma_start3A_1044 = tpu.memref_slice %arg19[%dma_start3A_1037] : memref<8x!tpu.dma_semaphore, #tpu.memory_space<semaphore_mem>> -> memref<1x!tpu.dma_semaphore, #tpu.memory_space<semaphore_mem>>
      %dma_start3A_1045 = tpu.memref_squeeze %dma_start3A_1044 : memref<1x!tpu.dma_semaphore, #tpu.memory_space<semaphore_mem>> -> memref<!tpu.dma_semaphore, #tpu.memory_space<semaphore_mem>>
      tpu.enqueue_indirect_dma source(%arg15 : memref<128x32xf32, #tpu.memory_space<vmem>>) target(%dma_start3A_1043 : memref<10112x32xf32, #tpu.memory_space<vmem_shared>>) offsets(%dma_start3A_1040 : memref<128xi32, #tpu.memory_space<vmem>>) semaphore(%dma_start3A_1045 : memref<!tpu.dma_semaphore, #tpu.memory_space<semaphore_mem>>) {add = true}
      %dma_wait3A_1046 = arith.constant 3 : i32
      %dma_wait3A_1047 = arith.constant 0 : i32
      %dma_wait3A_1048 = tpu.memref_slice %arg7[%add3A_1027, %dma_wait3A_1047] : memref<160x128xi32, #tpu.memory_space<vmem>> -> memref<1x128xi32, #tpu.memory_space<vmem>>
      %dma_wait3A_1049 = tpu.memref_squeeze %dma_wait3A_1048 : memref<1x128xi32, #tpu.memory_space<vmem>> -> memref<128xi32, #tpu.memory_space<vmem>>
      %dma_wait3A_1050 = arith.constant 0 : i32
      %dma_wait3A_1051 = arith.constant 0 : i32
      %dma_wait3A_1052 = tpu.memref_slice %arg16[%dma_wait3A_1050, %dma_wait3A_1051] : memref<10112x32xf32, #tpu.memory_space<vmem_shared>> -> memref<10112x32xf32, #tpu.memory_space<vmem_shared>>
      %dma_wait3A_1053 = tpu.memref_slice %arg19[%dma_wait3A_1046] : memref<8x!tpu.dma_semaphore, #tpu.memory_space<semaphore_mem>> -> memref<1x!tpu.dma_semaphore, #tpu.memory_space<semaphore_mem>>
      %dma_wait3A_1054 = tpu.memref_squeeze %dma_wait3A_1053 : memref<1x!tpu.dma_semaphore, #tpu.memory_space<semaphore_mem>> -> memref<!tpu.dma_semaphore, #tpu.memory_space<semaphore_mem>>
      tpu.wait_indirect_dma semaphore(%dma_wait3A_1054 : memref<!tpu.dma_semaphore, #tpu.memory_space<semaphore_mem>>) src(%arg11 : memref<128x32xf32, #tpu.memory_space<vmem>>) dst(%dma_wait3A_1052 : memref<10112x32xf32, #tpu.memory_space<vmem_shared>>)
      %sub3A_1055 = arith.constant 4 : i32
      %sub3A_1056 = arith.subi %add3A_1027, %sub3A_1055 : i32
      %add3A_1057 = arith.constant 8 : i32
      %add3A_1058 = arith.addi %sub3A_1056, %add3A_1057 : i32
      %dma_start3A_1059 = arith.constant 3 : i32
      %dma_start3A_1060 = arith.constant 0 : i32
      %dma_start3A_1061 = tpu.memref_slice %arg6[%add3A_1058, %dma_start3A_1060] : memref<160x128xi32, #tpu.memory_space<vmem>> -> memref<1x128xi32, #tpu.memory_space<vmem>>
      %dma_start3A_1062 = tpu.memref_squeeze %dma_start3A_1061 : memref<1x128xi32, #tpu.memory_space<vmem>> -> memref<128xi32, #tpu.memory_space<vmem>>
      %dma_start3A_1063 = arith.constant 0 : i32
      %dma_start3A_1064 = arith.constant 0 : i32
      %dma_start3A_1065 = tpu.memref_slice %arg17[%dma_start3A_1063, %dma_start3A_1064] : memref<10112x32xf32, #tpu.memory_space<vmem_shared>> -> memref<10112x32xf32, #tpu.memory_space<vmem_shared>>
      %dma_start3A_1066 = tpu.memref_slice %arg18[%dma_start3A_1059] : memref<8x!tpu.dma_semaphore, #tpu.memory_space<semaphore_mem>> -> memref<1x!tpu.dma_semaphore, #tpu.memory_space<semaphore_mem>>
      %dma_start3A_1067 = tpu.memref_squeeze %dma_start3A_1066 : memref<1x!tpu.dma_semaphore, #tpu.memory_space<semaphore_mem>> -> memref<!tpu.dma_semaphore, #tpu.memory_space<semaphore_mem>>
      tpu.enqueue_indirect_dma source(%dma_start3A_1065 : memref<10112x32xf32, #tpu.memory_space<vmem_shared>>) target(%arg11 : memref<128x32xf32, #tpu.memory_space<vmem>>) offsets(%dma_start3A_1062 : memref<128xi32, #tpu.memory_space<vmem>>) semaphore(%dma_start3A_1067 : memref<!tpu.dma_semaphore, #tpu.memory_space<semaphore_mem>>)
    }
    %scan3A_391 = arith.constant 18 : i32
    %dma_wait3A_392 = arith.constant 152 : i32
    %dma_wait3A_393 = arith.constant 0 : i32
    %dma_wait3A_394 = arith.constant 0 : i32
    %dma_wait3A_395 = tpu.memref_slice %arg6[%dma_wait3A_392, %dma_wait3A_394] : memref<160x128xi32, #tpu.memory_space<vmem>> -> memref<1x128xi32, #tpu.memory_space<vmem>>
    %dma_wait3A_396 = tpu.memref_squeeze %dma_wait3A_395 : memref<1x128xi32, #tpu.memory_space<vmem>> -> memref<128xi32, #tpu.memory_space<vmem>>
    %dma_wait3A_397 = arith.constant 0 : i32
    %dma_wait3A_398 = arith.constant 0 : i32
    %dma_wait3A_399 = tpu.memref_slice %arg17[%dma_wait3A_397, %dma_wait3A_398] : memref<10112x32xf32, #tpu.memory_space<vmem_shared>> -> memref<10112x32xf32, #tpu.memory_space<vmem_shared>>
    %dma_wait3A_400 = tpu.memref_slice %arg18[%dma_wait3A_393] : memref<8x!tpu.dma_semaphore, #tpu.memory_space<semaphore_mem>> -> memref<1x!tpu.dma_semaphore, #tpu.memory_space<semaphore_mem>>
    %dma_wait3A_401 = tpu.memref_squeeze %dma_wait3A_400 : memref<1x!tpu.dma_semaphore, #tpu.memory_space<semaphore_mem>> -> memref<!tpu.dma_semaphore, #tpu.memory_space<semaphore_mem>>
    tpu.wait_indirect_dma semaphore(%dma_wait3A_401 : memref<!tpu.dma_semaphore, #tpu.memory_space<semaphore_mem>>) src(%dma_wait3A_399 : memref<10112x32xf32, #tpu.memory_space<vmem_shared>>) dst(%arg8 : memref<128x32xf32, #tpu.memory_space<vmem>>)
    %dma_start3A_402 = arith.constant 152 : i32
    %dma_start3A_403 = arith.constant 0 : i32
    %dma_start3A_404 = arith.constant 0 : i32
    %dma_start3A_405 = tpu.memref_slice %arg7[%dma_start3A_402, %dma_start3A_404] : memref<160x128xi32, #tpu.memory_space<vmem>> -> memref<1x128xi32, #tpu.memory_space<vmem>>
    %dma_start3A_406 = tpu.memref_squeeze %dma_start3A_405 : memref<1x128xi32, #tpu.memory_space<vmem>> -> memref<128xi32, #tpu.memory_space<vmem>>
    %dma_start3A_407 = arith.constant 0 : i32
    %dma_start3A_408 = arith.constant 0 : i32
    %dma_start3A_409 = tpu.memref_slice %arg16[%dma_start3A_407, %dma_start3A_408] : memref<10112x32xf32, #tpu.memory_space<vmem_shared>> -> memref<10112x32xf32, #tpu.memory_space<vmem_shared>>
    %dma_start3A_410 = tpu.memref_slice %arg19[%dma_start3A_403] : memref<8x!tpu.dma_semaphore, #tpu.memory_space<semaphore_mem>> -> memref<1x!tpu.dma_semaphore, #tpu.memory_space<semaphore_mem>>
    %dma_start3A_411 = tpu.memref_squeeze %dma_start3A_410 : memref<1x!tpu.dma_semaphore, #tpu.memory_space<semaphore_mem>> -> memref<!tpu.dma_semaphore, #tpu.memory_space<semaphore_mem>>
    tpu.enqueue_indirect_dma source(%arg8 : memref<128x32xf32, #tpu.memory_space<vmem>>) target(%dma_start3A_409 : memref<10112x32xf32, #tpu.memory_space<vmem_shared>>) offsets(%dma_start3A_406 : memref<128xi32, #tpu.memory_space<vmem>>) semaphore(%dma_start3A_411 : memref<!tpu.dma_semaphore, #tpu.memory_space<semaphore_mem>>) {add = true}
    %dma_wait3A_412 = arith.constant 152 : i32
    %dma_wait3A_413 = arith.constant 4 : i32
    %dma_wait3A_414 = arith.constant 0 : i32
    %dma_wait3A_415 = tpu.memref_slice %arg7[%dma_wait3A_412, %dma_wait3A_414] : memref<160x128xi32, #tpu.memory_space<vmem>> -> memref<1x128xi32, #tpu.memory_space<vmem>>
    %dma_wait3A_416 = tpu.memref_squeeze %dma_wait3A_415 : memref<1x128xi32, #tpu.memory_space<vmem>> -> memref<128xi32, #tpu.memory_space<vmem>>
    %dma_wait3A_417 = arith.constant 0 : i32
    %dma_wait3A_418 = arith.constant 0 : i32
    %dma_wait3A_419 = tpu.memref_slice %arg16[%dma_wait3A_417, %dma_wait3A_418] : memref<10112x32xf32, #tpu.memory_space<vmem_shared>> -> memref<10112x32xf32, #tpu.memory_space<vmem_shared>>
    %dma_wait3A_420 = tpu.memref_slice %arg19[%dma_wait3A_413] : memref<8x!tpu.dma_semaphore, #tpu.memory_space<semaphore_mem>> -> memref<1x!tpu.dma_semaphore, #tpu.memory_space<semaphore_mem>>
    %dma_wait3A_421 = tpu.memref_squeeze %dma_wait3A_420 : memref<1x!tpu.dma_semaphore, #tpu.memory_space<semaphore_mem>> -> memref<!tpu.dma_semaphore, #tpu.memory_space<semaphore_mem>>
    tpu.wait_indirect_dma semaphore(%dma_wait3A_421 : memref<!tpu.dma_semaphore, #tpu.memory_space<semaphore_mem>>) src(%arg12 : memref<128x32xf32, #tpu.memory_space<vmem>>) dst(%dma_wait3A_419 : memref<10112x32xf32, #tpu.memory_space<vmem_shared>>)
    %dma_start3A_422 = arith.constant 156 : i32
    %dma_start3A_423 = arith.constant 4 : i32
    %dma_start3A_424 = arith.constant 0 : i32
    %dma_start3A_425 = tpu.memref_slice %arg6[%dma_start3A_422, %dma_start3A_424] : memref<160x128xi32, #tpu.memory_space<vmem>> -> memref<1x128xi32, #tpu.memory_space<vmem>>
    %dma_start3A_426 = tpu.memref_squeeze %dma_start3A_425 : memref<1x128xi32, #tpu.memory_space<vmem>> -> memref<128xi32, #tpu.memory_space<vmem>>
    %dma_start3A_427 = arith.constant 0 : i32
    %dma_start3A_428 = arith.constant 0 : i32
    %dma_start3A_429 = tpu.memref_slice %arg17[%dma_start3A_427, %dma_start3A_428] : memref<10112x32xf32, #tpu.memory_space<vmem_shared>> -> memref<10112x32xf32, #tpu.memory_space<vmem_shared>>
    %dma_start3A_430 = tpu.memref_slice %arg18[%dma_start3A_423] : memref<8x!tpu.dma_semaphore, #tpu.memory_space<semaphore_mem>> -> memref<1x!tpu.dma_semaphore, #tpu.memory_space<semaphore_mem>>
    %dma_start3A_431 = tpu.memref_squeeze %dma_start3A_430 : memref<1x!tpu.dma_semaphore, #tpu.memory_space<semaphore_mem>> -> memref<!tpu.dma_semaphore, #tpu.memory_space<semaphore_mem>>
    tpu.enqueue_indirect_dma source(%dma_start3A_429 : memref<10112x32xf32, #tpu.memory_space<vmem_shared>>) target(%arg12 : memref<128x32xf32, #tpu.memory_space<vmem>>) offsets(%dma_start3A_426 : memref<128xi32, #tpu.memory_space<vmem>>) semaphore(%dma_start3A_431 : memref<!tpu.dma_semaphore, #tpu.memory_space<semaphore_mem>>)
    %dma_wait3A_432 = arith.constant 153 : i32
    %dma_wait3A_433 = arith.constant 1 : i32
    %dma_wait3A_434 = arith.constant 0 : i32
    %dma_wait3A_435 = tpu.memref_slice %arg6[%dma_wait3A_432, %dma_wait3A_434] : memref<160x128xi32, #tpu.memory_space<vmem>> -> memref<1x128xi32, #tpu.memory_space<vmem>>
    %dma_wait3A_436 = tpu.memref_squeeze %dma_wait3A_435 : memref<1x128xi32, #tpu.memory_space<vmem>> -> memref<128xi32, #tpu.memory_space<vmem>>
    %dma_wait3A_437 = arith.constant 0 : i32
    %dma_wait3A_438 = arith.constant 0 : i32
    %dma_wait3A_439 = tpu.memref_slice %arg17[%dma_wait3A_437, %dma_wait3A_438] : memref<10112x32xf32, #tpu.memory_space<vmem_shared>> -> memref<10112x32xf32, #tpu.memory_space<vmem_shared>>
    %dma_wait3A_440 = tpu.memref_slice %arg18[%dma_wait3A_433] : memref<8x!tpu.dma_semaphore, #tpu.memory_space<semaphore_mem>> -> memref<1x!tpu.dma_semaphore, #tpu.memory_space<semaphore_mem>>
    %dma_wait3A_441 = tpu.memref_squeeze %dma_wait3A_440 : memref<1x!tpu.dma_semaphore, #tpu.memory_space<semaphore_mem>> -> memref<!tpu.dma_semaphore, #tpu.memory_space<semaphore_mem>>
    tpu.wait_indirect_dma semaphore(%dma_wait3A_441 : memref<!tpu.dma_semaphore, #tpu.memory_space<semaphore_mem>>) src(%dma_wait3A_439 : memref<10112x32xf32, #tpu.memory_space<vmem_shared>>) dst(%arg9 : memref<128x32xf32, #tpu.memory_space<vmem>>)
    %dma_start3A_442 = arith.constant 153 : i32
    %dma_start3A_443 = arith.constant 1 : i32
    %dma_start3A_444 = arith.constant 0 : i32
    %dma_start3A_445 = tpu.memref_slice %arg7[%dma_start3A_442, %dma_start3A_444] : memref<160x128xi32, #tpu.memory_space<vmem>> -> memref<1x128xi32, #tpu.memory_space<vmem>>
    %dma_start3A_446 = tpu.memref_squeeze %dma_start3A_445 : memref<1x128xi32, #tpu.memory_space<vmem>> -> memref<128xi32, #tpu.memory_space<vmem>>
    %dma_start3A_447 = arith.constant 0 : i32
    %dma_start3A_448 = arith.constant 0 : i32
    %dma_start3A_449 = tpu.memref_slice %arg16[%dma_start3A_447, %dma_start3A_448] : memref<10112x32xf32, #tpu.memory_space<vmem_shared>> -> memref<10112x32xf32, #tpu.memory_space<vmem_shared>>
    %dma_start3A_450 = tpu.memref_slice %arg19[%dma_start3A_443] : memref<8x!tpu.dma_semaphore, #tpu.memory_space<semaphore_mem>> -> memref<1x!tpu.dma_semaphore, #tpu.memory_space<semaphore_mem>>
    %dma_start3A_451 = tpu.memref_squeeze %dma_start3A_450 : memref<1x!tpu.dma_semaphore, #tpu.memory_space<semaphore_mem>> -> memref<!tpu.dma_semaphore, #tpu.memory_space<semaphore_mem>>
    tpu.enqueue_indirect_dma source(%arg9 : memref<128x32xf32, #tpu.memory_space<vmem>>) target(%dma_start3A_449 : memref<10112x32xf32, #tpu.memory_space<vmem_shared>>) offsets(%dma_start3A_446 : memref<128xi32, #tpu.memory_space<vmem>>) semaphore(%dma_start3A_451 : memref<!tpu.dma_semaphore, #tpu.memory_space<semaphore_mem>>) {add = true}
    %dma_wait3A_452 = arith.constant 153 : i32
    %dma_wait3A_453 = arith.constant 5 : i32
    %dma_wait3A_454 = arith.constant 0 : i32
    %dma_wait3A_455 = tpu.memref_slice %arg7[%dma_wait3A_452, %dma_wait3A_454] : memref<160x128xi32, #tpu.memory_space<vmem>> -> memref<1x128xi32, #tpu.memory_space<vmem>>
    %dma_wait3A_456 = tpu.memref_squeeze %dma_wait3A_455 : memref<1x128xi32, #tpu.memory_space<vmem>> -> memref<128xi32, #tpu.memory_space<vmem>>
    %dma_wait3A_457 = arith.constant 0 : i32
    %dma_wait3A_458 = arith.constant 0 : i32
    %dma_wait3A_459 = tpu.memref_slice %arg16[%dma_wait3A_457, %dma_wait3A_458] : memref<10112x32xf32, #tpu.memory_space<vmem_shared>> -> memref<10112x32xf32, #tpu.memory_space<vmem_shared>>
    %dma_wait3A_460 = tpu.memref_slice %arg19[%dma_wait3A_453] : memref<8x!tpu.dma_semaphore, #tpu.memory_space<semaphore_mem>> -> memref<1x!tpu.dma_semaphore, #tpu.memory_space<semaphore_mem>>
    %dma_wait3A_461 = tpu.memref_squeeze %dma_wait3A_460 : memref<1x!tpu.dma_semaphore, #tpu.memory_space<semaphore_mem>> -> memref<!tpu.dma_semaphore, #tpu.memory_space<semaphore_mem>>
    tpu.wait_indirect_dma semaphore(%dma_wait3A_461 : memref<!tpu.dma_semaphore, #tpu.memory_space<semaphore_mem>>) src(%arg13 : memref<128x32xf32, #tpu.memory_space<vmem>>) dst(%dma_wait3A_459 : memref<10112x32xf32, #tpu.memory_space<vmem_shared>>)
    %dma_start3A_462 = arith.constant 157 : i32
    %dma_start3A_463 = arith.constant 5 : i32
    %dma_start3A_464 = arith.constant 0 : i32
    %dma_start3A_465 = tpu.memref_slice %arg6[%dma_start3A_462, %dma_start3A_464] : memref<160x128xi32, #tpu.memory_space<vmem>> -> memref<1x128xi32, #tpu.memory_space<vmem>>
    %dma_start3A_466 = tpu.memref_squeeze %dma_start3A_465 : memref<1x128xi32, #tpu.memory_space<vmem>> -> memref<128xi32, #tpu.memory_space<vmem>>
    %dma_start3A_467 = arith.constant 0 : i32
    %dma_start3A_468 = arith.constant 0 : i32
    %dma_start3A_469 = tpu.memref_slice %arg17[%dma_start3A_467, %dma_start3A_468] : memref<10112x32xf32, #tpu.memory_space<vmem_shared>> -> memref<10112x32xf32, #tpu.memory_space<vmem_shared>>
    %dma_start3A_470 = tpu.memref_slice %arg18[%dma_start3A_463] : memref<8x!tpu.dma_semaphore, #tpu.memory_space<semaphore_mem>> -> memref<1x!tpu.dma_semaphore, #tpu.memory_space<semaphore_mem>>
    %dma_start3A_471 = tpu.memref_squeeze %dma_start3A_470 : memref<1x!tpu.dma_semaphore, #tpu.memory_space<semaphore_mem>> -> memref<!tpu.dma_semaphore, #tpu.memory_space<semaphore_mem>>
    tpu.enqueue_indirect_dma source(%dma_start3A_469 : memref<10112x32xf32, #tpu.memory_space<vmem_shared>>) target(%arg13 : memref<128x32xf32, #tpu.memory_space<vmem>>) offsets(%dma_start3A_466 : memref<128xi32, #tpu.memory_space<vmem>>) semaphore(%dma_start3A_471 : memref<!tpu.dma_semaphore, #tpu.memory_space<semaphore_mem>>)
    %dma_wait3A_472 = arith.constant 154 : i32
    %dma_wait3A_473 = arith.constant 2 : i32
    %dma_wait3A_474 = arith.constant 0 : i32
    %dma_wait3A_475 = tpu.memref_slice %arg6[%dma_wait3A_472, %dma_wait3A_474] : memref<160x128xi32, #tpu.memory_space<vmem>> -> memref<1x128xi32, #tpu.memory_space<vmem>>
    %dma_wait3A_476 = tpu.memref_squeeze %dma_wait3A_475 : memref<1x128xi32, #tpu.memory_space<vmem>> -> memref<128xi32, #tpu.memory_space<vmem>>
    %dma_wait3A_477 = arith.constant 0 : i32
    %dma_wait3A_478 = arith.constant 0 : i32
    %dma_wait3A_479 = tpu.memref_slice %arg17[%dma_wait3A_477, %dma_wait3A_478] : memref<10112x32xf32, #tpu.memory_space<vmem_shared>> -> memref<10112x32xf32, #tpu.memory_space<vmem_shared>>
    %dma_wait3A_480 = tpu.memref_slice %arg18[%dma_wait3A_473] : memref<8x!tpu.dma_semaphore, #tpu.memory_space<semaphore_mem>> -> memref<1x!tpu.dma_semaphore, #tpu.memory_space<semaphore_mem>>
    %dma_wait3A_481 = tpu.memref_squeeze %dma_wait3A_480 : memref<1x!tpu.dma_semaphore, #tpu.memory_space<semaphore_mem>> -> memref<!tpu.dma_semaphore, #tpu.memory_space<semaphore_mem>>
    tpu.wait_indirect_dma semaphore(%dma_wait3A_481 : memref<!tpu.dma_semaphore, #tpu.memory_space<semaphore_mem>>) src(%dma_wait3A_479 : memref<10112x32xf32, #tpu.memory_space<vmem_shared>>) dst(%arg10 : memref<128x32xf32, #tpu.memory_space<vmem>>)
    %dma_start3A_482 = arith.constant 154 : i32
    %dma_start3A_483 = arith.constant 2 : i32
    %dma_start3A_484 = arith.constant 0 : i32
    %dma_start3A_485 = tpu.memref_slice %arg7[%dma_start3A_482, %dma_start3A_484] : memref<160x128xi32, #tpu.memory_space<vmem>> -> memref<1x128xi32, #tpu.memory_space<vmem>>
    %dma_start3A_486 = tpu.memref_squeeze %dma_start3A_485 : memref<1x128xi32, #tpu.memory_space<vmem>> -> memref<128xi32, #tpu.memory_space<vmem>>
    %dma_start3A_487 = arith.constant 0 : i32
    %dma_start3A_488 = arith.constant 0 : i32
    %dma_start3A_489 = tpu.memref_slice %arg16[%dma_start3A_487, %dma_start3A_488] : memref<10112x32xf32, #tpu.memory_space<vmem_shared>> -> memref<10112x32xf32, #tpu.memory_space<vmem_shared>>
    %dma_start3A_490 = tpu.memref_slice %arg19[%dma_start3A_483] : memref<8x!tpu.dma_semaphore, #tpu.memory_space<semaphore_mem>> -> memref<1x!tpu.dma_semaphore, #tpu.memory_space<semaphore_mem>>
    %dma_start3A_491 = tpu.memref_squeeze %dma_start3A_490 : memref<1x!tpu.dma_semaphore, #tpu.memory_space<semaphore_mem>> -> memref<!tpu.dma_semaphore, #tpu.memory_space<semaphore_mem>>
    tpu.enqueue_indirect_dma source(%arg10 : memref<128x32xf32, #tpu.memory_space<vmem>>) target(%dma_start3A_489 : memref<10112x32xf32, #tpu.memory_space<vmem_shared>>) offsets(%dma_start3A_486 : memref<128xi32, #tpu.memory_space<vmem>>) semaphore(%dma_start3A_491 : memref<!tpu.dma_semaphore, #tpu.memory_space<semaphore_mem>>) {add = true}
    %dma_wait3A_492 = arith.constant 154 : i32
    %dma_wait3A_493 = arith.constant 6 : i32
    %dma_wait3A_494 = arith.constant 0 : i32
    %dma_wait3A_495 = tpu.memref_slice %arg7[%dma_wait3A_492, %dma_wait3A_494] : memref<160x128xi32, #tpu.memory_space<vmem>> -> memref<1x128xi32, #tpu.memory_space<vmem>>
    %dma_wait3A_496 = tpu.memref_squeeze %dma_wait3A_495 : memref<1x128xi32, #tpu.memory_space<vmem>> -> memref<128xi32, #tpu.memory_space<vmem>>
    %dma_wait3A_497 = arith.constant 0 : i32
    %dma_wait3A_498 = arith.constant 0 : i32
    %dma_wait3A_499 = tpu.memref_slice %arg16[%dma_wait3A_497, %dma_wait3A_498] : memref<10112x32xf32, #tpu.memory_space<vmem_shared>> -> memref<10112x32xf32, #tpu.memory_space<vmem_shared>>
    %dma_wait3A_500 = tpu.memref_slice %arg19[%dma_wait3A_493] : memref<8x!tpu.dma_semaphore, #tpu.memory_space<semaphore_mem>> -> memref<1x!tpu.dma_semaphore, #tpu.memory_space<semaphore_mem>>
    %dma_wait3A_501 = tpu.memref_squeeze %dma_wait3A_500 : memref<1x!tpu.dma_semaphore, #tpu.memory_space<semaphore_mem>> -> memref<!tpu.dma_semaphore, #tpu.memory_space<semaphore_mem>>
    tpu.wait_indirect_dma semaphore(%dma_wait3A_501 : memref<!tpu.dma_semaphore, #tpu.memory_space<semaphore_mem>>) src(%arg14 : memref<128x32xf32, #tpu.memory_space<vmem>>) dst(%dma_wait3A_499 : memref<10112x32xf32, #tpu.memory_space<vmem_shared>>)
    %dma_start3A_502 = arith.constant 158 : i32
    %dma_start3A_503 = arith.constant 6 : i32
    %dma_start3A_504 = arith.constant 0 : i32
    %dma_start3A_505 = tpu.memref_slice %arg6[%dma_start3A_502, %dma_start3A_504] : memref<160x128xi32, #tpu.memory_space<vmem>> -> memref<1x128xi32, #tpu.memory_space<vmem>>
    %dma_start3A_506 = tpu.memref_squeeze %dma_start3A_505 : memref<1x128xi32, #tpu.memory_space<vmem>> -> memref<128xi32, #tpu.memory_space<vmem>>
    %dma_start3A_507 = arith.constant 0 : i32
    %dma_start3A_508 = arith.constant 0 : i32
    %dma_start3A_509 = tpu.memref_slice %arg17[%dma_start3A_507, %dma_start3A_508] : memref<10112x32xf32, #tpu.memory_space<vmem_shared>> -> memref<10112x32xf32, #tpu.memory_space<vmem_shared>>
    %dma_start3A_510 = tpu.memref_slice %arg18[%dma_start3A_503] : memref<8x!tpu.dma_semaphore, #tpu.memory_space<semaphore_mem>> -> memref<1x!tpu.dma_semaphore, #tpu.memory_space<semaphore_mem>>
    %dma_start3A_511 = tpu.memref_squeeze %dma_start3A_510 : memref<1x!tpu.dma_semaphore, #tpu.memory_space<semaphore_mem>> -> memref<!tpu.dma_semaphore, #tpu.memory_space<semaphore_mem>>
    tpu.enqueue_indirect_dma source(%dma_start3A_509 : memref<10112x32xf32, #tpu.memory_space<vmem_shared>>) target(%arg14 : memref<128x32xf32, #tpu.memory_space<vmem>>) offsets(%dma_start3A_506 : memref<128xi32, #tpu.memory_space<vmem>>) semaphore(%dma_start3A_511 : memref<!tpu.dma_semaphore, #tpu.memory_space<semaphore_mem>>)
    %dma_wait3A_512 = arith.constant 155 : i32
    %dma_wait3A_513 = arith.constant 3 : i32
    %dma_wait3A_514 = arith.constant 0 : i32
    %dma_wait3A_515 = tpu.memref_slice %arg6[%dma_wait3A_512, %dma_wait3A_514] : memref<160x128xi32, #tpu.memory_space<vmem>> -> memref<1x128xi32, #tpu.memory_space<vmem>>
    %dma_wait3A_516 = tpu.memref_squeeze %dma_wait3A_515 : memref<1x128xi32, #tpu.memory_space<vmem>> -> memref<128xi32, #tpu.memory_space<vmem>>
    %dma_wait3A_517 = arith.constant 0 : i32
    %dma_wait3A_518 = arith.constant 0 : i32
    %dma_wait3A_519 = tpu.memref_slice %arg17[%dma_wait3A_517, %dma_wait3A_518] : memref<10112x32xf32, #tpu.memory_space<vmem_shared>> -> memref<10112x32xf32, #tpu.memory_space<vmem_shared>>
    %dma_wait3A_520 = tpu.memref_slice %arg18[%dma_wait3A_513] : memref<8x!tpu.dma_semaphore, #tpu.memory_space<semaphore_mem>> -> memref<1x!tpu.dma_semaphore, #tpu.memory_space<semaphore_mem>>
    %dma_wait3A_521 = tpu.memref_squeeze %dma_wait3A_520 : memref<1x!tpu.dma_semaphore, #tpu.memory_space<semaphore_mem>> -> memref<!tpu.dma_semaphore, #tpu.memory_space<semaphore_mem>>
    tpu.wait_indirect_dma semaphore(%dma_wait3A_521 : memref<!tpu.dma_semaphore, #tpu.memory_space<semaphore_mem>>) src(%dma_wait3A_519 : memref<10112x32xf32, #tpu.memory_space<vmem_shared>>) dst(%arg11 : memref<128x32xf32, #tpu.memory_space<vmem>>)
    %dma_start3A_522 = arith.constant 155 : i32
    %dma_start3A_523 = arith.constant 3 : i32
    %dma_start3A_524 = arith.constant 0 : i32
    %dma_start3A_525 = tpu.memref_slice %arg7[%dma_start3A_522, %dma_start3A_524] : memref<160x128xi32, #tpu.memory_space<vmem>> -> memref<1x128xi32, #tpu.memory_space<vmem>>
    %dma_start3A_526 = tpu.memref_squeeze %dma_start3A_525 : memref<1x128xi32, #tpu.memory_space<vmem>> -> memref<128xi32, #tpu.memory_space<vmem>>
    %dma_start3A_527 = arith.constant 0 : i32
    %dma_start3A_528 = arith.constant 0 : i32
    %dma_start3A_529 = tpu.memref_slice %arg16[%dma_start3A_527, %dma_start3A_528] : memref<10112x32xf32, #tpu.memory_space<vmem_shared>> -> memref<10112x32xf32, #tpu.memory_space<vmem_shared>>
    %dma_start3A_530 = tpu.memref_slice %arg19[%dma_start3A_523] : memref<8x!tpu.dma_semaphore, #tpu.memory_space<semaphore_mem>> -> memref<1x!tpu.dma_semaphore, #tpu.memory_space<semaphore_mem>>
    %dma_start3A_531 = tpu.memref_squeeze %dma_start3A_530 : memref<1x!tpu.dma_semaphore, #tpu.memory_space<semaphore_mem>> -> memref<!tpu.dma_semaphore, #tpu.memory_space<semaphore_mem>>
    tpu.enqueue_indirect_dma source(%arg11 : memref<128x32xf32, #tpu.memory_space<vmem>>) target(%dma_start3A_529 : memref<10112x32xf32, #tpu.memory_space<vmem_shared>>) offsets(%dma_start3A_526 : memref<128xi32, #tpu.memory_space<vmem>>) semaphore(%dma_start3A_531 : memref<!tpu.dma_semaphore, #tpu.memory_space<semaphore_mem>>) {add = true}
    %dma_wait3A_532 = arith.constant 155 : i32
    %dma_wait3A_533 = arith.constant 7 : i32
    %dma_wait3A_534 = arith.constant 0 : i32
    %dma_wait3A_535 = tpu.memref_slice %arg7[%dma_wait3A_532, %dma_wait3A_534] : memref<160x128xi32, #tpu.memory_space<vmem>> -> memref<1x128xi32, #tpu.memory_space<vmem>>
    %dma_wait3A_536 = tpu.memref_squeeze %dma_wait3A_535 : memref<1x128xi32, #tpu.memory_space<vmem>> -> memref<128xi32, #tpu.memory_space<vmem>>
    %dma_wait3A_537 = arith.constant 0 : i32
    %dma_wait3A_538 = arith.constant 0 : i32
    %dma_wait3A_539 = tpu.memref_slice %arg16[%dma_wait3A_537, %dma_wait3A_538] : memref<10112x32xf32, #tpu.memory_space<vmem_shared>> -> memref<10112x32xf32, #tpu.memory_space<vmem_shared>>
    %dma_wait3A_540 = tpu.memref_slice %arg19[%dma_wait3A_533] : memref<8x!tpu.dma_semaphore, #tpu.memory_space<semaphore_mem>> -> memref<1x!tpu.dma_semaphore, #tpu.memory_space<semaphore_mem>>
    %dma_wait3A_541 = tpu.memref_squeeze %dma_wait3A_540 : memref<1x!tpu.dma_semaphore, #tpu.memory_space<semaphore_mem>> -> memref<!tpu.dma_semaphore, #tpu.memory_space<semaphore_mem>>
    tpu.wait_indirect_dma semaphore(%dma_wait3A_541 : memref<!tpu.dma_semaphore, #tpu.memory_space<semaphore_mem>>) src(%arg15 : memref<128x32xf32, #tpu.memory_space<vmem>>) dst(%dma_wait3A_539 : memref<10112x32xf32, #tpu.memory_space<vmem_shared>>)
    %dma_start3A_542 = arith.constant 159 : i32
    %dma_start3A_543 = arith.constant 7 : i32
    %dma_start3A_544 = arith.constant 0 : i32
    %dma_start3A_545 = tpu.memref_slice %arg6[%dma_start3A_542, %dma_start3A_544] : memref<160x128xi32, #tpu.memory_space<vmem>> -> memref<1x128xi32, #tpu.memory_space<vmem>>
    %dma_start3A_546 = tpu.memref_squeeze %dma_start3A_545 : memref<1x128xi32, #tpu.memory_space<vmem>> -> memref<128xi32, #tpu.memory_space<vmem>>
    %dma_start3A_547 = arith.constant 0 : i32
    %dma_start3A_548 = arith.constant 0 : i32
    %dma_start3A_549 = tpu.memref_slice %arg17[%dma_start3A_547, %dma_start3A_548] : memref<10112x32xf32, #tpu.memory_space<vmem_shared>> -> memref<10112x32xf32, #tpu.memory_space<vmem_shared>>
    %dma_start3A_550 = tpu.memref_slice %arg18[%dma_start3A_543] : memref<8x!tpu.dma_semaphore, #tpu.memory_space<semaphore_mem>> -> memref<1x!tpu.dma_semaphore, #tpu.memory_space<semaphore_mem>>
    %dma_start3A_551 = tpu.memref_squeeze %dma_start3A_550 : memref<1x!tpu.dma_semaphore, #tpu.memory_space<semaphore_mem>> -> memref<!tpu.dma_semaphore, #tpu.memory_space<semaphore_mem>>
    tpu.enqueue_indirect_dma source(%dma_start3A_549 : memref<10112x32xf32, #tpu.memory_space<vmem_shared>>) target(%arg15 : memref<128x32xf32, #tpu.memory_space<vmem>>) offsets(%dma_start3A_546 : memref<128xi32, #tpu.memory_space<vmem>>) semaphore(%dma_start3A_551 : memref<!tpu.dma_semaphore, #tpu.memory_space<semaphore_mem>>)
    %dma_wait3A_552 = arith.constant 156 : i32
    %dma_wait3A_553 = arith.constant 4 : i32
    %dma_wait3A_554 = arith.constant 0 : i32
    %dma_wait3A_555 = tpu.memref_slice %arg6[%dma_wait3A_552, %dma_wait3A_554] : memref<160x128xi32, #tpu.memory_space<vmem>> -> memref<1x128xi32, #tpu.memory_space<vmem>>
    %dma_wait3A_556 = tpu.memref_squeeze %dma_wait3A_555 : memref<1x128xi32, #tpu.memory_space<vmem>> -> memref<128xi32, #tpu.memory_space<vmem>>
    %dma_wait3A_557 = arith.constant 0 : i32
    %dma_wait3A_558 = arith.constant 0 : i32
    %dma_wait3A_559 = tpu.memref_slice %arg17[%dma_wait3A_557, %dma_wait3A_558] : memref<10112x32xf32, #tpu.memory_space<vmem_shared>> -> memref<10112x32xf32, #tpu.memory_space<vmem_shared>>
    %dma_wait3A_560 = tpu.memref_slice %arg18[%dma_wait3A_553] : memref<8x!tpu.dma_semaphore, #tpu.memory_space<semaphore_mem>> -> memref<1x!tpu.dma_semaphore, #tpu.memory_space<semaphore_mem>>
    %dma_wait3A_561 = tpu.memref_squeeze %dma_wait3A_560 : memref<1x!tpu.dma_semaphore, #tpu.memory_space<semaphore_mem>> -> memref<!tpu.dma_semaphore, #tpu.memory_space<semaphore_mem>>
    tpu.wait_indirect_dma semaphore(%dma_wait3A_561 : memref<!tpu.dma_semaphore, #tpu.memory_space<semaphore_mem>>) src(%dma_wait3A_559 : memref<10112x32xf32, #tpu.memory_space<vmem_shared>>) dst(%arg12 : memref<128x32xf32, #tpu.memory_space<vmem>>)
    %dma_start3A_562 = arith.constant 156 : i32
    %dma_start3A_563 = arith.constant 4 : i32
    %dma_start3A_564 = arith.constant 0 : i32
    %dma_start3A_565 = tpu.memref_slice %arg7[%dma_start3A_562, %dma_start3A_564] : memref<160x128xi32, #tpu.memory_space<vmem>> -> memref<1x128xi32, #tpu.memory_space<vmem>>
    %dma_start3A_566 = tpu.memref_squeeze %dma_start3A_565 : memref<1x128xi32, #tpu.memory_space<vmem>> -> memref<128xi32, #tpu.memory_space<vmem>>
    %dma_start3A_567 = arith.constant 0 : i32
    %dma_start3A_568 = arith.constant 0 : i32
    %dma_start3A_569 = tpu.memref_slice %arg16[%dma_start3A_567, %dma_start3A_568] : memref<10112x32xf32, #tpu.memory_space<vmem_shared>> -> memref<10112x32xf32, #tpu.memory_space<vmem_shared>>
    %dma_start3A_570 = tpu.memref_slice %arg19[%dma_start3A_563] : memref<8x!tpu.dma_semaphore, #tpu.memory_space<semaphore_mem>> -> memref<1x!tpu.dma_semaphore, #tpu.memory_space<semaphore_mem>>
    %dma_start3A_571 = tpu.memref_squeeze %dma_start3A_570 : memref<1x!tpu.dma_semaphore, #tpu.memory_space<semaphore_mem>> -> memref<!tpu.dma_semaphore, #tpu.memory_space<semaphore_mem>>
    tpu.enqueue_indirect_dma source(%arg12 : memref<128x32xf32, #tpu.memory_space<vmem>>) target(%dma_start3A_569 : memref<10112x32xf32, #tpu.memory_space<vmem_shared>>) offsets(%dma_start3A_566 : memref<128xi32, #tpu.memory_space<vmem>>) semaphore(%dma_start3A_571 : memref<!tpu.dma_semaphore, #tpu.memory_space<semaphore_mem>>) {add = true}
    %dma_wait3A_572 = arith.constant 156 : i32
    %dma_wait3A_573 = arith.constant 0 : i32
    %dma_wait3A_574 = arith.constant 0 : i32
    %dma_wait3A_575 = tpu.memref_slice %arg7[%dma_wait3A_572, %dma_wait3A_574] : memref<160x128xi32, #tpu.memory_space<vmem>> -> memref<1x128xi32, #tpu.memory_space<vmem>>
    %dma_wait3A_576 = tpu.memref_squeeze %dma_wait3A_575 : memref<1x128xi32, #tpu.memory_space<vmem>> -> memref<128xi32, #tpu.memory_space<vmem>>
    %dma_wait3A_577 = arith.constant 0 : i32
    %dma_wait3A_578 = arith.constant 0 : i32
    %dma_wait3A_579 = tpu.memref_slice %arg16[%dma_wait3A_577, %dma_wait3A_578] : memref<10112x32xf32, #tpu.memory_space<vmem_shared>> -> memref<10112x32xf32, #tpu.memory_space<vmem_shared>>
    %dma_wait3A_580 = tpu.memref_slice %arg19[%dma_wait3A_573] : memref<8x!tpu.dma_semaphore, #tpu.memory_space<semaphore_mem>> -> memref<1x!tpu.dma_semaphore, #tpu.memory_space<semaphore_mem>>
    %dma_wait3A_581 = tpu.memref_squeeze %dma_wait3A_580 : memref<1x!tpu.dma_semaphore, #tpu.memory_space<semaphore_mem>> -> memref<!tpu.dma_semaphore, #tpu.memory_space<semaphore_mem>>
    tpu.wait_indirect_dma semaphore(%dma_wait3A_581 : memref<!tpu.dma_semaphore, #tpu.memory_space<semaphore_mem>>) src(%arg8 : memref<128x32xf32, #tpu.memory_space<vmem>>) dst(%dma_wait3A_579 : memref<10112x32xf32, #tpu.memory_space<vmem_shared>>)
    %dma_wait3A_582 = arith.constant 157 : i32
    %dma_wait3A_583 = arith.constant 5 : i32
    %dma_wait3A_584 = arith.constant 0 : i32
    %dma_wait3A_585 = tpu.memref_slice %arg6[%dma_wait3A_582, %dma_wait3A_584] : memref<160x128xi32, #tpu.memory_space<vmem>> -> memref<1x128xi32, #tpu.memory_space<vmem>>
    %dma_wait3A_586 = tpu.memref_squeeze %dma_wait3A_585 : memref<1x128xi32, #tpu.memory_space<vmem>> -> memref<128xi32, #tpu.memory_space<vmem>>
    %dma_wait3A_587 = arith.constant 0 : i32
    %dma_wait3A_588 = arith.constant 0 : i32
    %dma_wait3A_589 = tpu.memref_slice %arg17[%dma_wait3A_587, %dma_wait3A_588] : memref<10112x32xf32, #tpu.memory_space<vmem_shared>> -> memref<10112x32xf32, #tpu.memory_space<vmem_shared>>
    %dma_wait3A_590 = tpu.memref_slice %arg18[%dma_wait3A_583] : memref<8x!tpu.dma_semaphore, #tpu.memory_space<semaphore_mem>> -> memref<1x!tpu.dma_semaphore, #tpu.memory_space<semaphore_mem>>
    %dma_wait3A_591 = tpu.memref_squeeze %dma_wait3A_590 : memref<1x!tpu.dma_semaphore, #tpu.memory_space<semaphore_mem>> -> memref<!tpu.dma_semaphore, #tpu.memory_space<semaphore_mem>>
    tpu.wait_indirect_dma semaphore(%dma_wait3A_591 : memref<!tpu.dma_semaphore, #tpu.memory_space<semaphore_mem>>) src(%dma_wait3A_589 : memref<10112x32xf32, #tpu.memory_space<vmem_shared>>) dst(%arg13 : memref<128x32xf32, #tpu.memory_space<vmem>>)
    %dma_start3A_592 = arith.constant 157 : i32
    %dma_start3A_593 = arith.constant 5 : i32
    %dma_start3A_594 = arith.constant 0 : i32
    %dma_start3A_595 = tpu.memref_slice %arg7[%dma_start3A_592, %dma_start3A_594] : memref<160x128xi32, #tpu.memory_space<vmem>> -> memref<1x128xi32, #tpu.memory_space<vmem>>
    %dma_start3A_596 = tpu.memref_squeeze %dma_start3A_595 : memref<1x128xi32, #tpu.memory_space<vmem>> -> memref<128xi32, #tpu.memory_space<vmem>>
    %dma_start3A_597 = arith.constant 0 : i32
    %dma_start3A_598 = arith.constant 0 : i32
    %dma_start3A_599 = tpu.memref_slice %arg16[%dma_start3A_597, %dma_start3A_598] : memref<10112x32xf32, #tpu.memory_space<vmem_shared>> -> memref<10112x32xf32, #tpu.memory_space<vmem_shared>>
    %dma_start3A_600 = tpu.memref_slice %arg19[%dma_start3A_593] : memref<8x!tpu.dma_semaphore, #tpu.memory_space<semaphore_mem>> -> memref<1x!tpu.dma_semaphore, #tpu.memory_space<semaphore_mem>>
    %dma_start3A_601 = tpu.memref_squeeze %dma_start3A_600 : memref<1x!tpu.dma_semaphore, #tpu.memory_space<semaphore_mem>> -> memref<!tpu.dma_semaphore, #tpu.memory_space<semaphore_mem>>
    tpu.enqueue_indirect_dma source(%arg13 : memref<128x32xf32, #tpu.memory_space<vmem>>) target(%dma_start3A_599 : memref<10112x32xf32, #tpu.memory_space<vmem_shared>>) offsets(%dma_start3A_596 : memref<128xi32, #tpu.memory_space<vmem>>) semaphore(%dma_start3A_601 : memref<!tpu.dma_semaphore, #tpu.memory_space<semaphore_mem>>) {add = true}
    %dma_wait3A_602 = arith.constant 157 : i32
    %dma_wait3A_603 = arith.constant 1 : i32
    %dma_wait3A_604 = arith.constant 0 : i32
    %dma_wait3A_605 = tpu.memref_slice %arg7[%dma_wait3A_602, %dma_wait3A_604] : memref<160x128xi32, #tpu.memory_space<vmem>> -> memref<1x128xi32, #tpu.memory_space<vmem>>
    %dma_wait3A_606 = tpu.memref_squeeze %dma_wait3A_605 : memref<1x128xi32, #tpu.memory_space<vmem>> -> memref<128xi32, #tpu.memory_space<vmem>>
    %dma_wait3A_607 = arith.constant 0 : i32
    %dma_wait3A_608 = arith.constant 0 : i32
    %dma_wait3A_609 = tpu.memref_slice %arg16[%dma_wait3A_607, %dma_wait3A_608] : memref<10112x32xf32, #tpu.memory_space<vmem_shared>> -> memref<10112x32xf32, #tpu.memory_space<vmem_shared>>
    %dma_wait3A_610 = tpu.memref_slice %arg19[%dma_wait3A_603] : memref<8x!tpu.dma_semaphore, #tpu.memory_space<semaphore_mem>> -> memref<1x!tpu.dma_semaphore, #tpu.memory_space<semaphore_mem>>
    %dma_wait3A_611 = tpu.memref_squeeze %dma_wait3A_610 : memref<1x!tpu.dma_semaphore, #tpu.memory_space<semaphore_mem>> -> memref<!tpu.dma_semaphore, #tpu.memory_space<semaphore_mem>>
    tpu.wait_indirect_dma semaphore(%dma_wait3A_611 : memref<!tpu.dma_semaphore, #tpu.memory_space<semaphore_mem>>) src(%arg9 : memref<128x32xf32, #tpu.memory_space<vmem>>) dst(%dma_wait3A_609 : memref<10112x32xf32, #tpu.memory_space<vmem_shared>>)
    %dma_wait3A_612 = arith.constant 158 : i32
    %dma_wait3A_613 = arith.constant 6 : i32
    %dma_wait3A_614 = arith.constant 0 : i32
    %dma_wait3A_615 = tpu.memref_slice %arg6[%dma_wait3A_612, %dma_wait3A_614] : memref<160x128xi32, #tpu.memory_space<vmem>> -> memref<1x128xi32, #tpu.memory_space<vmem>>
    %dma_wait3A_616 = tpu.memref_squeeze %dma_wait3A_615 : memref<1x128xi32, #tpu.memory_space<vmem>> -> memref<128xi32, #tpu.memory_space<vmem>>
    %dma_wait3A_617 = arith.constant 0 : i32
    %dma_wait3A_618 = arith.constant 0 : i32
    %dma_wait3A_619 = tpu.memref_slice %arg17[%dma_wait3A_617, %dma_wait3A_618] : memref<10112x32xf32, #tpu.memory_space<vmem_shared>> -> memref<10112x32xf32, #tpu.memory_space<vmem_shared>>
    %dma_wait3A_620 = tpu.memref_slice %arg18[%dma_wait3A_613] : memref<8x!tpu.dma_semaphore, #tpu.memory_space<semaphore_mem>> -> memref<1x!tpu.dma_semaphore, #tpu.memory_space<semaphore_mem>>
    %dma_wait3A_621 = tpu.memref_squeeze %dma_wait3A_620 : memref<1x!tpu.dma_semaphore, #tpu.memory_space<semaphore_mem>> -> memref<!tpu.dma_semaphore, #tpu.memory_space<semaphore_mem>>
    tpu.wait_indirect_dma semaphore(%dma_wait3A_621 : memref<!tpu.dma_semaphore, #tpu.memory_space<semaphore_mem>>) src(%dma_wait3A_619 : memref<10112x32xf32, #tpu.memory_space<vmem_shared>>) dst(%arg14 : memref<128x32xf32, #tpu.memory_space<vmem>>)
    %dma_start3A_622 = arith.constant 158 : i32
    %dma_start3A_623 = arith.constant 6 : i32
    %dma_start3A_624 = arith.constant 0 : i32
    %dma_start3A_625 = tpu.memref_slice %arg7[%dma_start3A_622, %dma_start3A_624] : memref<160x128xi32, #tpu.memory_space<vmem>> -> memref<1x128xi32, #tpu.memory_space<vmem>>
    %dma_start3A_626 = tpu.memref_squeeze %dma_start3A_625 : memref<1x128xi32, #tpu.memory_space<vmem>> -> memref<128xi32, #tpu.memory_space<vmem>>
    %dma_start3A_627 = arith.constant 0 : i32
    %dma_start3A_628 = arith.constant 0 : i32
    %dma_start3A_629 = tpu.memref_slice %arg16[%dma_start3A_627, %dma_start3A_628] : memref<10112x32xf32, #tpu.memory_space<vmem_shared>> -> memref<10112x32xf32, #tpu.memory_space<vmem_shared>>
    %dma_start3A_630 = tpu.memref_slice %arg19[%dma_start3A_623] : memref<8x!tpu.dma_semaphore, #tpu.memory_space<semaphore_mem>> -> memref<1x!tpu.dma_semaphore, #tpu.memory_space<semaphore_mem>>
    %dma_start3A_631 = tpu.memref_squeeze %dma_start3A_630 : memref<1x!tpu.dma_semaphore, #tpu.memory_space<semaphore_mem>> -> memref<!tpu.dma_semaphore, #tpu.memory_space<semaphore_mem>>
    tpu.enqueue_indirect_dma source(%arg14 : memref<128x32xf32, #tpu.memory_space<vmem>>) target(%dma_start3A_629 : memref<10112x32xf32, #tpu.memory_space<vmem_shared>>) offsets(%dma_start3A_626 : memref<128xi32, #tpu.memory_space<vmem>>) semaphore(%dma_start3A_631 : memref<!tpu.dma_semaphore, #tpu.memory_space<semaphore_mem>>) {add = true}
    %dma_wait3A_632 = arith.constant 158 : i32
    %dma_wait3A_633 = arith.constant 2 : i32
    %dma_wait3A_634 = arith.constant 0 : i32
    %dma_wait3A_635 = tpu.memref_slice %arg7[%dma_wait3A_632, %dma_wait3A_634] : memref<160x128xi32, #tpu.memory_space<vmem>> -> memref<1x128xi32, #tpu.memory_space<vmem>>
    %dma_wait3A_636 = tpu.memref_squeeze %dma_wait3A_635 : memref<1x128xi32, #tpu.memory_space<vmem>> -> memref<128xi32, #tpu.memory_space<vmem>>
    %dma_wait3A_637 = arith.constant 0 : i32
    %dma_wait3A_638 = arith.constant 0 : i32
    %dma_wait3A_639 = tpu.memref_slice %arg16[%dma_wait3A_637, %dma_wait3A_638] : memref<10112x32xf32, #tpu.memory_space<vmem_shared>> -> memref<10112x32xf32, #tpu.memory_space<vmem_shared>>
    %dma_wait3A_640 = tpu.memref_slice %arg19[%dma_wait3A_633] : memref<8x!tpu.dma_semaphore, #tpu.memory_space<semaphore_mem>> -> memref<1x!tpu.dma_semaphore, #tpu.memory_space<semaphore_mem>>
    %dma_wait3A_641 = tpu.memref_squeeze %dma_wait3A_640 : memref<1x!tpu.dma_semaphore, #tpu.memory_space<semaphore_mem>> -> memref<!tpu.dma_semaphore, #tpu.memory_space<semaphore_mem>>
    tpu.wait_indirect_dma semaphore(%dma_wait3A_641 : memref<!tpu.dma_semaphore, #tpu.memory_space<semaphore_mem>>) src(%arg10 : memref<128x32xf32, #tpu.memory_space<vmem>>) dst(%dma_wait3A_639 : memref<10112x32xf32, #tpu.memory_space<vmem_shared>>)
    %dma_wait3A_642 = arith.constant 159 : i32
    %dma_wait3A_643 = arith.constant 7 : i32
    %dma_wait3A_644 = arith.constant 0 : i32
    %dma_wait3A_645 = tpu.memref_slice %arg6[%dma_wait3A_642, %dma_wait3A_644] : memref<160x128xi32, #tpu.memory_space<vmem>> -> memref<1x128xi32, #tpu.memory_space<vmem>>
    %dma_wait3A_646 = tpu.memref_squeeze %dma_wait3A_645 : memref<1x128xi32, #tpu.memory_space<vmem>> -> memref<128xi32, #tpu.memory_space<vmem>>
    %dma_wait3A_647 = arith.constant 0 : i32
    %dma_wait3A_648 = arith.constant 0 : i32
    %dma_wait3A_649 = tpu.memref_slice %arg17[%dma_wait3A_647, %dma_wait3A_648] : memref<10112x32xf32, #tpu.memory_space<vmem_shared>> -> memref<10112x32xf32, #tpu.memory_space<vmem_shared>>
    %dma_wait3A_650 = tpu.memref_slice %arg18[%dma_wait3A_643] : memref<8x!tpu.dma_semaphore, #tpu.memory_space<semaphore_mem>> -> memref<1x!tpu.dma_semaphore, #tpu.memory_space<semaphore_mem>>
    %dma_wait3A_651 = tpu.memref_squeeze %dma_wait3A_650 : memref<1x!tpu.dma_semaphore, #tpu.memory_space<semaphore_mem>> -> memref<!tpu.dma_semaphore, #tpu.memory_space<semaphore_mem>>
    tpu.wait_indirect_dma semaphore(%dma_wait3A_651 : memref<!tpu.dma_semaphore, #tpu.memory_space<semaphore_mem>>) src(%dma_wait3A_649 : memref<10112x32xf32, #tpu.memory_space<vmem_shared>>) dst(%arg15 : memref<128x32xf32, #tpu.memory_space<vmem>>)
    %dma_start3A_652 = arith.constant 159 : i32
    %dma_start3A_653 = arith.constant 7 : i32
    %dma_start3A_654 = arith.constant 0 : i32
    %dma_start3A_655 = tpu.memref_slice %arg7[%dma_start3A_652, %dma_start3A_654] : memref<160x128xi32, #tpu.memory_space<vmem>> -> memref<1x128xi32, #tpu.memory_space<vmem>>
    %dma_start3A_656 = tpu.memref_squeeze %dma_start3A_655 : memref<1x128xi32, #tpu.memory_space<vmem>> -> memref<128xi32, #tpu.memory_space<vmem>>
    %dma_start3A_657 = arith.constant 0 : i32
    %dma_start3A_658 = arith.constant 0 : i32
    %dma_start3A_659 = tpu.memref_slice %arg16[%dma_start3A_657, %dma_start3A_658] : memref<10112x32xf32, #tpu.memory_space<vmem_shared>> -> memref<10112x32xf32, #tpu.memory_space<vmem_shared>>
    %dma_start3A_660 = tpu.memref_slice %arg19[%dma_start3A_653] : memref<8x!tpu.dma_semaphore, #tpu.memory_space<semaphore_mem>> -> memref<1x!tpu.dma_semaphore, #tpu.memory_space<semaphore_mem>>
    %dma_start3A_661 = tpu.memref_squeeze %dma_start3A_660 : memref<1x!tpu.dma_semaphore, #tpu.memory_space<semaphore_mem>> -> memref<!tpu.dma_semaphore, #tpu.memory_space<semaphore_mem>>
    tpu.enqueue_indirect_dma source(%arg15 : memref<128x32xf32, #tpu.memory_space<vmem>>) target(%dma_start3A_659 : memref<10112x32xf32, #tpu.memory_space<vmem_shared>>) offsets(%dma_start3A_656 : memref<128xi32, #tpu.memory_space<vmem>>) semaphore(%dma_start3A_661 : memref<!tpu.dma_semaphore, #tpu.memory_space<semaphore_mem>>) {add = true}
    %dma_wait3A_662 = arith.constant 159 : i32
    %dma_wait3A_663 = arith.constant 3 : i32
    %dma_wait3A_664 = arith.constant 0 : i32
    %dma_wait3A_665 = tpu.memref_slice %arg7[%dma_wait3A_662, %dma_wait3A_664] : memref<160x128xi32, #tpu.memory_space<vmem>> -> memref<1x128xi32, #tpu.memory_space<vmem>>
    %dma_wait3A_666 = tpu.memref_squeeze %dma_wait3A_665 : memref<1x128xi32, #tpu.memory_space<vmem>> -> memref<128xi32, #tpu.memory_space<vmem>>
    %dma_wait3A_667 = arith.constant 0 : i32
    %dma_wait3A_668 = arith.constant 0 : i32
    %dma_wait3A_669 = tpu.memref_slice %arg16[%dma_wait3A_667, %dma_wait3A_668] : memref<10112x32xf32, #tpu.memory_space<vmem_shared>> -> memref<10112x32xf32, #tpu.memory_space<vmem_shared>>
    %dma_wait3A_670 = tpu.memref_slice %arg19[%dma_wait3A_663] : memref<8x!tpu.dma_semaphore, #tpu.memory_space<semaphore_mem>> -> memref<1x!tpu.dma_semaphore, #tpu.memory_space<semaphore_mem>>
    %dma_wait3A_671 = tpu.memref_squeeze %dma_wait3A_670 : memref<1x!tpu.dma_semaphore, #tpu.memory_space<semaphore_mem>> -> memref<!tpu.dma_semaphore, #tpu.memory_space<semaphore_mem>>
    tpu.wait_indirect_dma semaphore(%dma_wait3A_671 : memref<!tpu.dma_semaphore, #tpu.memory_space<semaphore_mem>>) src(%arg11 : memref<128x32xf32, #tpu.memory_space<vmem>>) dst(%dma_wait3A_669 : memref<10112x32xf32, #tpu.memory_space<vmem_shared>>)
    %dma_wait3A_672 = arith.constant 0 : i32
    %dma_wait3A_673 = arith.constant 4 : i32
    %dma_wait3A_674 = arith.constant 0 : i32
    %dma_wait3A_675 = tpu.memref_slice %arg7[%dma_wait3A_672, %dma_wait3A_674] : memref<160x128xi32, #tpu.memory_space<vmem>> -> memref<1x128xi32, #tpu.memory_space<vmem>>
    %dma_wait3A_676 = tpu.memref_squeeze %dma_wait3A_675 : memref<1x128xi32, #tpu.memory_space<vmem>> -> memref<128xi32, #tpu.memory_space<vmem>>
    %dma_wait3A_677 = arith.constant 0 : i32
    %dma_wait3A_678 = arith.constant 0 : i32
    %dma_wait3A_679 = tpu.memref_slice %arg16[%dma_wait3A_677, %dma_wait3A_678] : memref<10112x32xf32, #tpu.memory_space<vmem_shared>> -> memref<10112x32xf32, #tpu.memory_space<vmem_shared>>
    %dma_wait3A_680 = tpu.memref_slice %arg19[%dma_wait3A_673] : memref<8x!tpu.dma_semaphore, #tpu.memory_space<semaphore_mem>> -> memref<1x!tpu.dma_semaphore, #tpu.memory_space<semaphore_mem>>
    %dma_wait3A_681 = tpu.memref_squeeze %dma_wait3A_680 : memref<1x!tpu.dma_semaphore, #tpu.memory_space<semaphore_mem>> -> memref<!tpu.dma_semaphore, #tpu.memory_space<semaphore_mem>>
    tpu.wait_indirect_dma semaphore(%dma_wait3A_681 : memref<!tpu.dma_semaphore, #tpu.memory_space<semaphore_mem>>) src(%arg12 : memref<128x32xf32, #tpu.memory_space<vmem>>) dst(%dma_wait3A_679 : memref<10112x32xf32, #tpu.memory_space<vmem_shared>>)
    %dma_wait3A_682 = arith.constant 0 : i32
    %dma_wait3A_683 = arith.constant 5 : i32
    %dma_wait3A_684 = arith.constant 0 : i32
    %dma_wait3A_685 = tpu.memref_slice %arg7[%dma_wait3A_682, %dma_wait3A_684] : memref<160x128xi32, #tpu.memory_space<vmem>> -> memref<1x128xi32, #tpu.memory_space<vmem>>
    %dma_wait3A_686 = tpu.memref_squeeze %dma_wait3A_685 : memref<1x128xi32, #tpu.memory_space<vmem>> -> memref<128xi32, #tpu.memory_space<vmem>>
    %dma_wait3A_687 = arith.constant 0 : i32
    %dma_wait3A_688 = arith.constant 0 : i32
    %dma_wait3A_689 = tpu.memref_slice %arg16[%dma_wait3A_687, %dma_wait3A_688] : memref<10112x32xf32, #tpu.memory_space<vmem_shared>> -> memref<10112x32xf32, #tpu.memory_space<vmem_shared>>
    %dma_wait3A_690 = tpu.memref_slice %arg19[%dma_wait3A_683] : memref<8x!tpu.dma_semaphore, #tpu.memory_space<semaphore_mem>> -> memref<1x!tpu.dma_semaphore, #tpu.memory_space<semaphore_mem>>
    %dma_wait3A_691 = tpu.memref_squeeze %dma_wait3A_690 : memref<1x!tpu.dma_semaphore, #tpu.memory_space<semaphore_mem>> -> memref<!tpu.dma_semaphore, #tpu.memory_space<semaphore_mem>>
    tpu.wait_indirect_dma semaphore(%dma_wait3A_691 : memref<!tpu.dma_semaphore, #tpu.memory_space<semaphore_mem>>) src(%arg13 : memref<128x32xf32, #tpu.memory_space<vmem>>) dst(%dma_wait3A_689 : memref<10112x32xf32, #tpu.memory_space<vmem_shared>>)
    %dma_wait3A_692 = arith.constant 0 : i32
    %dma_wait3A_693 = arith.constant 6 : i32
    %dma_wait3A_694 = arith.constant 0 : i32
    %dma_wait3A_695 = tpu.memref_slice %arg7[%dma_wait3A_692, %dma_wait3A_694] : memref<160x128xi32, #tpu.memory_space<vmem>> -> memref<1x128xi32, #tpu.memory_space<vmem>>
    %dma_wait3A_696 = tpu.memref_squeeze %dma_wait3A_695 : memref<1x128xi32, #tpu.memory_space<vmem>> -> memref<128xi32, #tpu.memory_space<vmem>>
    %dma_wait3A_697 = arith.constant 0 : i32
    %dma_wait3A_698 = arith.constant 0 : i32
    %dma_wait3A_699 = tpu.memref_slice %arg16[%dma_wait3A_697, %dma_wait3A_698] : memref<10112x32xf32, #tpu.memory_space<vmem_shared>> -> memref<10112x32xf32, #tpu.memory_space<vmem_shared>>
    %dma_wait3A_700 = tpu.memref_slice %arg19[%dma_wait3A_693] : memref<8x!tpu.dma_semaphore, #tpu.memory_space<semaphore_mem>> -> memref<1x!tpu.dma_semaphore, #tpu.memory_space<semaphore_mem>>
    %dma_wait3A_701 = tpu.memref_squeeze %dma_wait3A_700 : memref<1x!tpu.dma_semaphore, #tpu.memory_space<semaphore_mem>> -> memref<!tpu.dma_semaphore, #tpu.memory_space<semaphore_mem>>
    tpu.wait_indirect_dma semaphore(%dma_wait3A_701 : memref<!tpu.dma_semaphore, #tpu.memory_space<semaphore_mem>>) src(%arg14 : memref<128x32xf32, #tpu.memory_space<vmem>>) dst(%dma_wait3A_699 : memref<10112x32xf32, #tpu.memory_space<vmem_shared>>)
    %dma_wait3A_702 = arith.constant 0 : i32
    %dma_wait3A_703 = arith.constant 7 : i32
    %dma_wait3A_704 = arith.constant 0 : i32
    %dma_wait3A_705 = tpu.memref_slice %arg7[%dma_wait3A_702, %dma_wait3A_704] : memref<160x128xi32, #tpu.memory_space<vmem>> -> memref<1x128xi32, #tpu.memory_space<vmem>>
    %dma_wait3A_706 = tpu.memref_squeeze %dma_wait3A_705 : memref<1x128xi32, #tpu.memory_space<vmem>> -> memref<128xi32, #tpu.memory_space<vmem>>
    %dma_wait3A_707 = arith.constant 0 : i32
    %dma_wait3A_708 = arith.constant 0 : i32
    %dma_wait3A_709 = tpu.memref_slice %arg16[%dma_wait3A_707, %dma_wait3A_708] : memref<10112x32xf32, #tpu.memory_space<vmem_shared>> -> memref<10112x32xf32, #tpu.memory_space<vmem_shared>>
    %dma_wait3A_710 = tpu.memref_slice %arg19[%dma_wait3A_703] : memref<8x!tpu.dma_semaphore, #tpu.memory_space<semaphore_mem>> -> memref<1x!tpu.dma_semaphore, #tpu.memory_space<semaphore_mem>>
    %dma_wait3A_711 = tpu.memref_squeeze %dma_wait3A_710 : memref<1x!tpu.dma_semaphore, #tpu.memory_space<semaphore_mem>> -> memref<!tpu.dma_semaphore, #tpu.memory_space<semaphore_mem>>
    tpu.wait_indirect_dma semaphore(%dma_wait3A_711 : memref<!tpu.dma_semaphore, #tpu.memory_space<semaphore_mem>>) src(%arg15 : memref<128x32xf32, #tpu.memory_space<vmem>>) dst(%dma_wait3A_709 : memref<10112x32xf32, #tpu.memory_space<vmem_shared>>)
    %barrier3A_712 = arith.constant 0 : index
    tpu.barrier barrier_id(%barrier3A_712)
    %mul3A_713 = arith.constant 632 : i32
    %mul3A_714 = arith.muli %arg1, %mul3A_713 : i32
    %mul3A_715 = arith.constant 632 : i32
    %mul3A_716 = arith.muli %arg1, %mul3A_715 : i32
    "tpu.region"() ({
      %run_scoped3A = tpu.sem_alloc : memref<!tpu.dma_semaphore, #tpu.memory_space<semaphore_mem>>
      %dma_start3A_717 = arith.constant 0 : i32
      %dma_start3A_718 = tpu.memref_slice %arg5[%arg0, %mul3A_716, %dma_start3A_717] : memref<2x10112x32xf32, #tpu.memory_space<hbm>> -> memref<1x632x32xf32, #tpu.memory_space<hbm>>
      %dma_start3A_719 = tpu.memref_squeeze %dma_start3A_718 : memref<1x632x32xf32, #tpu.memory_space<hbm>> -> memref<632x32xf32, #tpu.memory_space<hbm>>
      %dma_start3A_720 = arith.constant 0 : i32
      %dma_start3A_721 = tpu.memref_slice %arg16[%mul3A_714, %dma_start3A_720] : memref<10112x32xf32, #tpu.memory_space<vmem_shared>> -> memref<632x32xf32, #tpu.memory_space<vmem_shared>>
      tpu.enqueue_dma source(%dma_start3A_721 : memref<632x32xf32, #tpu.memory_space<vmem_shared>>) target(%dma_start3A_719 : memref<632x32xf32, #tpu.memory_space<hbm>>) target_semaphore(%run_scoped3A : memref<!tpu.dma_semaphore, #tpu.memory_space<semaphore_mem>>)
      %dma_wait3A_722 = arith.constant 0 : i32
      %dma_wait3A_723 = tpu.memref_slice %arg5[%arg0, %mul3A_716, %dma_wait3A_722] : memref<2x10112x32xf32, #tpu.memory_space<hbm>> -> memref<1x632x32xf32, #tpu.memory_space<hbm>>
      %dma_wait3A_724 = tpu.memref_squeeze %dma_wait3A_723 : memref<1x632x32xf32, #tpu.memory_space<hbm>> -> memref<632x32xf32, #tpu.memory_space<hbm>>
      %dma_wait3A_725 = arith.constant 0 : i32
      %dma_wait3A_726 = tpu.memref_slice %arg16[%mul3A_714, %dma_wait3A_725] : memref<10112x32xf32, #tpu.memory_space<vmem_shared>> -> memref<632x32xf32, #tpu.memory_space<vmem_shared>>
      tpu.wait_dma2 semaphore(%run_scoped3A : memref<!tpu.dma_semaphore, #tpu.memory_space<semaphore_mem>>) src(%dma_wait3A_726 : memref<632x32xf32, #tpu.memory_space<vmem_shared>>) dst(%dma_wait3A_724 : memref<632x32xf32, #tpu.memory_space<hbm>>)
      tpu.yield
    }) : () -> ()
    return
  }
}

module attributes {stable_mosaic.version = 14 : i64} {
  func.func @_linear_relu_body(%arg0: memref<10000x128xf32, #tpu.memory_space<vmem>>, %arg1: memref<128x64xf32, #tpu.memory_space<vmem>>, %arg2: memref<1x64xf32, #tpu.memory_space<vmem>>, %arg3: memref<2x320000xi32, #tpu.memory_space<vmem>>, %arg4: memref<2x10112x32xf32, #tpu.memory_space<vmem>>, %arg5: memref<2560x128xi32, #tpu.memory_space<vmem>>, %arg6: memref<2560x128xi32, #tpu.memory_space<vmem>>) attributes {dimension_semantics = [], scalar_prefetch = 0 : i64, scratch_operands = 0 : i64, tpu.core_type = #tpu.core_type<tc>} {
    %get3A = arith.constant 0 : index
    %get3A_0 = arith.constant 0 : index
    %get3A_1 = vector.load %arg0[%get3A, %get3A_0] : memref<10000x128xf32, #tpu.memory_space<vmem>>, vector<10000x128xf32>
    %get3A_2 = arith.constant 0 : index
    %get3A_3 = arith.constant 0 : index
    %get3A_4 = vector.load %arg1[%get3A_2, %get3A_3] : memref<128x64xf32, #tpu.memory_space<vmem>>, vector<128x64xf32>
    %dot_general3A = arith.constant dense<0.000000e+00> : vector<10000x64xf32>
    %dot_general3A_5 = tpu.matmul %get3A_1, %get3A_4, %dot_general3A {dimension_numbers = #tpu.dot_dimension_numbers<[1], [0], [0], [1], [0, 0, 1, 1], [], []>, transpose_lhs_hint = false} : vector<10000x128xf32>, vector<128x64xf32>, vector<10000x64xf32> -> vector<10000x64xf32>
    %get3A_6 = arith.constant 0 : index
    %get3A_7 = arith.constant 0 : index
    %get3A_8 = vector.load %arg2[%get3A_6, %get3A_7] : memref<1x64xf32, #tpu.memory_space<vmem>>, vector<1x64xf32>
    %add3A = vector.broadcast %get3A_8 : vector<1x64xf32> to vector<10000x64xf32>
    %add3A_9 = arith.addf %dot_general3A_5, %add3A : vector<10000x64xf32>
    %max3A = arith.constant 0.000000e+00 : f32
    %max3A_10 = vector.broadcast %max3A : f32 to vector<10000x64xf32>
    %max3A_11 = arith.maximumf %add3A_9, %max3A_10 : vector<10000x64xf32>
    %slice3A = vector.extract_strided_slice %max3A_11 {offsets = [0, 0], sizes = [10000, 32], strides = [1, 1]} : vector<10000x64xf32> to vector<10000x32xf32>
    %swap3A = arith.constant 0 : index
    %swap3A_12 = arith.constant 0 : index
    %swap3A_13 = arith.constant 0 : index
    %swap3A_14 = vector.load %arg4[%swap3A, %swap3A_12, %swap3A_13] : memref<2x10112x32xf32, #tpu.memory_space<vmem>>, vector<1x10000x32xf32>
    %swap3A_15 = vector.shape_cast %swap3A_14 : vector<1x10000x32xf32> to vector<10000x32xf32>
    %swap3A_16 = vector.shape_cast %slice3A : vector<10000x32xf32> to vector<1x10000x32xf32>
    tpu.vector_store %arg4[%swap3A, %swap3A_12, %swap3A_13], %swap3A_16 {strides = array<i32>} : memref<2x10112x32xf32, #tpu.memory_space<vmem>>, vector<1x10000x32xf32>,
    %slice3A_17 = vector.extract_strided_slice %max3A_11 {offsets = [0, 32], sizes = [10000, 32], strides = [1, 1]} : vector<10000x64xf32> to vector<10000x32xf32>
    %swap3A_18 = arith.constant 1 : index
    %swap3A_19 = arith.constant 0 : index
    %swap3A_20 = arith.constant 0 : index
    %swap3A_21 = vector.load %arg4[%swap3A_18, %swap3A_19, %swap3A_20] : memref<2x10112x32xf32, #tpu.memory_space<vmem>>, vector<1x10000x32xf32>
    %swap3A_22 = vector.shape_cast %swap3A_21 : vector<1x10000x32xf32> to vector<10000x32xf32>
    %swap3A_23 = vector.shape_cast %slice3A_17 : vector<10000x32xf32> to vector<1x10000x32xf32>
    tpu.vector_store %arg4[%swap3A_18, %swap3A_19, %swap3A_20], %swap3A_23 {strides = array<i32>} : memref<2x10112x32xf32, #tpu.memory_space<vmem>>, vector<1x10000x32xf32>,
    %get3A_24 = arith.constant 0 : index
    %get3A_25 = arith.constant 0 : index
    %get3A_26 = vector.load %arg3[%get3A_24, %get3A_25] : memref<2x320000xi32, #tpu.memory_space<vmem>>, vector<2x320000xi32>
    %reshape3A = vector.shape_cast %get3A_26 : vector<2x320000xi32> to vector<2x2500x128xi32>
    %slice3A_27 = vector.extract_strided_slice %reshape3A {offsets = [0, 0, 0], sizes = [1, 2500, 128], strides = [1, 1, 1]} : vector<2x2500x128xi32> to vector<1x2500x128xi32>
    %squeeze3A = vector.shape_cast %slice3A_27 : vector<1x2500x128xi32> to vector<2500x128xi32>
    %swap3A_28 = arith.constant 0 : index
    %swap3A_29 = arith.constant 0 : index
    %swap3A_30 = vector.load %arg5[%swap3A_28, %swap3A_29] : memref<2560x128xi32, #tpu.memory_space<vmem>>, vector<2500x128xi32>
    tpu.vector_store %arg5[%swap3A_28, %swap3A_29], %squeeze3A {strides = array<i32>} : memref<2560x128xi32, #tpu.memory_space<vmem>>, vector<2500x128xi32>,
    %broadcast_in_dim3A = arith.constant 0 : i32
    %broadcast_in_dim3A_31 = vector.broadcast %broadcast_in_dim3A : i32 to vector<60x128xi32>
    %swap3A_32 = arith.constant 2500 : index
    %swap3A_33 = arith.constant 0 : index
    %swap3A_34 = vector.load %arg5[%swap3A_32, %swap3A_33] : memref<2560x128xi32, #tpu.memory_space<vmem>>, vector<60x128xi32>
    tpu.vector_store %arg5[%swap3A_32, %swap3A_33], %broadcast_in_dim3A_31 {strides = array<i32>} : memref<2560x128xi32, #tpu.memory_space<vmem>>, vector<60x128xi32>,
    %slice3A_35 = vector.extract_strided_slice %reshape3A {offsets = [1, 0, 0], sizes = [1, 2500, 128], strides = [1, 1, 1]} : vector<2x2500x128xi32> to vector<1x2500x128xi32>
    %squeeze3A_36 = vector.shape_cast %slice3A_35 : vector<1x2500x128xi32> to vector<2500x128xi32>
    %swap3A_37 = arith.constant 0 : index
    %swap3A_38 = arith.constant 0 : index
    %swap3A_39 = vector.load %arg6[%swap3A_37, %swap3A_38] : memref<2560x128xi32, #tpu.memory_space<vmem>>, vector<2500x128xi32>
    tpu.vector_store %arg6[%swap3A_37, %swap3A_38], %squeeze3A_36 {strides = array<i32>} : memref<2560x128xi32, #tpu.memory_space<vmem>>, vector<2500x128xi32>,
    %broadcast_in_dim3A_40 = arith.constant 10111 : i32
    %broadcast_in_dim3A_41 = vector.broadcast %broadcast_in_dim3A_40 : i32 to vector<60x128xi32>
    %swap3A_42 = arith.constant 2500 : index
    %swap3A_43 = arith.constant 0 : index
    %swap3A_44 = vector.load %arg6[%swap3A_42, %swap3A_43] : memref<2560x128xi32, #tpu.memory_space<vmem>>, vector<60x128xi32>
    tpu.vector_store %arg6[%swap3A_42, %swap3A_43], %broadcast_in_dim3A_41 {strides = array<i32>} : memref<2560x128xi32, #tpu.memory_space<vmem>>, vector<60x128xi32>,
    return
  }
}

module attributes {stable_mosaic.version = 14 : i64} {
  func.func @_mlp_body(%arg0: memref<2x10112x32xf32, #tpu.memory_space<vmem>>, %arg1: memref<64x64xf32, #tpu.memory_space<vmem>>, %arg2: memref<1x64xf32, #tpu.memory_space<vmem>>, %arg3: memref<64x64xf32, #tpu.memory_space<vmem>>, %arg4: memref<1x64xf32, #tpu.memory_space<vmem>>, %arg5: memref<2x10112x32xf32, #tpu.memory_space<vmem>>) attributes {dimension_semantics = [], scalar_prefetch = 0 : i64, scratch_operands = 0 : i64, tpu.core_type = #tpu.core_type<tc>} {
    %get3A = arith.constant 0 : index
    %get3A_0 = arith.constant 0 : index
    %get3A_1 = arith.constant 0 : index
    %get3A_2 = vector.load %arg0[%get3A, %get3A_0, %get3A_1] : memref<2x10112x32xf32, #tpu.memory_space<vmem>>, vector<1x10000x32xf32>
    %get3A_3 = vector.shape_cast %get3A_2 : vector<1x10000x32xf32> to vector<10000x32xf32>
    %get3A_4 = arith.constant 1 : index
    %get3A_5 = arith.constant 0 : index
    %get3A_6 = arith.constant 0 : index
    %get3A_7 = vector.load %arg0[%get3A_4, %get3A_5, %get3A_6] : memref<2x10112x32xf32, #tpu.memory_space<vmem>>, vector<1x10000x32xf32>
    %get3A_8 = vector.shape_cast %get3A_7 : vector<1x10000x32xf32> to vector<10000x32xf32>
    %concatenate3A = tpu.concatenate %get3A_3, %get3A_8 in 1 : vector<10000x32xf32>, vector<10000x32xf32> -> vector<10000x64xf32>
    %get3A_9 = arith.constant 0 : index
    %get3A_10 = arith.constant 0 : index
    %get3A_11 = vector.load %arg1[%get3A_9, %get3A_10] : memref<64x64xf32, #tpu.memory_space<vmem>>, vector<64x64xf32>
    %dot_general3A = arith.constant dense<0.000000e+00> : vector<10000x64xf32>
    %dot_general3A_12 = tpu.matmul %concatenate3A, %get3A_11, %dot_general3A {dimension_numbers = #tpu.dot_dimension_numbers<[1], [0], [0], [1], [0, 0, 1, 1], [], []>, transpose_lhs_hint = false} : vector<10000x64xf32>, vector<64x64xf32>, vector<10000x64xf32> -> vector<10000x64xf32>
    %get3A_13 = arith.constant 0 : index
    %get3A_14 = arith.constant 0 : index
    %get3A_15 = vector.load %arg2[%get3A_13, %get3A_14] : memref<1x64xf32, #tpu.memory_space<vmem>>, vector<1x64xf32>
    %add3A = vector.broadcast %get3A_15 : vector<1x64xf32> to vector<10000x64xf32>
    %add3A_16 = arith.addf %dot_general3A_12, %add3A : vector<10000x64xf32>
    %max3A = arith.constant 0.000000e+00 : f32
    %max3A_17 = vector.broadcast %max3A : f32 to vector<10000x64xf32>
    %max3A_18 = arith.maximumf %add3A_16, %max3A_17 : vector<10000x64xf32>
    %get3A_19 = arith.constant 0 : index
    %get3A_20 = arith.constant 0 : index
    %get3A_21 = vector.load %arg3[%get3A_19, %get3A_20] : memref<64x64xf32, #tpu.memory_space<vmem>>, vector<64x64xf32>
    %dot_general3A_22 = arith.constant dense<0.000000e+00> : vector<10000x64xf32>
    %dot_general3A_23 = tpu.matmul %max3A_18, %get3A_21, %dot_general3A_22 {dimension_numbers = #tpu.dot_dimension_numbers<[1], [0], [0], [1], [0, 0, 1, 1], [], []>, transpose_lhs_hint = false} : vector<10000x64xf32>, vector<64x64xf32>, vector<10000x64xf32> -> vector<10000x64xf32>
    %get3A_24 = arith.constant 0 : index
    %get3A_25 = arith.constant 0 : index
    %get3A_26 = vector.load %arg4[%get3A_24, %get3A_25] : memref<1x64xf32, #tpu.memory_space<vmem>>, vector<1x64xf32>
    %add3A_27 = vector.broadcast %get3A_26 : vector<1x64xf32> to vector<10000x64xf32>
    %add3A_28 = arith.addf %dot_general3A_23, %add3A_27 : vector<10000x64xf32>
    %max3A_29 = arith.constant 0.000000e+00 : f32
    %max3A_30 = vector.broadcast %max3A_29 : f32 to vector<10000x64xf32>
    %max3A_31 = arith.maximumf %add3A_28, %max3A_30 : vector<10000x64xf32>
    %slice3A = vector.extract_strided_slice %max3A_31 {offsets = [0, 0], sizes = [10000, 32], strides = [1, 1]} : vector<10000x64xf32> to vector<10000x32xf32>
    %swap3A = arith.constant 0 : index
    %swap3A_32 = arith.constant 0 : index
    %swap3A_33 = arith.constant 0 : index
    %swap3A_34 = vector.load %arg5[%swap3A, %swap3A_32, %swap3A_33] : memref<2x10112x32xf32, #tpu.memory_space<vmem>>, vector<1x10000x32xf32>
    %swap3A_35 = vector.shape_cast %swap3A_34 : vector<1x10000x32xf32> to vector<10000x32xf32>
    %swap3A_36 = vector.shape_cast %slice3A : vector<10000x32xf32> to vector<1x10000x32xf32>
    tpu.vector_store %arg5[%swap3A, %swap3A_32, %swap3A_33], %swap3A_36 {strides = array<i32>} : memref<2x10112x32xf32, #tpu.memory_space<vmem>>, vector<1x10000x32xf32>,
    %slice3A_37 = vector.extract_strided_slice %max3A_31 {offsets = [0, 32], sizes = [10000, 32], strides = [1, 1]} : vector<10000x64xf32> to vector<10000x32xf32>
    %swap3A_38 = arith.constant 1 : index
    %swap3A_39 = arith.constant 0 : index
    %swap3A_40 = arith.constant 0 : index
    %swap3A_41 = vector.load %arg5[%swap3A_38, %swap3A_39, %swap3A_40] : memref<2x10112x32xf32, #tpu.memory_space<vmem>>, vector<1x10000x32xf32>
    %swap3A_42 = vector.shape_cast %swap3A_41 : vector<1x10000x32xf32> to vector<10000x32xf32>
    %swap3A_43 = vector.shape_cast %slice3A_37 : vector<10000x32xf32> to vector<1x10000x32xf32>
    tpu.vector_store %arg5[%swap3A_38, %swap3A_39, %swap3A_40], %swap3A_43 {strides = array<i32>} : memref<2x10112x32xf32, #tpu.memory_space<vmem>>, vector<1x10000x32xf32>,
    return
  }
}

module attributes {stable_mosaic.version = 14 : i64} {
  func.func @_mlp_pool_body(%arg0: memref<2x10112x32xf32, #tpu.memory_space<vmem>>, %arg1: memref<64x64xf32, #tpu.memory_space<vmem>>, %arg2: memref<1x64xf32, #tpu.memory_space<vmem>>, %arg3: memref<64x64xf32, #tpu.memory_space<vmem>>, %arg4: memref<1x64xf32, #tpu.memory_space<vmem>>, %arg5: memref<10000x1xi32, #tpu.memory_space<vmem>>, %arg6: memref<64x64xf32, #tpu.memory_space<vmem>>) attributes {dimension_semantics = [], scalar_prefetch = 0 : i64, scratch_operands = 0 : i64, tpu.core_type = #tpu.core_type<tc>} {
    %get3A = arith.constant 0 : index
    %get3A_0 = arith.constant 0 : index
    %get3A_1 = arith.constant 0 : index
    %get3A_2 = vector.load %arg0[%get3A, %get3A_0, %get3A_1] : memref<2x10112x32xf32, #tpu.memory_space<vmem>>, vector<1x10000x32xf32>
    %get3A_3 = vector.shape_cast %get3A_2 : vector<1x10000x32xf32> to vector<10000x32xf32>
    %get3A_4 = arith.constant 1 : index
    %get3A_5 = arith.constant 0 : index
    %get3A_6 = arith.constant 0 : index
    %get3A_7 = vector.load %arg0[%get3A_4, %get3A_5, %get3A_6] : memref<2x10112x32xf32, #tpu.memory_space<vmem>>, vector<1x10000x32xf32>
    %get3A_8 = vector.shape_cast %get3A_7 : vector<1x10000x32xf32> to vector<10000x32xf32>
    %concatenate3A = tpu.concatenate %get3A_3, %get3A_8 in 1 : vector<10000x32xf32>, vector<10000x32xf32> -> vector<10000x64xf32>
    %get3A_9 = arith.constant 0 : index
    %get3A_10 = arith.constant 0 : index
    %get3A_11 = vector.load %arg1[%get3A_9, %get3A_10] : memref<64x64xf32, #tpu.memory_space<vmem>>, vector<64x64xf32>
    %dot_general3A = arith.constant dense<0.000000e+00> : vector<10000x64xf32>
    %dot_general3A_12 = tpu.matmul %concatenate3A, %get3A_11, %dot_general3A {dimension_numbers = #tpu.dot_dimension_numbers<[1], [0], [0], [1], [0, 0, 1, 1], [], []>, transpose_lhs_hint = false} : vector<10000x64xf32>, vector<64x64xf32>, vector<10000x64xf32> -> vector<10000x64xf32>
    %get3A_13 = arith.constant 0 : index
    %get3A_14 = arith.constant 0 : index
    %get3A_15 = vector.load %arg2[%get3A_13, %get3A_14] : memref<1x64xf32, #tpu.memory_space<vmem>>, vector<1x64xf32>
    %add3A = vector.broadcast %get3A_15 : vector<1x64xf32> to vector<10000x64xf32>
    %add3A_16 = arith.addf %dot_general3A_12, %add3A : vector<10000x64xf32>
    %max3A = arith.constant 0.000000e+00 : f32
    %max3A_17 = vector.broadcast %max3A : f32 to vector<10000x64xf32>
    %max3A_18 = arith.maximumf %add3A_16, %max3A_17 : vector<10000x64xf32>
    %get3A_19 = arith.constant 0 : index
    %get3A_20 = arith.constant 0 : index
    %get3A_21 = vector.load %arg3[%get3A_19, %get3A_20] : memref<64x64xf32, #tpu.memory_space<vmem>>, vector<64x64xf32>
    %dot_general3A_22 = arith.constant dense<0.000000e+00> : vector<10000x64xf32>
    %dot_general3A_23 = tpu.matmul %max3A_18, %get3A_21, %dot_general3A_22 {dimension_numbers = #tpu.dot_dimension_numbers<[1], [0], [0], [1], [0, 0, 1, 1], [], []>, transpose_lhs_hint = false} : vector<10000x64xf32>, vector<64x64xf32>, vector<10000x64xf32> -> vector<10000x64xf32>
    %get3A_24 = arith.constant 0 : index
    %get3A_25 = arith.constant 0 : index
    %get3A_26 = vector.load %arg4[%get3A_24, %get3A_25] : memref<1x64xf32, #tpu.memory_space<vmem>>, vector<1x64xf32>
    %add3A_27 = vector.broadcast %get3A_26 : vector<1x64xf32> to vector<10000x64xf32>
    %add3A_28 = arith.addf %dot_general3A_23, %add3A_27 : vector<10000x64xf32>
    %max3A_29 = arith.constant 0.000000e+00 : f32
    %max3A_30 = vector.broadcast %max3A_29 : f32 to vector<10000x64xf32>
    %max3A_31 = arith.maximumf %add3A_28, %max3A_30 : vector<10000x64xf32>
    %iota3A = tpu.iota {dimensions = array<i32: 1>} : vector<10000x64xi32>
    %get3A_32 = arith.constant 0 : index
    %get3A_33 = arith.constant 0 : index
    %get3A_34 = vector.load %arg5[%get3A_32, %get3A_33] : memref<10000x1xi32, #tpu.memory_space<vmem>>, vector<10000x1xi32>
    %eq3A = vector.broadcast %get3A_34 : vector<10000x1xi32> to vector<10000x64xi32>
    %eq3A_35 = arith.cmpi eq, %eq3A, %iota3A : vector<10000x64xi32>
    %convert_element_type3A = arith.extui %eq3A_35 : vector<10000x64xi1> to vector<10000x64xi32>
    %convert_element_type3A_36 = arith.sitofp %convert_element_type3A : vector<10000x64xi32> to vector<10000x64xf32>
    %dot_general3A_37 = arith.constant dense<0.000000e+00> : vector<64x64xf32>
    %dot_general3A_38 = tpu.matmul %convert_element_type3A_36, %max3A_31, %dot_general3A_37 {dimension_numbers = #tpu.dot_dimension_numbers<[0], [0], [1], [1], [0, 1, 1, 1], [], []>, transpose_lhs_hint = false} : vector<10000x64xf32>, vector<10000x64xf32>, vector<64x64xf32> -> vector<64x64xf32>
    %reduce_sum3A = arith.constant dense<0.000000e+00> : vector<64xf32>
    %reduce_sum3A_39 = vector.multi_reduction <add>, %convert_element_type3A_36, %reduce_sum3A [0] : vector<10000x64xf32> to vector<64xf32>
    %max3A_40 = arith.constant 1.000000e+00 : f32
    %max3A_41 = vector.broadcast %max3A_40 : f32 to vector<64xf32>
    %max3A_42 = arith.maximumf %reduce_sum3A_39, %max3A_41 : vector<64xf32>
    %broadcast_in_dim3A = vector.shape_cast %max3A_42 : vector<64xf32> to vector<64x1xf32>
    %div3A = vector.broadcast %broadcast_in_dim3A : vector<64x1xf32> to vector<64x64xf32>
    %div3A_43 = arith.divf %dot_general3A_38, %div3A : vector<64x64xf32>
    %swap3A = arith.constant 0 : index
    %swap3A_44 = arith.constant 0 : index
    %swap3A_45 = vector.load %arg6[%swap3A, %swap3A_44] : memref<64x64xf32, #tpu.memory_space<vmem>>, vector<64x64xf32>
    tpu.vector_store %arg6[%swap3A, %swap3A_44], %div3A_43 {strides = array<i32>} : memref<64x64xf32, #tpu.memory_space<vmem>>, vector<64x64xf32>,
    return
  }
}

</mosaic_0001>

<sc_bundles>
// kernel: kernel.10.cloned.1.call-start
scs
__scs_entry_jumppad:
0x0: {  	(pc) =	sbr.rel $0x88, $3  }
0x1: {  	(tag) =	ssettag $0x0;
	lr =	simm.s32 $0x1  }
0x2: {  	[smem:$0x3F94] =	sst lr;
	_ =	strace $0xD0000000  }
0x3: {  	_ = 	snop  }
0x4: {  	_ = 	snop  }
0x5: {  	_ = 	snop  }
0x6: {  	_ = 	snop  }
0x7: {  	_ = 	snop  }
__scs_overlays_trampoline_lowered:
0x8: {  	[smem:$0x3FA3] =	sst s0  }
0x9: {  	[smem:$0x3FA4] =	sst s1  }
0xa: {  	[smem:$0x3FA5] =	sst s2  }
0xb: {  	[smem:$0x3FA6] =	sst s3  }
0xc: {  	[smem:$0x3FA7] =	sst s4  }
0xd: {  	[smem:$0x3FA8] =	sst s5  }
0xe: {  	[smem:$0x3FA9] =	sst s6  }
0xf: {  	[smem:$0x3FAA] =	sst s7  }
0x10: {  	[smem:$0x3FAB] =	sst s8  }
0x11: {  	[smem:$0x3FAC] =	sst s9;
	s0 =	simm.s32 @!p0 $0x0  }
0x12: {  	s1 =	sld [smem:$0x3F92];
	s0 =	simm.s32 @p0 $0x1  }
0x13: {  	[smem:$0x3FAD] =	sst s0;
	s0 =	simm.s32 @!p1 $0x0  }
0x14: {  	s2 =	sld [smem:$0x3F91];
	s0 =	simm.s32 @p1 $0x1  }
0x15: {  	[smem:$0x3FAE] =	sst s0;
	s0 =	simm.s32 @!p2 $0x0  }
0x16: {  	s3 =	sld [smem:$0x3FDB];
	s0 =	simm.s32 @p2 $0x1  }
0x17: {  	s4 =	simm.s32 $0x1BF5;
	[smem:$0x3FB0] =	sst s0  }
0x18: {  	s0 =	sld [smem:$0x3F93];
	_ =	swait.ge [sflag:s4], $0x0  }
0x19: {  	s7 =	sld [smem:$0x3F94]  }
0x1a: {  	s8 =	sadd.s32 $0xFFFFE003, lr  }
0x1b: {  	s9 =	sadd.s32 $0xFFFFFEF7, lr;
	s5 =	simm.s32 $0xFFFFFFFF;
	p2 =	slt.u32 s8, $0xFFFFF086  }
0x1c: {  	p1 =	slt.u32 s9, $0xF7A;
	s5 =	simm.s32 @!p2 $0x0  }
0x1d: {  	s5 =	simm.s32 @p1 $0x1;
	p0 =	seq.s32 s7, s2  }
0x1e: {  	s7 =	smul.u32 @!p0 $0xF7A, s2;
	p2 =	seq.s32 @!p0 s5, $0x0  }
0x1f: {  	s9 =	smul.u32 $0xF7A, s1;
	s8 =	simm.s32 @!p0 $0x1BF5;
	p2 =	por !p2, p0  }
0x20: {  	[sflag:s8] =	ssyncset.s32 @!p0 $0xFFFFF086;
	s6 =	sadd.s32 @!p0 s3, s7;
	s7 =	simm.s32 @!p0 $0x108  }
0x21: {  	s3 =	sadd.s32 s3, s9;
	s6 =	sadd.s32 @!p0 $0x88, s6;
	s7 =	simm.s32 @p2 $0x1082  }
0x22: {  	[simem:s7], [sflag:s8] =	dma.local @!p0 [hbm:s6], $0xF7A  }
0x23: {  	s9 =	sor.u32 $0xD0000000, s2;
	s6 =	simm.s32 $0x108;
	_ =	swait.ge @!p0 [sflag:s8], $0x0  }
0x24: {  	s3 =	sadd.s32 $0x88, s3;
	s6 =	simm.s32 @!p1 $0x1082;
	[sflag:s4] =	ssyncset.s32 $0xFFFFF086  }
0x25: {  	[simem:s6], [sflag:s4] =	dma.local [hbm:s3], $0xF7A  }
0x26: {  	[smem:$0x3F94] =	sst s1;
	(tag) =	ssettag s2;
	_ =	strace s9  }
0x27: {  	s1 =	sld [smem:$0x3FA4]  }
0x28: {  	s2 =	sld [smem:$0x3FA5]  }
0x29: {  	s4 =	sld [smem:$0x3FA7]  }
0x2a: {  	p0 =	seq.s32 s5, $0x0;
	s5 =	sld [smem:$0x3FA8]  }
0x2b: {  	s6 =	sld [smem:$0x3FA9]  }
0x2c: {  	s7 =	sld [smem:$0x3FAA]  }
0x2d: {  	s3 =	simm.s32 $0x108;
	s8 =	sld [smem:$0x3FAB]  }
0x2e: {  	s3 =	simm.s32 @!p0 $0x1082;
	s9 =	sld [smem:$0x3FAC]  }
0x2f: {  	lr =	sadd.s32 s0, s3;
	s0 =	sld [smem:$0x3FA3]  }
0x30: {  	s3 =	sld [smem:$0x3FA6]  }
0x31: {  	[smem:$0x3FAF] =	sst s10  }
0x32: {  	s10 =	sld [smem:$0x3FAD];
	_ =	sdelay $0x3  }
0x33: {  	p0 =	seq.s32 s10, $0x1;
	s10 =	sld [smem:$0x3FAF];
	_ =	sdelay $0x3  }
0x34: {  	[smem:$0x3FAF] =	sst s10  }
0x35: {  	s10 =	sld [smem:$0x3FAE];
	_ =	sdelay $0x3  }
0x36: {  	p1 =	seq.s32 s10, $0x1;
	s10 =	sld [smem:$0x3FAF];
	_ =	sdelay $0x3  }
0x37: {  	[smem:$0x3FAF] =	sst s10  }
0x38: {  	s10 =	sld [smem:$0x3FB0]  }
0x39: {  	_ = 	snop;
	(pc) =	sbr.ind lr, $3  }
0x3a: {  	_ = 	snop  }
0x3b: {  	_ = 	snop  }
0x3c: {  	p2 =	seq.s32 s10, $0x1;
	s10 =	sld [smem:$0x3FAF]  }
0x3d: {  	_ =	shalt  }
0x3e: {  	_ =	shalt  }
0x3f: {  	_ =	shalt  }
0x40: {  	_ =	shalt  }
0x41: {  	_ =	shalt  }
0x42: {  	_ =	shalt  }
0x43: {  	_ =	shalt  }
0x44: {  	_ =	shalt  }
0x45: {  	_ =	shalt  }
0x46: {  	_ =	shalt  }
0x47: {  	_ =	shalt  }
0x48: {  	_ =	shalt  }
0x49: {  	_ =	shalt  }
0x4a: {  	_ =	shalt  }
0x4b: {  	_ =	shalt  }
0x4c: {  	_ =	shalt  }
0x4d: {  	_ =	shalt  }
0x4e: {  	_ =	shalt  }
0x4f: {  	_ =	shalt  }
0x50: {  	_ =	shalt  }
0x51: {  	_ =	shalt  }
0x52: {  	_ =	shalt  }
0x53: {  	_ =	shalt  }
0x54: {  	_ =	shalt  }
0x55: {  	_ =	shalt  }
0x56: {  	_ =	shalt  }
0x57: {  	_ =	shalt  }
0x58: {  	_ =	shalt  }
0x59: {  	_ =	shalt  }
0x5a: {  	_ =	shalt  }
0x5b: {  	_ =	shalt  }
0x5c: {  	_ =	shalt  }
0x5d: {  	_ =	shalt  }
0x5e: {  	_ =	shalt  }
0x5f: {  	_ =	shalt  }
0x60: {  	_ =	shalt  }
0x61: {  	_ =	shalt  }
0x62: {  	_ =	shalt  }
0x63: {  	_ =	shalt  }
0x64: {  	_ =	shalt  }
0x65: {  	_ =	shalt  }
0x66: {  	_ =	shalt  }
0x67: {  	_ =	shalt  }
0x68: {  	_ =	shalt  }
0x69: {  	_ =	shalt  }
0x6a: {  	_ =	shalt  }
0x6b: {  	_ =	shalt  }
0x6c: {  	_ =	shalt  }
0x6d: {  	_ =	shalt  }
0x6e: {  	_ =	shalt  }
0x6f: {  	_ =	shalt  }
0x70: {  	_ =	shalt  }
0x71: {  	_ =	shalt  }
0x72: {  	_ =	shalt  }
0x73: {  	_ =	shalt  }
0x74: {  	_ =	shalt  }
0x75: {  	_ =	shalt  }
0x76: {  	_ =	shalt  }
0x77: {  	_ =	shalt  }
0x78: {  	_ =	shalt  }
0x79: {  	_ =	shalt  }
0x7a: {  	_ =	shalt  }
0x7b: {  	_ =	shalt  }
0x7c: {  	_ =	shalt  }
0x7d: {  	_ =	shalt  }
0x7e: {  	_ =	shalt  }
0x7f: {  	_ =	shalt  }
0x80: {  	_ =	shalt  }
0x81: {  	_ =	shalt  }
0x82: {  	_ =	shalt  }
0x83: {  	_ =	shalt  }
0x84: {  	_ =	shalt  }
0x85: {  	_ =	shalt  }
0x86: {  	_ =	shalt  }
0x87: {  	_ =	shalt  }
.Lfunc_end0:
.L_simem_size_0:
called_computation.1_lowered:
.L_overlay_start_0:
0x88: {  	s2 =	sld [smem:$0x3FD9]  }
0x89: {  	s3 =	sld [smem:$0x3FFE];
	_ =	sdelay $0x1  }
0x8a: {  	s1 =	srdreg.scid  }
0x8b: {  	s0 =	sand.u32 $0x1, s1  }
0x8c: {  	s16 =	sshll.u32 s0, $0xA;
	s2 =	sadd.s32 s3, s2  }
0x8d: {  	s2 =	sadd.s32 s2, s16  }
0x8e: {  	[smem:$0x3FBB] =	sst s2  }
0x8f: {  	_ = 	snop  }
0x90: {  	(tm) =	ssettm $0x1  }
0x91: {  	s17 =	sld [smem:$0x3FFB];
	_ =	sdelay $0x3  }
0x92: {  	_ =	strace s17  }
0x93: {  	s2 =	sld [smem:$0x3FFC];
	_ =	sdelay $0x3  }
0x94: {  	_ =	strace s2  }
0x95: {  	s2 =	sld [smem:$0x3FFD];
	_ =	sdelay $0x3  }
0x96: {  	_ =	strace s2  }
0x97: {  	_ =	strace $0x8FFFFFFF  }
0x98: {  	s18 =	sld [smem:$0x3FDB];
	_ =	sdelay $0x1  }
0x99: {  	s19 =	simm.s32 $_scs_section_size  }
0x9a: {  	s4 =	simm.s32 $_size__tile_overlayer_lowered;
	s5 =	simm.s32 $_tile_overlayer_lowered  }
0x9b: {  	s22 =	simm.s32 $0x1BFF;
	s21 =	sshll.u32 s5, $0x1;
	s2 =	sadd.s32 s19, s18  }
0x9c: {  	s6 =	simm.s32 $0x0;
	s20 =	sshll.u32 s4, $0x1;
	s4 =	sadd.s32 s21, s2  }
0x9d: {  	[timem:s6], [sflag:s22] =	dma.local [hbm:s4], s20  }
0x9e: {  	_ =	swait.ge [sflag:s22], s20  }
0x9f: {  	s3 =	ssub.s32 $0x0, s20;
	[sflag:s22] =	ssyncset.done $0x0  }
0xa0: {  	[sflag:s22] =	ssyncadd.s32 s3;
	_ =	sdelay $0x1  }
0xa1: {  	s23 =	simm.s32 $0x1B8B  }
0xa2: {  	_ =	swait.ge [sflag:s23], $0x1  }
0xa3: {  	[sflag:s23] =	ssyncset.done $0x0  }
0xa4: {  	s25 =	simm.s32 $0x1B8E;
	s24 =	sld [smem:$0x3FFE];
	[sflag:s23] =	ssyncadd.s32 $0xFFFFFFFF  }
0xa5: {  	s26 =	simm.s32 $execute0_lowered;
	[smem:$0x3FD2] =	sst s25  }
0xa6: {  	s4 =	sshll.u32 s26, $0x1;
	_ =	strace $0x80000049;
	[dreg:$0x1] =	wrdreg $0xFFFFFFFF  }
0xa7: {  	s28 =	simm.s32 $_size_execute0_lowered;
	s2 =	sadd.s32 s2, s4;
	[dreg:$0x0] =	wrdreg $0x0  }
0xa8: {  	s4 =	sshll.u32 s28, $0x1;
	[dreg:$0x2] =	wrdreg s2  }
0xa9: {  	[dreg:$0x3] =	wrdreg s4  }
0xaa: {  	[dreg:$0x4] =	wrdreg $0xC0  }
0xab: {  	_ =	task [dreg:s6], $0x5FFFF  }
0xac: {  	[dreg:$0x1] =	wrdreg $0xFFFFFFFF  }
0xad: {  	[dreg:$0x0] =	wrdreg $0x60  }
0xae: {  	[dreg:$0x2] =	wrdreg s24  }
0xaf: {  	[dreg:$0x3] =	wrdreg $0x120000  }
0xb0: {  	[dreg:$0x4] =	wrdreg $0x16F000  }
0xb1: {  	[dreg:$0x5] =	wrdreg $0x9  }
0xb2: {  	_ =	task.clear_ibuf [dreg:s6], $0x6FFFF;
	_ =	strace $0x90000049  }
0xb3: {  	s29 =	simm.s32 $0x9;
	_ =	strace $0x8000004B  }
0xb4: {  	_ =	swait.ge [sflag:s29], $0x1  }
0xb5: {  	[sflag:s29] =	ssyncadd.s32 $0xFFFFFFFF  }
0xb6: {  	_ =	strace $0x9000004B  }
0xb7: {  	_ =	sfence  }
0xb8: {  	s30 =	sld [smem:$0x0];
	_ =	sdelay $0x2  }
0xb9: {  	s31 =	sshll.u32 s1, $0xD;
	s1 =	sshrl.u32 s1, $0x2  }
0xba: {  	s3 =	sand.u32 $0x4000, s31;
	s1 =	sadd.s32 s1, s30  }
0xbb: {  	s0 =	sor.u32 s3, s0;
	s1 =	sshll.u32 s1, $0x11  }
0xbc: {  	s0 =	sor.u32 s1, s0  }
0xbd: {  	s0 =	sadd.s32 $0x8F2B, s0  }
0xbe: {  	[sflag:s0] =	ssyncadd.remote.s32 $0x1  }
0xbf: {  	_ =	sfence.sel $0xFFFF  }
0xc0: {  	[dreg:$0x0] =	wrdreg $0xFFFFFFFF;
	(pc) =	sbr.abs _section_cstart, $3  }
0xc1: {  	[dreg:$0x1] =	wrdreg $0xFFFFFFFF  }
0xc2: {  	_ =	task.clear_ibuf [dreg:s6], $0x2FFFF;
	_ =	strace $0x9FFFFFFF  }
0xc3: {  	(tm) =	ssettm $0x7FFFFFFF  }
tec
execute0_lowered:
.L_overlay_start_1:
0x0: {  	(tag) =	ssettag $0x1  }
0x1: {  	s0 =	rddreg [dreg:$0x0]  }
0x2: {  	s2 =	rddreg [dreg:$0x1]  }
0x3: {  	s8 =	stileid.u32;
	s1 =	srdreg.scid  }
0x4: {  	s3 =	rddreg [dreg:$0x2];
	s6 =	simm.s32 $0x0;
	s16 =	simm.s32 $0x1  }
0x5: {  	s29 =	simm.s32 $0xE000;
	s31 =	simm.s32 $0xF000;
	s30 =	simm.s32 $0x9  }
0x6: {  	s28 =	simm.s32 $0x6;
	s12 =	simm.s32 $0x8;
	s9 =	simm.s32 $0xC  }
0x7: {  	s10 =	simm.s32 $0xD;
	s11 =	simm.s32 $0xE;
	s14 =	simm.s32 $0xF  }
0x8: {  	s15 =	simm.s32 $0x10;
	s13 =	simm.s32 $0x0;
	s4 =	smul.u32 $0x4F00, s8  }
0x9: {  	s1 =	sand.u32 $0x1, s1;
	[smem:$0x7FF] =	sst s6;
	s17 =	smul.u32 $0xA00, s8  }
0xa: {  	s20 =	sshll.u32 s8, $0x6;
	s5 =	smul.u32 $0x4F000, s1;
	s1 =	ssub.s32 $0x2, s1  }
0xb: {  	_ =	strace $0x8000004A;
	s23 =	sor.u32 $0x1C03, s20;
	[dreg:$0x6] =	wrdreg s20  }
0xc: {  	s25 =	sor.u32 $0x1C04, s20;
	s20 =	simm.s32 $0x80;
	s7 =	sshrl.u32 s1, $0x1  }
0xd: {  	s6 =	sadd.s32 s17, s0;
	s21 =	sadd.s32 s4, s2;
	[dreg:$0x8] =	wrdreg s23  }
0xe: {  	[dreg:$0xc] =	wrdreg s25;
	s17 =	simm.s32 $0x2;
	s25 =	simm.s32 $0x11000  }
0xf: {  	s23 =	simm.s32 $0x5;
	s5 =	sadd.s32 s4, s5;
	s1 =	ssub.s32 s1, s7  }
0x10: {  	s18 =	sadd.s32 $0x2600, s6;
	s19 =	sadd.s32 $0xC600, s6;
	s4 =	sadd.s32 s4, s3  }
0x11: {  	s8 =	sshrl.u32 s21, $0x3;
	s21 =	simm.s32 $0xA000;
	[dreg:$0x4] =	wrdreg s18  }
0x12: {  	s6 =	simm.s32 $0xB;
	s5 =	sshrl.u32 s5, $0x3;
	[dreg:$0x5] =	wrdreg s19  }
0x13: {  	s24 =	smax.u32 s1, $0x1;
	s26 =	sshrl.u32 s4, $0x3;
	[dreg:$0xb] =	wrdreg s8  }
0x14: {  	s18 =	simm.s32 $0x3;
	s19 =	simm.s32 $0x4;
	[dreg:$0xa] =	wrdreg s24  }
0x15: {  	s1 =	simm.s32 $0xA;
	s0 =	sadd.s32 s5, s0;
	[dreg:$0xd] =	wrdreg s26  }
0x16: {  	s24 =	simm.s32 $0xC000;
	s26 =	simm.s32 $0xD000;
	s22 =	sadd.s32 $0x16600, s0  }
0x17: {  	s5 =	simm.s32 $0x7;
	s0 =	sadd.s32 $0x2A200, s0;
	[dreg:$0x7] =	wrdreg s22  }
0x18: {  	[dreg:$0x9] =	wrdreg s0;
	s22 =	simm.s32 $0xB000;
	s0 =	simm.s32 $0x10000  }
.LBB2_1:
0x19: {  	[dreg:$0xe] =	wrdreg s13  }
0x1a: {  	s7 =	simm.s32 $0x0;
	s13 =	rddreg [dreg:$0x4]  }
0x1b: {  	[tilespmem:s7], [sflag:$0x1] =	stream.linear.gather [hbm4b:s13+s7], $0x5000, $0x38;
	[tilespmem:$0x1BE00] =	vst v63  }
0x1c: {  	s4 =	smov.u32 s8;
	s8 =	rddreg [dreg:$0x5];
	s13 =	simm.s32 $0x5000  }
0x1d: {  	[tilespmem:s13], [sflag:$0x2] =	stream.linear.gather [hbm4b:s8+s7], $0x5000, $0x38;
	[tilespmem:$0x1BE00] =	vst v63  }
0x1e: {  	s8 =	rddreg [dreg:$0x7]  }
0x1f: {  	s13 =	rddreg [dreg:$0x8]  }
0x20: {  	[spmem:s4], [sflag:s13] =	dma.local [hbm:s8], $0x9E0  }
0x21: {  	s4 =	rddreg [dreg:$0xc]  }
0x22: {  	s13 =	rddreg [dreg:$0xd]  }
0x23: {  	[spmem:s13], [sflag:s4] =	dma.local [hbm:s8], $0x9E0  }
0x24: {  	_ =	swait.ge [sflag:s16], $0x5000  }
0x25: {  	[sflag:s16] =	ssyncset.done $0x0  }
0x26: {  	[sflag:s16] =	ssyncadd.s32 $0xFFFFB000  }
0x27: {  	_ =	swait.ge [sflag:s17], $0x5000  }
0x28: {  	[sflag:s17] =	ssyncset.done $0x0  }
0x29: {  	[sflag:s17] =	ssyncadd.s32 $0xFFFFB000  }
0x2a: {  	_ =	swait.ge [sflag:s18], $0x9E0  }
0x2b: {  	[sflag:s18] =	ssyncset.done $0x0  }
0x2c: {  	[sflag:s18] =	ssyncadd.s32 $0xFFFFF620  }
0x2d: {  	_ =	swait.ge [sflag:s19], $0x9E0  }
0x2e: {  	[sflag:s19] =	ssyncset.done $0x0  }
0x2f: {  	[sflag:s19] =	ssyncadd.s32 $0xFFFFF620  }
0x30: {  	[bflag:$0x0] =	sbarrier.arrive $0xFFFF  }
0x31: {  	[tilespmem:s21], [sflag:$0x1] =	stream.indirect.gather [spmem:s3], $0x20, s7, s20, $0xb8;
	[tilespmem:$0x1BE00] =	vst v63  }
0x32: {  	_ = 	snop  }
0x33: {  	[tilespmem:s22], [sflag:$0x2] =	stream.indirect.gather [spmem:s3], $0x20, s20, s20, $0xb8;
	[tilespmem:$0x1BE00] =	vst v63  }
0x34: {  	s7 =	simm.s32 $0x100  }
0x35: {  	[tilespmem:s24], [sflag:$0x3] =	stream.indirect.gather [spmem:s3], $0x20, s7, s20, $0xb8;
	[tilespmem:$0x1BE00] =	vst v63  }
0x36: {  	s8 =	simm.s32 $0x180  }
0x37: {  	[tilespmem:s26], [sflag:$0x4] =	stream.indirect.gather [spmem:s3], $0x20, s8, s20, $0xb8;
	[tilespmem:$0x1BE00] =	vst v63  }
0x38: {  	s13 =	simm.s32 $0x200  }
0x39: {  	[tilespmem:s29], [sflag:$0x5] =	stream.indirect.gather [spmem:s3], $0x20, s13, s20, $0xb8;
	[tilespmem:$0x1BE00] =	vst v63  }
0x3a: {  	s7 =	simm.s32 $0x280  }
0x3b: {  	[tilespmem:s31], [sflag:$0x6] =	stream.indirect.gather [spmem:s3], $0x20, s7, s20, $0xb8;
	[tilespmem:$0x1BE00] =	vst v63  }
0x3c: {  	s8 =	simm.s32 $0x300  }
0x3d: {  	[tilespmem:s0], [sflag:$0x7] =	stream.indirect.gather [spmem:s3], $0x20, s8, s20, $0xb8;
	[tilespmem:$0x1BE00] =	vst v63  }
0x3e: {  	s13 =	simm.s32 $0x380  }
0x3f: {  	[tilespmem:s25], [sflag:$0x8] =	stream.indirect.gather [spmem:s3], $0x20, s13, s20, $0xb8;
	[tilespmem:$0x1BE00] =	vst v63  }
0x40: {  	_ =	swait.ge [sflag:s16], $0x1000  }
0x41: {  	[sflag:s16] =	ssyncset.done $0x0  }
0x42: {  	s7 =	simm.s32 $0x5000;
	[sflag:s16] =	ssyncadd.s32 $0xFFFFF000  }
0x43: {  	[spmem:s2] =	stream.indirect.scatter.add.f32 [tilespmem:s21], [sflag:$0x9], $0x20, s7, s20, $0xb8;
	[tilespmem:$0x1BE00] =	vst v63  }
0x44: {  	_ =	swait.ge [sflag:s17], $0x1000  }
0x45: {  	[sflag:s17] =	ssyncset.done $0x0  }
0x46: {  	s8 =	simm.s32 $0x5080;
	[sflag:s17] =	ssyncadd.s32 $0xFFFFF000  }
0x47: {  	[spmem:s2] =	stream.indirect.scatter.add.f32 [tilespmem:s22], [sflag:$0xA], $0x20, s8, s20, $0xb8;
	[tilespmem:$0x1BE00] =	vst v63  }
0x48: {  	_ =	swait.ge [sflag:s18], $0x1000  }
0x49: {  	[sflag:s18] =	ssyncset.done $0x0  }
0x4a: {  	s13 =	simm.s32 $0x5100;
	[sflag:s18] =	ssyncadd.s32 $0xFFFFF000  }
0x4b: {  	[spmem:s2] =	stream.indirect.scatter.add.f32 [tilespmem:s24], [sflag:$0xB], $0x20, s13, s20, $0xb8;
	[tilespmem:$0x1BE00] =	vst v63  }
0x4c: {  	_ =	swait.ge [sflag:s19], $0x1000  }
0x4d: {  	[sflag:s19] =	ssyncset.done $0x0  }
0x4e: {  	s7 =	simm.s32 $0x5180;
	[sflag:s19] =	ssyncadd.s32 $0xFFFFF000  }
0x4f: {  	[spmem:s2] =	stream.indirect.scatter.add.f32 [tilespmem:s26], [sflag:$0xC], $0x20, s7, s20, $0xb8;
	[tilespmem:$0x1BE00] =	vst v63  }
0x50: {  	_ =	swait.ge [sflag:s23], $0x1000  }
0x51: {  	[sflag:s23] =	ssyncset.done $0x0  }
0x52: {  	s8 =	simm.s32 $0x5200;
	[sflag:s23] =	ssyncadd.s32 $0xFFFFF000  }
0x53: {  	[spmem:s2] =	stream.indirect.scatter.add.f32 [tilespmem:s29], [sflag:$0xD], $0x20, s8, s20, $0xb8;
	[tilespmem:$0x1BE00] =	vst v63  }
0x54: {  	_ =	swait.ge [sflag:s30], $0x1000  }
0x55: {  	[sflag:s30] =	ssyncset.done $0x0  }
0x56: {  	s13 =	simm.s32 $0x400;
	[sflag:s30] =	ssyncadd.s32 $0xFFFFF000  }
0x57: {  	[tilespmem:s21], [sflag:$0x1] =	stream.indirect.gather [spmem:s3], $0x20, s13, s20, $0xb8;
	[tilespmem:$0x1BE00] =	vst v63  }
0x58: {  	_ =	swait.ge [sflag:s28], $0x1000  }
0x59: {  	[sflag:s28] =	ssyncset.done $0x0  }
0x5a: {  	s7 =	simm.s32 $0x5280;
	[sflag:s28] =	ssyncadd.s32 $0xFFFFF000  }
0x5b: {  	[spmem:s2] =	stream.indirect.scatter.add.f32 [tilespmem:s31], [sflag:$0xE], $0x20, s7, s20, $0xb8;
	[tilespmem:$0x1BE00] =	vst v63  }
0x5c: {  	_ =	swait.ge [sflag:s1], $0x1000  }
0x5d: {  	[sflag:s1] =	ssyncset.done $0x0  }
0x5e: {  	s8 =	simm.s32 $0x480;
	[sflag:s1] =	ssyncadd.s32 $0xFFFFF000  }
0x5f: {  	[tilespmem:s22], [sflag:$0x2] =	stream.indirect.gather [spmem:s3], $0x20, s8, s20, $0xb8;
	[tilespmem:$0x1BE00] =	vst v63  }
0x60: {  	_ =	swait.ge [sflag:s5], $0x1000  }
0x61: {  	[sflag:s5] =	ssyncset.done $0x0  }
0x62: {  	s13 =	simm.s32 $0x5300;
	[sflag:s5] =	ssyncadd.s32 $0xFFFFF000  }
0x63: {  	[spmem:s2] =	stream.indirect.scatter.add.f32 [tilespmem:s0], [sflag:$0xF], $0x20, s13, s20, $0xb8;
	[tilespmem:$0x1BE00] =	vst v63  }
0x64: {  	_ =	swait.ge [sflag:s6], $0x1000  }
0x65: {  	[sflag:s6] =	ssyncset.done $0x0  }
0x66: {  	s7 =	simm.s32 $0x500;
	[sflag:s6] =	ssyncadd.s32 $0xFFFFF000  }
0x67: {  	[tilespmem:s24], [sflag:$0x3] =	stream.indirect.gather [spmem:s3], $0x20, s7, s20, $0xb8;
	[tilespmem:$0x1BE00] =	vst v63  }
0x68: {  	_ =	swait.ge [sflag:s12], $0x1000  }
0x69: {  	[sflag:s12] =	ssyncset.done $0x0  }
0x6a: {  	s8 =	simm.s32 $0x5380;
	[sflag:s12] =	ssyncadd.s32 $0xFFFFF000  }
0x6b: {  	[spmem:s2] =	stream.indirect.scatter.add.f32 [tilespmem:s25], [sflag:$0x10], $0x20, s8, s20, $0xb8;
	[tilespmem:$0x1BE00] =	vst v63  }
0x6c: {  	_ =	swait.ge [sflag:s9], $0x1000  }
0x6d: {  	[sflag:s9] =	ssyncset.done $0x0  }
0x6e: {  	s13 =	simm.s32 $0x580;
	[sflag:s9] =	ssyncadd.s32 $0xFFFFF000  }
0x6f: {  	[tilespmem:s26], [sflag:$0x4] =	stream.indirect.gather [spmem:s3], $0x20, s13, s20, $0xb8;
	[tilespmem:$0x1BE00] =	vst v63  }
0x70: {  	_ =	swait.ge [sflag:s16], $0x1000  }
0x71: {  	[sflag:s16] =	ssyncset.done $0x0  }
0x72: {  	s4 =	simm.s32 $0x5400;
	[sflag:s16] =	ssyncadd.s32 $0xFFFFF000  }
0x73: {  	[spmem:s2] =	stream.indirect.scatter.add.f32 [tilespmem:s21], [sflag:$0x9], $0x20, s4, s20, $0xb8;
	[tilespmem:$0x1BE00] =	vst v63  }
0x74: {  	_ =	swait.ge [sflag:s10], $0x1000  }
0x75: {  	[sflag:s10] =	ssyncset.done $0x0  }
0x76: {  	s8 =	simm.s32 $0x600;
	[sflag:s10] =	ssyncadd.s32 $0xFFFFF000  }
0x77: {  	[tilespmem:s29], [sflag:$0x5] =	stream.indirect.gather [spmem:s3], $0x20, s8, s20, $0xb8;
	[tilespmem:$0x1BE00] =	vst v63  }
0x78: {  	_ =	swait.ge [sflag:s17], $0x1000  }
0x79: {  	[sflag:s17] =	ssyncset.done $0x0  }
0x7a: {  	s13 =	simm.s32 $0x5480;
	[sflag:s17] =	ssyncadd.s32 $0xFFFFF000  }
0x7b: {  	[spmem:s2] =	stream.indirect.scatter.add.f32 [tilespmem:s22], [sflag:$0xA], $0x20, s13, s20, $0xb8;
	[tilespmem:$0x1BE00] =	vst v63  }
0x7c: {  	_ =	swait.ge [sflag:s11], $0x1000  }
0x7d: {  	[sflag:s11] =	ssyncset.done $0x0  }
0x7e: {  	s4 =	simm.s32 $0x680;
	[sflag:s11] =	ssyncadd.s32 $0xFFFFF000  }
0x7f: {  	[tilespmem:s31], [sflag:$0x6] =	stream.indirect.gather [spmem:s3], $0x20, s4, s20, $0xb8;
	[tilespmem:$0x1BE00] =	vst v63  }
0x80: {  	_ =	swait.ge [sflag:s18], $0x1000  }
0x81: {  	[sflag:s18] =	ssyncset.done $0x0  }
0x82: {  	s8 =	simm.s32 $0x5500;
	[sflag:s18] =	ssyncadd.s32 $0xFFFFF000  }
0x83: {  	[spmem:s2] =	stream.indirect.scatter.add.f32 [tilespmem:s24], [sflag:$0xB], $0x20, s8, s20, $0xb8;
	[tilespmem:$0x1BE00] =	vst v63  }
0x84: {  	_ =	swait.ge [sflag:s14], $0x1000  }
0x85: {  	[sflag:s14] =	ssyncset.done $0x0  }
0x86: {  	s13 =	simm.s32 $0x700;
	[sflag:s14] =	ssyncadd.s32 $0xFFFFF000  }
0x87: {  	[tilespmem:s0], [sflag:$0x7] =	stream.indirect.gather [spmem:s3], $0x20, s13, s20, $0xb8;
	[tilespmem:$0x1BE00] =	vst v63  }
0x88: {  	_ =	swait.ge [sflag:s19], $0x1000  }
0x89: {  	[sflag:s19] =	ssyncset.done $0x0  }
0x8a: {  	s4 =	simm.s32 $0x5580;
	[sflag:s19] =	ssyncadd.s32 $0xFFFFF000  }
0x8b: {  	[spmem:s2] =	stream.indirect.scatter.add.f32 [tilespmem:s26], [sflag:$0xC], $0x20, s4, s20, $0xb8;
	[tilespmem:$0x1BE00] =	vst v63  }
0x8c: {  	_ =	swait.ge [sflag:s15], $0x1000  }
0x8d: {  	[sflag:s15] =	ssyncset.done $0x0  }
0x8e: {  	s8 =	simm.s32 $0x780;
	[sflag:s15] =	ssyncadd.s32 $0xFFFFF000  }
0x8f: {  	[tilespmem:s25], [sflag:$0x8] =	stream.indirect.gather [spmem:s3], $0x20, s8, s20, $0xb8;
	[tilespmem:$0x1BE00] =	vst v63  }
0x90: {  	_ =	swait.ge [sflag:s23], $0x1000  }
0x91: {  	[sflag:s23] =	ssyncset.done $0x0  }
0x92: {  	s13 =	simm.s32 $0x5600;
	[sflag:s23] =	ssyncadd.s32 $0xFFFFF000  }
0x93: {  	[spmem:s2] =	stream.indirect.scatter.add.f32 [tilespmem:s29], [sflag:$0xD], $0x20, s13, s20, $0xb8;
	[tilespmem:$0x1BE00] =	vst v63  }
0x94: {  	_ =	swait.ge [sflag:s30], $0x1000  }
0x95: {  	[sflag:s30] =	ssyncset.done $0x0  }
0x96: {  	s4 =	simm.s32 $0x800;
	[sflag:s30] =	ssyncadd.s32 $0xFFFFF000  }
0x97: {  	[tilespmem:s21], [sflag:$0x1] =	stream.indirect.gather [spmem:s3], $0x20, s4, s20, $0xb8;
	[tilespmem:$0x1BE00] =	vst v63  }
0x98: {  	_ =	swait.ge [sflag:s28], $0x1000  }
0x99: {  	[sflag:s28] =	ssyncset.done $0x0  }
0x9a: {  	s8 =	simm.s32 $0x5680;
	[sflag:s28] =	ssyncadd.s32 $0xFFFFF000  }
0x9b: {  	[spmem:s2] =	stream.indirect.scatter.add.f32 [tilespmem:s31], [sflag:$0xE], $0x20, s8, s20, $0xb8;
	[tilespmem:$0x1BE00] =	vst v63  }
0x9c: {  	_ =	swait.ge [sflag:s1], $0x1000  }
0x9d: {  	[sflag:s1] =	ssyncset.done $0x0  }
0x9e: {  	s13 =	simm.s32 $0x880;
	[sflag:s1] =	ssyncadd.s32 $0xFFFFF000  }
0x9f: {  	[tilespmem:s22], [sflag:$0x2] =	stream.indirect.gather [spmem:s3], $0x20, s13, s20, $0xb8;
	[tilespmem:$0x1BE00] =	vst v63  }
0xa0: {  	_ =	swait.ge [sflag:s5], $0x1000  }
0xa1: {  	[sflag:s5] =	ssyncset.done $0x0  }
0xa2: {  	s4 =	simm.s32 $0x5700;
	[sflag:s5] =	ssyncadd.s32 $0xFFFFF000  }
0xa3: {  	[spmem:s2] =	stream.indirect.scatter.add.f32 [tilespmem:s0], [sflag:$0xF], $0x20, s4, s20, $0xb8;
	[tilespmem:$0x1BE00] =	vst v63  }
0xa4: {  	_ =	swait.ge [sflag:s6], $0x1000  }
0xa5: {  	[sflag:s6] =	ssyncset.done $0x0  }
0xa6: {  	s8 =	simm.s32 $0x900;
	[sflag:s6] =	ssyncadd.s32 $0xFFFFF000  }
0xa7: {  	[tilespmem:s24], [sflag:$0x3] =	stream.indirect.gather [spmem:s3], $0x20, s8, s20, $0xb8;
	[tilespmem:$0x1BE00] =	vst v63  }
0xa8: {  	_ =	swait.ge [sflag:s12], $0x1000  }
0xa9: {  	[sflag:s12] =	ssyncset.done $0x0  }
0xaa: {  	s13 =	simm.s32 $0x5780;
	[sflag:s12] =	ssyncadd.s32 $0xFFFFF000  }
0xab: {  	[spmem:s2] =	stream.indirect.scatter.add.f32 [tilespmem:s25], [sflag:$0x10], $0x20, s13, s20, $0xb8;
	[tilespmem:$0x1BE00] =	vst v63  }
0xac: {  	_ =	swait.ge [sflag:s9], $0x1000  }
0xad: {  	[sflag:s9] =	ssyncset.done $0x0  }
0xae: {  	s7 =	simm.s32 $0x1000;
	s8 =	simm.s32 $0x980;
	[sflag:s9] =	ssyncadd.s32 $0xFFFFF000  }
.LBB2_2:
0xaf: {  	[tilespmem:s26], [sflag:$0x4] =	stream.indirect.gather [spmem:s3], $0x20, s8, s20, $0xb8;
	[tilespmem:$0x1BE00] =	vst v63  }
0xb0: {  	s8 =	smov.u32 s7  }
0xb1: {  	p0 =	sne.s32 s7, $0x11000;
	s7 =	sadd.s32 $0x1000, s7;
	_ =	swait.ge [sflag:s16], $0x1000  }
0xb2: {  	s8 =	sshra.s32 s8, $0x2;
	[sflag:s16] =	ssyncset.done $0x0  }
0xb3: {  	s13 =	sadd.s32 $0x5400, s8;
	[sflag:s16] =	ssyncadd.s32 $0xFFFFF000  }
0xb4: {  	[spmem:s2] =	stream.indirect.scatter.add.f32 [tilespmem:s21], [sflag:$0x9], $0x20, s13, s20, $0xb8;
	[tilespmem:$0x1BE00] =	vst v63  }
0xb5: {  	_ =	swait.ge [sflag:s10], $0x1000  }
0xb6: {  	[sflag:s10] =	ssyncset.done $0x0  }
0xb7: {  	s13 =	sadd.s32 $0x600, s8;
	[sflag:s10] =	ssyncadd.s32 $0xFFFFF000  }
0xb8: {  	[tilespmem:s29], [sflag:$0x5] =	stream.indirect.gather [spmem:s3], $0x20, s13, s20, $0xb8;
	[tilespmem:$0x1BE00] =	vst v63  }
0xb9: {  	_ =	swait.ge [sflag:s17], $0x1000  }
0xba: {  	[sflag:s17] =	ssyncset.done $0x0  }
0xbb: {  	s13 =	sadd.s32 $0x5480, s8;
	[sflag:s17] =	ssyncadd.s32 $0xFFFFF000  }
0xbc: {  	[spmem:s2] =	stream.indirect.scatter.add.f32 [tilespmem:s22], [sflag:$0xA], $0x20, s13, s20, $0xb8;
	[tilespmem:$0x1BE00] =	vst v63  }
0xbd: {  	_ =	swait.ge [sflag:s11], $0x1000  }
0xbe: {  	[sflag:s11] =	ssyncset.done $0x0  }
0xbf: {  	s13 =	sadd.s32 $0x680, s8;
	[sflag:s11] =	ssyncadd.s32 $0xFFFFF000  }
0xc0: {  	[tilespmem:s31], [sflag:$0x6] =	stream.indirect.gather [spmem:s3], $0x20, s13, s20, $0xb8;
	[tilespmem:$0x1BE00] =	vst v63  }
0xc1: {  	_ =	swait.ge [sflag:s18], $0x1000  }
0xc2: {  	[sflag:s18] =	ssyncset.done $0x0  }
0xc3: {  	s13 =	sadd.s32 $0x5500, s8;
	[sflag:s18] =	ssyncadd.s32 $0xFFFFF000  }
0xc4: {  	[spmem:s2] =	stream.indirect.scatter.add.f32 [tilespmem:s24], [sflag:$0xB], $0x20, s13, s20, $0xb8;
	[tilespmem:$0x1BE00] =	vst v63  }
0xc5: {  	_ =	swait.ge [sflag:s14], $0x1000  }
0xc6: {  	[sflag:s14] =	ssyncset.done $0x0  }
0xc7: {  	s13 =	sadd.s32 $0x700, s8;
	[sflag:s14] =	ssyncadd.s32 $0xFFFFF000  }
0xc8: {  	[tilespmem:s0], [sflag:$0x7] =	stream.indirect.gather [spmem:s3], $0x20, s13, s20, $0xb8;
	[tilespmem:$0x1BE00] =	vst v63  }
0xc9: {  	_ =	swait.ge [sflag:s19], $0x1000  }
0xca: {  	[sflag:s19] =	ssyncset.done $0x0  }
0xcb: {  	s13 =	sadd.s32 $0x5580, s8;
	[sflag:s19] =	ssyncadd.s32 $0xFFFFF000  }
0xcc: {  	[spmem:s2] =	stream.indirect.scatter.add.f32 [tilespmem:s26], [sflag:$0xC], $0x20, s13, s20, $0xb8;
	[tilespmem:$0x1BE00] =	vst v63  }
0xcd: {  	_ =	swait.ge [sflag:s15], $0x1000  }
0xce: {  	[sflag:s15] =	ssyncset.done $0x0  }
0xcf: {  	s13 =	sadd.s32 $0x780, s8;
	[sflag:s15] =	ssyncadd.s32 $0xFFFFF000  }
0xd0: {  	[tilespmem:s25], [sflag:$0x8] =	stream.indirect.gather [spmem:s3], $0x20, s13, s20, $0xb8;
	[tilespmem:$0x1BE00] =	vst v63  }
0xd1: {  	_ =	swait.ge [sflag:s23], $0x1000  }
0xd2: {  	[sflag:s23] =	ssyncset.done $0x0  }
0xd3: {  	s13 =	sadd.s32 $0x5600, s8;
	[sflag:s23] =	ssyncadd.s32 $0xFFFFF000  }
0xd4: {  	[spmem:s2] =	stream.indirect.scatter.add.f32 [tilespmem:s29], [sflag:$0xD], $0x20, s13, s20, $0xb8;
	[tilespmem:$0x1BE00] =	vst v63  }
0xd5: {  	_ =	swait.ge [sflag:s30], $0x1000  }
0xd6: {  	[sflag:s30] =	ssyncset.done $0x0  }
0xd7: {  	s13 =	sadd.s32 $0x800, s8;
	[sflag:s30] =	ssyncadd.s32 $0xFFFFF000  }
0xd8: {  	[tilespmem:s21], [sflag:$0x1] =	stream.indirect.gather [spmem:s3], $0x20, s13, s20, $0xb8;
	[tilespmem:$0x1BE00] =	vst v63  }
0xd9: {  	_ =	swait.ge [sflag:s28], $0x1000  }
0xda: {  	[sflag:s28] =	ssyncset.done $0x0  }
0xdb: {  	s13 =	sadd.s32 $0x5680, s8;
	[sflag:s28] =	ssyncadd.s32 $0xFFFFF000  }
0xdc: {  	[spmem:s2] =	stream.indirect.scatter.add.f32 [tilespmem:s31], [sflag:$0xE], $0x20, s13, s20, $0xb8;
	[tilespmem:$0x1BE00] =	vst v63  }
0xdd: {  	_ =	swait.ge [sflag:s1], $0x1000  }
0xde: {  	[sflag:s1] =	ssyncset.done $0x0  }
0xdf: {  	s13 =	sadd.s32 $0x880, s8;
	[sflag:s1] =	ssyncadd.s32 $0xFFFFF000  }
0xe0: {  	[tilespmem:s22], [sflag:$0x2] =	stream.indirect.gather [spmem:s3], $0x20, s13, s20, $0xb8;
	[tilespmem:$0x1BE00] =	vst v63  }
0xe1: {  	_ =	swait.ge [sflag:s5], $0x1000  }
0xe2: {  	[sflag:s5] =	ssyncset.done $0x0  }
0xe3: {  	s13 =	sadd.s32 $0x5700, s8;
	[sflag:s5] =	ssyncadd.s32 $0xFFFFF000  }
0xe4: {  	[spmem:s2] =	stream.indirect.scatter.add.f32 [tilespmem:s0], [sflag:$0xF], $0x20, s13, s20, $0xb8;
	[tilespmem:$0x1BE00] =	vst v63  }
0xe5: {  	_ =	swait.ge [sflag:s6], $0x1000  }
0xe6: {  	[sflag:s6] =	ssyncset.done $0x0  }
0xe7: {  	s13 =	sadd.s32 $0x900, s8;
	[sflag:s6] =	ssyncadd.s32 $0xFFFFF000  }
0xe8: {  	[tilespmem:s24], [sflag:$0x3] =	stream.indirect.gather [spmem:s3], $0x20, s13, s20, $0xb8;
	[tilespmem:$0x1BE00] =	vst v63  }
0xe9: {  	_ =	swait.ge [sflag:s12], $0x1000  }
0xea: {  	[sflag:s12] =	ssyncset.done $0x0  }
.Ltmp0:
0xeb: {  	s13 =	sadd.s32 $0x5780, s8;
	[sflag:s12] =	ssyncadd.s32 $0xFFFFF000;
	(pc) =	sbr.rel @p0 .LBB2_2-.Ltmp0, $4  }
0xec: {  	[spmem:s2] =	stream.indirect.scatter.add.f32 [tilespmem:s25], [sflag:$0x10], $0x20, s13, s20, $0xb8;
	[tilespmem:$0x1BE00] =	vst v63  }
0xed: {  	_ =	swait.ge [sflag:s9], $0x1000  }
0xee: {  	[sflag:s9] =	ssyncset.done $0x0  }
0xef: {  	s8 =	sadd.s32 $0x980, s8;
	[sflag:s9] =	ssyncadd.s32 $0xFFFFF000  }
0xf0: {  	[tilespmem:s26], [sflag:$0x4] =	stream.indirect.gather [spmem:s3], $0x20, s8, s20, $0xb8;
	[tilespmem:$0x1BE00] =	vst v63  }
0xf1: {  	_ =	swait.ge [sflag:s16], $0x1000  }
0xf2: {  	[sflag:s16] =	ssyncset.done $0x0  }
0xf3: {  	s4 =	simm.s32 $0x9C00;
	[sflag:s16] =	ssyncadd.s32 $0xFFFFF000  }
0xf4: {  	[spmem:s2] =	stream.indirect.scatter.add.f32 [tilespmem:s21], [sflag:$0x9], $0x20, s4, s20, $0xb8;
	[tilespmem:$0x1BE00] =	vst v63  }
0xf5: {  	_ =	swait.ge [sflag:s10], $0x1000  }
0xf6: {  	[sflag:s10] =	ssyncset.done $0x0  }
0xf7: {  	s8 =	simm.s32 $0x4E00;
	[sflag:s10] =	ssyncadd.s32 $0xFFFFF000  }
0xf8: {  	[tilespmem:s29], [sflag:$0x5] =	stream.indirect.gather [spmem:s3], $0x20, s8, s20, $0xb8;
	[tilespmem:$0x1BE00] =	vst v63  }
0xf9: {  	_ =	swait.ge [sflag:s17], $0x1000  }
0xfa: {  	[sflag:s17] =	ssyncset.done $0x0  }
0xfb: {  	s13 =	simm.s32 $0x9C80;
	[sflag:s17] =	ssyncadd.s32 $0xFFFFF000  }
0xfc: {  	[spmem:s2] =	stream.indirect.scatter.add.f32 [tilespmem:s22], [sflag:$0xA], $0x20, s13, s20, $0xb8;
	[tilespmem:$0x1BE00] =	vst v63  }
0xfd: {  	_ =	swait.ge [sflag:s11], $0x1000  }
0xfe: {  	[sflag:s11] =	ssyncset.done $0x0  }
0xff: {  	s7 =	simm.s32 $0x4E80;
	[sflag:s11] =	ssyncadd.s32 $0xFFFFF000  }
0x100: {  	[tilespmem:s31], [sflag:$0x6] =	stream.indirect.gather [spmem:s3], $0x20, s7, s20, $0xb8;
	[tilespmem:$0x1BE00] =	vst v63  }
0x101: {  	_ =	swait.ge [sflag:s18], $0x1000  }
0x102: {  	[sflag:s18] =	ssyncset.done $0x0  }
0x103: {  	s8 =	simm.s32 $0x9D00;
	[sflag:s18] =	ssyncadd.s32 $0xFFFFF000  }
0x104: {  	[spmem:s2] =	stream.indirect.scatter.add.f32 [tilespmem:s24], [sflag:$0xB], $0x20, s8, s20, $0xb8;
	[tilespmem:$0x1BE00] =	vst v63  }
0x105: {  	_ =	swait.ge [sflag:s14], $0x1000  }
0x106: {  	[sflag:s14] =	ssyncset.done $0x0  }
0x107: {  	s13 =	simm.s32 $0x4F00;
	[sflag:s14] =	ssyncadd.s32 $0xFFFFF000  }
0x108: {  	[tilespmem:s0], [sflag:$0x7] =	stream.indirect.gather [spmem:s3], $0x20, s13, s20, $0xb8;
	[tilespmem:$0x1BE00] =	vst v63  }
0x109: {  	_ =	swait.ge [sflag:s19], $0x1000  }
0x10a: {  	[sflag:s19] =	ssyncset.done $0x0  }
0x10b: {  	s7 =	simm.s32 $0x9D80;
	[sflag:s19] =	ssyncadd.s32 $0xFFFFF000  }
0x10c: {  	[spmem:s2] =	stream.indirect.scatter.add.f32 [tilespmem:s26], [sflag:$0xC], $0x20, s7, s20, $0xb8;
	[tilespmem:$0x1BE00] =	vst v63  }
0x10d: {  	_ =	swait.ge [sflag:s15], $0x1000  }
0x10e: {  	[sflag:s15] =	ssyncset.done $0x0  }
0x10f: {  	s8 =	simm.s32 $0x4F80;
	[sflag:s15] =	ssyncadd.s32 $0xFFFFF000  }
0x110: {  	[tilespmem:s25], [sflag:$0x8] =	stream.indirect.gather [spmem:s3], $0x20, s8, s20, $0xb8;
	[tilespmem:$0x1BE00] =	vst v63  }
0x111: {  	_ =	swait.ge [sflag:s23], $0x1000  }
0x112: {  	[sflag:s23] =	ssyncset.done $0x0  }
0x113: {  	s13 =	simm.s32 $0x9E00;
	[sflag:s23] =	ssyncadd.s32 $0xFFFFF000  }
0x114: {  	[spmem:s2] =	stream.indirect.scatter.add.f32 [tilespmem:s29], [sflag:$0xD], $0x20, s13, s20, $0xb8;
	[tilespmem:$0x1BE00] =	vst v63  }
0x115: {  	_ =	swait.ge [sflag:s30], $0x1000  }
0x116: {  	[sflag:s30] =	ssyncset.done $0x0  }
0x117: {  	[sflag:s30] =	ssyncadd.s32 $0xFFFFF000  }
0x118: {  	_ =	swait.ge [sflag:s28], $0x1000  }
0x119: {  	[sflag:s28] =	ssyncset.done $0x0  }
0x11a: {  	s7 =	simm.s32 $0x9E80;
	[sflag:s28] =	ssyncadd.s32 $0xFFFFF000  }
0x11b: {  	[spmem:s2] =	stream.indirect.scatter.add.f32 [tilespmem:s31], [sflag:$0xE], $0x20, s7, s20, $0xb8;
	[tilespmem:$0x1BE00] =	vst v63  }
0x11c: {  	_ =	swait.ge [sflag:s1], $0x1000  }
0x11d: {  	[sflag:s1] =	ssyncset.done $0x0  }
0x11e: {  	[sflag:s1] =	ssyncadd.s32 $0xFFFFF000  }
0x11f: {  	_ =	swait.ge [sflag:s5], $0x1000  }
0x120: {  	[sflag:s5] =	ssyncset.done $0x0  }
0x121: {  	s8 =	simm.s32 $0x9F00;
	[sflag:s5] =	ssyncadd.s32 $0xFFFFF000  }
0x122: {  	[spmem:s2] =	stream.indirect.scatter.add.f32 [tilespmem:s0], [sflag:$0xF], $0x20, s8, s20, $0xb8;
	[tilespmem:$0x1BE00] =	vst v63  }
0x123: {  	_ =	swait.ge [sflag:s6], $0x1000  }
0x124: {  	[sflag:s6] =	ssyncset.done $0x0  }
0x125: {  	[sflag:s6] =	ssyncadd.s32 $0xFFFFF000  }
0x126: {  	_ =	swait.ge [sflag:s12], $0x1000  }
0x127: {  	[sflag:s12] =	ssyncset.done $0x0  }
0x128: {  	s13 =	simm.s32 $0x9F80;
	[sflag:s12] =	ssyncadd.s32 $0xFFFFF000  }
0x129: {  	[spmem:s2] =	stream.indirect.scatter.add.f32 [tilespmem:s25], [sflag:$0x10], $0x20, s13, s20, $0xb8;
	[tilespmem:$0x1BE00] =	vst v63  }
0x12a: {  	_ =	swait.ge [sflag:s9], $0x1000  }
0x12b: {  	[sflag:s9] =	ssyncset.done $0x0  }
0x12c: {  	[sflag:s9] =	ssyncadd.s32 $0xFFFFF000  }
0x12d: {  	_ =	swait.ge [sflag:s10], $0x1000  }
0x12e: {  	[sflag:s10] =	ssyncset.done $0x0  }
0x12f: {  	[sflag:s10] =	ssyncadd.s32 $0xFFFFF000  }
0x130: {  	_ =	swait.ge [sflag:s11], $0x1000  }
0x131: {  	[sflag:s11] =	ssyncset.done $0x0  }
0x132: {  	[sflag:s11] =	ssyncadd.s32 $0xFFFFF000  }
0x133: {  	_ =	swait.ge [sflag:s14], $0x1000  }
0x134: {  	[sflag:s14] =	ssyncset.done $0x0  }
0x135: {  	[sflag:s14] =	ssyncadd.s32 $0xFFFFF000  }
0x136: {  	_ =	swait.ge [sflag:s15], $0x1000  }
0x137: {  	[sflag:s15] =	ssyncset.done $0x0  }
0x138: {  	[sflag:s15] =	ssyncadd.s32 $0xFFFFF000  }
0x139: {  	[bflag:$0x0] =	sbarrier.arrive $0xFFFF  }
0x13a: {  	s7 =	rddreg [dreg:$0x6]  }
0x13b: {  	s4 =	rddreg [dreg:$0x9]  }
0x13c: {  	s13 =	rddreg [dreg:$0xb];
	s7 =	sor.u32 $0x1C11, s7  }
0x13d: {  	[hbm:s4], [sflag:s7] =	dma.local [spmem:s13], $0x9E0  }
0x13e: {  	s4 =	simm.s32 $0x11  }
0x13f: {  	_ =	swait.ge [sflag:s4], $0x9E0  }
0x140: {  	s8 =	smov.u32 s13;
	s13 =	rddreg [dreg:$0xe]  }
0x141: {  	s7 =	rddreg [dreg:$0xa];
	s13 =	sadd.s32 $0x1, s13  }
0x142: {  	p0 =	sne.s32 s13, s7  }
.Ltmp1:
0x143: {  	_ = 	snop;
	(pc) =	sbr.rel @p0 .LBB2_1-.Ltmp1, $3  }
0x144: {  	_ =	sdelay $0x1  }
0x145: {  	[sflag:s4] =	ssyncset.done $0x0  }
0x146: {  	[sflag:s4] =	ssyncadd.s32 $0xFFFFF620  }
0x147: {  	_ =	sfence.sel $0x180000  }
0x148: {  	[bflag:$0x0] =	sbarrier.arrive $0xFFFF  }
0x149: {  	_ =	strace $0x9000004A  }
0x14a: {  	s0 =	stileid.u32;
	[bflag:$0x2] =	sbarrier.arrive $0xFFFF  }
0x14b: {  	p0 =	sne.s32 s0, $0x0;
	s0 =	rddreg [dreg:$0x3]  }
0x14c: {  	s0 =	sadd.s32 @!p0 $0x100000, s0  }
0x14d: {  	[sflag:s0] =	ssyncadd.tile.s32 @!p0 $0x1;
	_ =	shalt  }
.Lfunc_end2:
_tile_overlayer_lowered:
.L_overlay_start_2:
0x14e: {  	(tag) =	ssettag $0x2  }
0x14f: {  	s0 =	rddreg [dreg:$0x0];
	s2 =	stileid.u32  }
0x150: {  	s1 =	rddreg [dreg:$0x1];
	p0 =	sne.s32 s2, $0x0  }
0x151: {  	s3 =	rddreg [dreg:$0x2];
	[bflag:$0x3] =	sbarrier.arrive $0xFFFF;
	s2 =	simm.s32 @!p0 $0x1C11  }
0x152: {  	[timem:s3], [sflag:s2] =	dma.local @!p0 [hbm:s0], s1  }
0x153: {  	s0 =	simm.s32 @!p0 $0x11  }
0x154: {  	_ =	swait.ge @!p0 [sflag:s0], s1  }
0x155: {  	s1 =	ssub.s32 @!p0 $0x0, s1;
	[sflag:s0] =	ssyncset.done @!p0 $0x0  }
0x156: {  	[sflag:s0] =	ssyncadd.s32 @!p0 s1  }
0x157: {  	[bflag:$0x3] =	sbarrier.arrive $0xFFFF  }
0x158: {  	_ =	shalt  }

// kernel: kernel.7.cloned.1.call-start
scs
__scs_entry_jumppad:
0x0: {  	(pc) =	sbr.rel $0x88, $3  }
0x1: {  	(tag) =	ssettag $0x0;
	lr =	simm.s32 $0x1  }
0x2: {  	[smem:$0x3F94] =	sst lr;
	_ =	strace $0xD0000000  }
0x3: {  	_ = 	snop  }
0x4: {  	_ = 	snop  }
0x5: {  	_ = 	snop  }
0x6: {  	_ = 	snop  }
0x7: {  	_ = 	snop  }
__scs_overlays_trampoline_lowered:
0x8: {  	[smem:$0x3FA3] =	sst s0  }
0x9: {  	[smem:$0x3FA4] =	sst s1  }
0xa: {  	[smem:$0x3FA5] =	sst s2  }
0xb: {  	[smem:$0x3FA6] =	sst s3  }
0xc: {  	[smem:$0x3FA7] =	sst s4  }
0xd: {  	[smem:$0x3FA8] =	sst s5  }
0xe: {  	[smem:$0x3FA9] =	sst s6  }
0xf: {  	[smem:$0x3FAA] =	sst s7  }
0x10: {  	[smem:$0x3FAB] =	sst s8  }
0x11: {  	[smem:$0x3FAC] =	sst s9;
	s0 =	simm.s32 @!p0 $0x0  }
0x12: {  	s1 =	sld [smem:$0x3F92];
	s0 =	simm.s32 @p0 $0x1  }
0x13: {  	[smem:$0x3FAD] =	sst s0;
	s0 =	simm.s32 @!p1 $0x0  }
0x14: {  	s2 =	sld [smem:$0x3F91];
	s0 =	simm.s32 @p1 $0x1  }
0x15: {  	[smem:$0x3FAE] =	sst s0;
	s0 =	simm.s32 @!p2 $0x0  }
0x16: {  	s3 =	sld [smem:$0x3FDB];
	s0 =	simm.s32 @p2 $0x1  }
0x17: {  	s4 =	simm.s32 $0x1BF5;
	[smem:$0x3FB0] =	sst s0  }
0x18: {  	s0 =	sld [smem:$0x3F93];
	_ =	swait.ge [sflag:s4], $0x0  }
0x19: {  	s7 =	sld [smem:$0x3F94]  }
0x1a: {  	s8 =	sadd.s32 $0xFFFFE003, lr  }
0x1b: {  	s9 =	sadd.s32 $0xFFFFFEF7, lr;
	s5 =	simm.s32 $0xFFFFFFFF;
	p2 =	slt.u32 s8, $0xFFFFF086  }
0x1c: {  	p1 =	slt.u32 s9, $0xF7A;
	s5 =	simm.s32 @!p2 $0x0  }
0x1d: {  	s5 =	simm.s32 @p1 $0x1;
	p0 =	seq.s32 s7, s2  }
0x1e: {  	s7 =	smul.u32 @!p0 $0xF7A, s2;
	p2 =	seq.s32 @!p0 s5, $0x0  }
0x1f: {  	s9 =	smul.u32 $0xF7A, s1;
	s8 =	simm.s32 @!p0 $0x1BF5;
	p2 =	por !p2, p0  }
0x20: {  	[sflag:s8] =	ssyncset.s32 @!p0 $0xFFFFF086;
	s6 =	sadd.s32 @!p0 s3, s7;
	s7 =	simm.s32 @!p0 $0x108  }
0x21: {  	s3 =	sadd.s32 s3, s9;
	s6 =	sadd.s32 @!p0 $0x88, s6;
	s7 =	simm.s32 @p2 $0x1082  }
0x22: {  	[simem:s7], [sflag:s8] =	dma.local @!p0 [hbm:s6], $0xF7A  }
0x23: {  	s9 =	sor.u32 $0xD0000000, s2;
	s6 =	simm.s32 $0x108;
	_ =	swait.ge @!p0 [sflag:s8], $0x0  }
0x24: {  	s3 =	sadd.s32 $0x88, s3;
	s6 =	simm.s32 @!p1 $0x1082;
	[sflag:s4] =	ssyncset.s32 $0xFFFFF086  }
0x25: {  	[simem:s6], [sflag:s4] =	dma.local [hbm:s3], $0xF7A  }
0x26: {  	[smem:$0x3F94] =	sst s1;
	(tag) =	ssettag s2;
	_ =	strace s9  }
0x27: {  	s1 =	sld [smem:$0x3FA4]  }
0x28: {  	s2 =	sld [smem:$0x3FA5]  }
0x29: {  	s4 =	sld [smem:$0x3FA7]  }
0x2a: {  	p0 =	seq.s32 s5, $0x0;
	s5 =	sld [smem:$0x3FA8]  }
0x2b: {  	s6 =	sld [smem:$0x3FA9]  }
0x2c: {  	s7 =	sld [smem:$0x3FAA]  }
0x2d: {  	s3 =	simm.s32 $0x108;
	s8 =	sld [smem:$0x3FAB]  }
0x2e: {  	s3 =	simm.s32 @!p0 $0x1082;
	s9 =	sld [smem:$0x3FAC]  }
0x2f: {  	lr =	sadd.s32 s0, s3;
	s0 =	sld [smem:$0x3FA3]  }
0x30: {  	s3 =	sld [smem:$0x3FA6]  }
0x31: {  	[smem:$0x3FAF] =	sst s10  }
0x32: {  	s10 =	sld [smem:$0x3FAD];
	_ =	sdelay $0x3  }
0x33: {  	p0 =	seq.s32 s10, $0x1;
	s10 =	sld [smem:$0x3FAF];
	_ =	sdelay $0x3  }
0x34: {  	[smem:$0x3FAF] =	sst s10  }
0x35: {  	s10 =	sld [smem:$0x3FAE];
	_ =	sdelay $0x3  }
0x36: {  	p1 =	seq.s32 s10, $0x1;
	s10 =	sld [smem:$0x3FAF];
	_ =	sdelay $0x3  }
0x37: {  	[smem:$0x3FAF] =	sst s10  }
0x38: {  	s10 =	sld [smem:$0x3FB0]  }
0x39: {  	_ = 	snop;
	(pc) =	sbr.ind lr, $3  }
0x3a: {  	_ = 	snop  }
0x3b: {  	_ = 	snop  }
0x3c: {  	p2 =	seq.s32 s10, $0x1;
	s10 =	sld [smem:$0x3FAF]  }
0x3d: {  	_ =	shalt  }
0x3e: {  	_ =	shalt  }
0x3f: {  	_ =	shalt  }
0x40: {  	_ =	shalt  }
0x41: {  	_ =	shalt  }
0x42: {  	_ =	shalt  }
0x43: {  	_ =	shalt  }
0x44: {  	_ =	shalt  }
0x45: {  	_ =	shalt  }
0x46: {  	_ =	shalt  }
0x47: {  	_ =	shalt  }
0x48: {  	_ =	shalt  }
0x49: {  	_ =	shalt  }
0x4a: {  	_ =	shalt  }
0x4b: {  	_ =	shalt  }
0x4c: {  	_ =	shalt  }
0x4d: {  	_ =	shalt  }
0x4e: {  	_ =	shalt  }
0x4f: {  	_ =	shalt  }
0x50: {  	_ =	shalt  }
0x51: {  	_ =	shalt  }
0x52: {  	_ =	shalt  }
0x53: {  	_ =	shalt  }
0x54: {  	_ =	shalt  }
0x55: {  	_ =	shalt  }
0x56: {  	_ =	shalt  }
0x57: {  	_ =	shalt  }
0x58: {  	_ =	shalt  }
0x59: {  	_ =	shalt  }
0x5a: {  	_ =	shalt  }
0x5b: {  	_ =	shalt  }
0x5c: {  	_ =	shalt  }
0x5d: {  	_ =	shalt  }
0x5e: {  	_ =	shalt  }
0x5f: {  	_ =	shalt  }
0x60: {  	_ =	shalt  }
0x61: {  	_ =	shalt  }
0x62: {  	_ =	shalt  }
0x63: {  	_ =	shalt  }
0x64: {  	_ =	shalt  }
0x65: {  	_ =	shalt  }
0x66: {  	_ =	shalt  }
0x67: {  	_ =	shalt  }
0x68: {  	_ =	shalt  }
0x69: {  	_ =	shalt  }
0x6a: {  	_ =	shalt  }
0x6b: {  	_ =	shalt  }
0x6c: {  	_ =	shalt  }
0x6d: {  	_ =	shalt  }
0x6e: {  	_ =	shalt  }
0x6f: {  	_ =	shalt  }
0x70: {  	_ =	shalt  }
0x71: {  	_ =	shalt  }
0x72: {  	_ =	shalt  }
0x73: {  	_ =	shalt  }
0x74: {  	_ =	shalt  }
0x75: {  	_ =	shalt  }
0x76: {  	_ =	shalt  }
0x77: {  	_ =	shalt  }
0x78: {  	_ =	shalt  }
0x79: {  	_ =	shalt  }
0x7a: {  	_ =	shalt  }
0x7b: {  	_ =	shalt  }
0x7c: {  	_ =	shalt  }
0x7d: {  	_ =	shalt  }
0x7e: {  	_ =	shalt  }
0x7f: {  	_ =	shalt  }
0x80: {  	_ =	shalt  }
0x81: {  	_ =	shalt  }
0x82: {  	_ =	shalt  }
0x83: {  	_ =	shalt  }
0x84: {  	_ =	shalt  }
0x85: {  	_ =	shalt  }
0x86: {  	_ =	shalt  }
0x87: {  	_ =	shalt  }
.Lfunc_end0:
.L_simem_size_0:
called_computation_lowered:
.L_overlay_start_0:
0x88: {  	s2 =	sld [smem:$0x3FD9]  }
0x89: {  	s3 =	sld [smem:$0x3FFE];
	_ =	sdelay $0x1  }
0x8a: {  	s1 =	srdreg.scid  }
0x8b: {  	s0 =	sand.u32 $0x1, s1  }
0x8c: {  	s16 =	sshll.u32 s0, $0xA;
	s2 =	sadd.s32 s3, s2  }
0x8d: {  	s2 =	sadd.s32 s2, s16  }
0x8e: {  	[smem:$0x3FBB] =	sst s2  }
0x8f: {  	_ = 	snop  }
0x90: {  	(tm) =	ssettm $0x1  }
0x91: {  	s17 =	sld [smem:$0x3FFB];
	_ =	sdelay $0x3  }
0x92: {  	_ =	strace s17  }
0x93: {  	s2 =	sld [smem:$0x3FFC];
	_ =	sdelay $0x3  }
0x94: {  	_ =	strace s2  }
0x95: {  	s2 =	sld [smem:$0x3FFD];
	_ =	sdelay $0x3  }
0x96: {  	_ =	strace s2  }
0x97: {  	_ =	strace $0x8FFFFFFF  }
0x98: {  	s18 =	sld [smem:$0x3FDB];
	_ =	sdelay $0x1  }
0x99: {  	s19 =	simm.s32 $_scs_section_size  }
0x9a: {  	s4 =	simm.s32 $_size__tile_overlayer_lowered;
	s5 =	simm.s32 $_tile_overlayer_lowered  }
0x9b: {  	s22 =	simm.s32 $0x1BFF;
	s21 =	sshll.u32 s5, $0x1;
	s2 =	sadd.s32 s19, s18  }
0x9c: {  	s6 =	simm.s32 $0x0;
	s20 =	sshll.u32 s4, $0x1;
	s4 =	sadd.s32 s21, s2  }
0x9d: {  	[timem:s6], [sflag:s22] =	dma.local [hbm:s4], s20  }
0x9e: {  	_ =	swait.ge [sflag:s22], s20  }
0x9f: {  	s3 =	ssub.s32 $0x0, s20;
	[sflag:s22] =	ssyncset.done $0x0  }
0xa0: {  	[sflag:s22] =	ssyncadd.s32 s3;
	_ =	sdelay $0x1  }
0xa1: {  	s23 =	simm.s32 $0x1B8B  }
0xa2: {  	_ =	swait.ge [sflag:s23], $0x1  }
0xa3: {  	[sflag:s23] =	ssyncset.done $0x0  }
0xa4: {  	s25 =	simm.s32 $0x1B8E;
	s24 =	sld [smem:$0x3FFE];
	[sflag:s23] =	ssyncadd.s32 $0xFFFFFFFF  }
0xa5: {  	s26 =	simm.s32 $execute0_lowered;
	[smem:$0x3FD2] =	sst s25  }
0xa6: {  	s4 =	sshll.u32 s26, $0x1;
	_ =	strace $0x80000046;
	[dreg:$0x1] =	wrdreg $0xFFFFFFFF  }
0xa7: {  	s28 =	simm.s32 $_size_execute0_lowered;
	s2 =	sadd.s32 s2, s4;
	[dreg:$0x0] =	wrdreg $0x0  }
0xa8: {  	s4 =	sshll.u32 s28, $0x1;
	[dreg:$0x2] =	wrdreg s2  }
0xa9: {  	[dreg:$0x3] =	wrdreg s4  }
0xaa: {  	[dreg:$0x4] =	wrdreg $0xC0  }
0xab: {  	_ =	task [dreg:s6], $0x5FFFF  }
0xac: {  	[dreg:$0x1] =	wrdreg $0xFFFFFFFF  }
0xad: {  	[dreg:$0x0] =	wrdreg $0x60  }
0xae: {  	[dreg:$0x2] =	wrdreg s24  }
0xaf: {  	[dreg:$0x3] =	wrdreg $0x120000  }
0xb0: {  	[dreg:$0x4] =	wrdreg $0x16F000  }
0xb1: {  	[dreg:$0x5] =	wrdreg $0x9  }
0xb2: {  	_ =	task.clear_ibuf [dreg:s6], $0x6FFFF;
	_ =	strace $0x90000046  }
0xb3: {  	s29 =	simm.s32 $0x9;
	_ =	strace $0x80000048  }
0xb4: {  	_ =	swait.ge [sflag:s29], $0x1  }
0xb5: {  	[sflag:s29] =	ssyncadd.s32 $0xFFFFFFFF  }
0xb6: {  	_ =	strace $0x90000048  }
0xb7: {  	_ =	sfence  }
0xb8: {  	s30 =	sld [smem:$0x0];
	_ =	sdelay $0x2  }
0xb9: {  	s31 =	sshll.u32 s1, $0xD;
	s1 =	sshrl.u32 s1, $0x2  }
0xba: {  	s3 =	sand.u32 $0x4000, s31;
	s1 =	sadd.s32 s1, s30  }
0xbb: {  	s0 =	sor.u32 s3, s0;
	s1 =	sshll.u32 s1, $0x11  }
0xbc: {  	s0 =	sor.u32 s1, s0  }
0xbd: {  	s0 =	sadd.s32 $0x8F2B, s0  }
0xbe: {  	[sflag:s0] =	ssyncadd.remote.s32 $0x1  }
0xbf: {  	_ =	sfence.sel $0xFFFF  }
0xc0: {  	[dreg:$0x0] =	wrdreg $0xFFFFFFFF;
	(pc) =	sbr.abs _section_cstart, $3  }
0xc1: {  	[dreg:$0x1] =	wrdreg $0xFFFFFFFF  }
0xc2: {  	_ =	task.clear_ibuf [dreg:s6], $0x2FFFF;
	_ =	strace $0x9FFFFFFF  }
0xc3: {  	(tm) =	ssettm $0x7FFFFFFF  }
tec
execute0_lowered:
.L_overlay_start_1:
0x0: {  	(tag) =	ssettag $0x1  }
0x1: {  	s0 =	rddreg [dreg:$0x0]  }
0x2: {  	s2 =	rddreg [dreg:$0x1]  }
0x3: {  	s8 =	stileid.u32;
	s1 =	srdreg.scid  }
0x4: {  	s3 =	rddreg [dreg:$0x2];
	s6 =	simm.s32 $0x0;
	s16 =	simm.s32 $0x1  }
0x5: {  	s29 =	simm.s32 $0xE000;
	s31 =	simm.s32 $0xF000;
	s30 =	simm.s32 $0x9  }
0x6: {  	s28 =	simm.s32 $0x6;
	s12 =	simm.s32 $0x8;
	s9 =	simm.s32 $0xC  }
0x7: {  	s10 =	simm.s32 $0xD;
	s11 =	simm.s32 $0xE;
	s14 =	simm.s32 $0xF  }
0x8: {  	s15 =	simm.s32 $0x10;
	s13 =	simm.s32 $0x0;
	s4 =	smul.u32 $0x4F00, s8  }
0x9: {  	s1 =	sand.u32 $0x1, s1;
	[smem:$0x7FF] =	sst s6;
	s17 =	smul.u32 $0xA00, s8  }
0xa: {  	s20 =	sshll.u32 s8, $0x6;
	s5 =	smul.u32 $0x4F000, s1;
	s1 =	ssub.s32 $0x2, s1  }
0xb: {  	_ =	strace $0x80000047;
	s23 =	sor.u32 $0x1C03, s20;
	[dreg:$0x6] =	wrdreg s20  }
0xc: {  	s25 =	sor.u32 $0x1C04, s20;
	s20 =	simm.s32 $0x80;
	s7 =	sshrl.u32 s1, $0x1  }
0xd: {  	s6 =	sadd.s32 s17, s0;
	s21 =	sadd.s32 s4, s2;
	[dreg:$0x8] =	wrdreg s23  }
0xe: {  	[dreg:$0xc] =	wrdreg s25;
	s17 =	simm.s32 $0x2;
	s25 =	simm.s32 $0x11000  }
0xf: {  	s23 =	simm.s32 $0x5;
	s5 =	sadd.s32 s4, s5;
	s1 =	ssub.s32 s1, s7  }
0x10: {  	s18 =	sadd.s32 $0x2600, s6;
	s19 =	sadd.s32 $0xC600, s6;
	s4 =	sadd.s32 s4, s3  }
0x11: {  	s8 =	sshrl.u32 s21, $0x3;
	s21 =	simm.s32 $0xA000;
	[dreg:$0x4] =	wrdreg s18  }
0x12: {  	s6 =	simm.s32 $0xB;
	s5 =	sshrl.u32 s5, $0x3;
	[dreg:$0x5] =	wrdreg s19  }
0x13: {  	s24 =	smax.u32 s1, $0x1;
	s26 =	sshrl.u32 s4, $0x3;
	[dreg:$0xb] =	wrdreg s8  }
0x14: {  	s18 =	simm.s32 $0x3;
	s19 =	simm.s32 $0x4;
	[dreg:$0xa] =	wrdreg s24  }
0x15: {  	s1 =	simm.s32 $0xA;
	s0 =	sadd.s32 s5, s0;
	[dreg:$0xd] =	wrdreg s26  }
0x16: {  	s24 =	simm.s32 $0xC000;
	s26 =	simm.s32 $0xD000;
	s22 =	sadd.s32 $0x16600, s0  }
0x17: {  	s5 =	simm.s32 $0x7;
	s0 =	sadd.s32 $0x2A200, s0;
	[dreg:$0x7] =	wrdreg s22  }
0x18: {  	[dreg:$0x9] =	wrdreg s0;
	s22 =	simm.s32 $0xB000;
	s0 =	simm.s32 $0x10000  }
.LBB2_1:
0x19: {  	[dreg:$0xe] =	wrdreg s13  }
0x1a: {  	s7 =	simm.s32 $0x0;
	s13 =	rddreg [dreg:$0x4]  }
0x1b: {  	[tilespmem:s7], [sflag:$0x1] =	stream.linear.gather [hbm4b:s13+s7], $0x5000, $0x38;
	[tilespmem:$0x1BE00] =	vst v63  }
0x1c: {  	s4 =	smov.u32 s8;
	s8 =	rddreg [dreg:$0x5];
	s13 =	simm.s32 $0x5000  }
0x1d: {  	[tilespmem:s13], [sflag:$0x2] =	stream.linear.gather [hbm4b:s8+s7], $0x5000, $0x38;
	[tilespmem:$0x1BE00] =	vst v63  }
0x1e: {  	s8 =	rddreg [dreg:$0x7]  }
0x1f: {  	s13 =	rddreg [dreg:$0x8]  }
0x20: {  	[spmem:s4], [sflag:s13] =	dma.local [hbm:s8], $0x9E0  }
0x21: {  	s4 =	rddreg [dreg:$0xc]  }
0x22: {  	s13 =	rddreg [dreg:$0xd]  }
0x23: {  	[spmem:s13], [sflag:s4] =	dma.local [hbm:s8], $0x9E0  }
0x24: {  	_ =	swait.ge [sflag:s16], $0x5000  }
0x25: {  	[sflag:s16] =	ssyncset.done $0x0  }
0x26: {  	[sflag:s16] =	ssyncadd.s32 $0xFFFFB000  }
0x27: {  	_ =	swait.ge [sflag:s17], $0x5000  }
0x28: {  	[sflag:s17] =	ssyncset.done $0x0  }
0x29: {  	[sflag:s17] =	ssyncadd.s32 $0xFFFFB000  }
0x2a: {  	_ =	swait.ge [sflag:s18], $0x9E0  }
0x2b: {  	[sflag:s18] =	ssyncset.done $0x0  }
0x2c: {  	[sflag:s18] =	ssyncadd.s32 $0xFFFFF620  }
0x2d: {  	_ =	swait.ge [sflag:s19], $0x9E0  }
0x2e: {  	[sflag:s19] =	ssyncset.done $0x0  }
0x2f: {  	[sflag:s19] =	ssyncadd.s32 $0xFFFFF620  }
0x30: {  	[bflag:$0x0] =	sbarrier.arrive $0xFFFF  }
0x31: {  	[tilespmem:s21], [sflag:$0x1] =	stream.indirect.gather [spmem:s3], $0x20, s7, s20, $0xb8;
	[tilespmem:$0x1BE00] =	vst v63  }
0x32: {  	_ = 	snop  }
0x33: {  	[tilespmem:s22], [sflag:$0x2] =	stream.indirect.gather [spmem:s3], $0x20, s20, s20, $0xb8;
	[tilespmem:$0x1BE00] =	vst v63  }
0x34: {  	s7 =	simm.s32 $0x100  }
0x35: {  	[tilespmem:s24], [sflag:$0x3] =	stream.indirect.gather [spmem:s3], $0x20, s7, s20, $0xb8;
	[tilespmem:$0x1BE00] =	vst v63  }
0x36: {  	s8 =	simm.s32 $0x180  }
0x37: {  	[tilespmem:s26], [sflag:$0x4] =	stream.indirect.gather [spmem:s3], $0x20, s8, s20, $0xb8;
	[tilespmem:$0x1BE00] =	vst v63  }
0x38: {  	s13 =	simm.s32 $0x200  }
0x39: {  	[tilespmem:s29], [sflag:$0x5] =	stream.indirect.gather [spmem:s3], $0x20, s13, s20, $0xb8;
	[tilespmem:$0x1BE00] =	vst v63  }
0x3a: {  	s7 =	simm.s32 $0x280  }
0x3b: {  	[tilespmem:s31], [sflag:$0x6] =	stream.indirect.gather [spmem:s3], $0x20, s7, s20, $0xb8;
	[tilespmem:$0x1BE00] =	vst v63  }
0x3c: {  	s8 =	simm.s32 $0x300  }
0x3d: {  	[tilespmem:s0], [sflag:$0x7] =	stream.indirect.gather [spmem:s3], $0x20, s8, s20, $0xb8;
	[tilespmem:$0x1BE00] =	vst v63  }
0x3e: {  	s13 =	simm.s32 $0x380  }
0x3f: {  	[tilespmem:s25], [sflag:$0x8] =	stream.indirect.gather [spmem:s3], $0x20, s13, s20, $0xb8;
	[tilespmem:$0x1BE00] =	vst v63  }
0x40: {  	_ =	swait.ge [sflag:s16], $0x1000  }
0x41: {  	[sflag:s16] =	ssyncset.done $0x0  }
0x42: {  	s7 =	simm.s32 $0x5000;
	[sflag:s16] =	ssyncadd.s32 $0xFFFFF000  }
0x43: {  	[spmem:s2] =	stream.indirect.scatter.add.f32 [tilespmem:s21], [sflag:$0x9], $0x20, s7, s20, $0xb8;
	[tilespmem:$0x1BE00] =	vst v63  }
0x44: {  	_ =	swait.ge [sflag:s17], $0x1000  }
0x45: {  	[sflag:s17] =	ssyncset.done $0x0  }
0x46: {  	s8 =	simm.s32 $0x5080;
	[sflag:s17] =	ssyncadd.s32 $0xFFFFF000  }
0x47: {  	[spmem:s2] =	stream.indirect.scatter.add.f32 [tilespmem:s22], [sflag:$0xA], $0x20, s8, s20, $0xb8;
	[tilespmem:$0x1BE00] =	vst v63  }
0x48: {  	_ =	swait.ge [sflag:s18], $0x1000  }
0x49: {  	[sflag:s18] =	ssyncset.done $0x0  }
0x4a: {  	s13 =	simm.s32 $0x5100;
	[sflag:s18] =	ssyncadd.s32 $0xFFFFF000  }
0x4b: {  	[spmem:s2] =	stream.indirect.scatter.add.f32 [tilespmem:s24], [sflag:$0xB], $0x20, s13, s20, $0xb8;
	[tilespmem:$0x1BE00] =	vst v63  }
0x4c: {  	_ =	swait.ge [sflag:s19], $0x1000  }
0x4d: {  	[sflag:s19] =	ssyncset.done $0x0  }
0x4e: {  	s7 =	simm.s32 $0x5180;
	[sflag:s19] =	ssyncadd.s32 $0xFFFFF000  }
0x4f: {  	[spmem:s2] =	stream.indirect.scatter.add.f32 [tilespmem:s26], [sflag:$0xC], $0x20, s7, s20, $0xb8;
	[tilespmem:$0x1BE00] =	vst v63  }
0x50: {  	_ =	swait.ge [sflag:s23], $0x1000  }
0x51: {  	[sflag:s23] =	ssyncset.done $0x0  }
0x52: {  	s8 =	simm.s32 $0x5200;
	[sflag:s23] =	ssyncadd.s32 $0xFFFFF000  }
0x53: {  	[spmem:s2] =	stream.indirect.scatter.add.f32 [tilespmem:s29], [sflag:$0xD], $0x20, s8, s20, $0xb8;
	[tilespmem:$0x1BE00] =	vst v63  }
0x54: {  	_ =	swait.ge [sflag:s30], $0x1000  }
0x55: {  	[sflag:s30] =	ssyncset.done $0x0  }
0x56: {  	s13 =	simm.s32 $0x400;
	[sflag:s30] =	ssyncadd.s32 $0xFFFFF000  }
0x57: {  	[tilespmem:s21], [sflag:$0x1] =	stream.indirect.gather [spmem:s3], $0x20, s13, s20, $0xb8;
	[tilespmem:$0x1BE00] =	vst v63  }
0x58: {  	_ =	swait.ge [sflag:s28], $0x1000  }
0x59: {  	[sflag:s28] =	ssyncset.done $0x0  }
0x5a: {  	s7 =	simm.s32 $0x5280;
	[sflag:s28] =	ssyncadd.s32 $0xFFFFF000  }
0x5b: {  	[spmem:s2] =	stream.indirect.scatter.add.f32 [tilespmem:s31], [sflag:$0xE], $0x20, s7, s20, $0xb8;
	[tilespmem:$0x1BE00] =	vst v63  }
0x5c: {  	_ =	swait.ge [sflag:s1], $0x1000  }
0x5d: {  	[sflag:s1] =	ssyncset.done $0x0  }
0x5e: {  	s8 =	simm.s32 $0x480;
	[sflag:s1] =	ssyncadd.s32 $0xFFFFF000  }
0x5f: {  	[tilespmem:s22], [sflag:$0x2] =	stream.indirect.gather [spmem:s3], $0x20, s8, s20, $0xb8;
	[tilespmem:$0x1BE00] =	vst v63  }
0x60: {  	_ =	swait.ge [sflag:s5], $0x1000  }
0x61: {  	[sflag:s5] =	ssyncset.done $0x0  }
0x62: {  	s13 =	simm.s32 $0x5300;
	[sflag:s5] =	ssyncadd.s32 $0xFFFFF000  }
0x63: {  	[spmem:s2] =	stream.indirect.scatter.add.f32 [tilespmem:s0], [sflag:$0xF], $0x20, s13, s20, $0xb8;
	[tilespmem:$0x1BE00] =	vst v63  }
0x64: {  	_ =	swait.ge [sflag:s6], $0x1000  }
0x65: {  	[sflag:s6] =	ssyncset.done $0x0  }
0x66: {  	s7 =	simm.s32 $0x500;
	[sflag:s6] =	ssyncadd.s32 $0xFFFFF000  }
0x67: {  	[tilespmem:s24], [sflag:$0x3] =	stream.indirect.gather [spmem:s3], $0x20, s7, s20, $0xb8;
	[tilespmem:$0x1BE00] =	vst v63  }
0x68: {  	_ =	swait.ge [sflag:s12], $0x1000  }
0x69: {  	[sflag:s12] =	ssyncset.done $0x0  }
0x6a: {  	s8 =	simm.s32 $0x5380;
	[sflag:s12] =	ssyncadd.s32 $0xFFFFF000  }
0x6b: {  	[spmem:s2] =	stream.indirect.scatter.add.f32 [tilespmem:s25], [sflag:$0x10], $0x20, s8, s20, $0xb8;
	[tilespmem:$0x1BE00] =	vst v63  }
0x6c: {  	_ =	swait.ge [sflag:s9], $0x1000  }
0x6d: {  	[sflag:s9] =	ssyncset.done $0x0  }
0x6e: {  	s13 =	simm.s32 $0x580;
	[sflag:s9] =	ssyncadd.s32 $0xFFFFF000  }
0x6f: {  	[tilespmem:s26], [sflag:$0x4] =	stream.indirect.gather [spmem:s3], $0x20, s13, s20, $0xb8;
	[tilespmem:$0x1BE00] =	vst v63  }
0x70: {  	_ =	swait.ge [sflag:s16], $0x1000  }
0x71: {  	[sflag:s16] =	ssyncset.done $0x0  }
0x72: {  	s4 =	simm.s32 $0x5400;
	[sflag:s16] =	ssyncadd.s32 $0xFFFFF000  }
0x73: {  	[spmem:s2] =	stream.indirect.scatter.add.f32 [tilespmem:s21], [sflag:$0x9], $0x20, s4, s20, $0xb8;
	[tilespmem:$0x1BE00] =	vst v63  }
0x74: {  	_ =	swait.ge [sflag:s10], $0x1000  }
0x75: {  	[sflag:s10] =	ssyncset.done $0x0  }
0x76: {  	s8 =	simm.s32 $0x600;
	[sflag:s10] =	ssyncadd.s32 $0xFFFFF000  }
0x77: {  	[tilespmem:s29], [sflag:$0x5] =	stream.indirect.gather [spmem:s3], $0x20, s8, s20, $0xb8;
	[tilespmem:$0x1BE00] =	vst v63  }
0x78: {  	_ =	swait.ge [sflag:s17], $0x1000  }
0x79: {  	[sflag:s17] =	ssyncset.done $0x0  }
0x7a: {  	s13 =	simm.s32 $0x5480;
	[sflag:s17] =	ssyncadd.s32 $0xFFFFF000  }
0x7b: {  	[spmem:s2] =	stream.indirect.scatter.add.f32 [tilespmem:s22], [sflag:$0xA], $0x20, s13, s20, $0xb8;
	[tilespmem:$0x1BE00] =	vst v63  }
0x7c: {  	_ =	swait.ge [sflag:s11], $0x1000  }
0x7d: {  	[sflag:s11] =	ssyncset.done $0x0  }
0x7e: {  	s4 =	simm.s32 $0x680;
	[sflag:s11] =	ssyncadd.s32 $0xFFFFF000  }
0x7f: {  	[tilespmem:s31], [sflag:$0x6] =	stream.indirect.gather [spmem:s3], $0x20, s4, s20, $0xb8;
	[tilespmem:$0x1BE00] =	vst v63  }
0x80: {  	_ =	swait.ge [sflag:s18], $0x1000  }
0x81: {  	[sflag:s18] =	ssyncset.done $0x0  }
0x82: {  	s8 =	simm.s32 $0x5500;
	[sflag:s18] =	ssyncadd.s32 $0xFFFFF000  }
0x83: {  	[spmem:s2] =	stream.indirect.scatter.add.f32 [tilespmem:s24], [sflag:$0xB], $0x20, s8, s20, $0xb8;
	[tilespmem:$0x1BE00] =	vst v63  }
0x84: {  	_ =	swait.ge [sflag:s14], $0x1000  }
0x85: {  	[sflag:s14] =	ssyncset.done $0x0  }
0x86: {  	s13 =	simm.s32 $0x700;
	[sflag:s14] =	ssyncadd.s32 $0xFFFFF000  }
0x87: {  	[tilespmem:s0], [sflag:$0x7] =	stream.indirect.gather [spmem:s3], $0x20, s13, s20, $0xb8;
	[tilespmem:$0x1BE00] =	vst v63  }
0x88: {  	_ =	swait.ge [sflag:s19], $0x1000  }
0x89: {  	[sflag:s19] =	ssyncset.done $0x0  }
0x8a: {  	s4 =	simm.s32 $0x5580;
	[sflag:s19] =	ssyncadd.s32 $0xFFFFF000  }
0x8b: {  	[spmem:s2] =	stream.indirect.scatter.add.f32 [tilespmem:s26], [sflag:$0xC], $0x20, s4, s20, $0xb8;
	[tilespmem:$0x1BE00] =	vst v63  }
0x8c: {  	_ =	swait.ge [sflag:s15], $0x1000  }
0x8d: {  	[sflag:s15] =	ssyncset.done $0x0  }
0x8e: {  	s8 =	simm.s32 $0x780;
	[sflag:s15] =	ssyncadd.s32 $0xFFFFF000  }
0x8f: {  	[tilespmem:s25], [sflag:$0x8] =	stream.indirect.gather [spmem:s3], $0x20, s8, s20, $0xb8;
	[tilespmem:$0x1BE00] =	vst v63  }
0x90: {  	_ =	swait.ge [sflag:s23], $0x1000  }
0x91: {  	[sflag:s23] =	ssyncset.done $0x0  }
0x92: {  	s13 =	simm.s32 $0x5600;
	[sflag:s23] =	ssyncadd.s32 $0xFFFFF000  }
0x93: {  	[spmem:s2] =	stream.indirect.scatter.add.f32 [tilespmem:s29], [sflag:$0xD], $0x20, s13, s20, $0xb8;
	[tilespmem:$0x1BE00] =	vst v63  }
0x94: {  	_ =	swait.ge [sflag:s30], $0x1000  }
0x95: {  	[sflag:s30] =	ssyncset.done $0x0  }
0x96: {  	s4 =	simm.s32 $0x800;
	[sflag:s30] =	ssyncadd.s32 $0xFFFFF000  }
0x97: {  	[tilespmem:s21], [sflag:$0x1] =	stream.indirect.gather [spmem:s3], $0x20, s4, s20, $0xb8;
	[tilespmem:$0x1BE00] =	vst v63  }
0x98: {  	_ =	swait.ge [sflag:s28], $0x1000  }
0x99: {  	[sflag:s28] =	ssyncset.done $0x0  }
0x9a: {  	s8 =	simm.s32 $0x5680;
	[sflag:s28] =	ssyncadd.s32 $0xFFFFF000  }
0x9b: {  	[spmem:s2] =	stream.indirect.scatter.add.f32 [tilespmem:s31], [sflag:$0xE], $0x20, s8, s20, $0xb8;
	[tilespmem:$0x1BE00] =	vst v63  }
0x9c: {  	_ =	swait.ge [sflag:s1], $0x1000  }
0x9d: {  	[sflag:s1] =	ssyncset.done $0x0  }
0x9e: {  	s13 =	simm.s32 $0x880;
	[sflag:s1] =	ssyncadd.s32 $0xFFFFF000  }
0x9f: {  	[tilespmem:s22], [sflag:$0x2] =	stream.indirect.gather [spmem:s3], $0x20, s13, s20, $0xb8;
	[tilespmem:$0x1BE00] =	vst v63  }
0xa0: {  	_ =	swait.ge [sflag:s5], $0x1000  }
0xa1: {  	[sflag:s5] =	ssyncset.done $0x0  }
0xa2: {  	s4 =	simm.s32 $0x5700;
	[sflag:s5] =	ssyncadd.s32 $0xFFFFF000  }
0xa3: {  	[spmem:s2] =	stream.indirect.scatter.add.f32 [tilespmem:s0], [sflag:$0xF], $0x20, s4, s20, $0xb8;
	[tilespmem:$0x1BE00] =	vst v63  }
0xa4: {  	_ =	swait.ge [sflag:s6], $0x1000  }
0xa5: {  	[sflag:s6] =	ssyncset.done $0x0  }
0xa6: {  	s8 =	simm.s32 $0x900;
	[sflag:s6] =	ssyncadd.s32 $0xFFFFF000  }
0xa7: {  	[tilespmem:s24], [sflag:$0x3] =	stream.indirect.gather [spmem:s3], $0x20, s8, s20, $0xb8;
	[tilespmem:$0x1BE00] =	vst v63  }
0xa8: {  	_ =	swait.ge [sflag:s12], $0x1000  }
0xa9: {  	[sflag:s12] =	ssyncset.done $0x0  }
0xaa: {  	s13 =	simm.s32 $0x5780;
	[sflag:s12] =	ssyncadd.s32 $0xFFFFF000  }
0xab: {  	[spmem:s2] =	stream.indirect.scatter.add.f32 [tilespmem:s25], [sflag:$0x10], $0x20, s13, s20, $0xb8;
	[tilespmem:$0x1BE00] =	vst v63  }
0xac: {  	_ =	swait.ge [sflag:s9], $0x1000  }
0xad: {  	[sflag:s9] =	ssyncset.done $0x0  }
0xae: {  	s7 =	simm.s32 $0x1000;
	s8 =	simm.s32 $0x980;
	[sflag:s9] =	ssyncadd.s32 $0xFFFFF000  }
.LBB2_2:
0xaf: {  	[tilespmem:s26], [sflag:$0x4] =	stream.indirect.gather [spmem:s3], $0x20, s8, s20, $0xb8;
	[tilespmem:$0x1BE00] =	vst v63  }
0xb0: {  	s8 =	smov.u32 s7  }
0xb1: {  	p0 =	sne.s32 s7, $0x11000;
	s7 =	sadd.s32 $0x1000, s7;
	_ =	swait.ge [sflag:s16], $0x1000  }
0xb2: {  	s8 =	sshra.s32 s8, $0x2;
	[sflag:s16] =	ssyncset.done $0x0  }
0xb3: {  	s13 =	sadd.s32 $0x5400, s8;
	[sflag:s16] =	ssyncadd.s32 $0xFFFFF000  }
0xb4: {  	[spmem:s2] =	stream.indirect.scatter.add.f32 [tilespmem:s21], [sflag:$0x9], $0x20, s13, s20, $0xb8;
	[tilespmem:$0x1BE00] =	vst v63  }
0xb5: {  	_ =	swait.ge [sflag:s10], $0x1000  }
0xb6: {  	[sflag:s10] =	ssyncset.done $0x0  }
0xb7: {  	s13 =	sadd.s32 $0x600, s8;
	[sflag:s10] =	ssyncadd.s32 $0xFFFFF000  }
0xb8: {  	[tilespmem:s29], [sflag:$0x5] =	stream.indirect.gather [spmem:s3], $0x20, s13, s20, $0xb8;
	[tilespmem:$0x1BE00] =	vst v63  }
0xb9: {  	_ =	swait.ge [sflag:s17], $0x1000  }
0xba: {  	[sflag:s17] =	ssyncset.done $0x0  }
0xbb: {  	s13 =	sadd.s32 $0x5480, s8;
	[sflag:s17] =	ssyncadd.s32 $0xFFFFF000  }
0xbc: {  	[spmem:s2] =	stream.indirect.scatter.add.f32 [tilespmem:s22], [sflag:$0xA], $0x20, s13, s20, $0xb8;
	[tilespmem:$0x1BE00] =	vst v63  }
0xbd: {  	_ =	swait.ge [sflag:s11], $0x1000  }
0xbe: {  	[sflag:s11] =	ssyncset.done $0x0  }
0xbf: {  	s13 =	sadd.s32 $0x680, s8;
	[sflag:s11] =	ssyncadd.s32 $0xFFFFF000  }
0xc0: {  	[tilespmem:s31], [sflag:$0x6] =	stream.indirect.gather [spmem:s3], $0x20, s13, s20, $0xb8;
	[tilespmem:$0x1BE00] =	vst v63  }
0xc1: {  	_ =	swait.ge [sflag:s18], $0x1000  }
0xc2: {  	[sflag:s18] =	ssyncset.done $0x0  }
0xc3: {  	s13 =	sadd.s32 $0x5500, s8;
	[sflag:s18] =	ssyncadd.s32 $0xFFFFF000  }
0xc4: {  	[spmem:s2] =	stream.indirect.scatter.add.f32 [tilespmem:s24], [sflag:$0xB], $0x20, s13, s20, $0xb8;
	[tilespmem:$0x1BE00] =	vst v63  }
0xc5: {  	_ =	swait.ge [sflag:s14], $0x1000  }
0xc6: {  	[sflag:s14] =	ssyncset.done $0x0  }
0xc7: {  	s13 =	sadd.s32 $0x700, s8;
	[sflag:s14] =	ssyncadd.s32 $0xFFFFF000  }
0xc8: {  	[tilespmem:s0], [sflag:$0x7] =	stream.indirect.gather [spmem:s3], $0x20, s13, s20, $0xb8;
	[tilespmem:$0x1BE00] =	vst v63  }
0xc9: {  	_ =	swait.ge [sflag:s19], $0x1000  }
0xca: {  	[sflag:s19] =	ssyncset.done $0x0  }
0xcb: {  	s13 =	sadd.s32 $0x5580, s8;
	[sflag:s19] =	ssyncadd.s32 $0xFFFFF000  }
0xcc: {  	[spmem:s2] =	stream.indirect.scatter.add.f32 [tilespmem:s26], [sflag:$0xC], $0x20, s13, s20, $0xb8;
	[tilespmem:$0x1BE00] =	vst v63  }
0xcd: {  	_ =	swait.ge [sflag:s15], $0x1000  }
0xce: {  	[sflag:s15] =	ssyncset.done $0x0  }
0xcf: {  	s13 =	sadd.s32 $0x780, s8;
	[sflag:s15] =	ssyncadd.s32 $0xFFFFF000  }
0xd0: {  	[tilespmem:s25], [sflag:$0x8] =	stream.indirect.gather [spmem:s3], $0x20, s13, s20, $0xb8;
	[tilespmem:$0x1BE00] =	vst v63  }
0xd1: {  	_ =	swait.ge [sflag:s23], $0x1000  }
0xd2: {  	[sflag:s23] =	ssyncset.done $0x0  }
0xd3: {  	s13 =	sadd.s32 $0x5600, s8;
	[sflag:s23] =	ssyncadd.s32 $0xFFFFF000  }
0xd4: {  	[spmem:s2] =	stream.indirect.scatter.add.f32 [tilespmem:s29], [sflag:$0xD], $0x20, s13, s20, $0xb8;
	[tilespmem:$0x1BE00] =	vst v63  }
0xd5: {  	_ =	swait.ge [sflag:s30], $0x1000  }
0xd6: {  	[sflag:s30] =	ssyncset.done $0x0  }
0xd7: {  	s13 =	sadd.s32 $0x800, s8;
	[sflag:s30] =	ssyncadd.s32 $0xFFFFF000  }
0xd8: {  	[tilespmem:s21], [sflag:$0x1] =	stream.indirect.gather [spmem:s3], $0x20, s13, s20, $0xb8;
	[tilespmem:$0x1BE00] =	vst v63  }
0xd9: {  	_ =	swait.ge [sflag:s28], $0x1000  }
0xda: {  	[sflag:s28] =	ssyncset.done $0x0  }
0xdb: {  	s13 =	sadd.s32 $0x5680, s8;
	[sflag:s28] =	ssyncadd.s32 $0xFFFFF000  }
0xdc: {  	[spmem:s2] =	stream.indirect.scatter.add.f32 [tilespmem:s31], [sflag:$0xE], $0x20, s13, s20, $0xb8;
	[tilespmem:$0x1BE00] =	vst v63  }
0xdd: {  	_ =	swait.ge [sflag:s1], $0x1000  }
0xde: {  	[sflag:s1] =	ssyncset.done $0x0  }
0xdf: {  	s13 =	sadd.s32 $0x880, s8;
	[sflag:s1] =	ssyncadd.s32 $0xFFFFF000  }
0xe0: {  	[tilespmem:s22], [sflag:$0x2] =	stream.indirect.gather [spmem:s3], $0x20, s13, s20, $0xb8;
	[tilespmem:$0x1BE00] =	vst v63  }
0xe1: {  	_ =	swait.ge [sflag:s5], $0x1000  }
0xe2: {  	[sflag:s5] =	ssyncset.done $0x0  }
0xe3: {  	s13 =	sadd.s32 $0x5700, s8;
	[sflag:s5] =	ssyncadd.s32 $0xFFFFF000  }
0xe4: {  	[spmem:s2] =	stream.indirect.scatter.add.f32 [tilespmem:s0], [sflag:$0xF], $0x20, s13, s20, $0xb8;
	[tilespmem:$0x1BE00] =	vst v63  }
0xe5: {  	_ =	swait.ge [sflag:s6], $0x1000  }
0xe6: {  	[sflag:s6] =	ssyncset.done $0x0  }
0xe7: {  	s13 =	sadd.s32 $0x900, s8;
	[sflag:s6] =	ssyncadd.s32 $0xFFFFF000  }
0xe8: {  	[tilespmem:s24], [sflag:$0x3] =	stream.indirect.gather [spmem:s3], $0x20, s13, s20, $0xb8;
	[tilespmem:$0x1BE00] =	vst v63  }
0xe9: {  	_ =	swait.ge [sflag:s12], $0x1000  }
0xea: {  	[sflag:s12] =	ssyncset.done $0x0  }
.Ltmp0:
0xeb: {  	s13 =	sadd.s32 $0x5780, s8;
	[sflag:s12] =	ssyncadd.s32 $0xFFFFF000;
	(pc) =	sbr.rel @p0 .LBB2_2-.Ltmp0, $4  }
0xec: {  	[spmem:s2] =	stream.indirect.scatter.add.f32 [tilespmem:s25], [sflag:$0x10], $0x20, s13, s20, $0xb8;
	[tilespmem:$0x1BE00] =	vst v63  }
0xed: {  	_ =	swait.ge [sflag:s9], $0x1000  }
0xee: {  	[sflag:s9] =	ssyncset.done $0x0  }
0xef: {  	s8 =	sadd.s32 $0x980, s8;
	[sflag:s9] =	ssyncadd.s32 $0xFFFFF000  }
0xf0: {  	[tilespmem:s26], [sflag:$0x4] =	stream.indirect.gather [spmem:s3], $0x20, s8, s20, $0xb8;
	[tilespmem:$0x1BE00] =	vst v63  }
0xf1: {  	_ =	swait.ge [sflag:s16], $0x1000  }
0xf2: {  	[sflag:s16] =	ssyncset.done $0x0  }
0xf3: {  	s4 =	simm.s32 $0x9C00;
	[sflag:s16] =	ssyncadd.s32 $0xFFFFF000  }
0xf4: {  	[spmem:s2] =	stream.indirect.scatter.add.f32 [tilespmem:s21], [sflag:$0x9], $0x20, s4, s20, $0xb8;
	[tilespmem:$0x1BE00] =	vst v63  }
0xf5: {  	_ =	swait.ge [sflag:s10], $0x1000  }
0xf6: {  	[sflag:s10] =	ssyncset.done $0x0  }
0xf7: {  	s8 =	simm.s32 $0x4E00;
	[sflag:s10] =	ssyncadd.s32 $0xFFFFF000  }
0xf8: {  	[tilespmem:s29], [sflag:$0x5] =	stream.indirect.gather [spmem:s3], $0x20, s8, s20, $0xb8;
	[tilespmem:$0x1BE00] =	vst v63  }
0xf9: {  	_ =	swait.ge [sflag:s17], $0x1000  }
0xfa: {  	[sflag:s17] =	ssyncset.done $0x0  }
0xfb: {  	s13 =	simm.s32 $0x9C80;
	[sflag:s17] =	ssyncadd.s32 $0xFFFFF000  }
0xfc: {  	[spmem:s2] =	stream.indirect.scatter.add.f32 [tilespmem:s22], [sflag:$0xA], $0x20, s13, s20, $0xb8;
	[tilespmem:$0x1BE00] =	vst v63  }
0xfd: {  	_ =	swait.ge [sflag:s11], $0x1000  }
0xfe: {  	[sflag:s11] =	ssyncset.done $0x0  }
0xff: {  	s7 =	simm.s32 $0x4E80;
	[sflag:s11] =	ssyncadd.s32 $0xFFFFF000  }
0x100: {  	[tilespmem:s31], [sflag:$0x6] =	stream.indirect.gather [spmem:s3], $0x20, s7, s20, $0xb8;
	[tilespmem:$0x1BE00] =	vst v63  }
0x101: {  	_ =	swait.ge [sflag:s18], $0x1000  }
0x102: {  	[sflag:s18] =	ssyncset.done $0x0  }
0x103: {  	s8 =	simm.s32 $0x9D00;
	[sflag:s18] =	ssyncadd.s32 $0xFFFFF000  }
0x104: {  	[spmem:s2] =	stream.indirect.scatter.add.f32 [tilespmem:s24], [sflag:$0xB], $0x20, s8, s20, $0xb8;
	[tilespmem:$0x1BE00] =	vst v63  }
0x105: {  	_ =	swait.ge [sflag:s14], $0x1000  }
0x106: {  	[sflag:s14] =	ssyncset.done $0x0  }
0x107: {  	s13 =	simm.s32 $0x4F00;
	[sflag:s14] =	ssyncadd.s32 $0xFFFFF000  }
0x108: {  	[tilespmem:s0], [sflag:$0x7] =	stream.indirect.gather [spmem:s3], $0x20, s13, s20, $0xb8;
	[tilespmem:$0x1BE00] =	vst v63  }
0x109: {  	_ =	swait.ge [sflag:s19], $0x1000  }
0x10a: {  	[sflag:s19] =	ssyncset.done $0x0  }
0x10b: {  	s7 =	simm.s32 $0x9D80;
	[sflag:s19] =	ssyncadd.s32 $0xFFFFF000  }
0x10c: {  	[spmem:s2] =	stream.indirect.scatter.add.f32 [tilespmem:s26], [sflag:$0xC], $0x20, s7, s20, $0xb8;
	[tilespmem:$0x1BE00] =	vst v63  }
0x10d: {  	_ =	swait.ge [sflag:s15], $0x1000  }
0x10e: {  	[sflag:s15] =	ssyncset.done $0x0  }
0x10f: {  	s8 =	simm.s32 $0x4F80;
	[sflag:s15] =	ssyncadd.s32 $0xFFFFF000  }
0x110: {  	[tilespmem:s25], [sflag:$0x8] =	stream.indirect.gather [spmem:s3], $0x20, s8, s20, $0xb8;
	[tilespmem:$0x1BE00] =	vst v63  }
0x111: {  	_ =	swait.ge [sflag:s23], $0x1000  }
0x112: {  	[sflag:s23] =	ssyncset.done $0x0  }
0x113: {  	s13 =	simm.s32 $0x9E00;
	[sflag:s23] =	ssyncadd.s32 $0xFFFFF000  }
0x114: {  	[spmem:s2] =	stream.indirect.scatter.add.f32 [tilespmem:s29], [sflag:$0xD], $0x20, s13, s20, $0xb8;
	[tilespmem:$0x1BE00] =	vst v63  }
0x115: {  	_ =	swait.ge [sflag:s30], $0x1000  }
0x116: {  	[sflag:s30] =	ssyncset.done $0x0  }
0x117: {  	[sflag:s30] =	ssyncadd.s32 $0xFFFFF000  }
0x118: {  	_ =	swait.ge [sflag:s28], $0x1000  }
0x119: {  	[sflag:s28] =	ssyncset.done $0x0  }
0x11a: {  	s7 =	simm.s32 $0x9E80;
	[sflag:s28] =	ssyncadd.s32 $0xFFFFF000  }
0x11b: {  	[spmem:s2] =	stream.indirect.scatter.add.f32 [tilespmem:s31], [sflag:$0xE], $0x20, s7, s20, $0xb8;
	[tilespmem:$0x1BE00] =	vst v63  }
0x11c: {  	_ =	swait.ge [sflag:s1], $0x1000  }
0x11d: {  	[sflag:s1] =	ssyncset.done $0x0  }
0x11e: {  	[sflag:s1] =	ssyncadd.s32 $0xFFFFF000  }
0x11f: {  	_ =	swait.ge [sflag:s5], $0x1000  }
0x120: {  	[sflag:s5] =	ssyncset.done $0x0  }
0x121: {  	s8 =	simm.s32 $0x9F00;
	[sflag:s5] =	ssyncadd.s32 $0xFFFFF000  }
0x122: {  	[spmem:s2] =	stream.indirect.scatter.add.f32 [tilespmem:s0], [sflag:$0xF], $0x20, s8, s20, $0xb8;
	[tilespmem:$0x1BE00] =	vst v63  }
0x123: {  	_ =	swait.ge [sflag:s6], $0x1000  }
0x124: {  	[sflag:s6] =	ssyncset.done $0x0  }
0x125: {  	[sflag:s6] =	ssyncadd.s32 $0xFFFFF000  }
0x126: {  	_ =	swait.ge [sflag:s12], $0x1000  }
0x127: {  	[sflag:s12] =	ssyncset.done $0x0  }
0x128: {  	s13 =	simm.s32 $0x9F80;
	[sflag:s12] =	ssyncadd.s32 $0xFFFFF000  }
0x129: {  	[spmem:s2] =	stream.indirect.scatter.add.f32 [tilespmem:s25], [sflag:$0x10], $0x20, s13, s20, $0xb8;
	[tilespmem:$0x1BE00] =	vst v63  }
0x12a: {  	_ =	swait.ge [sflag:s9], $0x1000  }
0x12b: {  	[sflag:s9] =	ssyncset.done $0x0  }
0x12c: {  	[sflag:s9] =	ssyncadd.s32 $0xFFFFF000  }
0x12d: {  	_ =	swait.ge [sflag:s10], $0x1000  }
0x12e: {  	[sflag:s10] =	ssyncset.done $0x0  }
0x12f: {  	[sflag:s10] =	ssyncadd.s32 $0xFFFFF000  }
0x130: {  	_ =	swait.ge [sflag:s11], $0x1000  }
0x131: {  	[sflag:s11] =	ssyncset.done $0x0  }
0x132: {  	[sflag:s11] =	ssyncadd.s32 $0xFFFFF000  }
0x133: {  	_ =	swait.ge [sflag:s14], $0x1000  }
0x134: {  	[sflag:s14] =	ssyncset.done $0x0  }
0x135: {  	[sflag:s14] =	ssyncadd.s32 $0xFFFFF000  }
0x136: {  	_ =	swait.ge [sflag:s15], $0x1000  }
0x137: {  	[sflag:s15] =	ssyncset.done $0x0  }
0x138: {  	[sflag:s15] =	ssyncadd.s32 $0xFFFFF000  }
0x139: {  	[bflag:$0x0] =	sbarrier.arrive $0xFFFF  }
0x13a: {  	s7 =	rddreg [dreg:$0x6]  }
0x13b: {  	s4 =	rddreg [dreg:$0x9]  }
0x13c: {  	s13 =	rddreg [dreg:$0xb];
	s7 =	sor.u32 $0x1C11, s7  }
0x13d: {  	[hbm:s4], [sflag:s7] =	dma.local [spmem:s13], $0x9E0  }
0x13e: {  	s4 =	simm.s32 $0x11  }
0x13f: {  	_ =	swait.ge [sflag:s4], $0x9E0  }
0x140: {  	s8 =	smov.u32 s13;
	s13 =	rddreg [dreg:$0xe]  }
0x141: {  	s7 =	rddreg [dreg:$0xa];
	s13 =	sadd.s32 $0x1, s13  }
0x142: {  	p0 =	sne.s32 s13, s7  }
.Ltmp1:
0x143: {  	_ = 	snop;
	(pc) =	sbr.rel @p0 .LBB2_1-.Ltmp1, $3  }
0x144: {  	_ =	sdelay $0x1  }
0x145: {  	[sflag:s4] =	ssyncset.done $0x0  }
0x146: {  	[sflag:s4] =	ssyncadd.s32 $0xFFFFF620  }
0x147: {  	_ =	sfence.sel $0x180000  }
0x148: {  	[bflag:$0x0] =	sbarrier.arrive $0xFFFF  }
0x149: {  	_ =	strace $0x90000047  }
0x14a: {  	s0 =	stileid.u32;
	[bflag:$0x2] =	sbarrier.arrive $0xFFFF  }
0x14b: {  	p0 =	sne.s32 s0, $0x0;
	s0 =	rddreg [dreg:$0x3]  }
0x14c: {  	s0 =	sadd.s32 @!p0 $0x100000, s0  }
0x14d: {  	[sflag:s0] =	ssyncadd.tile.s32 @!p0 $0x1;
	_ =	shalt  }
.Lfunc_end2:
_tile_overlayer_lowered:
.L_overlay_start_2:
0x14e: {  	(tag) =	ssettag $0x2  }
0x14f: {  	s0 =	rddreg [dreg:$0x0];
	s2 =	stileid.u32  }
0x150: {  	s1 =	rddreg [dreg:$0x1];
	p0 =	sne.s32 s2, $0x0  }
0x151: {  	s3 =	rddreg [dreg:$0x2];
	[bflag:$0x3] =	sbarrier.arrive $0xFFFF;
	s2 =	simm.s32 @!p0 $0x1C11  }
0x152: {  	[timem:s3], [sflag:s2] =	dma.local @!p0 [hbm:s0], s1  }
0x153: {  	s0 =	simm.s32 @!p0 $0x11  }
0x154: {  	_ =	swait.ge @!p0 [sflag:s0], s1  }
0x155: {  	s1 =	ssub.s32 @!p0 $0x0, s1;
	[sflag:s0] =	ssyncset.done @!p0 $0x0  }
0x156: {  	[sflag:s0] =	ssyncadd.s32 @!p0 s1  }
0x157: {  	[bflag:$0x3] =	sbarrier.arrive $0xFFFF  }
0x158: {  	_ =	shalt  }

</sc_bundles>
